<compile_context>
chip_gen: v7x
topology: tpu7x:2x2x1
jax: 0.10.2.dev20260603
libtpu: 0.0.44.dev20260713+nightly
codegen_flags: <defaults>
</compile_context>

<pallas_src>
import functools

import jax
import jax.numpy as jnp
from jax import lax
from jax.experimental import pallas as pl
from jax.experimental.pallas import tpu as pltpu
from jax.experimental.pallas import tpu_sc as plsc

DIM = 128
NC, NS = 2, 16
NW = NC * NS

_MESH = dict(core_axis_name="c", subcore_axis_name="s")


def _wid():
    return lax.axis_index("s") * NC + lax.axis_index("c")


def _pad_to(x, n):
    return jnp.concatenate([x, jnp.arange(n - x.shape[0], dtype=x.dtype)])


def _sc_chase(table16, idx2, s):
    nw, npt = idx2.shape
    assert npt % 64 == 0
    ndma = npt // 64
    ngrp = npt // 16
    ngran = table16.shape[0]
    n_rows = nw * npt

    def body(tab_hbm, idx_hbm, out_hbm, idx_v, bidx_v, blk, out_v, sem):
        wid = _wid()
        pltpu.sync_copy(idx_hbm.at[wid], idx_v)
        lane = lax.iota(jnp.int32, 16)

        def issue(i, carry):
            for q in range(4):
                t16 = idx_v[pl.ds(i * 64 + q * 16, 16)]
                w = t16 * s
                g0 = lax.shift_right_logical(w, 4)
                bidx_v[pl.ds(i * 128 + 32 * q, 16)] = g0
                bidx_v[pl.ds(i * 128 + 32 * q + 16, 16)] = (
                    jnp.minimum(g0 + 1, ngran - 1))
            pltpu.async_copy(tab_hbm.at[bidx_v.at[pl.ds(i * 128, 128)]],
                             blk.at[pl.ds(i * 128, 128)], sem)
            return carry

        lax.fori_loop(0, ndma, issue, 0)

        def drain(i, carry):
            pltpu.make_async_copy(tab_hbm.at[bidx_v.at[pl.ds(0, 128)]],
                                  blk.at[pl.ds(0, 128)], sem).wait()
            return carry

        lax.fori_loop(0, ndma, drain, 0)

        def extract(j, carry):
            t16 = idx_v[pl.ds(j * 16, 16)]
            o = lax.bitwise_and(t16 * s, 15)
            orow = 16 * j + lane
            for k in range(s):
                ck = o + k
                row = 32 * j + lane + 16 * lax.shift_right_logical(ck, 4)
                col = lax.bitwise_and(ck, 15)
                v = plsc.load_gather(blk, [row, col])
                kv = jnp.full((16,), k, jnp.int32)
                plsc.store_scatter(out_v, [orow, kv], v)
            return carry

        lax.fori_loop(0, ngrp, extract, 0)
        pltpu.sync_copy(out_v, out_hbm.at[pl.ds(wid * npt, npt)])

    f = pl.kernel(
        body,
        out_type=jax.ShapeDtypeStruct((n_rows, 16), table16.dtype),
        mesh=plsc.VectorSubcoreMesh(**_MESH),
        scratch_types=[pltpu.VMEM((npt,), jnp.int32),
                       pltpu.VMEM((2 * npt,), jnp.int32),
                       pltpu.VMEM((2 * npt, 16), table16.dtype),
                       pltpu.VMEM((npt, 16), table16.dtype),
                       pltpu.SemaphoreType.DMA],
        compiler_params=pltpu.CompilerParams(
            needs_layout_passes=False, use_tc_tiling_on_sc=False),
    )
    return f(table16, idx2)


def _sc_embed_gather(table, idx3, nbuf):
    nw, nchunks, c = idx3.shape
    d = table.shape[1]
    n_rows = nw * nchunks * c
    assert nchunks % nbuf == 0

    def body(tab_hbm, idx_hbm, out_hbm, idx_v, *rest):
        bufs = rest[:nbuf]
        gsems = rest[nbuf:2 * nbuf]
        ssems = rest[2 * nbuf:3 * nbuf]
        wid = _wid()
        pltpu.sync_copy(idx_hbm.at[wid], idx_v)

        def gather(i, r):
            pltpu.async_copy(tab_hbm.at[idx_v.at[i]], bufs[r], gsems[r])

        def store(i, r):
            pltpu.async_copy(
                bufs[r], out_hbm.at[pl.ds((wid * nchunks + i) * c, c)],
                ssems[r])

        def g_wait(r):
            pltpu.make_async_copy(tab_hbm.at[idx_v.at[0]], bufs[r],
                                  gsems[r]).wait()

        def s_wait(r):
            pltpu.make_async_copy(bufs[r], out_hbm.at[pl.ds(0, c)],
                                  ssems[r]).wait()

        for r in range(nbuf):
            gather(r, r)

        def round_(j, carry):
            for r in range(nbuf):
                i = j * nbuf + r
                g_wait(r)
                store(i, r)

                @pl.when(i + nbuf < nchunks)
                def _():
                    s_wait(r)
                    gather(i + nbuf, r)
            return carry

        lax.fori_loop(0, nchunks // nbuf, round_, 0)
        for r in range(nbuf):
            s_wait(r)

    scratch = ([pltpu.VMEM((nchunks, c), jnp.int32)]
               + [pltpu.VMEM((c, d), jnp.float32) for _ in range(nbuf)]
               + [pltpu.SemaphoreType.DMA for _ in range(2 * nbuf)])
    f = pl.kernel(
        body,
        out_type=jax.ShapeDtypeStruct((n_rows, d), jnp.float32),
        mesh=plsc.VectorSubcoreMesh(**_MESH),
        scratch_types=scratch,
    )
    return f(table, idx3)


def _tc_local(h, item_emb, adj, maskf, a_cat):
    b, l, d = h.shape

    def body(h_ref, it_ref, adj_ref, m_ref, a_ref, hl_ref, si_ref):
        hh = h_ref[0]
        aa = a_ref[...]
        ad = adj_ref[0]
        alpha = jnp.full((l, l), -9e15, dtype=jnp.float32)
        for k in range(4):
            hk = hh * aa[k][None, :]
            ek = lax.dot_general(hk, hh, (((1,), (1,)), ((), ())),
                                 preferred_element_type=jnp.float32)
            ek = jnp.where(ek >= 0, ek, 0.2 * ek)
            alpha = jnp.where(ad == (k + 1), ek, alpha)
        alpha = jax.nn.softmax(alpha, axis=-1)
        hl_ref[0] = jnp.dot(alpha, hh, preferred_element_type=jnp.float32)
        m = m_ref[0, 0]
        it = it_ref[0] * m[:, None]
        si_ref[0, 0] = jnp.sum(it, axis=0) / jnp.sum(m)

    return pl.pallas_call(
        body,
        grid=(b,),
        in_specs=[
            pl.BlockSpec((1, l, d), lambda i: (i, 0, 0)),
            pl.BlockSpec((1, l, d), lambda i: (i, 0, 0)),
            pl.BlockSpec((1, l, l), lambda i: (i, 0, 0)),
            pl.BlockSpec((1, 1, l), lambda i: (i, 0, 0)),
            pl.BlockSpec((4, d), lambda i: (0, 0)),
        ],
        out_specs=[
            pl.BlockSpec((1, l, d), lambda i: (i, 0, 0)),
            pl.BlockSpec((1, 1, d), lambda i: (i, 0, 0)),
        ],
        out_shape=[jax.ShapeDtypeStruct((b, l, d), jnp.float32),
                   jax.ShapeDtypeStruct((b, 1, d), jnp.float32)],
    )(h, item_emb, adj, maskf, a_cat)


def _tc_global(self_v, neigh_v, w, si, sel, w1a, w1b, w2c, w3a, w3b,
               mc, s, resid=None):
    b, m, d = self_v.shape
    nblk = m // mc

    def body(*refs):
        if resid is not None:
            (sf_ref, nb_ref, w_ref, si_ref, sel_ref, w1a_ref,
             w1b_ref, w2_ref, w3a_ref, w3b_ref, res_ref, out_ref) = refs
        else:
            (sf_ref, nb_ref, w_ref, si_ref, sel_ref, w1a_ref,
             w1b_ref, w2_ref, w3a_ref, w3b_ref, out_ref) = refs
            res_ref = None
        nb = nb_ref[0]
        sv = si_ref[0, 0]
        w1s = sv[:, None] * w1a_ref[...]
        t = jnp.dot(nb, w1s, preferred_element_type=jnp.float32)
        t = t + w_ref[0] * w1b_ref[...]
        t = jnp.where(t >= 0, t, 0.2 * t)
        sc = jnp.dot(t, w2_ref[...], preferred_element_type=jnp.float32)
        e = jnp.exp(sc)
        gs = jnp.dot(sel_ref[...], e, preferred_element_type=jnp.float32)
        num = jnp.dot(sel_ref[...], e * nb,
                      preferred_element_type=jnp.float32)
        neigh = num / gs
        o = jnp.dot(sf_ref[0], w3a_ref[...], preferred_element_type=jnp.float32)
        o = o + jnp.dot(neigh, w3b_ref[...], preferred_element_type=jnp.float32)
        o = jnp.maximum(o, 0.0)
        if res_ref is not None:
            o = o + res_ref[0]
        out_ref[0] = o

    in_specs = [
        pl.BlockSpec((1, mc, d), lambda i, j: (i, j, 0)),
        pl.BlockSpec((1, mc * s, d), lambda i, j: (i, j, 0)),
        pl.BlockSpec((1, mc * s, 1), lambda i, j: (i, j, 0)),
        pl.BlockSpec((1, 1, d), lambda i, j: (i, 0, 0)),
        pl.BlockSpec((mc, mc * s), lambda i, j: (0, 0)),
        pl.BlockSpec((d, d), lambda i, j: (0, 0)),
        pl.BlockSpec((1, d), lambda i, j: (0, 0)),
        pl.BlockSpec((d, 1), lambda i, j: (0, 0)),
        pl.BlockSpec((d, d), lambda i, j: (0, 0)),
        pl.BlockSpec((d, d), lambda i, j: (0, 0)),
    ]
    args = [self_v, neigh_v, w, si, sel, w1a, w1b, w2c, w3a, w3b]
    if resid is not None:
        in_specs.append(pl.BlockSpec((1, mc, d), lambda i, j: (i, j, 0)))
        args.append(resid)

    return pl.pallas_call(
        body,
        grid=(b, nblk),
        in_specs=in_specs,
        out_specs=pl.BlockSpec((1, mc, d), lambda i, j: (i, j, 0)),
        out_shape=jax.ShapeDtypeStruct((b, m, d), jnp.float32),
        compiler_params=pltpu.CompilerParams(
            dimension_semantics=("parallel", "parallel")),
    )(*args)


def kernel(inputs, adj, mask_item, item, adj_all, num, embedding,
           a0, a1, a2, a3, gw1, gw2, gw3):
    b, l = inputs.shape
    s = adj_all.shape[1]
    d = embedding.shape[1]

    adj16 = adj_all.reshape(-1, 16)
    num16 = num.reshape(-1, 16)

    t0 = inputs.reshape(-1)
    t0p = _pad_to(t0, NW * 64).reshape(NW, 64)
    a1_rows = _sc_chase(adj16, t0p, s)

    n_t1 = b * l * s
    t1 = a1_rows[:b * l, :s].reshape(-1)
    t1p = _pad_to(t1, NW * 640).reshape(NW, 640)
    a2_rows = _sc_chase(adj16, t1p, s)

    nall = _sc_chase(num16, jnp.concatenate(
        [t0p.reshape(-1), t1p.reshape(-1)]).reshape(NW, 704), s)
    w1n = nall[:b * l, :s].reshape(b, l, s)
    w2n = nall[NW * 64:NW * 64 + n_t1, :s].reshape(b, l * s, s)

    t2 = a2_rows[:n_t1, :s].reshape(-1)
    t2p = t2.reshape(NW, 75, 96)

    hi_idx = jnp.concatenate([t0, item.reshape(-1)])
    hip = _pad_to(hi_idx, NW * 128).reshape(NW, 1, 128)
    ghi = _sc_embed_gather(embedding, hip, nbuf=1)
    h = ghi[:b * l].reshape(b, l, d)
    item_emb = ghi[b * l:2 * b * l].reshape(b, l, d)

    e1 = _sc_embed_gather(embedding, t1.reshape(NW, 5, 120), nbuf=5)
    e1 = e1.reshape(b, l * s, d)

    e2 = _sc_embed_gather(embedding, t2p, nbuf=5)
    e2 = e2.reshape(b, l * s * s, d)

    a_cat = jnp.concatenate([a0, a1, a2, a3], axis=1).T
    maskf = mask_item.astype(jnp.float32).reshape(b, 1, l)
    h_local, si = _tc_local(h, item_emb, adj, maskf, a_cat)

    def wsplit(k):
        return (gw1[k, :d], gw1[k, d:].reshape(1, d), gw2[k],
                gw3[k, :d], gw3[k, d:])

    w1a0, w1b0, w2c0, w3a0, w3b0 = wsplit(0)
    w1a1, w1b1, w2c1, w3a1, w3b1 = wsplit(1)
    mc1 = 200
    eye = jnp.eye(mc1, dtype=jnp.float32)
    sel120 = jnp.repeat(eye, s, axis=1)
    sel50 = sel120[:l, :l * s]
    wf1 = w1n.reshape(b, l * s, 1)
    wf2 = w2n.reshape(b, l * s * s, 1)

    v0 = _tc_global(h, e1, wf1, si, sel50,
                    w1a0, w1b0, w2c0, w3a0, w3b0, mc=l, s=s)
    v1 = _tc_global(e1, e2, wf2, si, sel120,
                    w1a0, w1b0, w2c0, w3a0, w3b0, mc=mc1, s=s)
    out = _tc_global(v0, v1, wf1, si, sel50,
                     w1a1, w1b1, w2c1, w3a1, w3b1, mc=l, s=s,
                     resid=h_local)
    return out

# --- scband reference (transcript-rebuilt; emitter-appended) ---
"""Pipeline reference for scband-combine-graph-11501922419033 (READ-ONLY COPY).

The authoritative reference and input builder live on the scoring server;
editing this copy changes nothing except your own understanding.
"""

import jax, jax.numpy as jnp
import numpy as np

NUM_NODE = 100000
DIM = 128
B = 32
L = 50
S = 12
HOP = 2


def setup_inputs(seed: int = 0) -> dict:
    key = jax.random.key(seed)
    ks = jax.random.split(key, 16)
    stdv = 1.0 / np.sqrt(DIM)
    u = lambda k, shp: jax.random.uniform(k, shp, jnp.float32, -stdv, stdv)
    inputs = jax.random.randint(ks[0], (B, L), 0, NUM_NODE, dtype=jnp.int32)
    adj = jax.random.randint(ks[1], (B, L, L), 0, 5, dtype=jnp.int32)
    mask_item = jnp.ones((B, L), dtype=jnp.int32)
    item = jax.random.randint(ks[2], (B, L), 0, NUM_NODE, dtype=jnp.int32)
    adj_all = jax.random.randint(ks[3], (NUM_NODE, S), 0, NUM_NODE, dtype=jnp.int32)
    num = jax.random.uniform(ks[4], (NUM_NODE, S), jnp.float32)
    embedding = u(ks[5], (NUM_NODE, DIM))
    a0 = u(ks[6], (DIM, 1))
    a1 = u(ks[7], (DIM, 1))
    a2 = u(ks[8], (DIM, 1))
    a3 = u(ks[9], (DIM, 1))
    gw1 = u(ks[10], (HOP, DIM + 1, DIM))
    gw2 = u(ks[11], (HOP, DIM, 1))
    gw3 = u(ks[12], (HOP, 2 * DIM, DIM))
    return {"inputs": inputs, "adj": adj, "mask_item": mask_item, "item": item,
            "adj_all": adj_all, "num": num, "embedding": embedding,
            "a0": a0, "a1": a1, "a2": a2, "a3": a3,
            "gw1": gw1, "gw2": gw2, "gw3": gw3}


def _leaky(x):
    return jnp.where(x >= 0, x, 0.2 * x)


def _local_agg(h, adj, a0, a1, a2, a3):
    a_input = h[:, :, None, :] * h[:, None, :, :]
    e0 = _leaky(jnp.matmul(a_input, a0))[..., 0]
    e1 = _leaky(jnp.matmul(a_input, a1))[..., 0]
    e2 = _leaky(jnp.matmul(a_input, a2))[..., 0]
    e3 = _leaky(jnp.matmul(a_input, a3))[..., 0]
    neg = jnp.full_like(e0, -9e15)
    alpha = jnp.where(adj == 1, e0, neg)
    alpha = jnp.where(adj == 2, e1, alpha)
    alpha = jnp.where(adj == 3, e2, alpha)
    alpha = jnp.where(adj == 4, e3, alpha)
    alpha = jax.nn.softmax(alpha, axis=-1)
    return jnp.matmul(alpha, h)


def _global_agg(self_v, neigh_v, neigh_w, extra, w1, w2, w3):
    x = jnp.concatenate([extra[:, :, None, :] * neigh_v, neigh_w[..., None]], axis=-1)
    alpha = _leaky(jnp.matmul(x, w1))
    alpha = jnp.matmul(alpha, w2)[..., 0]
    alpha = jax.nn.softmax(alpha, axis=-1)[..., None]
    neigh = jnp.sum(alpha * neigh_v, axis=-2)
    out = jnp.concatenate([self_v, neigh], axis=-1)
    out = jnp.matmul(out, w3).reshape(self_v.shape[0], -1, DIM)
    return jax.nn.relu(out)


def _forward(inputs, adj, mask_item, item, adj_all, num, embedding, a0, a1, a2, a3, gw1, gw2, gw3):
    h = jnp.take(embedding, inputs, axis=0)
    h_local = _local_agg(h, adj, a0, a1, a2, a3)
    item_neighbors = [inputs]
    weight_neighbors = []
    support = L
    for _ in range(HOP):
        t = item_neighbors[-1].reshape(-1)
        support *= S
        item_neighbors.append(jnp.take(adj_all, t, axis=0).reshape(B, support))
        weight_neighbors.append(jnp.take(num, t, axis=0).reshape(B, support))
    entity_vectors = [jnp.take(embedding, idx, axis=0) for idx in item_neighbors]
    mf = mask_item.astype(jnp.float32)
    item_emb = jnp.take(embedding, item, axis=0) * mf[..., None]
    sum_item = (jnp.sum(item_emb, axis=1) / jnp.sum(mf, axis=-1)[..., None])[:, None, :]
    session_info = [jnp.broadcast_to(sum_item, (B, entity_vectors[i].shape[1], DIM)) for i in range(HOP)]
    for n_hop in range(HOP):
        nxt = []
        for hop in range(HOP - n_hop):
            v = _global_agg(entity_vectors[hop],
                            entity_vectors[hop + 1].reshape(B, -1, S, DIM),
                            weight_neighbors[hop].reshape(B, -1, S),
                            session_info[hop],
                            gw1[n_hop], gw2[n_hop], gw3[n_hop])
            nxt.append(v)
        entity_vectors = nxt
    h_global = entity_vectors[0].reshape(B, L, DIM)
    return h_local + h_global


def reference(inputs, adj, mask_item, item, adj_all, num, embedding, a0, a1, a2, a3, gw1, gw2, gw3):
    return _forward(inputs, adj, mask_item, item, adj_all, num, embedding, a0, a1, a2, a3, gw1, gw2, gw3)

if __name__ == "__main__":
    import jax
    _d = setup_inputs()
    print(jax.jit(kernel)(*tuple(_d.values())))

</pallas_src>

<mosaic_0001>
#map = affine_map<(d0, d1) -> (0, 0)>
module attributes {stable_mosaic.version = 14 : i64} {
  func.func @body(%arg0: i32, %arg1: i32, %arg2: memref<75000x16xi32, #tpu.memory_space<hbm>>, %arg3: memref<32x640xi32, #tpu.memory_space<hbm>>, %arg4: memref<20480x16xi32, #tpu.memory_space<hbm>>, %arg5: memref<640xi32, #tpu.memory_space<vmem>>, %arg6: memref<1280xi32, #tpu.memory_space<vmem>>, %arg7: memref<1280x16xi32, #tpu.memory_space<vmem>>, %arg8: memref<640x16xi32, #tpu.memory_space<vmem>>, %arg9: memref<!tpu.dma_semaphore, #tpu.memory_space<semaphore_mem>>) attributes {dimension_semantics = [#tpu.dimension_semantics<core_parallel>, #tpu.dimension_semantics<subcore_parallel>], iteration_bounds = array<i64: 2, 16>, scalar_prefetch = 0 : i64, scratch_operands = 5 : i64, tpu.core_type = #tpu.core_type<sc_vector_subcore>, window_params = [{transform_indices = #map}, {transform_indices = #map}, {transform_indices = #map}]} {
    %mul3A = arith.constant 2 : i32
    %mul3A_0 = arith.muli %arg1, %mul3A : i32
    %add3A = arith.addi %mul3A_0, %arg0 : i32
    "tpu.region"() ({
      %run_scoped3A = tpu.sem_alloc : memref<!tpu.dma_semaphore, #tpu.memory_space<semaphore_mem>>
      %dma_start3A = arith.constant 0 : i32
      %dma_start3A_20 = tpu.memref_slice %arg3[%add3A, %dma_start3A] : memref<32x640xi32, #tpu.memory_space<hbm>> -> memref<1x640xi32, #tpu.memory_space<hbm>>
      %dma_start3A_21 = tpu.memref_squeeze %dma_start3A_20 : memref<1x640xi32, #tpu.memory_space<hbm>> -> memref<640xi32, #tpu.memory_space<hbm>>
      %dma_start3A_22 = arith.constant 0 : i32
      %dma_start3A_23 = tpu.memref_slice %arg3[%add3A, %dma_start3A_22] : memref<32x640xi32, #tpu.memory_space<hbm>> -> memref<1x640xi32, #tpu.memory_space<hbm>>
      %dma_start3A_24 = tpu.memref_squeeze %dma_start3A_23 : memref<1x640xi32, #tpu.memory_space<hbm>> -> memref<640xi32, #tpu.memory_space<hbm>>
      tpu.enqueue_dma source(%dma_start3A_24 : memref<640xi32, #tpu.memory_space<hbm>>) target(%arg5 : memref<640xi32, #tpu.memory_space<vmem>>) target_semaphore(%run_scoped3A : memref<!tpu.dma_semaphore, #tpu.memory_space<semaphore_mem>>)
      %dma_wait3A = arith.constant 0 : i32
      %dma_wait3A_25 = tpu.memref_slice %arg3[%add3A, %dma_wait3A] : memref<32x640xi32, #tpu.memory_space<hbm>> -> memref<1x640xi32, #tpu.memory_space<hbm>>
      %dma_wait3A_26 = tpu.memref_squeeze %dma_wait3A_25 : memref<1x640xi32, #tpu.memory_space<hbm>> -> memref<640xi32, #tpu.memory_space<hbm>>
      %dma_wait3A_27 = arith.constant 0 : i32
      %dma_wait3A_28 = tpu.memref_slice %arg3[%add3A, %dma_wait3A_27] : memref<32x640xi32, #tpu.memory_space<hbm>> -> memref<1x640xi32, #tpu.memory_space<hbm>>
      %dma_wait3A_29 = tpu.memref_squeeze %dma_wait3A_28 : memref<1x640xi32, #tpu.memory_space<hbm>> -> memref<640xi32, #tpu.memory_space<hbm>>
      tpu.wait_dma2 semaphore(%run_scoped3A : memref<!tpu.dma_semaphore, #tpu.memory_space<semaphore_mem>>) src(%dma_wait3A_29 : memref<640xi32, #tpu.memory_space<hbm>>) dst(%arg5 : memref<640xi32, #tpu.memory_space<vmem>>)
      tpu.yield
    }) : () -> ()
    %iota3A = tpu.iota {dimensions = array<i32: 0>} : vector<16xi32>
    %scan3A = arith.constant 0 : i32
    %scan3A_1 = arith.constant 0 : i32
    %scan3A_2 = arith.constant 10 : i32
    %scan3A_3 = arith.addi %scan3A_1, %scan3A_2 : i32
    %scan3A_4 = arith.constant 1 : i32
    scf.for %scan3A_20 = %scan3A_1 to %scan3A_3 step %scan3A_4  : i32 {
      %mul3A_21 = arith.constant 64 : i32
      %mul3A_22 = arith.muli %scan3A_20, %mul3A_21 : i32
      %add3A_23 = arith.constant 0 : i32
      %add3A_24 = arith.addi %mul3A_22, %add3A_23 : i32
      %get3A = arith.index_cast %add3A_24 : i32 to index
      %get3A_25 = tpu.vector_load %arg5[%get3A] {strides = array<i32>} : memref<640xi32, #tpu.memory_space<vmem>>, vector<16xi32>,
      %mul3A_26 = arith.constant 12 : i32
      %mul3A_27 = vector.broadcast %mul3A_26 : i32 to vector<16xi32>
      %mul3A_28 = arith.muli %get3A_25, %mul3A_27 : vector<16xi32>
      %shift_right_logical3A = arith.constant 4 : i32
      %shift_right_logical3A_29 = vector.broadcast %shift_right_logical3A : i32 to vector<16xi32>
      %shift_right_logical3A_30 = arith.shrui %mul3A_28, %shift_right_logical3A_29 : vector<16xi32>
      %mul3A_31 = arith.constant 128 : i32
      %mul3A_32 = arith.muli %scan3A_20, %mul3A_31 : i32
      %add3A_33 = arith.constant 0 : i32
      %add3A_34 = arith.addi %mul3A_32, %add3A_33 : i32
      %swap3A = arith.index_cast %add3A_34 : i32 to index
      %swap3A_35 = tpu.vector_load %arg6[%swap3A] {strides = array<i32>} : memref<1280xi32, #tpu.memory_space<vmem>>, vector<16xi32>,
      tpu.vector_store %arg6[%swap3A], %shift_right_logical3A_30 {strides = array<i32>} : memref<1280xi32, #tpu.memory_space<vmem>>, vector<16xi32>,
      %add3A_36 = arith.constant 1 : i32
      %add3A_37 = vector.broadcast %add3A_36 : i32 to vector<16xi32>
      %add3A_38 = arith.addi %shift_right_logical3A_30, %add3A_37 : vector<16xi32>
      %min3A = arith.constant 74999 : i32
      %min3A_39 = vector.broadcast %min3A : i32 to vector<16xi32>
      %min3A_40 = arith.minsi %add3A_38, %min3A_39 : vector<16xi32>
      %mul3A_41 = arith.constant 128 : i32
      %mul3A_42 = arith.muli %scan3A_20, %mul3A_41 : i32
      %add3A_43 = arith.constant 0 : i32
      %add3A_44 = arith.addi %mul3A_42, %add3A_43 : i32
      %add3A_45 = arith.constant 16 : i32
      %add3A_46 = arith.addi %add3A_44, %add3A_45 : i32
      %swap3A_47 = arith.index_cast %add3A_46 : i32 to index
      %swap3A_48 = tpu.vector_load %arg6[%swap3A_47] {strides = array<i32>} : memref<1280xi32, #tpu.memory_space<vmem>>, vector<16xi32>,
      tpu.vector_store %arg6[%swap3A_47], %min3A_40 {strides = array<i32>} : memref<1280xi32, #tpu.memory_space<vmem>>, vector<16xi32>,
      %mul3A_49 = arith.constant 64 : i32
      %mul3A_50 = arith.muli %scan3A_20, %mul3A_49 : i32
      %add3A_51 = arith.constant 16 : i32
      %add3A_52 = arith.addi %mul3A_50, %add3A_51 : i32
      %get3A_53 = arith.index_cast %add3A_52 : i32 to index
      %get3A_54 = tpu.vector_load %arg5[%get3A_53] {strides = array<i32>} : memref<640xi32, #tpu.memory_space<vmem>>, vector<16xi32>,
      %mul3A_55 = arith.constant 12 : i32
      %mul3A_56 = vector.broadcast %mul3A_55 : i32 to vector<16xi32>
      %mul3A_57 = arith.muli %get3A_54, %mul3A_56 : vector<16xi32>
      %shift_right_logical3A_58 = arith.constant 4 : i32
      %shift_right_logical3A_59 = vector.broadcast %shift_right_logical3A_58 : i32 to vector<16xi32>
      %shift_right_logical3A_60 = arith.shrui %mul3A_57, %shift_right_logical3A_59 : vector<16xi32>
      %mul3A_61 = arith.constant 128 : i32
      %mul3A_62 = arith.muli %scan3A_20, %mul3A_61 : i32
      %add3A_63 = arith.constant 32 : i32
      %add3A_64 = arith.addi %mul3A_62, %add3A_63 : i32
      %swap3A_65 = arith.index_cast %add3A_64 : i32 to index
      %swap3A_66 = tpu.vector_load %arg6[%swap3A_65] {strides = array<i32>} : memref<1280xi32, #tpu.memory_space<vmem>>, vector<16xi32>,
      tpu.vector_store %arg6[%swap3A_65], %shift_right_logical3A_60 {strides = array<i32>} : memref<1280xi32, #tpu.memory_space<vmem>>, vector<16xi32>,
      %add3A_67 = arith.constant 1 : i32
      %add3A_68 = vector.broadcast %add3A_67 : i32 to vector<16xi32>
      %add3A_69 = arith.addi %shift_right_logical3A_60, %add3A_68 : vector<16xi32>
      %min3A_70 = arith.constant 74999 : i32
      %min3A_71 = vector.broadcast %min3A_70 : i32 to vector<16xi32>
      %min3A_72 = arith.minsi %add3A_69, %min3A_71 : vector<16xi32>
      %mul3A_73 = arith.constant 128 : i32
      %mul3A_74 = arith.muli %scan3A_20, %mul3A_73 : i32
      %add3A_75 = arith.constant 32 : i32
      %add3A_76 = arith.addi %mul3A_74, %add3A_75 : i32
      %add3A_77 = arith.constant 16 : i32
      %add3A_78 = arith.addi %add3A_76, %add3A_77 : i32
      %swap3A_79 = arith.index_cast %add3A_78 : i32 to index
      %swap3A_80 = tpu.vector_load %arg6[%swap3A_79] {strides = array<i32>} : memref<1280xi32, #tpu.memory_space<vmem>>, vector<16xi32>,
      tpu.vector_store %arg6[%swap3A_79], %min3A_72 {strides = array<i32>} : memref<1280xi32, #tpu.memory_space<vmem>>, vector<16xi32>,
      %mul3A_81 = arith.constant 64 : i32
      %mul3A_82 = arith.muli %scan3A_20, %mul3A_81 : i32
      %add3A_83 = arith.constant 32 : i32
      %add3A_84 = arith.addi %mul3A_82, %add3A_83 : i32
      %get3A_85 = arith.index_cast %add3A_84 : i32 to index
      %get3A_86 = tpu.vector_load %arg5[%get3A_85] {strides = array<i32>} : memref<640xi32, #tpu.memory_space<vmem>>, vector<16xi32>,
      %mul3A_87 = arith.constant 12 : i32
      %mul3A_88 = vector.broadcast %mul3A_87 : i32 to vector<16xi32>
      %mul3A_89 = arith.muli %get3A_86, %mul3A_88 : vector<16xi32>
      %shift_right_logical3A_90 = arith.constant 4 : i32
      %shift_right_logical3A_91 = vector.broadcast %shift_right_logical3A_90 : i32 to vector<16xi32>
      %shift_right_logical3A_92 = arith.shrui %mul3A_89, %shift_right_logical3A_91 : vector<16xi32>
      %mul3A_93 = arith.constant 128 : i32
      %mul3A_94 = arith.muli %scan3A_20, %mul3A_93 : i32
      %add3A_95 = arith.constant 64 : i32
      %add3A_96 = arith.addi %mul3A_94, %add3A_95 : i32
      %swap3A_97 = arith.index_cast %add3A_96 : i32 to index
      %swap3A_98 = tpu.vector_load %arg6[%swap3A_97] {strides = array<i32>} : memref<1280xi32, #tpu.memory_space<vmem>>, vector<16xi32>,
      tpu.vector_store %arg6[%swap3A_97], %shift_right_logical3A_92 {strides = array<i32>} : memref<1280xi32, #tpu.memory_space<vmem>>, vector<16xi32>,
      %add3A_99 = arith.constant 1 : i32
      %add3A_100 = vector.broadcast %add3A_99 : i32 to vector<16xi32>
      %add3A_101 = arith.addi %shift_right_logical3A_92, %add3A_100 : vector<16xi32>
      %min3A_102 = arith.constant 74999 : i32
      %min3A_103 = vector.broadcast %min3A_102 : i32 to vector<16xi32>
      %min3A_104 = arith.minsi %add3A_101, %min3A_103 : vector<16xi32>
      %mul3A_105 = arith.constant 128 : i32
      %mul3A_106 = arith.muli %scan3A_20, %mul3A_105 : i32
      %add3A_107 = arith.constant 64 : i32
      %add3A_108 = arith.addi %mul3A_106, %add3A_107 : i32
      %add3A_109 = arith.constant 16 : i32
      %add3A_110 = arith.addi %add3A_108, %add3A_109 : i32
      %swap3A_111 = arith.index_cast %add3A_110 : i32 to index
      %swap3A_112 = tpu.vector_load %arg6[%swap3A_111] {strides = array<i32>} : memref<1280xi32, #tpu.memory_space<vmem>>, vector<16xi32>,
      tpu.vector_store %arg6[%swap3A_111], %min3A_104 {strides = array<i32>} : memref<1280xi32, #tpu.memory_space<vmem>>, vector<16xi32>,
      %mul3A_113 = arith.constant 64 : i32
      %mul3A_114 = arith.muli %scan3A_20, %mul3A_113 : i32
      %add3A_115 = arith.constant 48 : i32
      %add3A_116 = arith.addi %mul3A_114, %add3A_115 : i32
      %get3A_117 = arith.index_cast %add3A_116 : i32 to index
      %get3A_118 = tpu.vector_load %arg5[%get3A_117] {strides = array<i32>} : memref<640xi32, #tpu.memory_space<vmem>>, vector<16xi32>,
      %mul3A_119 = arith.constant 12 : i32
      %mul3A_120 = vector.broadcast %mul3A_119 : i32 to vector<16xi32>
      %mul3A_121 = arith.muli %get3A_118, %mul3A_120 : vector<16xi32>
      %shift_right_logical3A_122 = arith.constant 4 : i32
      %shift_right_logical3A_123 = vector.broadcast %shift_right_logical3A_122 : i32 to vector<16xi32>
      %shift_right_logical3A_124 = arith.shrui %mul3A_121, %shift_right_logical3A_123 : vector<16xi32>
      %mul3A_125 = arith.constant 128 : i32
      %mul3A_126 = arith.muli %scan3A_20, %mul3A_125 : i32
      %add3A_127 = arith.constant 96 : i32
      %add3A_128 = arith.addi %mul3A_126, %add3A_127 : i32
      %swap3A_129 = arith.index_cast %add3A_128 : i32 to index
      %swap3A_130 = tpu.vector_load %arg6[%swap3A_129] {strides = array<i32>} : memref<1280xi32, #tpu.memory_space<vmem>>, vector<16xi32>,
      tpu.vector_store %arg6[%swap3A_129], %shift_right_logical3A_124 {strides = array<i32>} : memref<1280xi32, #tpu.memory_space<vmem>>, vector<16xi32>,
      %add3A_131 = arith.constant 1 : i32
      %add3A_132 = vector.broadcast %add3A_131 : i32 to vector<16xi32>
      %add3A_133 = arith.addi %shift_right_logical3A_124, %add3A_132 : vector<16xi32>
      %min3A_134 = arith.constant 74999 : i32
      %min3A_135 = vector.broadcast %min3A_134 : i32 to vector<16xi32>
      %min3A_136 = arith.minsi %add3A_133, %min3A_135 : vector<16xi32>
      %mul3A_137 = arith.constant 128 : i32
      %mul3A_138 = arith.muli %scan3A_20, %mul3A_137 : i32
      %add3A_139 = arith.constant 96 : i32
      %add3A_140 = arith.addi %mul3A_138, %add3A_139 : i32
      %add3A_141 = arith.constant 16 : i32
      %add3A_142 = arith.addi %add3A_140, %add3A_141 : i32
      %swap3A_143 = arith.index_cast %add3A_142 : i32 to index
      %swap3A_144 = tpu.vector_load %arg6[%swap3A_143] {strides = array<i32>} : memref<1280xi32, #tpu.memory_space<vmem>>, vector<16xi32>,
      tpu.vector_store %arg6[%swap3A_143], %min3A_136 {strides = array<i32>} : memref<1280xi32, #tpu.memory_space<vmem>>, vector<16xi32>,
      %mul3A_145 = arith.constant 128 : i32
      %mul3A_146 = arith.muli %scan3A_20, %mul3A_145 : i32
      %mul3A_147 = arith.constant 128 : i32
      %mul3A_148 = arith.muli %scan3A_20, %mul3A_147 : i32
      %dma_start3A = arith.constant 0 : i32
      %dma_start3A_149 = tpu.memref_slice %arg7[%mul3A_148, %dma_start3A] : memref<1280x16xi32, #tpu.memory_space<vmem>> -> memref<128x16xi32, #tpu.memory_space<vmem>>
      %dma_start3A_150 = tpu.memref_slice %arg6[%mul3A_146] : memref<1280xi32, #tpu.memory_space<vmem>> -> memref<128xi32, #tpu.memory_space<vmem>>
      %dma_start3A_151 = arith.constant 0 : i32
      %dma_start3A_152 = arith.constant 0 : i32
      %dma_start3A_153 = tpu.memref_slice %arg2[%dma_start3A_151, %dma_start3A_152] : memref<75000x16xi32, #tpu.memory_space<hbm>> -> memref<75000x16xi32, #tpu.memory_space<hbm>>
      tpu.enqueue_indirect_dma source(%dma_start3A_153 : memref<75000x16xi32, #tpu.memory_space<hbm>>) target(%dma_start3A_149 : memref<128x16xi32, #tpu.memory_space<vmem>>) offsets(%dma_start3A_150 : memref<128xi32, #tpu.memory_space<vmem>>) semaphore(%arg9 : memref<!tpu.dma_semaphore, #tpu.memory_space<semaphore_mem>>)
    }
    %scan3A_5 = arith.constant 10 : i32
    %scan3A_6 = arith.constant 0 : i32
    %scan3A_7 = arith.constant 0 : i32
    %scan3A_8 = arith.constant 10 : i32
    %scan3A_9 = arith.addi %scan3A_7, %scan3A_8 : i32
    %scan3A_10 = arith.constant 1 : i32
    scf.for %scan3A_20 = %scan3A_7 to %scan3A_9 step %scan3A_10  : i32 {
      %dma_wait3A = arith.constant 0 : i32
      %dma_wait3A_21 = arith.constant 0 : i32
      %dma_wait3A_22 = tpu.memref_slice %arg7[%dma_wait3A, %dma_wait3A_21] : memref<1280x16xi32, #tpu.memory_space<vmem>> -> memref<128x16xi32, #tpu.memory_space<vmem>>
      %dma_wait3A_23 = arith.constant 0 : i32
      %dma_wait3A_24 = tpu.memref_slice %arg6[%dma_wait3A_23] : memref<1280xi32, #tpu.memory_space<vmem>> -> memref<128xi32, #tpu.memory_space<vmem>>
      %dma_wait3A_25 = arith.constant 0 : i32
      %dma_wait3A_26 = arith.constant 0 : i32
      %dma_wait3A_27 = tpu.memref_slice %arg2[%dma_wait3A_25, %dma_wait3A_26] : memref<75000x16xi32, #tpu.memory_space<hbm>> -> memref<75000x16xi32, #tpu.memory_space<hbm>>
      tpu.wait_indirect_dma semaphore(%arg9 : memref<!tpu.dma_semaphore, #tpu.memory_space<semaphore_mem>>) src(%dma_wait3A_27 : memref<75000x16xi32, #tpu.memory_space<hbm>>) dst(%dma_wait3A_22 : memref<128x16xi32, #tpu.memory_space<vmem>>)
    }
    %scan3A_11 = arith.constant 10 : i32
    %scan3A_12 = arith.constant 0 : i32
    %scan3A_13 = arith.constant 0 : i32
    %scan3A_14 = arith.constant 40 : i32
    %scan3A_15 = arith.addi %scan3A_13, %scan3A_14 : i32
    %scan3A_16 = arith.constant 1 : i32
    scf.for %scan3A_20 = %scan3A_13 to %scan3A_15 step %scan3A_16  : i32 {
      %mul3A_21 = arith.constant 16 : i32
      %mul3A_22 = arith.muli %scan3A_20, %mul3A_21 : i32
      %get3A = arith.index_cast %mul3A_22 : i32 to index
      %get3A_23 = tpu.vector_load %arg5[%get3A] {strides = array<i32>} : memref<640xi32, #tpu.memory_space<vmem>>, vector<16xi32>,
      %mul3A_24 = arith.constant 12 : i32
      %mul3A_25 = vector.broadcast %mul3A_24 : i32 to vector<16xi32>
      %mul3A_26 = arith.muli %get3A_23, %mul3A_25 : vector<16xi32>
      %and3A = arith.constant 15 : i32
      %and3A_27 = vector.broadcast %and3A : i32 to vector<16xi32>
      %and3A_28 = arith.andi %mul3A_26, %and3A_27 : vector<16xi32>
      %mul3A_29 = arith.constant 16 : i32
      %mul3A_30 = arith.muli %mul3A_29, %scan3A_20 : i32
      %add3A_31 = vector.broadcast %mul3A_30 : i32 to vector<16xi32>
      %add3A_32 = arith.addi %add3A_31, %iota3A : vector<16xi32>
      %add3A_33 = arith.constant 0 : i32
      %add3A_34 = vector.broadcast %add3A_33 : i32 to vector<16xi32>
      %add3A_35 = arith.addi %and3A_28, %add3A_34 : vector<16xi32>
      %mul3A_36 = arith.constant 32 : i32
      %mul3A_37 = arith.muli %mul3A_36, %scan3A_20 : i32
      %add3A_38 = vector.broadcast %mul3A_37 : i32 to vector<16xi32>
      %add3A_39 = arith.addi %add3A_38, %iota3A : vector<16xi32>
      %shift_right_logical3A = arith.constant 4 : i32
      %shift_right_logical3A_40 = vector.broadcast %shift_right_logical3A : i32 to vector<16xi32>
      %shift_right_logical3A_41 = arith.shrui %add3A_35, %shift_right_logical3A_40 : vector<16xi32>
      %mul3A_42 = arith.constant 16 : i32
      %mul3A_43 = vector.broadcast %mul3A_42 : i32 to vector<16xi32>
      %mul3A_44 = arith.muli %mul3A_43, %shift_right_logical3A_41 : vector<16xi32>
      %add3A_45 = arith.addi %add3A_39, %mul3A_44 : vector<16xi32>
      %and3A_46 = arith.constant 15 : i32
      %and3A_47 = vector.broadcast %and3A_46 : i32 to vector<16xi32>
      %and3A_48 = arith.andi %add3A_35, %and3A_47 : vector<16xi32>
      %gather3A = tpu.vector_load_idx %arg7[%add3A_45, %and3A_48] : memref<1280x16xi32, #tpu.memory_space<vmem>>[vector<16xi32>, vector<16xi32>], vector<16xi32>,
      %broadcast_in_dim3A = arith.constant 0 : i32
      %broadcast_in_dim3A_49 = vector.broadcast %broadcast_in_dim3A : i32 to vector<16xi32>
      tpu.vector_store_idx %arg8[%add3A_32, %broadcast_in_dim3A_49], %gather3A : memref<640x16xi32, #tpu.memory_space<vmem>>[vector<16xi32>, vector<16xi32>], vector<16xi32>,
      %add3A_50 = arith.constant 1 : i32
      %add3A_51 = vector.broadcast %add3A_50 : i32 to vector<16xi32>
      %add3A_52 = arith.addi %and3A_28, %add3A_51 : vector<16xi32>
      %mul3A_53 = arith.constant 32 : i32
      %mul3A_54 = arith.muli %mul3A_53, %scan3A_20 : i32
      %add3A_55 = vector.broadcast %mul3A_54 : i32 to vector<16xi32>
      %add3A_56 = arith.addi %add3A_55, %iota3A : vector<16xi32>
      %shift_right_logical3A_57 = arith.constant 4 : i32
      %shift_right_logical3A_58 = vector.broadcast %shift_right_logical3A_57 : i32 to vector<16xi32>
      %shift_right_logical3A_59 = arith.shrui %add3A_52, %shift_right_logical3A_58 : vector<16xi32>
      %mul3A_60 = arith.constant 16 : i32
      %mul3A_61 = vector.broadcast %mul3A_60 : i32 to vector<16xi32>
      %mul3A_62 = arith.muli %mul3A_61, %shift_right_logical3A_59 : vector<16xi32>
      %add3A_63 = arith.addi %add3A_56, %mul3A_62 : vector<16xi32>
      %and3A_64 = arith.constant 15 : i32
      %and3A_65 = vector.broadcast %and3A_64 : i32 to vector<16xi32>
      %and3A_66 = arith.andi %add3A_52, %and3A_65 : vector<16xi32>
      %gather3A_67 = tpu.vector_load_idx %arg7[%add3A_63, %and3A_66] : memref<1280x16xi32, #tpu.memory_space<vmem>>[vector<16xi32>, vector<16xi32>], vector<16xi32>,
      %broadcast_in_dim3A_68 = arith.constant 1 : i32
      %broadcast_in_dim3A_69 = vector.broadcast %broadcast_in_dim3A_68 : i32 to vector<16xi32>
      tpu.vector_store_idx %arg8[%add3A_32, %broadcast_in_dim3A_69], %gather3A_67 : memref<640x16xi32, #tpu.memory_space<vmem>>[vector<16xi32>, vector<16xi32>], vector<16xi32>,
      %add3A_70 = arith.constant 2 : i32
      %add3A_71 = vector.broadcast %add3A_70 : i32 to vector<16xi32>
      %add3A_72 = arith.addi %and3A_28, %add3A_71 : vector<16xi32>
      %mul3A_73 = arith.constant 32 : i32
      %mul3A_74 = arith.muli %mul3A_73, %scan3A_20 : i32
      %add3A_75 = vector.broadcast %mul3A_74 : i32 to vector<16xi32>
      %add3A_76 = arith.addi %add3A_75, %iota3A : vector<16xi32>
      %shift_right_logical3A_77 = arith.constant 4 : i32
      %shift_right_logical3A_78 = vector.broadcast %shift_right_logical3A_77 : i32 to vector<16xi32>
      %shift_right_logical3A_79 = arith.shrui %add3A_72, %shift_right_logical3A_78 : vector<16xi32>
      %mul3A_80 = arith.constant 16 : i32
      %mul3A_81 = vector.broadcast %mul3A_80 : i32 to vector<16xi32>
      %mul3A_82 = arith.muli %mul3A_81, %shift_right_logical3A_79 : vector<16xi32>
      %add3A_83 = arith.addi %add3A_76, %mul3A_82 : vector<16xi32>
      %and3A_84 = arith.constant 15 : i32
      %and3A_85 = vector.broadcast %and3A_84 : i32 to vector<16xi32>
      %and3A_86 = arith.andi %add3A_72, %and3A_85 : vector<16xi32>
      %gather3A_87 = tpu.vector_load_idx %arg7[%add3A_83, %and3A_86] : memref<1280x16xi32, #tpu.memory_space<vmem>>[vector<16xi32>, vector<16xi32>], vector<16xi32>,
      %broadcast_in_dim3A_88 = arith.constant 2 : i32
      %broadcast_in_dim3A_89 = vector.broadcast %broadcast_in_dim3A_88 : i32 to vector<16xi32>
      tpu.vector_store_idx %arg8[%add3A_32, %broadcast_in_dim3A_89], %gather3A_87 : memref<640x16xi32, #tpu.memory_space<vmem>>[vector<16xi32>, vector<16xi32>], vector<16xi32>,
      %add3A_90 = arith.constant 3 : i32
      %add3A_91 = vector.broadcast %add3A_90 : i32 to vector<16xi32>
      %add3A_92 = arith.addi %and3A_28, %add3A_91 : vector<16xi32>
      %mul3A_93 = arith.constant 32 : i32
      %mul3A_94 = arith.muli %mul3A_93, %scan3A_20 : i32
      %add3A_95 = vector.broadcast %mul3A_94 : i32 to vector<16xi32>
      %add3A_96 = arith.addi %add3A_95, %iota3A : vector<16xi32>
      %shift_right_logical3A_97 = arith.constant 4 : i32
      %shift_right_logical3A_98 = vector.broadcast %shift_right_logical3A_97 : i32 to vector<16xi32>
      %shift_right_logical3A_99 = arith.shrui %add3A_92, %shift_right_logical3A_98 : vector<16xi32>
      %mul3A_100 = arith.constant 16 : i32
      %mul3A_101 = vector.broadcast %mul3A_100 : i32 to vector<16xi32>
      %mul3A_102 = arith.muli %mul3A_101, %shift_right_logical3A_99 : vector<16xi32>
      %add3A_103 = arith.addi %add3A_96, %mul3A_102 : vector<16xi32>
      %and3A_104 = arith.constant 15 : i32
      %and3A_105 = vector.broadcast %and3A_104 : i32 to vector<16xi32>
      %and3A_106 = arith.andi %add3A_92, %and3A_105 : vector<16xi32>
      %gather3A_107 = tpu.vector_load_idx %arg7[%add3A_103, %and3A_106] : memref<1280x16xi32, #tpu.memory_space<vmem>>[vector<16xi32>, vector<16xi32>], vector<16xi32>,
      %broadcast_in_dim3A_108 = arith.constant 3 : i32
      %broadcast_in_dim3A_109 = vector.broadcast %broadcast_in_dim3A_108 : i32 to vector<16xi32>
      tpu.vector_store_idx %arg8[%add3A_32, %broadcast_in_dim3A_109], %gather3A_107 : memref<640x16xi32, #tpu.memory_space<vmem>>[vector<16xi32>, vector<16xi32>], vector<16xi32>,
      %add3A_110 = arith.constant 4 : i32
      %add3A_111 = vector.broadcast %add3A_110 : i32 to vector<16xi32>
      %add3A_112 = arith.addi %and3A_28, %add3A_111 : vector<16xi32>
      %mul3A_113 = arith.constant 32 : i32
      %mul3A_114 = arith.muli %mul3A_113, %scan3A_20 : i32
      %add3A_115 = vector.broadcast %mul3A_114 : i32 to vector<16xi32>
      %add3A_116 = arith.addi %add3A_115, %iota3A : vector<16xi32>
      %shift_right_logical3A_117 = arith.constant 4 : i32
      %shift_right_logical3A_118 = vector.broadcast %shift_right_logical3A_117 : i32 to vector<16xi32>
      %shift_right_logical3A_119 = arith.shrui %add3A_112, %shift_right_logical3A_118 : vector<16xi32>
      %mul3A_120 = arith.constant 16 : i32
      %mul3A_121 = vector.broadcast %mul3A_120 : i32 to vector<16xi32>
      %mul3A_122 = arith.muli %mul3A_121, %shift_right_logical3A_119 : vector<16xi32>
      %add3A_123 = arith.addi %add3A_116, %mul3A_122 : vector<16xi32>
      %and3A_124 = arith.constant 15 : i32
      %and3A_125 = vector.broadcast %and3A_124 : i32 to vector<16xi32>
      %and3A_126 = arith.andi %add3A_112, %and3A_125 : vector<16xi32>
      %gather3A_127 = tpu.vector_load_idx %arg7[%add3A_123, %and3A_126] : memref<1280x16xi32, #tpu.memory_space<vmem>>[vector<16xi32>, vector<16xi32>], vector<16xi32>,
      %broadcast_in_dim3A_128 = arith.constant 4 : i32
      %broadcast_in_dim3A_129 = vector.broadcast %broadcast_in_dim3A_128 : i32 to vector<16xi32>
      tpu.vector_store_idx %arg8[%add3A_32, %broadcast_in_dim3A_129], %gather3A_127 : memref<640x16xi32, #tpu.memory_space<vmem>>[vector<16xi32>, vector<16xi32>], vector<16xi32>,
      %add3A_130 = arith.constant 5 : i32
      %add3A_131 = vector.broadcast %add3A_130 : i32 to vector<16xi32>
      %add3A_132 = arith.addi %and3A_28, %add3A_131 : vector<16xi32>
      %mul3A_133 = arith.constant 32 : i32
      %mul3A_134 = arith.muli %mul3A_133, %scan3A_20 : i32
      %add3A_135 = vector.broadcast %mul3A_134 : i32 to vector<16xi32>
      %add3A_136 = arith.addi %add3A_135, %iota3A : vector<16xi32>
      %shift_right_logical3A_137 = arith.constant 4 : i32
      %shift_right_logical3A_138 = vector.broadcast %shift_right_logical3A_137 : i32 to vector<16xi32>
      %shift_right_logical3A_139 = arith.shrui %add3A_132, %shift_right_logical3A_138 : vector<16xi32>
      %mul3A_140 = arith.constant 16 : i32
      %mul3A_141 = vector.broadcast %mul3A_140 : i32 to vector<16xi32>
      %mul3A_142 = arith.muli %mul3A_141, %shift_right_logical3A_139 : vector<16xi32>
      %add3A_143 = arith.addi %add3A_136, %mul3A_142 : vector<16xi32>
      %and3A_144 = arith.constant 15 : i32
      %and3A_145 = vector.broadcast %and3A_144 : i32 to vector<16xi32>
      %and3A_146 = arith.andi %add3A_132, %and3A_145 : vector<16xi32>
      %gather3A_147 = tpu.vector_load_idx %arg7[%add3A_143, %and3A_146] : memref<1280x16xi32, #tpu.memory_space<vmem>>[vector<16xi32>, vector<16xi32>], vector<16xi32>,
      %broadcast_in_dim3A_148 = arith.constant 5 : i32
      %broadcast_in_dim3A_149 = vector.broadcast %broadcast_in_dim3A_148 : i32 to vector<16xi32>
      tpu.vector_store_idx %arg8[%add3A_32, %broadcast_in_dim3A_149], %gather3A_147 : memref<640x16xi32, #tpu.memory_space<vmem>>[vector<16xi32>, vector<16xi32>], vector<16xi32>,
      %add3A_150 = arith.constant 6 : i32
      %add3A_151 = vector.broadcast %add3A_150 : i32 to vector<16xi32>
      %add3A_152 = arith.addi %and3A_28, %add3A_151 : vector<16xi32>
      %mul3A_153 = arith.constant 32 : i32
      %mul3A_154 = arith.muli %mul3A_153, %scan3A_20 : i32
      %add3A_155 = vector.broadcast %mul3A_154 : i32 to vector<16xi32>
      %add3A_156 = arith.addi %add3A_155, %iota3A : vector<16xi32>
      %shift_right_logical3A_157 = arith.constant 4 : i32
      %shift_right_logical3A_158 = vector.broadcast %shift_right_logical3A_157 : i32 to vector<16xi32>
      %shift_right_logical3A_159 = arith.shrui %add3A_152, %shift_right_logical3A_158 : vector<16xi32>
      %mul3A_160 = arith.constant 16 : i32
      %mul3A_161 = vector.broadcast %mul3A_160 : i32 to vector<16xi32>
      %mul3A_162 = arith.muli %mul3A_161, %shift_right_logical3A_159 : vector<16xi32>
      %add3A_163 = arith.addi %add3A_156, %mul3A_162 : vector<16xi32>
      %and3A_164 = arith.constant 15 : i32
      %and3A_165 = vector.broadcast %and3A_164 : i32 to vector<16xi32>
      %and3A_166 = arith.andi %add3A_152, %and3A_165 : vector<16xi32>
      %gather3A_167 = tpu.vector_load_idx %arg7[%add3A_163, %and3A_166] : memref<1280x16xi32, #tpu.memory_space<vmem>>[vector<16xi32>, vector<16xi32>], vector<16xi32>,
      %broadcast_in_dim3A_168 = arith.constant 6 : i32
      %broadcast_in_dim3A_169 = vector.broadcast %broadcast_in_dim3A_168 : i32 to vector<16xi32>
      tpu.vector_store_idx %arg8[%add3A_32, %broadcast_in_dim3A_169], %gather3A_167 : memref<640x16xi32, #tpu.memory_space<vmem>>[vector<16xi32>, vector<16xi32>], vector<16xi32>,
      %add3A_170 = arith.constant 7 : i32
      %add3A_171 = vector.broadcast %add3A_170 : i32 to vector<16xi32>
      %add3A_172 = arith.addi %and3A_28, %add3A_171 : vector<16xi32>
      %mul3A_173 = arith.constant 32 : i32
      %mul3A_174 = arith.muli %mul3A_173, %scan3A_20 : i32
      %add3A_175 = vector.broadcast %mul3A_174 : i32 to vector<16xi32>
      %add3A_176 = arith.addi %add3A_175, %iota3A : vector<16xi32>
      %shift_right_logical3A_177 = arith.constant 4 : i32
      %shift_right_logical3A_178 = vector.broadcast %shift_right_logical3A_177 : i32 to vector<16xi32>
      %shift_right_logical3A_179 = arith.shrui %add3A_172, %shift_right_logical3A_178 : vector<16xi32>
      %mul3A_180 = arith.constant 16 : i32
      %mul3A_181 = vector.broadcast %mul3A_180 : i32 to vector<16xi32>
      %mul3A_182 = arith.muli %mul3A_181, %shift_right_logical3A_179 : vector<16xi32>
      %add3A_183 = arith.addi %add3A_176, %mul3A_182 : vector<16xi32>
      %and3A_184 = arith.constant 15 : i32
      %and3A_185 = vector.broadcast %and3A_184 : i32 to vector<16xi32>
      %and3A_186 = arith.andi %add3A_172, %and3A_185 : vector<16xi32>
      %gather3A_187 = tpu.vector_load_idx %arg7[%add3A_183, %and3A_186] : memref<1280x16xi32, #tpu.memory_space<vmem>>[vector<16xi32>, vector<16xi32>], vector<16xi32>,
      %broadcast_in_dim3A_188 = arith.constant 7 : i32
      %broadcast_in_dim3A_189 = vector.broadcast %broadcast_in_dim3A_188 : i32 to vector<16xi32>
      tpu.vector_store_idx %arg8[%add3A_32, %broadcast_in_dim3A_189], %gather3A_187 : memref<640x16xi32, #tpu.memory_space<vmem>>[vector<16xi32>, vector<16xi32>], vector<16xi32>,
      %add3A_190 = arith.constant 8 : i32
      %add3A_191 = vector.broadcast %add3A_190 : i32 to vector<16xi32>
      %add3A_192 = arith.addi %and3A_28, %add3A_191 : vector<16xi32>
      %mul3A_193 = arith.constant 32 : i32
      %mul3A_194 = arith.muli %mul3A_193, %scan3A_20 : i32
      %add3A_195 = vector.broadcast %mul3A_194 : i32 to vector<16xi32>
      %add3A_196 = arith.addi %add3A_195, %iota3A : vector<16xi32>
      %shift_right_logical3A_197 = arith.constant 4 : i32
      %shift_right_logical3A_198 = vector.broadcast %shift_right_logical3A_197 : i32 to vector<16xi32>
      %shift_right_logical3A_199 = arith.shrui %add3A_192, %shift_right_logical3A_198 : vector<16xi32>
      %mul3A_200 = arith.constant 16 : i32
      %mul3A_201 = vector.broadcast %mul3A_200 : i32 to vector<16xi32>
      %mul3A_202 = arith.muli %mul3A_201, %shift_right_logical3A_199 : vector<16xi32>
      %add3A_203 = arith.addi %add3A_196, %mul3A_202 : vector<16xi32>
      %and3A_204 = arith.constant 15 : i32
      %and3A_205 = vector.broadcast %and3A_204 : i32 to vector<16xi32>
      %and3A_206 = arith.andi %add3A_192, %and3A_205 : vector<16xi32>
      %gather3A_207 = tpu.vector_load_idx %arg7[%add3A_203, %and3A_206] : memref<1280x16xi32, #tpu.memory_space<vmem>>[vector<16xi32>, vector<16xi32>], vector<16xi32>,
      %broadcast_in_dim3A_208 = arith.constant 8 : i32
      %broadcast_in_dim3A_209 = vector.broadcast %broadcast_in_dim3A_208 : i32 to vector<16xi32>
      tpu.vector_store_idx %arg8[%add3A_32, %broadcast_in_dim3A_209], %gather3A_207 : memref<640x16xi32, #tpu.memory_space<vmem>>[vector<16xi32>, vector<16xi32>], vector<16xi32>,
      %add3A_210 = arith.constant 9 : i32
      %add3A_211 = vector.broadcast %add3A_210 : i32 to vector<16xi32>
      %add3A_212 = arith.addi %and3A_28, %add3A_211 : vector<16xi32>
      %mul3A_213 = arith.constant 32 : i32
      %mul3A_214 = arith.muli %mul3A_213, %scan3A_20 : i32
      %add3A_215 = vector.broadcast %mul3A_214 : i32 to vector<16xi32>
      %add3A_216 = arith.addi %add3A_215, %iota3A : vector<16xi32>
      %shift_right_logical3A_217 = arith.constant 4 : i32
      %shift_right_logical3A_218 = vector.broadcast %shift_right_logical3A_217 : i32 to vector<16xi32>
      %shift_right_logical3A_219 = arith.shrui %add3A_212, %shift_right_logical3A_218 : vector<16xi32>
      %mul3A_220 = arith.constant 16 : i32
      %mul3A_221 = vector.broadcast %mul3A_220 : i32 to vector<16xi32>
      %mul3A_222 = arith.muli %mul3A_221, %shift_right_logical3A_219 : vector<16xi32>
      %add3A_223 = arith.addi %add3A_216, %mul3A_222 : vector<16xi32>
      %and3A_224 = arith.constant 15 : i32
      %and3A_225 = vector.broadcast %and3A_224 : i32 to vector<16xi32>
      %and3A_226 = arith.andi %add3A_212, %and3A_225 : vector<16xi32>
      %gather3A_227 = tpu.vector_load_idx %arg7[%add3A_223, %and3A_226] : memref<1280x16xi32, #tpu.memory_space<vmem>>[vector<16xi32>, vector<16xi32>], vector<16xi32>,
      %broadcast_in_dim3A_228 = arith.constant 9 : i32
      %broadcast_in_dim3A_229 = vector.broadcast %broadcast_in_dim3A_228 : i32 to vector<16xi32>
      tpu.vector_store_idx %arg8[%add3A_32, %broadcast_in_dim3A_229], %gather3A_227 : memref<640x16xi32, #tpu.memory_space<vmem>>[vector<16xi32>, vector<16xi32>], vector<16xi32>,
      %add3A_230 = arith.constant 10 : i32
      %add3A_231 = vector.broadcast %add3A_230 : i32 to vector<16xi32>
      %add3A_232 = arith.addi %and3A_28, %add3A_231 : vector<16xi32>
      %mul3A_233 = arith.constant 32 : i32
      %mul3A_234 = arith.muli %mul3A_233, %scan3A_20 : i32
      %add3A_235 = vector.broadcast %mul3A_234 : i32 to vector<16xi32>
      %add3A_236 = arith.addi %add3A_235, %iota3A : vector<16xi32>
      %shift_right_logical3A_237 = arith.constant 4 : i32
      %shift_right_logical3A_238 = vector.broadcast %shift_right_logical3A_237 : i32 to vector<16xi32>
      %shift_right_logical3A_239 = arith.shrui %add3A_232, %shift_right_logical3A_238 : vector<16xi32>
      %mul3A_240 = arith.constant 16 : i32
      %mul3A_241 = vector.broadcast %mul3A_240 : i32 to vector<16xi32>
      %mul3A_242 = arith.muli %mul3A_241, %shift_right_logical3A_239 : vector<16xi32>
      %add3A_243 = arith.addi %add3A_236, %mul3A_242 : vector<16xi32>
      %and3A_244 = arith.constant 15 : i32
      %and3A_245 = vector.broadcast %and3A_244 : i32 to vector<16xi32>
      %and3A_246 = arith.andi %add3A_232, %and3A_245 : vector<16xi32>
      %gather3A_247 = tpu.vector_load_idx %arg7[%add3A_243, %and3A_246] : memref<1280x16xi32, #tpu.memory_space<vmem>>[vector<16xi32>, vector<16xi32>], vector<16xi32>,
      %broadcast_in_dim3A_248 = arith.constant 10 : i32
      %broadcast_in_dim3A_249 = vector.broadcast %broadcast_in_dim3A_248 : i32 to vector<16xi32>
      tpu.vector_store_idx %arg8[%add3A_32, %broadcast_in_dim3A_249], %gather3A_247 : memref<640x16xi32, #tpu.memory_space<vmem>>[vector<16xi32>, vector<16xi32>], vector<16xi32>,
      %add3A_250 = arith.constant 11 : i32
      %add3A_251 = vector.broadcast %add3A_250 : i32 to vector<16xi32>
      %add3A_252 = arith.addi %and3A_28, %add3A_251 : vector<16xi32>
      %mul3A_253 = arith.constant 32 : i32
      %mul3A_254 = arith.muli %mul3A_253, %scan3A_20 : i32
      %add3A_255 = vector.broadcast %mul3A_254 : i32 to vector<16xi32>
      %add3A_256 = arith.addi %add3A_255, %iota3A : vector<16xi32>
      %shift_right_logical3A_257 = arith.constant 4 : i32
      %shift_right_logical3A_258 = vector.broadcast %shift_right_logical3A_257 : i32 to vector<16xi32>
      %shift_right_logical3A_259 = arith.shrui %add3A_252, %shift_right_logical3A_258 : vector<16xi32>
      %mul3A_260 = arith.constant 16 : i32
      %mul3A_261 = vector.broadcast %mul3A_260 : i32 to vector<16xi32>
      %mul3A_262 = arith.muli %mul3A_261, %shift_right_logical3A_259 : vector<16xi32>
      %add3A_263 = arith.addi %add3A_256, %mul3A_262 : vector<16xi32>
      %and3A_264 = arith.constant 15 : i32
      %and3A_265 = vector.broadcast %and3A_264 : i32 to vector<16xi32>
      %and3A_266 = arith.andi %add3A_252, %and3A_265 : vector<16xi32>
      %gather3A_267 = tpu.vector_load_idx %arg7[%add3A_263, %and3A_266] : memref<1280x16xi32, #tpu.memory_space<vmem>>[vector<16xi32>, vector<16xi32>], vector<16xi32>,
      %broadcast_in_dim3A_268 = arith.constant 11 : i32
      %broadcast_in_dim3A_269 = vector.broadcast %broadcast_in_dim3A_268 : i32 to vector<16xi32>
      tpu.vector_store_idx %arg8[%add3A_32, %broadcast_in_dim3A_269], %gather3A_267 : memref<640x16xi32, #tpu.memory_space<vmem>>[vector<16xi32>, vector<16xi32>], vector<16xi32>,
    }
    %scan3A_17 = arith.constant 40 : i32
    %mul3A_18 = arith.constant 640 : i32
    %mul3A_19 = arith.muli %add3A, %mul3A_18 : i32
    "tpu.region"() ({
      %run_scoped3A = tpu.sem_alloc : memref<!tpu.dma_semaphore, #tpu.memory_space<semaphore_mem>>
      %dma_start3A = arith.constant 0 : i32
      %dma_start3A_20 = tpu.memref_slice %arg4[%mul3A_19, %dma_start3A] : memref<20480x16xi32, #tpu.memory_space<hbm>> -> memref<640x16xi32, #tpu.memory_space<hbm>>
      %dma_start3A_21 = arith.constant 0 : i32
      %dma_start3A_22 = tpu.memref_slice %arg4[%mul3A_19, %dma_start3A_21] : memref<20480x16xi32, #tpu.memory_space<hbm>> -> memref<640x16xi32, #tpu.memory_space<hbm>>
      tpu.enqueue_dma source(%arg8 : memref<640x16xi32, #tpu.memory_space<vmem>>) target(%dma_start3A_22 : memref<640x16xi32, #tpu.memory_space<hbm>>) target_semaphore(%run_scoped3A : memref<!tpu.dma_semaphore, #tpu.memory_space<semaphore_mem>>)
      %dma_wait3A = arith.constant 0 : i32
      %dma_wait3A_23 = tpu.memref_slice %arg4[%mul3A_19, %dma_wait3A] : memref<20480x16xi32, #tpu.memory_space<hbm>> -> memref<640x16xi32, #tpu.memory_space<hbm>>
      %dma_wait3A_24 = arith.constant 0 : i32
      %dma_wait3A_25 = tpu.memref_slice %arg4[%mul3A_19, %dma_wait3A_24] : memref<20480x16xi32, #tpu.memory_space<hbm>> -> memref<640x16xi32, #tpu.memory_space<hbm>>
      tpu.wait_dma2 semaphore(%run_scoped3A : memref<!tpu.dma_semaphore, #tpu.memory_space<semaphore_mem>>) src(%arg8 : memref<640x16xi32, #tpu.memory_space<vmem>>) dst(%dma_wait3A_25 : memref<640x16xi32, #tpu.memory_space<hbm>>)
      tpu.yield
    }) : () -> ()
    return
  }
}

#map = affine_map<(d0, d1) -> (0, 0)>
#map1 = affine_map<(d0, d1) -> (0, 0, 0)>
module attributes {stable_mosaic.version = 14 : i64} {
  func.func @body(%arg0: i32, %arg1: i32, %arg2: memref<100000x128xf32, #tpu.memory_space<hbm>>, %arg3: memref<32x1x128xi32, #tpu.memory_space<hbm>>, %arg4: memref<4096x128xf32, #tpu.memory_space<hbm>>, %arg5: memref<1x128xi32, #tpu.memory_space<vmem>>, %arg6: memref<128x128xf32, #tpu.memory_space<vmem>>, %arg7: memref<!tpu.dma_semaphore, #tpu.memory_space<semaphore_mem>>, %arg8: memref<!tpu.dma_semaphore, #tpu.memory_space<semaphore_mem>>) attributes {dimension_semantics = [#tpu.dimension_semantics<core_parallel>, #tpu.dimension_semantics<subcore_parallel>], iteration_bounds = array<i64: 2, 16>, scalar_prefetch = 0 : i64, scratch_operands = 4 : i64, tpu.core_type = #tpu.core_type<sc_vector_subcore>, window_params = [{transform_indices = #map}, {transform_indices = #map1}, {transform_indices = #map}]} {
    %mul3A = arith.constant 2 : i32
    %mul3A_0 = arith.muli %arg1, %mul3A : i32
    %add3A = arith.addi %mul3A_0, %arg0 : i32
    "tpu.region"() ({
      %run_scoped3A = tpu.sem_alloc : memref<!tpu.dma_semaphore, #tpu.memory_space<semaphore_mem>>
      %dma_start3A_38 = arith.constant 0 : i32
      %dma_start3A_39 = arith.constant 0 : i32
      %dma_start3A_40 = tpu.memref_slice %arg3[%add3A, %dma_start3A_38, %dma_start3A_39] : memref<32x1x128xi32, #tpu.memory_space<hbm>> -> memref<1x1x128xi32, #tpu.memory_space<hbm>>
      %dma_start3A_41 = tpu.memref_squeeze %dma_start3A_40 : memref<1x1x128xi32, #tpu.memory_space<hbm>> -> memref<1x128xi32, #tpu.memory_space<hbm>>
      %dma_start3A_42 = arith.constant 0 : i32
      %dma_start3A_43 = arith.constant 0 : i32
      %dma_start3A_44 = tpu.memref_slice %arg3[%add3A, %dma_start3A_42, %dma_start3A_43] : memref<32x1x128xi32, #tpu.memory_space<hbm>> -> memref<1x1x128xi32, #tpu.memory_space<hbm>>
      %dma_start3A_45 = tpu.memref_squeeze %dma_start3A_44 : memref<1x1x128xi32, #tpu.memory_space<hbm>> -> memref<1x128xi32, #tpu.memory_space<hbm>>
      tpu.enqueue_dma source(%dma_start3A_45 : memref<1x128xi32, #tpu.memory_space<hbm>>) target(%arg5 : memref<1x128xi32, #tpu.memory_space<vmem>>) target_semaphore(%run_scoped3A : memref<!tpu.dma_semaphore, #tpu.memory_space<semaphore_mem>>)
      %dma_wait3A_46 = arith.constant 0 : i32
      %dma_wait3A_47 = arith.constant 0 : i32
      %dma_wait3A_48 = tpu.memref_slice %arg3[%add3A, %dma_wait3A_46, %dma_wait3A_47] : memref<32x1x128xi32, #tpu.memory_space<hbm>> -> memref<1x1x128xi32, #tpu.memory_space<hbm>>
      %dma_wait3A_49 = tpu.memref_squeeze %dma_wait3A_48 : memref<1x1x128xi32, #tpu.memory_space<hbm>> -> memref<1x128xi32, #tpu.memory_space<hbm>>
      %dma_wait3A_50 = arith.constant 0 : i32
      %dma_wait3A_51 = arith.constant 0 : i32
      %dma_wait3A_52 = tpu.memref_slice %arg3[%add3A, %dma_wait3A_50, %dma_wait3A_51] : memref<32x1x128xi32, #tpu.memory_space<hbm>> -> memref<1x1x128xi32, #tpu.memory_space<hbm>>
      %dma_wait3A_53 = tpu.memref_squeeze %dma_wait3A_52 : memref<1x1x128xi32, #tpu.memory_space<hbm>> -> memref<1x128xi32, #tpu.memory_space<hbm>>
      tpu.wait_dma2 semaphore(%run_scoped3A : memref<!tpu.dma_semaphore, #tpu.memory_space<semaphore_mem>>) src(%dma_wait3A_53 : memref<1x128xi32, #tpu.memory_space<hbm>>) dst(%arg5 : memref<1x128xi32, #tpu.memory_space<vmem>>)
      tpu.yield
    }) : () -> ()
    %dma_start3A = arith.constant 0 : i32
    %dma_start3A_1 = arith.constant 0 : i32
    %dma_start3A_2 = tpu.memref_slice %arg5[%dma_start3A, %dma_start3A_1] : memref<1x128xi32, #tpu.memory_space<vmem>> -> memref<1x128xi32, #tpu.memory_space<vmem>>
    %dma_start3A_3 = tpu.memref_squeeze %dma_start3A_2 : memref<1x128xi32, #tpu.memory_space<vmem>> -> memref<128xi32, #tpu.memory_space<vmem>>
    %dma_start3A_4 = arith.constant 0 : i32
    %dma_start3A_5 = arith.constant 0 : i32
    %dma_start3A_6 = tpu.memref_slice %arg2[%dma_start3A_4, %dma_start3A_5] : memref<100000x128xf32, #tpu.memory_space<hbm>> -> memref<100000x128xf32, #tpu.memory_space<hbm>>
    tpu.enqueue_indirect_dma source(%dma_start3A_6 : memref<100000x128xf32, #tpu.memory_space<hbm>>) target(%arg6 : memref<128x128xf32, #tpu.memory_space<vmem>>) offsets(%dma_start3A_3 : memref<128xi32, #tpu.memory_space<vmem>>) semaphore(%arg7 : memref<!tpu.dma_semaphore, #tpu.memory_space<semaphore_mem>>)
    %scan3A = arith.constant 0 : i32
    %scan3A_7 = arith.constant 0 : i32
    %mul3A_8 = arith.constant 1 : i32
    %mul3A_9 = arith.muli %scan3A_7, %mul3A_8 : i32
    %add3A_10 = arith.constant 0 : i32
    %add3A_11 = arith.addi %mul3A_9, %add3A_10 : i32
    %dma_wait3A = arith.constant 0 : i32
    %dma_wait3A_12 = arith.constant 0 : i32
    %dma_wait3A_13 = tpu.memref_slice %arg5[%dma_wait3A, %dma_wait3A_12] : memref<1x128xi32, #tpu.memory_space<vmem>> -> memref<1x128xi32, #tpu.memory_space<vmem>>
    %dma_wait3A_14 = tpu.memref_squeeze %dma_wait3A_13 : memref<1x128xi32, #tpu.memory_space<vmem>> -> memref<128xi32, #tpu.memory_space<vmem>>
    %dma_wait3A_15 = arith.constant 0 : i32
    %dma_wait3A_16 = arith.constant 0 : i32
    %dma_wait3A_17 = tpu.memref_slice %arg2[%dma_wait3A_15, %dma_wait3A_16] : memref<100000x128xf32, #tpu.memory_space<hbm>> -> memref<100000x128xf32, #tpu.memory_space<hbm>>
    tpu.wait_indirect_dma semaphore(%arg7 : memref<!tpu.dma_semaphore, #tpu.memory_space<semaphore_mem>>) src(%dma_wait3A_17 : memref<100000x128xf32, #tpu.memory_space<hbm>>) dst(%arg6 : memref<128x128xf32, #tpu.memory_space<vmem>>)
    %mul3A_18 = arith.constant 1 : i32
    %mul3A_19 = arith.muli %add3A, %mul3A_18 : i32
    %add3A_20 = arith.addi %mul3A_19, %add3A_11 : i32
    %mul3A_21 = arith.constant 128 : i32
    %mul3A_22 = arith.muli %add3A_20, %mul3A_21 : i32
    %dma_start3A_23 = arith.constant 0 : i32
    %dma_start3A_24 = tpu.memref_slice %arg4[%mul3A_22, %dma_start3A_23] : memref<4096x128xf32, #tpu.memory_space<hbm>> -> memref<128x128xf32, #tpu.memory_space<hbm>>
    %dma_start3A_25 = arith.constant 0 : i32
    %dma_start3A_26 = tpu.memref_slice %arg4[%mul3A_22, %dma_start3A_25] : memref<4096x128xf32, #tpu.memory_space<hbm>> -> memref<128x128xf32, #tpu.memory_space<hbm>>
    tpu.enqueue_dma source(%arg6 : memref<128x128xf32, #tpu.memory_space<vmem>>) target(%dma_start3A_26 : memref<128x128xf32, #tpu.memory_space<hbm>>) target_semaphore(%arg8 : memref<!tpu.dma_semaphore, #tpu.memory_space<semaphore_mem>>)
    %add3A_27 = arith.constant 1 : i32
    %add3A_28 = arith.addi %add3A_11, %add3A_27 : i32
    %lt3A = arith.constant 1 : i32
    %lt3A_29 = arith.cmpi slt, %add3A_28, %lt3A : i32
    %convert_element_type3A = arith.extui %lt3A_29 : i1 to i32
    %cond3A = arith.constant 0 : i32
    %cond3A_30 = arith.cmpi ne, %convert_element_type3A, %cond3A : i32
    scf.if %cond3A_30 {
      %dma_wait3A_38 = arith.constant 0 : i32
      %dma_wait3A_39 = arith.constant 0 : i32
      %dma_wait3A_40 = tpu.memref_slice %arg4[%dma_wait3A_38, %dma_wait3A_39] : memref<4096x128xf32, #tpu.memory_space<hbm>> -> memref<128x128xf32, #tpu.memory_space<hbm>>
      %dma_wait3A_41 = arith.constant 0 : i32
      %dma_wait3A_42 = arith.constant 0 : i32
      %dma_wait3A_43 = tpu.memref_slice %arg4[%dma_wait3A_41, %dma_wait3A_42] : memref<4096x128xf32, #tpu.memory_space<hbm>> -> memref<128x128xf32, #tpu.memory_space<hbm>>
      tpu.wait_dma2 semaphore(%arg8 : memref<!tpu.dma_semaphore, #tpu.memory_space<semaphore_mem>>) src(%arg6 : memref<128x128xf32, #tpu.memory_space<vmem>>) dst(%dma_wait3A_43 : memref<128x128xf32, #tpu.memory_space<hbm>>)
      %add3A_44 = arith.constant 1 : i32
      %add3A_45 = arith.addi %add3A_11, %add3A_44 : i32
      %dma_start3A_46 = arith.constant 0 : i32
      %dma_start3A_47 = tpu.memref_slice %arg5[%add3A_45, %dma_start3A_46] : memref<1x128xi32, #tpu.memory_space<vmem>> -> memref<1x128xi32, #tpu.memory_space<vmem>>
      %dma_start3A_48 = tpu.memref_squeeze %dma_start3A_47 : memref<1x128xi32, #tpu.memory_space<vmem>> -> memref<128xi32, #tpu.memory_space<vmem>>
      %dma_start3A_49 = arith.constant 0 : i32
      %dma_start3A_50 = arith.constant 0 : i32
      %dma_start3A_51 = tpu.memref_slice %arg2[%dma_start3A_49, %dma_start3A_50] : memref<100000x128xf32, #tpu.memory_space<hbm>> -> memref<100000x128xf32, #tpu.memory_space<hbm>>
      tpu.enqueue_indirect_dma source(%dma_start3A_51 : memref<100000x128xf32, #tpu.memory_space<hbm>>) target(%arg6 : memref<128x128xf32, #tpu.memory_space<vmem>>) offsets(%dma_start3A_48 : memref<128xi32, #tpu.memory_space<vmem>>) semaphore(%arg7 : memref<!tpu.dma_semaphore, #tpu.memory_space<semaphore_mem>>)
    } else {
    }
    %scan3A_31 = arith.constant 1 : i32
    %dma_wait3A_32 = arith.constant 0 : i32
    %dma_wait3A_33 = arith.constant 0 : i32
    %dma_wait3A_34 = tpu.memref_slice %arg4[%dma_wait3A_32, %dma_wait3A_33] : memref<4096x128xf32, #tpu.memory_space<hbm>> -> memref<128x128xf32, #tpu.memory_space<hbm>>
    %dma_wait3A_35 = arith.constant 0 : i32
    %dma_wait3A_36 = arith.constant 0 : i32
    %dma_wait3A_37 = tpu.memref_slice %arg4[%dma_wait3A_35, %dma_wait3A_36] : memref<4096x128xf32, #tpu.memory_space<hbm>> -> memref<128x128xf32, #tpu.memory_space<hbm>>
    tpu.wait_dma2 semaphore(%arg8 : memref<!tpu.dma_semaphore, #tpu.memory_space<semaphore_mem>>) src(%arg6 : memref<128x128xf32, #tpu.memory_space<vmem>>) dst(%dma_wait3A_37 : memref<128x128xf32, #tpu.memory_space<hbm>>)
    return
  }
}

#map = affine_map<(d0, d1) -> (0, 0)>
module attributes {stable_mosaic.version = 14 : i64} {
  func.func @body(%arg0: i32, %arg1: i32, %arg2: memref<75000x16xi32, #tpu.memory_space<hbm>>, %arg3: memref<32x64xi32, #tpu.memory_space<hbm>>, %arg4: memref<2048x16xi32, #tpu.memory_space<hbm>>, %arg5: memref<64xi32, #tpu.memory_space<vmem>>, %arg6: memref<128xi32, #tpu.memory_space<vmem>>, %arg7: memref<128x16xi32, #tpu.memory_space<vmem>>, %arg8: memref<64x16xi32, #tpu.memory_space<vmem>>, %arg9: memref<!tpu.dma_semaphore, #tpu.memory_space<semaphore_mem>>) attributes {dimension_semantics = [#tpu.dimension_semantics<core_parallel>, #tpu.dimension_semantics<subcore_parallel>], iteration_bounds = array<i64: 2, 16>, scalar_prefetch = 0 : i64, scratch_operands = 5 : i64, tpu.core_type = #tpu.core_type<sc_vector_subcore>, window_params = [{transform_indices = #map}, {transform_indices = #map}, {transform_indices = #map}]} {
    %mul3A = arith.constant 2 : i32
    %mul3A_0 = arith.muli %arg1, %mul3A : i32
    %add3A = arith.addi %mul3A_0, %arg0 : i32
    "tpu.region"() ({
      %run_scoped3A = tpu.sem_alloc : memref<!tpu.dma_semaphore, #tpu.memory_space<semaphore_mem>>
      %dma_start3A_154 = arith.constant 0 : i32
      %dma_start3A_155 = tpu.memref_slice %arg3[%add3A, %dma_start3A_154] : memref<32x64xi32, #tpu.memory_space<hbm>> -> memref<1x64xi32, #tpu.memory_space<hbm>>
      %dma_start3A_156 = tpu.memref_squeeze %dma_start3A_155 : memref<1x64xi32, #tpu.memory_space<hbm>> -> memref<64xi32, #tpu.memory_space<hbm>>
      %dma_start3A_157 = arith.constant 0 : i32
      %dma_start3A_158 = tpu.memref_slice %arg3[%add3A, %dma_start3A_157] : memref<32x64xi32, #tpu.memory_space<hbm>> -> memref<1x64xi32, #tpu.memory_space<hbm>>
      %dma_start3A_159 = tpu.memref_squeeze %dma_start3A_158 : memref<1x64xi32, #tpu.memory_space<hbm>> -> memref<64xi32, #tpu.memory_space<hbm>>
      tpu.enqueue_dma source(%dma_start3A_159 : memref<64xi32, #tpu.memory_space<hbm>>) target(%arg5 : memref<64xi32, #tpu.memory_space<vmem>>) target_semaphore(%run_scoped3A : memref<!tpu.dma_semaphore, #tpu.memory_space<semaphore_mem>>)
      %dma_wait3A_160 = arith.constant 0 : i32
      %dma_wait3A_161 = tpu.memref_slice %arg3[%add3A, %dma_wait3A_160] : memref<32x64xi32, #tpu.memory_space<hbm>> -> memref<1x64xi32, #tpu.memory_space<hbm>>
      %dma_wait3A_162 = tpu.memref_squeeze %dma_wait3A_161 : memref<1x64xi32, #tpu.memory_space<hbm>> -> memref<64xi32, #tpu.memory_space<hbm>>
      %dma_wait3A_163 = arith.constant 0 : i32
      %dma_wait3A_164 = tpu.memref_slice %arg3[%add3A, %dma_wait3A_163] : memref<32x64xi32, #tpu.memory_space<hbm>> -> memref<1x64xi32, #tpu.memory_space<hbm>>
      %dma_wait3A_165 = tpu.memref_squeeze %dma_wait3A_164 : memref<1x64xi32, #tpu.memory_space<hbm>> -> memref<64xi32, #tpu.memory_space<hbm>>
      tpu.wait_dma2 semaphore(%run_scoped3A : memref<!tpu.dma_semaphore, #tpu.memory_space<semaphore_mem>>) src(%dma_wait3A_165 : memref<64xi32, #tpu.memory_space<hbm>>) dst(%arg5 : memref<64xi32, #tpu.memory_space<vmem>>)
      tpu.yield
    }) : () -> ()
    %iota3A = tpu.iota {dimensions = array<i32: 0>} : vector<16xi32>
    %scan3A = arith.constant 0 : i32
    %scan3A_1 = arith.constant 0 : i32
    %mul3A_2 = arith.constant 64 : i32
    %mul3A_3 = arith.muli %scan3A_1, %mul3A_2 : i32
    %add3A_4 = arith.constant 0 : i32
    %add3A_5 = arith.addi %mul3A_3, %add3A_4 : i32
    %get3A = arith.index_cast %add3A_5 : i32 to index
    %get3A_6 = tpu.vector_load %arg5[%get3A] {strides = array<i32>} : memref<64xi32, #tpu.memory_space<vmem>>, vector<16xi32>,
    %mul3A_7 = arith.constant 12 : i32
    %mul3A_8 = vector.broadcast %mul3A_7 : i32 to vector<16xi32>
    %mul3A_9 = arith.muli %get3A_6, %mul3A_8 : vector<16xi32>
    %shift_right_logical3A = arith.constant 4 : i32
    %shift_right_logical3A_10 = vector.broadcast %shift_right_logical3A : i32 to vector<16xi32>
    %shift_right_logical3A_11 = arith.shrui %mul3A_9, %shift_right_logical3A_10 : vector<16xi32>
    %mul3A_12 = arith.constant 128 : i32
    %mul3A_13 = arith.muli %scan3A_1, %mul3A_12 : i32
    %add3A_14 = arith.constant 0 : i32
    %add3A_15 = arith.addi %mul3A_13, %add3A_14 : i32
    %swap3A = arith.index_cast %add3A_15 : i32 to index
    %swap3A_16 = tpu.vector_load %arg6[%swap3A] {strides = array<i32>} : memref<128xi32, #tpu.memory_space<vmem>>, vector<16xi32>,
    tpu.vector_store %arg6[%swap3A], %shift_right_logical3A_11 {strides = array<i32>} : memref<128xi32, #tpu.memory_space<vmem>>, vector<16xi32>,
    %add3A_17 = arith.constant 1 : i32
    %add3A_18 = vector.broadcast %add3A_17 : i32 to vector<16xi32>
    %add3A_19 = arith.addi %shift_right_logical3A_11, %add3A_18 : vector<16xi32>
    %min3A = arith.constant 74999 : i32
    %min3A_20 = vector.broadcast %min3A : i32 to vector<16xi32>
    %min3A_21 = arith.minsi %add3A_19, %min3A_20 : vector<16xi32>
    %mul3A_22 = arith.constant 128 : i32
    %mul3A_23 = arith.muli %scan3A_1, %mul3A_22 : i32
    %add3A_24 = arith.constant 0 : i32
    %add3A_25 = arith.addi %mul3A_23, %add3A_24 : i32
    %add3A_26 = arith.constant 16 : i32
    %add3A_27 = arith.addi %add3A_25, %add3A_26 : i32
    %swap3A_28 = arith.index_cast %add3A_27 : i32 to index
    %swap3A_29 = tpu.vector_load %arg6[%swap3A_28] {strides = array<i32>} : memref<128xi32, #tpu.memory_space<vmem>>, vector<16xi32>,
    tpu.vector_store %arg6[%swap3A_28], %min3A_21 {strides = array<i32>} : memref<128xi32, #tpu.memory_space<vmem>>, vector<16xi32>,
    %mul3A_30 = arith.constant 64 : i32
    %mul3A_31 = arith.muli %scan3A_1, %mul3A_30 : i32
    %add3A_32 = arith.constant 16 : i32
    %add3A_33 = arith.addi %mul3A_31, %add3A_32 : i32
    %get3A_34 = arith.index_cast %add3A_33 : i32 to index
    %get3A_35 = tpu.vector_load %arg5[%get3A_34] {strides = array<i32>} : memref<64xi32, #tpu.memory_space<vmem>>, vector<16xi32>,
    %mul3A_36 = arith.constant 12 : i32
    %mul3A_37 = vector.broadcast %mul3A_36 : i32 to vector<16xi32>
    %mul3A_38 = arith.muli %get3A_35, %mul3A_37 : vector<16xi32>
    %shift_right_logical3A_39 = arith.constant 4 : i32
    %shift_right_logical3A_40 = vector.broadcast %shift_right_logical3A_39 : i32 to vector<16xi32>
    %shift_right_logical3A_41 = arith.shrui %mul3A_38, %shift_right_logical3A_40 : vector<16xi32>
    %mul3A_42 = arith.constant 128 : i32
    %mul3A_43 = arith.muli %scan3A_1, %mul3A_42 : i32
    %add3A_44 = arith.constant 32 : i32
    %add3A_45 = arith.addi %mul3A_43, %add3A_44 : i32
    %swap3A_46 = arith.index_cast %add3A_45 : i32 to index
    %swap3A_47 = tpu.vector_load %arg6[%swap3A_46] {strides = array<i32>} : memref<128xi32, #tpu.memory_space<vmem>>, vector<16xi32>,
    tpu.vector_store %arg6[%swap3A_46], %shift_right_logical3A_41 {strides = array<i32>} : memref<128xi32, #tpu.memory_space<vmem>>, vector<16xi32>,
    %add3A_48 = arith.constant 1 : i32
    %add3A_49 = vector.broadcast %add3A_48 : i32 to vector<16xi32>
    %add3A_50 = arith.addi %shift_right_logical3A_41, %add3A_49 : vector<16xi32>
    %min3A_51 = arith.constant 74999 : i32
    %min3A_52 = vector.broadcast %min3A_51 : i32 to vector<16xi32>
    %min3A_53 = arith.minsi %add3A_50, %min3A_52 : vector<16xi32>
    %mul3A_54 = arith.constant 128 : i32
    %mul3A_55 = arith.muli %scan3A_1, %mul3A_54 : i32
    %add3A_56 = arith.constant 32 : i32
    %add3A_57 = arith.addi %mul3A_55, %add3A_56 : i32
    %add3A_58 = arith.constant 16 : i32
    %add3A_59 = arith.addi %add3A_57, %add3A_58 : i32
    %swap3A_60 = arith.index_cast %add3A_59 : i32 to index
    %swap3A_61 = tpu.vector_load %arg6[%swap3A_60] {strides = array<i32>} : memref<128xi32, #tpu.memory_space<vmem>>, vector<16xi32>,
    tpu.vector_store %arg6[%swap3A_60], %min3A_53 {strides = array<i32>} : memref<128xi32, #tpu.memory_space<vmem>>, vector<16xi32>,
    %mul3A_62 = arith.constant 64 : i32
    %mul3A_63 = arith.muli %scan3A_1, %mul3A_62 : i32
    %add3A_64 = arith.constant 32 : i32
    %add3A_65 = arith.addi %mul3A_63, %add3A_64 : i32
    %get3A_66 = arith.index_cast %add3A_65 : i32 to index
    %get3A_67 = tpu.vector_load %arg5[%get3A_66] {strides = array<i32>} : memref<64xi32, #tpu.memory_space<vmem>>, vector<16xi32>,
    %mul3A_68 = arith.constant 12 : i32
    %mul3A_69 = vector.broadcast %mul3A_68 : i32 to vector<16xi32>
    %mul3A_70 = arith.muli %get3A_67, %mul3A_69 : vector<16xi32>
    %shift_right_logical3A_71 = arith.constant 4 : i32
    %shift_right_logical3A_72 = vector.broadcast %shift_right_logical3A_71 : i32 to vector<16xi32>
    %shift_right_logical3A_73 = arith.shrui %mul3A_70, %shift_right_logical3A_72 : vector<16xi32>
    %mul3A_74 = arith.constant 128 : i32
    %mul3A_75 = arith.muli %scan3A_1, %mul3A_74 : i32
    %add3A_76 = arith.constant 64 : i32
    %add3A_77 = arith.addi %mul3A_75, %add3A_76 : i32
    %swap3A_78 = arith.index_cast %add3A_77 : i32 to index
    %swap3A_79 = tpu.vector_load %arg6[%swap3A_78] {strides = array<i32>} : memref<128xi32, #tpu.memory_space<vmem>>, vector<16xi32>,
    tpu.vector_store %arg6[%swap3A_78], %shift_right_logical3A_73 {strides = array<i32>} : memref<128xi32, #tpu.memory_space<vmem>>, vector<16xi32>,
    %add3A_80 = arith.constant 1 : i32
    %add3A_81 = vector.broadcast %add3A_80 : i32 to vector<16xi32>
    %add3A_82 = arith.addi %shift_right_logical3A_73, %add3A_81 : vector<16xi32>
    %min3A_83 = arith.constant 74999 : i32
    %min3A_84 = vector.broadcast %min3A_83 : i32 to vector<16xi32>
    %min3A_85 = arith.minsi %add3A_82, %min3A_84 : vector<16xi32>
    %mul3A_86 = arith.constant 128 : i32
    %mul3A_87 = arith.muli %scan3A_1, %mul3A_86 : i32
    %add3A_88 = arith.constant 64 : i32
    %add3A_89 = arith.addi %mul3A_87, %add3A_88 : i32
    %add3A_90 = arith.constant 16 : i32
    %add3A_91 = arith.addi %add3A_89, %add3A_90 : i32
    %swap3A_92 = arith.index_cast %add3A_91 : i32 to index
    %swap3A_93 = tpu.vector_load %arg6[%swap3A_92] {strides = array<i32>} : memref<128xi32, #tpu.memory_space<vmem>>, vector<16xi32>,
    tpu.vector_store %arg6[%swap3A_92], %min3A_85 {strides = array<i32>} : memref<128xi32, #tpu.memory_space<vmem>>, vector<16xi32>,
    %mul3A_94 = arith.constant 64 : i32
    %mul3A_95 = arith.muli %scan3A_1, %mul3A_94 : i32
    %add3A_96 = arith.constant 48 : i32
    %add3A_97 = arith.addi %mul3A_95, %add3A_96 : i32
    %get3A_98 = arith.index_cast %add3A_97 : i32 to index
    %get3A_99 = tpu.vector_load %arg5[%get3A_98] {strides = array<i32>} : memref<64xi32, #tpu.memory_space<vmem>>, vector<16xi32>,
    %mul3A_100 = arith.constant 12 : i32
    %mul3A_101 = vector.broadcast %mul3A_100 : i32 to vector<16xi32>
    %mul3A_102 = arith.muli %get3A_99, %mul3A_101 : vector<16xi32>
    %shift_right_logical3A_103 = arith.constant 4 : i32
    %shift_right_logical3A_104 = vector.broadcast %shift_right_logical3A_103 : i32 to vector<16xi32>
    %shift_right_logical3A_105 = arith.shrui %mul3A_102, %shift_right_logical3A_104 : vector<16xi32>
    %mul3A_106 = arith.constant 128 : i32
    %mul3A_107 = arith.muli %scan3A_1, %mul3A_106 : i32
    %add3A_108 = arith.constant 96 : i32
    %add3A_109 = arith.addi %mul3A_107, %add3A_108 : i32
    %swap3A_110 = arith.index_cast %add3A_109 : i32 to index
    %swap3A_111 = tpu.vector_load %arg6[%swap3A_110] {strides = array<i32>} : memref<128xi32, #tpu.memory_space<vmem>>, vector<16xi32>,
    tpu.vector_store %arg6[%swap3A_110], %shift_right_logical3A_105 {strides = array<i32>} : memref<128xi32, #tpu.memory_space<vmem>>, vector<16xi32>,
    %add3A_112 = arith.constant 1 : i32
    %add3A_113 = vector.broadcast %add3A_112 : i32 to vector<16xi32>
    %add3A_114 = arith.addi %shift_right_logical3A_105, %add3A_113 : vector<16xi32>
    %min3A_115 = arith.constant 74999 : i32
    %min3A_116 = vector.broadcast %min3A_115 : i32 to vector<16xi32>
    %min3A_117 = arith.minsi %add3A_114, %min3A_116 : vector<16xi32>
    %mul3A_118 = arith.constant 128 : i32
    %mul3A_119 = arith.muli %scan3A_1, %mul3A_118 : i32
    %add3A_120 = arith.constant 96 : i32
    %add3A_121 = arith.addi %mul3A_119, %add3A_120 : i32
    %add3A_122 = arith.constant 16 : i32
    %add3A_123 = arith.addi %add3A_121, %add3A_122 : i32
    %swap3A_124 = arith.index_cast %add3A_123 : i32 to index
    %swap3A_125 = tpu.vector_load %arg6[%swap3A_124] {strides = array<i32>} : memref<128xi32, #tpu.memory_space<vmem>>, vector<16xi32>,
    tpu.vector_store %arg6[%swap3A_124], %min3A_117 {strides = array<i32>} : memref<128xi32, #tpu.memory_space<vmem>>, vector<16xi32>,
    %mul3A_126 = arith.constant 128 : i32
    %mul3A_127 = arith.muli %scan3A_1, %mul3A_126 : i32
    %mul3A_128 = arith.constant 128 : i32
    %mul3A_129 = arith.muli %scan3A_1, %mul3A_128 : i32
    %dma_start3A = arith.constant 0 : i32
    %dma_start3A_130 = tpu.memref_slice %arg7[%mul3A_129, %dma_start3A] : memref<128x16xi32, #tpu.memory_space<vmem>> -> memref<128x16xi32, #tpu.memory_space<vmem>>
    %dma_start3A_131 = tpu.memref_slice %arg6[%mul3A_127] : memref<128xi32, #tpu.memory_space<vmem>> -> memref<128xi32, #tpu.memory_space<vmem>>
    %dma_start3A_132 = arith.constant 0 : i32
    %dma_start3A_133 = arith.constant 0 : i32
    %dma_start3A_134 = tpu.memref_slice %arg2[%dma_start3A_132, %dma_start3A_133] : memref<75000x16xi32, #tpu.memory_space<hbm>> -> memref<75000x16xi32, #tpu.memory_space<hbm>>
    tpu.enqueue_indirect_dma source(%dma_start3A_134 : memref<75000x16xi32, #tpu.memory_space<hbm>>) target(%dma_start3A_130 : memref<128x16xi32, #tpu.memory_space<vmem>>) offsets(%dma_start3A_131 : memref<128xi32, #tpu.memory_space<vmem>>) semaphore(%arg9 : memref<!tpu.dma_semaphore, #tpu.memory_space<semaphore_mem>>)
    %scan3A_135 = arith.constant 1 : i32
    %scan3A_136 = arith.constant 0 : i32
    %scan3A_137 = arith.constant 0 : i32
    %dma_wait3A = arith.constant 0 : i32
    %dma_wait3A_138 = arith.constant 0 : i32
    %dma_wait3A_139 = tpu.memref_slice %arg7[%dma_wait3A, %dma_wait3A_138] : memref<128x16xi32, #tpu.memory_space<vmem>> -> memref<128x16xi32, #tpu.memory_space<vmem>>
    %dma_wait3A_140 = arith.constant 0 : i32
    %dma_wait3A_141 = tpu.memref_slice %arg6[%dma_wait3A_140] : memref<128xi32, #tpu.memory_space<vmem>> -> memref<128xi32, #tpu.memory_space<vmem>>
    %dma_wait3A_142 = arith.constant 0 : i32
    %dma_wait3A_143 = arith.constant 0 : i32
    %dma_wait3A_144 = tpu.memref_slice %arg2[%dma_wait3A_142, %dma_wait3A_143] : memref<75000x16xi32, #tpu.memory_space<hbm>> -> memref<75000x16xi32, #tpu.memory_space<hbm>>
    tpu.wait_indirect_dma semaphore(%arg9 : memref<!tpu.dma_semaphore, #tpu.memory_space<semaphore_mem>>) src(%dma_wait3A_144 : memref<75000x16xi32, #tpu.memory_space<hbm>>) dst(%dma_wait3A_139 : memref<128x16xi32, #tpu.memory_space<vmem>>)
    %scan3A_145 = arith.constant 1 : i32
    %scan3A_146 = arith.constant 0 : i32
    %scan3A_147 = arith.constant 0 : i32
    %scan3A_148 = arith.constant 4 : i32
    %scan3A_149 = arith.addi %scan3A_147, %scan3A_148 : i32
    %scan3A_150 = arith.constant 1 : i32
    scf.for %scan3A_154 = %scan3A_147 to %scan3A_149 step %scan3A_150  : i32 {
      %mul3A_155 = arith.constant 16 : i32
      %mul3A_156 = arith.muli %scan3A_154, %mul3A_155 : i32
      %get3A_157 = arith.index_cast %mul3A_156 : i32 to index
      %get3A_158 = tpu.vector_load %arg5[%get3A_157] {strides = array<i32>} : memref<64xi32, #tpu.memory_space<vmem>>, vector<16xi32>,
      %mul3A_159 = arith.constant 12 : i32
      %mul3A_160 = vector.broadcast %mul3A_159 : i32 to vector<16xi32>
      %mul3A_161 = arith.muli %get3A_158, %mul3A_160 : vector<16xi32>
      %and3A = arith.constant 15 : i32
      %and3A_162 = vector.broadcast %and3A : i32 to vector<16xi32>
      %and3A_163 = arith.andi %mul3A_161, %and3A_162 : vector<16xi32>
      %mul3A_164 = arith.constant 16 : i32
      %mul3A_165 = arith.muli %mul3A_164, %scan3A_154 : i32
      %add3A_166 = vector.broadcast %mul3A_165 : i32 to vector<16xi32>
      %add3A_167 = arith.addi %add3A_166, %iota3A : vector<16xi32>
      %add3A_168 = arith.constant 0 : i32
      %add3A_169 = vector.broadcast %add3A_168 : i32 to vector<16xi32>
      %add3A_170 = arith.addi %and3A_163, %add3A_169 : vector<16xi32>
      %mul3A_171 = arith.constant 32 : i32
      %mul3A_172 = arith.muli %mul3A_171, %scan3A_154 : i32
      %add3A_173 = vector.broadcast %mul3A_172 : i32 to vector<16xi32>
      %add3A_174 = arith.addi %add3A_173, %iota3A : vector<16xi32>
      %shift_right_logical3A_175 = arith.constant 4 : i32
      %shift_right_logical3A_176 = vector.broadcast %shift_right_logical3A_175 : i32 to vector<16xi32>
      %shift_right_logical3A_177 = arith.shrui %add3A_170, %shift_right_logical3A_176 : vector<16xi32>
      %mul3A_178 = arith.constant 16 : i32
      %mul3A_179 = vector.broadcast %mul3A_178 : i32 to vector<16xi32>
      %mul3A_180 = arith.muli %mul3A_179, %shift_right_logical3A_177 : vector<16xi32>
      %add3A_181 = arith.addi %add3A_174, %mul3A_180 : vector<16xi32>
      %and3A_182 = arith.constant 15 : i32
      %and3A_183 = vector.broadcast %and3A_182 : i32 to vector<16xi32>
      %and3A_184 = arith.andi %add3A_170, %and3A_183 : vector<16xi32>
      %gather3A = tpu.vector_load_idx %arg7[%add3A_181, %and3A_184] : memref<128x16xi32, #tpu.memory_space<vmem>>[vector<16xi32>, vector<16xi32>], vector<16xi32>,
      %broadcast_in_dim3A = arith.constant 0 : i32
      %broadcast_in_dim3A_185 = vector.broadcast %broadcast_in_dim3A : i32 to vector<16xi32>
      tpu.vector_store_idx %arg8[%add3A_167, %broadcast_in_dim3A_185], %gather3A : memref<64x16xi32, #tpu.memory_space<vmem>>[vector<16xi32>, vector<16xi32>], vector<16xi32>,
      %add3A_186 = arith.constant 1 : i32
      %add3A_187 = vector.broadcast %add3A_186 : i32 to vector<16xi32>
      %add3A_188 = arith.addi %and3A_163, %add3A_187 : vector<16xi32>
      %mul3A_189 = arith.constant 32 : i32
      %mul3A_190 = arith.muli %mul3A_189, %scan3A_154 : i32
      %add3A_191 = vector.broadcast %mul3A_190 : i32 to vector<16xi32>
      %add3A_192 = arith.addi %add3A_191, %iota3A : vector<16xi32>
      %shift_right_logical3A_193 = arith.constant 4 : i32
      %shift_right_logical3A_194 = vector.broadcast %shift_right_logical3A_193 : i32 to vector<16xi32>
      %shift_right_logical3A_195 = arith.shrui %add3A_188, %shift_right_logical3A_194 : vector<16xi32>
      %mul3A_196 = arith.constant 16 : i32
      %mul3A_197 = vector.broadcast %mul3A_196 : i32 to vector<16xi32>
      %mul3A_198 = arith.muli %mul3A_197, %shift_right_logical3A_195 : vector<16xi32>
      %add3A_199 = arith.addi %add3A_192, %mul3A_198 : vector<16xi32>
      %and3A_200 = arith.constant 15 : i32
      %and3A_201 = vector.broadcast %and3A_200 : i32 to vector<16xi32>
      %and3A_202 = arith.andi %add3A_188, %and3A_201 : vector<16xi32>
      %gather3A_203 = tpu.vector_load_idx %arg7[%add3A_199, %and3A_202] : memref<128x16xi32, #tpu.memory_space<vmem>>[vector<16xi32>, vector<16xi32>], vector<16xi32>,
      %broadcast_in_dim3A_204 = arith.constant 1 : i32
      %broadcast_in_dim3A_205 = vector.broadcast %broadcast_in_dim3A_204 : i32 to vector<16xi32>
      tpu.vector_store_idx %arg8[%add3A_167, %broadcast_in_dim3A_205], %gather3A_203 : memref<64x16xi32, #tpu.memory_space<vmem>>[vector<16xi32>, vector<16xi32>], vector<16xi32>,
      %add3A_206 = arith.constant 2 : i32
      %add3A_207 = vector.broadcast %add3A_206 : i32 to vector<16xi32>
      %add3A_208 = arith.addi %and3A_163, %add3A_207 : vector<16xi32>
      %mul3A_209 = arith.constant 32 : i32
      %mul3A_210 = arith.muli %mul3A_209, %scan3A_154 : i32
      %add3A_211 = vector.broadcast %mul3A_210 : i32 to vector<16xi32>
      %add3A_212 = arith.addi %add3A_211, %iota3A : vector<16xi32>
      %shift_right_logical3A_213 = arith.constant 4 : i32
      %shift_right_logical3A_214 = vector.broadcast %shift_right_logical3A_213 : i32 to vector<16xi32>
      %shift_right_logical3A_215 = arith.shrui %add3A_208, %shift_right_logical3A_214 : vector<16xi32>
      %mul3A_216 = arith.constant 16 : i32
      %mul3A_217 = vector.broadcast %mul3A_216 : i32 to vector<16xi32>
      %mul3A_218 = arith.muli %mul3A_217, %shift_right_logical3A_215 : vector<16xi32>
      %add3A_219 = arith.addi %add3A_212, %mul3A_218 : vector<16xi32>
      %and3A_220 = arith.constant 15 : i32
      %and3A_221 = vector.broadcast %and3A_220 : i32 to vector<16xi32>
      %and3A_222 = arith.andi %add3A_208, %and3A_221 : vector<16xi32>
      %gather3A_223 = tpu.vector_load_idx %arg7[%add3A_219, %and3A_222] : memref<128x16xi32, #tpu.memory_space<vmem>>[vector<16xi32>, vector<16xi32>], vector<16xi32>,
      %broadcast_in_dim3A_224 = arith.constant 2 : i32
      %broadcast_in_dim3A_225 = vector.broadcast %broadcast_in_dim3A_224 : i32 to vector<16xi32>
      tpu.vector_store_idx %arg8[%add3A_167, %broadcast_in_dim3A_225], %gather3A_223 : memref<64x16xi32, #tpu.memory_space<vmem>>[vector<16xi32>, vector<16xi32>], vector<16xi32>,
      %add3A_226 = arith.constant 3 : i32
      %add3A_227 = vector.broadcast %add3A_226 : i32 to vector<16xi32>
      %add3A_228 = arith.addi %and3A_163, %add3A_227 : vector<16xi32>
      %mul3A_229 = arith.constant 32 : i32
      %mul3A_230 = arith.muli %mul3A_229, %scan3A_154 : i32
      %add3A_231 = vector.broadcast %mul3A_230 : i32 to vector<16xi32>
      %add3A_232 = arith.addi %add3A_231, %iota3A : vector<16xi32>
      %shift_right_logical3A_233 = arith.constant 4 : i32
      %shift_right_logical3A_234 = vector.broadcast %shift_right_logical3A_233 : i32 to vector<16xi32>
      %shift_right_logical3A_235 = arith.shrui %add3A_228, %shift_right_logical3A_234 : vector<16xi32>
      %mul3A_236 = arith.constant 16 : i32
      %mul3A_237 = vector.broadcast %mul3A_236 : i32 to vector<16xi32>
      %mul3A_238 = arith.muli %mul3A_237, %shift_right_logical3A_235 : vector<16xi32>
      %add3A_239 = arith.addi %add3A_232, %mul3A_238 : vector<16xi32>
      %and3A_240 = arith.constant 15 : i32
      %and3A_241 = vector.broadcast %and3A_240 : i32 to vector<16xi32>
      %and3A_242 = arith.andi %add3A_228, %and3A_241 : vector<16xi32>
      %gather3A_243 = tpu.vector_load_idx %arg7[%add3A_239, %and3A_242] : memref<128x16xi32, #tpu.memory_space<vmem>>[vector<16xi32>, vector<16xi32>], vector<16xi32>,
      %broadcast_in_dim3A_244 = arith.constant 3 : i32
      %broadcast_in_dim3A_245 = vector.broadcast %broadcast_in_dim3A_244 : i32 to vector<16xi32>
      tpu.vector_store_idx %arg8[%add3A_167, %broadcast_in_dim3A_245], %gather3A_243 : memref<64x16xi32, #tpu.memory_space<vmem>>[vector<16xi32>, vector<16xi32>], vector<16xi32>,
      %add3A_246 = arith.constant 4 : i32
      %add3A_247 = vector.broadcast %add3A_246 : i32 to vector<16xi32>
      %add3A_248 = arith.addi %and3A_163, %add3A_247 : vector<16xi32>
      %mul3A_249 = arith.constant 32 : i32
      %mul3A_250 = arith.muli %mul3A_249, %scan3A_154 : i32
      %add3A_251 = vector.broadcast %mul3A_250 : i32 to vector<16xi32>
      %add3A_252 = arith.addi %add3A_251, %iota3A : vector<16xi32>
      %shift_right_logical3A_253 = arith.constant 4 : i32
      %shift_right_logical3A_254 = vector.broadcast %shift_right_logical3A_253 : i32 to vector<16xi32>
      %shift_right_logical3A_255 = arith.shrui %add3A_248, %shift_right_logical3A_254 : vector<16xi32>
      %mul3A_256 = arith.constant 16 : i32
      %mul3A_257 = vector.broadcast %mul3A_256 : i32 to vector<16xi32>
      %mul3A_258 = arith.muli %mul3A_257, %shift_right_logical3A_255 : vector<16xi32>
      %add3A_259 = arith.addi %add3A_252, %mul3A_258 : vector<16xi32>
      %and3A_260 = arith.constant 15 : i32
      %and3A_261 = vector.broadcast %and3A_260 : i32 to vector<16xi32>
      %and3A_262 = arith.andi %add3A_248, %and3A_261 : vector<16xi32>
      %gather3A_263 = tpu.vector_load_idx %arg7[%add3A_259, %and3A_262] : memref<128x16xi32, #tpu.memory_space<vmem>>[vector<16xi32>, vector<16xi32>], vector<16xi32>,
      %broadcast_in_dim3A_264 = arith.constant 4 : i32
      %broadcast_in_dim3A_265 = vector.broadcast %broadcast_in_dim3A_264 : i32 to vector<16xi32>
      tpu.vector_store_idx %arg8[%add3A_167, %broadcast_in_dim3A_265], %gather3A_263 : memref<64x16xi32, #tpu.memory_space<vmem>>[vector<16xi32>, vector<16xi32>], vector<16xi32>,
      %add3A_266 = arith.constant 5 : i32
      %add3A_267 = vector.broadcast %add3A_266 : i32 to vector<16xi32>
      %add3A_268 = arith.addi %and3A_163, %add3A_267 : vector<16xi32>
      %mul3A_269 = arith.constant 32 : i32
      %mul3A_270 = arith.muli %mul3A_269, %scan3A_154 : i32
      %add3A_271 = vector.broadcast %mul3A_270 : i32 to vector<16xi32>
      %add3A_272 = arith.addi %add3A_271, %iota3A : vector<16xi32>
      %shift_right_logical3A_273 = arith.constant 4 : i32
      %shift_right_logical3A_274 = vector.broadcast %shift_right_logical3A_273 : i32 to vector<16xi32>
      %shift_right_logical3A_275 = arith.shrui %add3A_268, %shift_right_logical3A_274 : vector<16xi32>
      %mul3A_276 = arith.constant 16 : i32
      %mul3A_277 = vector.broadcast %mul3A_276 : i32 to vector<16xi32>
      %mul3A_278 = arith.muli %mul3A_277, %shift_right_logical3A_275 : vector<16xi32>
      %add3A_279 = arith.addi %add3A_272, %mul3A_278 : vector<16xi32>
      %and3A_280 = arith.constant 15 : i32
      %and3A_281 = vector.broadcast %and3A_280 : i32 to vector<16xi32>
      %and3A_282 = arith.andi %add3A_268, %and3A_281 : vector<16xi32>
      %gather3A_283 = tpu.vector_load_idx %arg7[%add3A_279, %and3A_282] : memref<128x16xi32, #tpu.memory_space<vmem>>[vector<16xi32>, vector<16xi32>], vector<16xi32>,
      %broadcast_in_dim3A_284 = arith.constant 5 : i32
      %broadcast_in_dim3A_285 = vector.broadcast %broadcast_in_dim3A_284 : i32 to vector<16xi32>
      tpu.vector_store_idx %arg8[%add3A_167, %broadcast_in_dim3A_285], %gather3A_283 : memref<64x16xi32, #tpu.memory_space<vmem>>[vector<16xi32>, vector<16xi32>], vector<16xi32>,
      %add3A_286 = arith.constant 6 : i32
      %add3A_287 = vector.broadcast %add3A_286 : i32 to vector<16xi32>
      %add3A_288 = arith.addi %and3A_163, %add3A_287 : vector<16xi32>
      %mul3A_289 = arith.constant 32 : i32
      %mul3A_290 = arith.muli %mul3A_289, %scan3A_154 : i32
      %add3A_291 = vector.broadcast %mul3A_290 : i32 to vector<16xi32>
      %add3A_292 = arith.addi %add3A_291, %iota3A : vector<16xi32>
      %shift_right_logical3A_293 = arith.constant 4 : i32
      %shift_right_logical3A_294 = vector.broadcast %shift_right_logical3A_293 : i32 to vector<16xi32>
      %shift_right_logical3A_295 = arith.shrui %add3A_288, %shift_right_logical3A_294 : vector<16xi32>
      %mul3A_296 = arith.constant 16 : i32
      %mul3A_297 = vector.broadcast %mul3A_296 : i32 to vector<16xi32>
      %mul3A_298 = arith.muli %mul3A_297, %shift_right_logical3A_295 : vector<16xi32>
      %add3A_299 = arith.addi %add3A_292, %mul3A_298 : vector<16xi32>
      %and3A_300 = arith.constant 15 : i32
      %and3A_301 = vector.broadcast %and3A_300 : i32 to vector<16xi32>
      %and3A_302 = arith.andi %add3A_288, %and3A_301 : vector<16xi32>
      %gather3A_303 = tpu.vector_load_idx %arg7[%add3A_299, %and3A_302] : memref<128x16xi32, #tpu.memory_space<vmem>>[vector<16xi32>, vector<16xi32>], vector<16xi32>,
      %broadcast_in_dim3A_304 = arith.constant 6 : i32
      %broadcast_in_dim3A_305 = vector.broadcast %broadcast_in_dim3A_304 : i32 to vector<16xi32>
      tpu.vector_store_idx %arg8[%add3A_167, %broadcast_in_dim3A_305], %gather3A_303 : memref<64x16xi32, #tpu.memory_space<vmem>>[vector<16xi32>, vector<16xi32>], vector<16xi32>,
      %add3A_306 = arith.constant 7 : i32
      %add3A_307 = vector.broadcast %add3A_306 : i32 to vector<16xi32>
      %add3A_308 = arith.addi %and3A_163, %add3A_307 : vector<16xi32>
      %mul3A_309 = arith.constant 32 : i32
      %mul3A_310 = arith.muli %mul3A_309, %scan3A_154 : i32
      %add3A_311 = vector.broadcast %mul3A_310 : i32 to vector<16xi32>
      %add3A_312 = arith.addi %add3A_311, %iota3A : vector<16xi32>
      %shift_right_logical3A_313 = arith.constant 4 : i32
      %shift_right_logical3A_314 = vector.broadcast %shift_right_logical3A_313 : i32 to vector<16xi32>
      %shift_right_logical3A_315 = arith.shrui %add3A_308, %shift_right_logical3A_314 : vector<16xi32>
      %mul3A_316 = arith.constant 16 : i32
      %mul3A_317 = vector.broadcast %mul3A_316 : i32 to vector<16xi32>
      %mul3A_318 = arith.muli %mul3A_317, %shift_right_logical3A_315 : vector<16xi32>
      %add3A_319 = arith.addi %add3A_312, %mul3A_318 : vector<16xi32>
      %and3A_320 = arith.constant 15 : i32
      %and3A_321 = vector.broadcast %and3A_320 : i32 to vector<16xi32>
      %and3A_322 = arith.andi %add3A_308, %and3A_321 : vector<16xi32>
      %gather3A_323 = tpu.vector_load_idx %arg7[%add3A_319, %and3A_322] : memref<128x16xi32, #tpu.memory_space<vmem>>[vector<16xi32>, vector<16xi32>], vector<16xi32>,
      %broadcast_in_dim3A_324 = arith.constant 7 : i32
      %broadcast_in_dim3A_325 = vector.broadcast %broadcast_in_dim3A_324 : i32 to vector<16xi32>
      tpu.vector_store_idx %arg8[%add3A_167, %broadcast_in_dim3A_325], %gather3A_323 : memref<64x16xi32, #tpu.memory_space<vmem>>[vector<16xi32>, vector<16xi32>], vector<16xi32>,
      %add3A_326 = arith.constant 8 : i32
      %add3A_327 = vector.broadcast %add3A_326 : i32 to vector<16xi32>
      %add3A_328 = arith.addi %and3A_163, %add3A_327 : vector<16xi32>
      %mul3A_329 = arith.constant 32 : i32
      %mul3A_330 = arith.muli %mul3A_329, %scan3A_154 : i32
      %add3A_331 = vector.broadcast %mul3A_330 : i32 to vector<16xi32>
      %add3A_332 = arith.addi %add3A_331, %iota3A : vector<16xi32>
      %shift_right_logical3A_333 = arith.constant 4 : i32
      %shift_right_logical3A_334 = vector.broadcast %shift_right_logical3A_333 : i32 to vector<16xi32>
      %shift_right_logical3A_335 = arith.shrui %add3A_328, %shift_right_logical3A_334 : vector<16xi32>
      %mul3A_336 = arith.constant 16 : i32
      %mul3A_337 = vector.broadcast %mul3A_336 : i32 to vector<16xi32>
      %mul3A_338 = arith.muli %mul3A_337, %shift_right_logical3A_335 : vector<16xi32>
      %add3A_339 = arith.addi %add3A_332, %mul3A_338 : vector<16xi32>
      %and3A_340 = arith.constant 15 : i32
      %and3A_341 = vector.broadcast %and3A_340 : i32 to vector<16xi32>
      %and3A_342 = arith.andi %add3A_328, %and3A_341 : vector<16xi32>
      %gather3A_343 = tpu.vector_load_idx %arg7[%add3A_339, %and3A_342] : memref<128x16xi32, #tpu.memory_space<vmem>>[vector<16xi32>, vector<16xi32>], vector<16xi32>,
      %broadcast_in_dim3A_344 = arith.constant 8 : i32
      %broadcast_in_dim3A_345 = vector.broadcast %broadcast_in_dim3A_344 : i32 to vector<16xi32>
      tpu.vector_store_idx %arg8[%add3A_167, %broadcast_in_dim3A_345], %gather3A_343 : memref<64x16xi32, #tpu.memory_space<vmem>>[vector<16xi32>, vector<16xi32>], vector<16xi32>,
      %add3A_346 = arith.constant 9 : i32
      %add3A_347 = vector.broadcast %add3A_346 : i32 to vector<16xi32>
      %add3A_348 = arith.addi %and3A_163, %add3A_347 : vector<16xi32>
      %mul3A_349 = arith.constant 32 : i32
      %mul3A_350 = arith.muli %mul3A_349, %scan3A_154 : i32
      %add3A_351 = vector.broadcast %mul3A_350 : i32 to vector<16xi32>
      %add3A_352 = arith.addi %add3A_351, %iota3A : vector<16xi32>
      %shift_right_logical3A_353 = arith.constant 4 : i32
      %shift_right_logical3A_354 = vector.broadcast %shift_right_logical3A_353 : i32 to vector<16xi32>
      %shift_right_logical3A_355 = arith.shrui %add3A_348, %shift_right_logical3A_354 : vector<16xi32>
      %mul3A_356 = arith.constant 16 : i32
      %mul3A_357 = vector.broadcast %mul3A_356 : i32 to vector<16xi32>
      %mul3A_358 = arith.muli %mul3A_357, %shift_right_logical3A_355 : vector<16xi32>
      %add3A_359 = arith.addi %add3A_352, %mul3A_358 : vector<16xi32>
      %and3A_360 = arith.constant 15 : i32
      %and3A_361 = vector.broadcast %and3A_360 : i32 to vector<16xi32>
      %and3A_362 = arith.andi %add3A_348, %and3A_361 : vector<16xi32>
      %gather3A_363 = tpu.vector_load_idx %arg7[%add3A_359, %and3A_362] : memref<128x16xi32, #tpu.memory_space<vmem>>[vector<16xi32>, vector<16xi32>], vector<16xi32>,
      %broadcast_in_dim3A_364 = arith.constant 9 : i32
      %broadcast_in_dim3A_365 = vector.broadcast %broadcast_in_dim3A_364 : i32 to vector<16xi32>
      tpu.vector_store_idx %arg8[%add3A_167, %broadcast_in_dim3A_365], %gather3A_363 : memref<64x16xi32, #tpu.memory_space<vmem>>[vector<16xi32>, vector<16xi32>], vector<16xi32>,
      %add3A_366 = arith.constant 10 : i32
      %add3A_367 = vector.broadcast %add3A_366 : i32 to vector<16xi32>
      %add3A_368 = arith.addi %and3A_163, %add3A_367 : vector<16xi32>
      %mul3A_369 = arith.constant 32 : i32
      %mul3A_370 = arith.muli %mul3A_369, %scan3A_154 : i32
      %add3A_371 = vector.broadcast %mul3A_370 : i32 to vector<16xi32>
      %add3A_372 = arith.addi %add3A_371, %iota3A : vector<16xi32>
      %shift_right_logical3A_373 = arith.constant 4 : i32
      %shift_right_logical3A_374 = vector.broadcast %shift_right_logical3A_373 : i32 to vector<16xi32>
      %shift_right_logical3A_375 = arith.shrui %add3A_368, %shift_right_logical3A_374 : vector<16xi32>
      %mul3A_376 = arith.constant 16 : i32
      %mul3A_377 = vector.broadcast %mul3A_376 : i32 to vector<16xi32>
      %mul3A_378 = arith.muli %mul3A_377, %shift_right_logical3A_375 : vector<16xi32>
      %add3A_379 = arith.addi %add3A_372, %mul3A_378 : vector<16xi32>
      %and3A_380 = arith.constant 15 : i32
      %and3A_381 = vector.broadcast %and3A_380 : i32 to vector<16xi32>
      %and3A_382 = arith.andi %add3A_368, %and3A_381 : vector<16xi32>
      %gather3A_383 = tpu.vector_load_idx %arg7[%add3A_379, %and3A_382] : memref<128x16xi32, #tpu.memory_space<vmem>>[vector<16xi32>, vector<16xi32>], vector<16xi32>,
      %broadcast_in_dim3A_384 = arith.constant 10 : i32
      %broadcast_in_dim3A_385 = vector.broadcast %broadcast_in_dim3A_384 : i32 to vector<16xi32>
      tpu.vector_store_idx %arg8[%add3A_167, %broadcast_in_dim3A_385], %gather3A_383 : memref<64x16xi32, #tpu.memory_space<vmem>>[vector<16xi32>, vector<16xi32>], vector<16xi32>,
      %add3A_386 = arith.constant 11 : i32
      %add3A_387 = vector.broadcast %add3A_386 : i32 to vector<16xi32>
      %add3A_388 = arith.addi %and3A_163, %add3A_387 : vector<16xi32>
      %mul3A_389 = arith.constant 32 : i32
      %mul3A_390 = arith.muli %mul3A_389, %scan3A_154 : i32
      %add3A_391 = vector.broadcast %mul3A_390 : i32 to vector<16xi32>
      %add3A_392 = arith.addi %add3A_391, %iota3A : vector<16xi32>
      %shift_right_logical3A_393 = arith.constant 4 : i32
      %shift_right_logical3A_394 = vector.broadcast %shift_right_logical3A_393 : i32 to vector<16xi32>
      %shift_right_logical3A_395 = arith.shrui %add3A_388, %shift_right_logical3A_394 : vector<16xi32>
      %mul3A_396 = arith.constant 16 : i32
      %mul3A_397 = vector.broadcast %mul3A_396 : i32 to vector<16xi32>
      %mul3A_398 = arith.muli %mul3A_397, %shift_right_logical3A_395 : vector<16xi32>
      %add3A_399 = arith.addi %add3A_392, %mul3A_398 : vector<16xi32>
      %and3A_400 = arith.constant 15 : i32
      %and3A_401 = vector.broadcast %and3A_400 : i32 to vector<16xi32>
      %and3A_402 = arith.andi %add3A_388, %and3A_401 : vector<16xi32>
      %gather3A_403 = tpu.vector_load_idx %arg7[%add3A_399, %and3A_402] : memref<128x16xi32, #tpu.memory_space<vmem>>[vector<16xi32>, vector<16xi32>], vector<16xi32>,
      %broadcast_in_dim3A_404 = arith.constant 11 : i32
      %broadcast_in_dim3A_405 = vector.broadcast %broadcast_in_dim3A_404 : i32 to vector<16xi32>
      tpu.vector_store_idx %arg8[%add3A_167, %broadcast_in_dim3A_405], %gather3A_403 : memref<64x16xi32, #tpu.memory_space<vmem>>[vector<16xi32>, vector<16xi32>], vector<16xi32>,
    }
    %scan3A_151 = arith.constant 4 : i32
    %mul3A_152 = arith.constant 64 : i32
    %mul3A_153 = arith.muli %add3A, %mul3A_152 : i32
    "tpu.region"() ({
      %run_scoped3A = tpu.sem_alloc : memref<!tpu.dma_semaphore, #tpu.memory_space<semaphore_mem>>
      %dma_start3A_154 = arith.constant 0 : i32
      %dma_start3A_155 = tpu.memref_slice %arg4[%mul3A_153, %dma_start3A_154] : memref<2048x16xi32, #tpu.memory_space<hbm>> -> memref<64x16xi32, #tpu.memory_space<hbm>>
      %dma_start3A_156 = arith.constant 0 : i32
      %dma_start3A_157 = tpu.memref_slice %arg4[%mul3A_153, %dma_start3A_156] : memref<2048x16xi32, #tpu.memory_space<hbm>> -> memref<64x16xi32, #tpu.memory_space<hbm>>
      tpu.enqueue_dma source(%arg8 : memref<64x16xi32, #tpu.memory_space<vmem>>) target(%dma_start3A_157 : memref<64x16xi32, #tpu.memory_space<hbm>>) target_semaphore(%run_scoped3A : memref<!tpu.dma_semaphore, #tpu.memory_space<semaphore_mem>>)
      %dma_wait3A_158 = arith.constant 0 : i32
      %dma_wait3A_159 = tpu.memref_slice %arg4[%mul3A_153, %dma_wait3A_158] : memref<2048x16xi32, #tpu.memory_space<hbm>> -> memref<64x16xi32, #tpu.memory_space<hbm>>
      %dma_wait3A_160 = arith.constant 0 : i32
      %dma_wait3A_161 = tpu.memref_slice %arg4[%mul3A_153, %dma_wait3A_160] : memref<2048x16xi32, #tpu.memory_space<hbm>> -> memref<64x16xi32, #tpu.memory_space<hbm>>
      tpu.wait_dma2 semaphore(%run_scoped3A : memref<!tpu.dma_semaphore, #tpu.memory_space<semaphore_mem>>) src(%arg8 : memref<64x16xi32, #tpu.memory_space<vmem>>) dst(%dma_wait3A_161 : memref<64x16xi32, #tpu.memory_space<hbm>>)
      tpu.yield
    }) : () -> ()
    return
  }
}

#map = affine_map<(d0, d1) -> (0, 0)>
module attributes {stable_mosaic.version = 14 : i64} {
  func.func @body(%arg0: i32, %arg1: i32, %arg2: memref<75000x16xf32, #tpu.memory_space<hbm>>, %arg3: memref<32x704xi32, #tpu.memory_space<hbm>>, %arg4: memref<22528x16xf32, #tpu.memory_space<hbm>>, %arg5: memref<704xi32, #tpu.memory_space<vmem>>, %arg6: memref<1408xi32, #tpu.memory_space<vmem>>, %arg7: memref<1408x16xf32, #tpu.memory_space<vmem>>, %arg8: memref<704x16xf32, #tpu.memory_space<vmem>>, %arg9: memref<!tpu.dma_semaphore, #tpu.memory_space<semaphore_mem>>) attributes {dimension_semantics = [#tpu.dimension_semantics<core_parallel>, #tpu.dimension_semantics<subcore_parallel>], iteration_bounds = array<i64: 2, 16>, scalar_prefetch = 0 : i64, scratch_operands = 5 : i64, tpu.core_type = #tpu.core_type<sc_vector_subcore>, window_params = [{transform_indices = #map}, {transform_indices = #map}, {transform_indices = #map}]} {
    %mul3A = arith.constant 2 : i32
    %mul3A_0 = arith.muli %arg1, %mul3A : i32
    %add3A = arith.addi %mul3A_0, %arg0 : i32
    "tpu.region"() ({
      %run_scoped3A = tpu.sem_alloc : memref<!tpu.dma_semaphore, #tpu.memory_space<semaphore_mem>>
      %dma_start3A = arith.constant 0 : i32
      %dma_start3A_20 = tpu.memref_slice %arg3[%add3A, %dma_start3A] : memref<32x704xi32, #tpu.memory_space<hbm>> -> memref<1x704xi32, #tpu.memory_space<hbm>>
      %dma_start3A_21 = tpu.memref_squeeze %dma_start3A_20 : memref<1x704xi32, #tpu.memory_space<hbm>> -> memref<704xi32, #tpu.memory_space<hbm>>
      %dma_start3A_22 = arith.constant 0 : i32
      %dma_start3A_23 = tpu.memref_slice %arg3[%add3A, %dma_start3A_22] : memref<32x704xi32, #tpu.memory_space<hbm>> -> memref<1x704xi32, #tpu.memory_space<hbm>>
      %dma_start3A_24 = tpu.memref_squeeze %dma_start3A_23 : memref<1x704xi32, #tpu.memory_space<hbm>> -> memref<704xi32, #tpu.memory_space<hbm>>
      tpu.enqueue_dma source(%dma_start3A_24 : memref<704xi32, #tpu.memory_space<hbm>>) target(%arg5 : memref<704xi32, #tpu.memory_space<vmem>>) target_semaphore(%run_scoped3A : memref<!tpu.dma_semaphore, #tpu.memory_space<semaphore_mem>>)
      %dma_wait3A = arith.constant 0 : i32
      %dma_wait3A_25 = tpu.memref_slice %arg3[%add3A, %dma_wait3A] : memref<32x704xi32, #tpu.memory_space<hbm>> -> memref<1x704xi32, #tpu.memory_space<hbm>>
      %dma_wait3A_26 = tpu.memref_squeeze %dma_wait3A_25 : memref<1x704xi32, #tpu.memory_space<hbm>> -> memref<704xi32, #tpu.memory_space<hbm>>
      %dma_wait3A_27 = arith.constant 0 : i32
      %dma_wait3A_28 = tpu.memref_slice %arg3[%add3A, %dma_wait3A_27] : memref<32x704xi32, #tpu.memory_space<hbm>> -> memref<1x704xi32, #tpu.memory_space<hbm>>
      %dma_wait3A_29 = tpu.memref_squeeze %dma_wait3A_28 : memref<1x704xi32, #tpu.memory_space<hbm>> -> memref<704xi32, #tpu.memory_space<hbm>>
      tpu.wait_dma2 semaphore(%run_scoped3A : memref<!tpu.dma_semaphore, #tpu.memory_space<semaphore_mem>>) src(%dma_wait3A_29 : memref<704xi32, #tpu.memory_space<hbm>>) dst(%arg5 : memref<704xi32, #tpu.memory_space<vmem>>)
      tpu.yield
    }) : () -> ()
    %iota3A = tpu.iota {dimensions = array<i32: 0>} : vector<16xi32>
    %scan3A = arith.constant 0 : i32
    %scan3A_1 = arith.constant 0 : i32
    %scan3A_2 = arith.constant 11 : i32
    %scan3A_3 = arith.addi %scan3A_1, %scan3A_2 : i32
    %scan3A_4 = arith.constant 1 : i32
    scf.for %scan3A_20 = %scan3A_1 to %scan3A_3 step %scan3A_4  : i32 {
      %mul3A_21 = arith.constant 64 : i32
      %mul3A_22 = arith.muli %scan3A_20, %mul3A_21 : i32
      %add3A_23 = arith.constant 0 : i32
      %add3A_24 = arith.addi %mul3A_22, %add3A_23 : i32
      %get3A = arith.index_cast %add3A_24 : i32 to index
      %get3A_25 = tpu.vector_load %arg5[%get3A] {strides = array<i32>} : memref<704xi32, #tpu.memory_space<vmem>>, vector<16xi32>,
      %mul3A_26 = arith.constant 12 : i32
      %mul3A_27 = vector.broadcast %mul3A_26 : i32 to vector<16xi32>
      %mul3A_28 = arith.muli %get3A_25, %mul3A_27 : vector<16xi32>
      %shift_right_logical3A = arith.constant 4 : i32
      %shift_right_logical3A_29 = vector.broadcast %shift_right_logical3A : i32 to vector<16xi32>
      %shift_right_logical3A_30 = arith.shrui %mul3A_28, %shift_right_logical3A_29 : vector<16xi32>
      %mul3A_31 = arith.constant 128 : i32
      %mul3A_32 = arith.muli %scan3A_20, %mul3A_31 : i32
      %add3A_33 = arith.constant 0 : i32
      %add3A_34 = arith.addi %mul3A_32, %add3A_33 : i32
      %swap3A = arith.index_cast %add3A_34 : i32 to index
      %swap3A_35 = tpu.vector_load %arg6[%swap3A] {strides = array<i32>} : memref<1408xi32, #tpu.memory_space<vmem>>, vector<16xi32>,
      tpu.vector_store %arg6[%swap3A], %shift_right_logical3A_30 {strides = array<i32>} : memref<1408xi32, #tpu.memory_space<vmem>>, vector<16xi32>,
      %add3A_36 = arith.constant 1 : i32
      %add3A_37 = vector.broadcast %add3A_36 : i32 to vector<16xi32>
      %add3A_38 = arith.addi %shift_right_logical3A_30, %add3A_37 : vector<16xi32>
      %min3A = arith.constant 74999 : i32
      %min3A_39 = vector.broadcast %min3A : i32 to vector<16xi32>
      %min3A_40 = arith.minsi %add3A_38, %min3A_39 : vector<16xi32>
      %mul3A_41 = arith.constant 128 : i32
      %mul3A_42 = arith.muli %scan3A_20, %mul3A_41 : i32
      %add3A_43 = arith.constant 0 : i32
      %add3A_44 = arith.addi %mul3A_42, %add3A_43 : i32
      %add3A_45 = arith.constant 16 : i32
      %add3A_46 = arith.addi %add3A_44, %add3A_45 : i32
      %swap3A_47 = arith.index_cast %add3A_46 : i32 to index
      %swap3A_48 = tpu.vector_load %arg6[%swap3A_47] {strides = array<i32>} : memref<1408xi32, #tpu.memory_space<vmem>>, vector<16xi32>,
      tpu.vector_store %arg6[%swap3A_47], %min3A_40 {strides = array<i32>} : memref<1408xi32, #tpu.memory_space<vmem>>, vector<16xi32>,
      %mul3A_49 = arith.constant 64 : i32
      %mul3A_50 = arith.muli %scan3A_20, %mul3A_49 : i32
      %add3A_51 = arith.constant 16 : i32
      %add3A_52 = arith.addi %mul3A_50, %add3A_51 : i32
      %get3A_53 = arith.index_cast %add3A_52 : i32 to index
      %get3A_54 = tpu.vector_load %arg5[%get3A_53] {strides = array<i32>} : memref<704xi32, #tpu.memory_space<vmem>>, vector<16xi32>,
      %mul3A_55 = arith.constant 12 : i32
      %mul3A_56 = vector.broadcast %mul3A_55 : i32 to vector<16xi32>
      %mul3A_57 = arith.muli %get3A_54, %mul3A_56 : vector<16xi32>
      %shift_right_logical3A_58 = arith.constant 4 : i32
      %shift_right_logical3A_59 = vector.broadcast %shift_right_logical3A_58 : i32 to vector<16xi32>
      %shift_right_logical3A_60 = arith.shrui %mul3A_57, %shift_right_logical3A_59 : vector<16xi32>
      %mul3A_61 = arith.constant 128 : i32
      %mul3A_62 = arith.muli %scan3A_20, %mul3A_61 : i32
      %add3A_63 = arith.constant 32 : i32
      %add3A_64 = arith.addi %mul3A_62, %add3A_63 : i32
      %swap3A_65 = arith.index_cast %add3A_64 : i32 to index
      %swap3A_66 = tpu.vector_load %arg6[%swap3A_65] {strides = array<i32>} : memref<1408xi32, #tpu.memory_space<vmem>>, vector<16xi32>,
      tpu.vector_store %arg6[%swap3A_65], %shift_right_logical3A_60 {strides = array<i32>} : memref<1408xi32, #tpu.memory_space<vmem>>, vector<16xi32>,
      %add3A_67 = arith.constant 1 : i32
      %add3A_68 = vector.broadcast %add3A_67 : i32 to vector<16xi32>
      %add3A_69 = arith.addi %shift_right_logical3A_60, %add3A_68 : vector<16xi32>
      %min3A_70 = arith.constant 74999 : i32
      %min3A_71 = vector.broadcast %min3A_70 : i32 to vector<16xi32>
      %min3A_72 = arith.minsi %add3A_69, %min3A_71 : vector<16xi32>
      %mul3A_73 = arith.constant 128 : i32
      %mul3A_74 = arith.muli %scan3A_20, %mul3A_73 : i32
      %add3A_75 = arith.constant 32 : i32
      %add3A_76 = arith.addi %mul3A_74, %add3A_75 : i32
      %add3A_77 = arith.constant 16 : i32
      %add3A_78 = arith.addi %add3A_76, %add3A_77 : i32
      %swap3A_79 = arith.index_cast %add3A_78 : i32 to index
      %swap3A_80 = tpu.vector_load %arg6[%swap3A_79] {strides = array<i32>} : memref<1408xi32, #tpu.memory_space<vmem>>, vector<16xi32>,
      tpu.vector_store %arg6[%swap3A_79], %min3A_72 {strides = array<i32>} : memref<1408xi32, #tpu.memory_space<vmem>>, vector<16xi32>,
      %mul3A_81 = arith.constant 64 : i32
      %mul3A_82 = arith.muli %scan3A_20, %mul3A_81 : i32
      %add3A_83 = arith.constant 32 : i32
      %add3A_84 = arith.addi %mul3A_82, %add3A_83 : i32
      %get3A_85 = arith.index_cast %add3A_84 : i32 to index
      %get3A_86 = tpu.vector_load %arg5[%get3A_85] {strides = array<i32>} : memref<704xi32, #tpu.memory_space<vmem>>, vector<16xi32>,
      %mul3A_87 = arith.constant 12 : i32
      %mul3A_88 = vector.broadcast %mul3A_87 : i32 to vector<16xi32>
      %mul3A_89 = arith.muli %get3A_86, %mul3A_88 : vector<16xi32>
      %shift_right_logical3A_90 = arith.constant 4 : i32
      %shift_right_logical3A_91 = vector.broadcast %shift_right_logical3A_90 : i32 to vector<16xi32>
      %shift_right_logical3A_92 = arith.shrui %mul3A_89, %shift_right_logical3A_91 : vector<16xi32>
      %mul3A_93 = arith.constant 128 : i32
      %mul3A_94 = arith.muli %scan3A_20, %mul3A_93 : i32
      %add3A_95 = arith.constant 64 : i32
      %add3A_96 = arith.addi %mul3A_94, %add3A_95 : i32
      %swap3A_97 = arith.index_cast %add3A_96 : i32 to index
      %swap3A_98 = tpu.vector_load %arg6[%swap3A_97] {strides = array<i32>} : memref<1408xi32, #tpu.memory_space<vmem>>, vector<16xi32>,
      tpu.vector_store %arg6[%swap3A_97], %shift_right_logical3A_92 {strides = array<i32>} : memref<1408xi32, #tpu.memory_space<vmem>>, vector<16xi32>,
      %add3A_99 = arith.constant 1 : i32
      %add3A_100 = vector.broadcast %add3A_99 : i32 to vector<16xi32>
      %add3A_101 = arith.addi %shift_right_logical3A_92, %add3A_100 : vector<16xi32>
      %min3A_102 = arith.constant 74999 : i32
      %min3A_103 = vector.broadcast %min3A_102 : i32 to vector<16xi32>
      %min3A_104 = arith.minsi %add3A_101, %min3A_103 : vector<16xi32>
      %mul3A_105 = arith.constant 128 : i32
      %mul3A_106 = arith.muli %scan3A_20, %mul3A_105 : i32
      %add3A_107 = arith.constant 64 : i32
      %add3A_108 = arith.addi %mul3A_106, %add3A_107 : i32
      %add3A_109 = arith.constant 16 : i32
      %add3A_110 = arith.addi %add3A_108, %add3A_109 : i32
      %swap3A_111 = arith.index_cast %add3A_110 : i32 to index
      %swap3A_112 = tpu.vector_load %arg6[%swap3A_111] {strides = array<i32>} : memref<1408xi32, #tpu.memory_space<vmem>>, vector<16xi32>,
      tpu.vector_store %arg6[%swap3A_111], %min3A_104 {strides = array<i32>} : memref<1408xi32, #tpu.memory_space<vmem>>, vector<16xi32>,
      %mul3A_113 = arith.constant 64 : i32
      %mul3A_114 = arith.muli %scan3A_20, %mul3A_113 : i32
      %add3A_115 = arith.constant 48 : i32
      %add3A_116 = arith.addi %mul3A_114, %add3A_115 : i32
      %get3A_117 = arith.index_cast %add3A_116 : i32 to index
      %get3A_118 = tpu.vector_load %arg5[%get3A_117] {strides = array<i32>} : memref<704xi32, #tpu.memory_space<vmem>>, vector<16xi32>,
      %mul3A_119 = arith.constant 12 : i32
      %mul3A_120 = vector.broadcast %mul3A_119 : i32 to vector<16xi32>
      %mul3A_121 = arith.muli %get3A_118, %mul3A_120 : vector<16xi32>
      %shift_right_logical3A_122 = arith.constant 4 : i32
      %shift_right_logical3A_123 = vector.broadcast %shift_right_logical3A_122 : i32 to vector<16xi32>
      %shift_right_logical3A_124 = arith.shrui %mul3A_121, %shift_right_logical3A_123 : vector<16xi32>
      %mul3A_125 = arith.constant 128 : i32
      %mul3A_126 = arith.muli %scan3A_20, %mul3A_125 : i32
      %add3A_127 = arith.constant 96 : i32
      %add3A_128 = arith.addi %mul3A_126, %add3A_127 : i32
      %swap3A_129 = arith.index_cast %add3A_128 : i32 to index
      %swap3A_130 = tpu.vector_load %arg6[%swap3A_129] {strides = array<i32>} : memref<1408xi32, #tpu.memory_space<vmem>>, vector<16xi32>,
      tpu.vector_store %arg6[%swap3A_129], %shift_right_logical3A_124 {strides = array<i32>} : memref<1408xi32, #tpu.memory_space<vmem>>, vector<16xi32>,
      %add3A_131 = arith.constant 1 : i32
      %add3A_132 = vector.broadcast %add3A_131 : i32 to vector<16xi32>
      %add3A_133 = arith.addi %shift_right_logical3A_124, %add3A_132 : vector<16xi32>
      %min3A_134 = arith.constant 74999 : i32
      %min3A_135 = vector.broadcast %min3A_134 : i32 to vector<16xi32>
      %min3A_136 = arith.minsi %add3A_133, %min3A_135 : vector<16xi32>
      %mul3A_137 = arith.constant 128 : i32
      %mul3A_138 = arith.muli %scan3A_20, %mul3A_137 : i32
      %add3A_139 = arith.constant 96 : i32
      %add3A_140 = arith.addi %mul3A_138, %add3A_139 : i32
      %add3A_141 = arith.constant 16 : i32
      %add3A_142 = arith.addi %add3A_140, %add3A_141 : i32
      %swap3A_143 = arith.index_cast %add3A_142 : i32 to index
      %swap3A_144 = tpu.vector_load %arg6[%swap3A_143] {strides = array<i32>} : memref<1408xi32, #tpu.memory_space<vmem>>, vector<16xi32>,
      tpu.vector_store %arg6[%swap3A_143], %min3A_136 {strides = array<i32>} : memref<1408xi32, #tpu.memory_space<vmem>>, vector<16xi32>,
      %mul3A_145 = arith.constant 128 : i32
      %mul3A_146 = arith.muli %scan3A_20, %mul3A_145 : i32
      %mul3A_147 = arith.constant 128 : i32
      %mul3A_148 = arith.muli %scan3A_20, %mul3A_147 : i32
      %dma_start3A = arith.constant 0 : i32
      %dma_start3A_149 = tpu.memref_slice %arg7[%mul3A_148, %dma_start3A] : memref<1408x16xf32, #tpu.memory_space<vmem>> -> memref<128x16xf32, #tpu.memory_space<vmem>>
      %dma_start3A_150 = tpu.memref_slice %arg6[%mul3A_146] : memref<1408xi32, #tpu.memory_space<vmem>> -> memref<128xi32, #tpu.memory_space<vmem>>
      %dma_start3A_151 = arith.constant 0 : i32
      %dma_start3A_152 = arith.constant 0 : i32
      %dma_start3A_153 = tpu.memref_slice %arg2[%dma_start3A_151, %dma_start3A_152] : memref<75000x16xf32, #tpu.memory_space<hbm>> -> memref<75000x16xf32, #tpu.memory_space<hbm>>
      tpu.enqueue_indirect_dma source(%dma_start3A_153 : memref<75000x16xf32, #tpu.memory_space<hbm>>) target(%dma_start3A_149 : memref<128x16xf32, #tpu.memory_space<vmem>>) offsets(%dma_start3A_150 : memref<128xi32, #tpu.memory_space<vmem>>) semaphore(%arg9 : memref<!tpu.dma_semaphore, #tpu.memory_space<semaphore_mem>>)
    }
    %scan3A_5 = arith.constant 11 : i32
    %scan3A_6 = arith.constant 0 : i32
    %scan3A_7 = arith.constant 0 : i32
    %scan3A_8 = arith.constant 11 : i32
    %scan3A_9 = arith.addi %scan3A_7, %scan3A_8 : i32
    %scan3A_10 = arith.constant 1 : i32
    scf.for %scan3A_20 = %scan3A_7 to %scan3A_9 step %scan3A_10  : i32 {
      %dma_wait3A = arith.constant 0 : i32
      %dma_wait3A_21 = arith.constant 0 : i32
      %dma_wait3A_22 = tpu.memref_slice %arg7[%dma_wait3A, %dma_wait3A_21] : memref<1408x16xf32, #tpu.memory_space<vmem>> -> memref<128x16xf32, #tpu.memory_space<vmem>>
      %dma_wait3A_23 = arith.constant 0 : i32
      %dma_wait3A_24 = tpu.memref_slice %arg6[%dma_wait3A_23] : memref<1408xi32, #tpu.memory_space<vmem>> -> memref<128xi32, #tpu.memory_space<vmem>>
      %dma_wait3A_25 = arith.constant 0 : i32
      %dma_wait3A_26 = arith.constant 0 : i32
      %dma_wait3A_27 = tpu.memref_slice %arg2[%dma_wait3A_25, %dma_wait3A_26] : memref<75000x16xf32, #tpu.memory_space<hbm>> -> memref<75000x16xf32, #tpu.memory_space<hbm>>
      tpu.wait_indirect_dma semaphore(%arg9 : memref<!tpu.dma_semaphore, #tpu.memory_space<semaphore_mem>>) src(%dma_wait3A_27 : memref<75000x16xf32, #tpu.memory_space<hbm>>) dst(%dma_wait3A_22 : memref<128x16xf32, #tpu.memory_space<vmem>>)
    }
    %scan3A_11 = arith.constant 11 : i32
    %scan3A_12 = arith.constant 0 : i32
    %scan3A_13 = arith.constant 0 : i32
    %scan3A_14 = arith.constant 44 : i32
    %scan3A_15 = arith.addi %scan3A_13, %scan3A_14 : i32
    %scan3A_16 = arith.constant 1 : i32
    scf.for %scan3A_20 = %scan3A_13 to %scan3A_15 step %scan3A_16  : i32 {
      %mul3A_21 = arith.constant 16 : i32
      %mul3A_22 = arith.muli %scan3A_20, %mul3A_21 : i32
      %get3A = arith.index_cast %mul3A_22 : i32 to index
      %get3A_23 = tpu.vector_load %arg5[%get3A] {strides = array<i32>} : memref<704xi32, #tpu.memory_space<vmem>>, vector<16xi32>,
      %mul3A_24 = arith.constant 12 : i32
      %mul3A_25 = vector.broadcast %mul3A_24 : i32 to vector<16xi32>
      %mul3A_26 = arith.muli %get3A_23, %mul3A_25 : vector<16xi32>
      %and3A = arith.constant 15 : i32
      %and3A_27 = vector.broadcast %and3A : i32 to vector<16xi32>
      %and3A_28 = arith.andi %mul3A_26, %and3A_27 : vector<16xi32>
      %mul3A_29 = arith.constant 16 : i32
      %mul3A_30 = arith.muli %mul3A_29, %scan3A_20 : i32
      %add3A_31 = vector.broadcast %mul3A_30 : i32 to vector<16xi32>
      %add3A_32 = arith.addi %add3A_31, %iota3A : vector<16xi32>
      %add3A_33 = arith.constant 0 : i32
      %add3A_34 = vector.broadcast %add3A_33 : i32 to vector<16xi32>
      %add3A_35 = arith.addi %and3A_28, %add3A_34 : vector<16xi32>
      %mul3A_36 = arith.constant 32 : i32
      %mul3A_37 = arith.muli %mul3A_36, %scan3A_20 : i32
      %add3A_38 = vector.broadcast %mul3A_37 : i32 to vector<16xi32>
      %add3A_39 = arith.addi %add3A_38, %iota3A : vector<16xi32>
      %shift_right_logical3A = arith.constant 4 : i32
      %shift_right_logical3A_40 = vector.broadcast %shift_right_logical3A : i32 to vector<16xi32>
      %shift_right_logical3A_41 = arith.shrui %add3A_35, %shift_right_logical3A_40 : vector<16xi32>
      %mul3A_42 = arith.constant 16 : i32
      %mul3A_43 = vector.broadcast %mul3A_42 : i32 to vector<16xi32>
      %mul3A_44 = arith.muli %mul3A_43, %shift_right_logical3A_41 : vector<16xi32>
      %add3A_45 = arith.addi %add3A_39, %mul3A_44 : vector<16xi32>
      %and3A_46 = arith.constant 15 : i32
      %and3A_47 = vector.broadcast %and3A_46 : i32 to vector<16xi32>
      %and3A_48 = arith.andi %add3A_35, %and3A_47 : vector<16xi32>
      %gather3A = tpu.vector_load_idx %arg7[%add3A_45, %and3A_48] : memref<1408x16xf32, #tpu.memory_space<vmem>>[vector<16xi32>, vector<16xi32>], vector<16xf32>,
      %broadcast_in_dim3A = arith.constant 0 : i32
      %broadcast_in_dim3A_49 = vector.broadcast %broadcast_in_dim3A : i32 to vector<16xi32>
      tpu.vector_store_idx %arg8[%add3A_32, %broadcast_in_dim3A_49], %gather3A : memref<704x16xf32, #tpu.memory_space<vmem>>[vector<16xi32>, vector<16xi32>], vector<16xf32>,
      %add3A_50 = arith.constant 1 : i32
      %add3A_51 = vector.broadcast %add3A_50 : i32 to vector<16xi32>
      %add3A_52 = arith.addi %and3A_28, %add3A_51 : vector<16xi32>
      %mul3A_53 = arith.constant 32 : i32
      %mul3A_54 = arith.muli %mul3A_53, %scan3A_20 : i32
      %add3A_55 = vector.broadcast %mul3A_54 : i32 to vector<16xi32>
      %add3A_56 = arith.addi %add3A_55, %iota3A : vector<16xi32>
      %shift_right_logical3A_57 = arith.constant 4 : i32
      %shift_right_logical3A_58 = vector.broadcast %shift_right_logical3A_57 : i32 to vector<16xi32>
      %shift_right_logical3A_59 = arith.shrui %add3A_52, %shift_right_logical3A_58 : vector<16xi32>
      %mul3A_60 = arith.constant 16 : i32
      %mul3A_61 = vector.broadcast %mul3A_60 : i32 to vector<16xi32>
      %mul3A_62 = arith.muli %mul3A_61, %shift_right_logical3A_59 : vector<16xi32>
      %add3A_63 = arith.addi %add3A_56, %mul3A_62 : vector<16xi32>
      %and3A_64 = arith.constant 15 : i32
      %and3A_65 = vector.broadcast %and3A_64 : i32 to vector<16xi32>
      %and3A_66 = arith.andi %add3A_52, %and3A_65 : vector<16xi32>
      %gather3A_67 = tpu.vector_load_idx %arg7[%add3A_63, %and3A_66] : memref<1408x16xf32, #tpu.memory_space<vmem>>[vector<16xi32>, vector<16xi32>], vector<16xf32>,
      %broadcast_in_dim3A_68 = arith.constant 1 : i32
      %broadcast_in_dim3A_69 = vector.broadcast %broadcast_in_dim3A_68 : i32 to vector<16xi32>
      tpu.vector_store_idx %arg8[%add3A_32, %broadcast_in_dim3A_69], %gather3A_67 : memref<704x16xf32, #tpu.memory_space<vmem>>[vector<16xi32>, vector<16xi32>], vector<16xf32>,
      %add3A_70 = arith.constant 2 : i32
      %add3A_71 = vector.broadcast %add3A_70 : i32 to vector<16xi32>
      %add3A_72 = arith.addi %and3A_28, %add3A_71 : vector<16xi32>
      %mul3A_73 = arith.constant 32 : i32
      %mul3A_74 = arith.muli %mul3A_73, %scan3A_20 : i32
      %add3A_75 = vector.broadcast %mul3A_74 : i32 to vector<16xi32>
      %add3A_76 = arith.addi %add3A_75, %iota3A : vector<16xi32>
      %shift_right_logical3A_77 = arith.constant 4 : i32
      %shift_right_logical3A_78 = vector.broadcast %shift_right_logical3A_77 : i32 to vector<16xi32>
      %shift_right_logical3A_79 = arith.shrui %add3A_72, %shift_right_logical3A_78 : vector<16xi32>
      %mul3A_80 = arith.constant 16 : i32
      %mul3A_81 = vector.broadcast %mul3A_80 : i32 to vector<16xi32>
      %mul3A_82 = arith.muli %mul3A_81, %shift_right_logical3A_79 : vector<16xi32>
      %add3A_83 = arith.addi %add3A_76, %mul3A_82 : vector<16xi32>
      %and3A_84 = arith.constant 15 : i32
      %and3A_85 = vector.broadcast %and3A_84 : i32 to vector<16xi32>
      %and3A_86 = arith.andi %add3A_72, %and3A_85 : vector<16xi32>
      %gather3A_87 = tpu.vector_load_idx %arg7[%add3A_83, %and3A_86] : memref<1408x16xf32, #tpu.memory_space<vmem>>[vector<16xi32>, vector<16xi32>], vector<16xf32>,
      %broadcast_in_dim3A_88 = arith.constant 2 : i32
      %broadcast_in_dim3A_89 = vector.broadcast %broadcast_in_dim3A_88 : i32 to vector<16xi32>
      tpu.vector_store_idx %arg8[%add3A_32, %broadcast_in_dim3A_89], %gather3A_87 : memref<704x16xf32, #tpu.memory_space<vmem>>[vector<16xi32>, vector<16xi32>], vector<16xf32>,
      %add3A_90 = arith.constant 3 : i32
      %add3A_91 = vector.broadcast %add3A_90 : i32 to vector<16xi32>
      %add3A_92 = arith.addi %and3A_28, %add3A_91 : vector<16xi32>
      %mul3A_93 = arith.constant 32 : i32
      %mul3A_94 = arith.muli %mul3A_93, %scan3A_20 : i32
      %add3A_95 = vector.broadcast %mul3A_94 : i32 to vector<16xi32>
      %add3A_96 = arith.addi %add3A_95, %iota3A : vector<16xi32>
      %shift_right_logical3A_97 = arith.constant 4 : i32
      %shift_right_logical3A_98 = vector.broadcast %shift_right_logical3A_97 : i32 to vector<16xi32>
      %shift_right_logical3A_99 = arith.shrui %add3A_92, %shift_right_logical3A_98 : vector<16xi32>
      %mul3A_100 = arith.constant 16 : i32
      %mul3A_101 = vector.broadcast %mul3A_100 : i32 to vector<16xi32>
      %mul3A_102 = arith.muli %mul3A_101, %shift_right_logical3A_99 : vector<16xi32>
      %add3A_103 = arith.addi %add3A_96, %mul3A_102 : vector<16xi32>
      %and3A_104 = arith.constant 15 : i32
      %and3A_105 = vector.broadcast %and3A_104 : i32 to vector<16xi32>
      %and3A_106 = arith.andi %add3A_92, %and3A_105 : vector<16xi32>
      %gather3A_107 = tpu.vector_load_idx %arg7[%add3A_103, %and3A_106] : memref<1408x16xf32, #tpu.memory_space<vmem>>[vector<16xi32>, vector<16xi32>], vector<16xf32>,
      %broadcast_in_dim3A_108 = arith.constant 3 : i32
      %broadcast_in_dim3A_109 = vector.broadcast %broadcast_in_dim3A_108 : i32 to vector<16xi32>
      tpu.vector_store_idx %arg8[%add3A_32, %broadcast_in_dim3A_109], %gather3A_107 : memref<704x16xf32, #tpu.memory_space<vmem>>[vector<16xi32>, vector<16xi32>], vector<16xf32>,
      %add3A_110 = arith.constant 4 : i32
      %add3A_111 = vector.broadcast %add3A_110 : i32 to vector<16xi32>
      %add3A_112 = arith.addi %and3A_28, %add3A_111 : vector<16xi32>
      %mul3A_113 = arith.constant 32 : i32
      %mul3A_114 = arith.muli %mul3A_113, %scan3A_20 : i32
      %add3A_115 = vector.broadcast %mul3A_114 : i32 to vector<16xi32>
      %add3A_116 = arith.addi %add3A_115, %iota3A : vector<16xi32>
      %shift_right_logical3A_117 = arith.constant 4 : i32
      %shift_right_logical3A_118 = vector.broadcast %shift_right_logical3A_117 : i32 to vector<16xi32>
      %shift_right_logical3A_119 = arith.shrui %add3A_112, %shift_right_logical3A_118 : vector<16xi32>
      %mul3A_120 = arith.constant 16 : i32
      %mul3A_121 = vector.broadcast %mul3A_120 : i32 to vector<16xi32>
      %mul3A_122 = arith.muli %mul3A_121, %shift_right_logical3A_119 : vector<16xi32>
      %add3A_123 = arith.addi %add3A_116, %mul3A_122 : vector<16xi32>
      %and3A_124 = arith.constant 15 : i32
      %and3A_125 = vector.broadcast %and3A_124 : i32 to vector<16xi32>
      %and3A_126 = arith.andi %add3A_112, %and3A_125 : vector<16xi32>
      %gather3A_127 = tpu.vector_load_idx %arg7[%add3A_123, %and3A_126] : memref<1408x16xf32, #tpu.memory_space<vmem>>[vector<16xi32>, vector<16xi32>], vector<16xf32>,
      %broadcast_in_dim3A_128 = arith.constant 4 : i32
      %broadcast_in_dim3A_129 = vector.broadcast %broadcast_in_dim3A_128 : i32 to vector<16xi32>
      tpu.vector_store_idx %arg8[%add3A_32, %broadcast_in_dim3A_129], %gather3A_127 : memref<704x16xf32, #tpu.memory_space<vmem>>[vector<16xi32>, vector<16xi32>], vector<16xf32>,
      %add3A_130 = arith.constant 5 : i32
      %add3A_131 = vector.broadcast %add3A_130 : i32 to vector<16xi32>
      %add3A_132 = arith.addi %and3A_28, %add3A_131 : vector<16xi32>
      %mul3A_133 = arith.constant 32 : i32
      %mul3A_134 = arith.muli %mul3A_133, %scan3A_20 : i32
      %add3A_135 = vector.broadcast %mul3A_134 : i32 to vector<16xi32>
      %add3A_136 = arith.addi %add3A_135, %iota3A : vector<16xi32>
      %shift_right_logical3A_137 = arith.constant 4 : i32
      %shift_right_logical3A_138 = vector.broadcast %shift_right_logical3A_137 : i32 to vector<16xi32>
      %shift_right_logical3A_139 = arith.shrui %add3A_132, %shift_right_logical3A_138 : vector<16xi32>
      %mul3A_140 = arith.constant 16 : i32
      %mul3A_141 = vector.broadcast %mul3A_140 : i32 to vector<16xi32>
      %mul3A_142 = arith.muli %mul3A_141, %shift_right_logical3A_139 : vector<16xi32>
      %add3A_143 = arith.addi %add3A_136, %mul3A_142 : vector<16xi32>
      %and3A_144 = arith.constant 15 : i32
      %and3A_145 = vector.broadcast %and3A_144 : i32 to vector<16xi32>
      %and3A_146 = arith.andi %add3A_132, %and3A_145 : vector<16xi32>
      %gather3A_147 = tpu.vector_load_idx %arg7[%add3A_143, %and3A_146] : memref<1408x16xf32, #tpu.memory_space<vmem>>[vector<16xi32>, vector<16xi32>], vector<16xf32>,
      %broadcast_in_dim3A_148 = arith.constant 5 : i32
      %broadcast_in_dim3A_149 = vector.broadcast %broadcast_in_dim3A_148 : i32 to vector<16xi32>
      tpu.vector_store_idx %arg8[%add3A_32, %broadcast_in_dim3A_149], %gather3A_147 : memref<704x16xf32, #tpu.memory_space<vmem>>[vector<16xi32>, vector<16xi32>], vector<16xf32>,
      %add3A_150 = arith.constant 6 : i32
      %add3A_151 = vector.broadcast %add3A_150 : i32 to vector<16xi32>
      %add3A_152 = arith.addi %and3A_28, %add3A_151 : vector<16xi32>
      %mul3A_153 = arith.constant 32 : i32
      %mul3A_154 = arith.muli %mul3A_153, %scan3A_20 : i32
      %add3A_155 = vector.broadcast %mul3A_154 : i32 to vector<16xi32>
      %add3A_156 = arith.addi %add3A_155, %iota3A : vector<16xi32>
      %shift_right_logical3A_157 = arith.constant 4 : i32
      %shift_right_logical3A_158 = vector.broadcast %shift_right_logical3A_157 : i32 to vector<16xi32>
      %shift_right_logical3A_159 = arith.shrui %add3A_152, %shift_right_logical3A_158 : vector<16xi32>
      %mul3A_160 = arith.constant 16 : i32
      %mul3A_161 = vector.broadcast %mul3A_160 : i32 to vector<16xi32>
      %mul3A_162 = arith.muli %mul3A_161, %shift_right_logical3A_159 : vector<16xi32>
      %add3A_163 = arith.addi %add3A_156, %mul3A_162 : vector<16xi32>
      %and3A_164 = arith.constant 15 : i32
      %and3A_165 = vector.broadcast %and3A_164 : i32 to vector<16xi32>
      %and3A_166 = arith.andi %add3A_152, %and3A_165 : vector<16xi32>
      %gather3A_167 = tpu.vector_load_idx %arg7[%add3A_163, %and3A_166] : memref<1408x16xf32, #tpu.memory_space<vmem>>[vector<16xi32>, vector<16xi32>], vector<16xf32>,
      %broadcast_in_dim3A_168 = arith.constant 6 : i32
      %broadcast_in_dim3A_169 = vector.broadcast %broadcast_in_dim3A_168 : i32 to vector<16xi32>
      tpu.vector_store_idx %arg8[%add3A_32, %broadcast_in_dim3A_169], %gather3A_167 : memref<704x16xf32, #tpu.memory_space<vmem>>[vector<16xi32>, vector<16xi32>], vector<16xf32>,
      %add3A_170 = arith.constant 7 : i32
      %add3A_171 = vector.broadcast %add3A_170 : i32 to vector<16xi32>
      %add3A_172 = arith.addi %and3A_28, %add3A_171 : vector<16xi32>
      %mul3A_173 = arith.constant 32 : i32
      %mul3A_174 = arith.muli %mul3A_173, %scan3A_20 : i32
      %add3A_175 = vector.broadcast %mul3A_174 : i32 to vector<16xi32>
      %add3A_176 = arith.addi %add3A_175, %iota3A : vector<16xi32>
      %shift_right_logical3A_177 = arith.constant 4 : i32
      %shift_right_logical3A_178 = vector.broadcast %shift_right_logical3A_177 : i32 to vector<16xi32>
      %shift_right_logical3A_179 = arith.shrui %add3A_172, %shift_right_logical3A_178 : vector<16xi32>
      %mul3A_180 = arith.constant 16 : i32
      %mul3A_181 = vector.broadcast %mul3A_180 : i32 to vector<16xi32>
      %mul3A_182 = arith.muli %mul3A_181, %shift_right_logical3A_179 : vector<16xi32>
      %add3A_183 = arith.addi %add3A_176, %mul3A_182 : vector<16xi32>
      %and3A_184 = arith.constant 15 : i32
      %and3A_185 = vector.broadcast %and3A_184 : i32 to vector<16xi32>
      %and3A_186 = arith.andi %add3A_172, %and3A_185 : vector<16xi32>
      %gather3A_187 = tpu.vector_load_idx %arg7[%add3A_183, %and3A_186] : memref<1408x16xf32, #tpu.memory_space<vmem>>[vector<16xi32>, vector<16xi32>], vector<16xf32>,
      %broadcast_in_dim3A_188 = arith.constant 7 : i32
      %broadcast_in_dim3A_189 = vector.broadcast %broadcast_in_dim3A_188 : i32 to vector<16xi32>
      tpu.vector_store_idx %arg8[%add3A_32, %broadcast_in_dim3A_189], %gather3A_187 : memref<704x16xf32, #tpu.memory_space<vmem>>[vector<16xi32>, vector<16xi32>], vector<16xf32>,
      %add3A_190 = arith.constant 8 : i32
      %add3A_191 = vector.broadcast %add3A_190 : i32 to vector<16xi32>
      %add3A_192 = arith.addi %and3A_28, %add3A_191 : vector<16xi32>
      %mul3A_193 = arith.constant 32 : i32
      %mul3A_194 = arith.muli %mul3A_193, %scan3A_20 : i32
      %add3A_195 = vector.broadcast %mul3A_194 : i32 to vector<16xi32>
      %add3A_196 = arith.addi %add3A_195, %iota3A : vector<16xi32>
      %shift_right_logical3A_197 = arith.constant 4 : i32
      %shift_right_logical3A_198 = vector.broadcast %shift_right_logical3A_197 : i32 to vector<16xi32>
      %shift_right_logical3A_199 = arith.shrui %add3A_192, %shift_right_logical3A_198 : vector<16xi32>
      %mul3A_200 = arith.constant 16 : i32
      %mul3A_201 = vector.broadcast %mul3A_200 : i32 to vector<16xi32>
      %mul3A_202 = arith.muli %mul3A_201, %shift_right_logical3A_199 : vector<16xi32>
      %add3A_203 = arith.addi %add3A_196, %mul3A_202 : vector<16xi32>
      %and3A_204 = arith.constant 15 : i32
      %and3A_205 = vector.broadcast %and3A_204 : i32 to vector<16xi32>
      %and3A_206 = arith.andi %add3A_192, %and3A_205 : vector<16xi32>
      %gather3A_207 = tpu.vector_load_idx %arg7[%add3A_203, %and3A_206] : memref<1408x16xf32, #tpu.memory_space<vmem>>[vector<16xi32>, vector<16xi32>], vector<16xf32>,
      %broadcast_in_dim3A_208 = arith.constant 8 : i32
      %broadcast_in_dim3A_209 = vector.broadcast %broadcast_in_dim3A_208 : i32 to vector<16xi32>
      tpu.vector_store_idx %arg8[%add3A_32, %broadcast_in_dim3A_209], %gather3A_207 : memref<704x16xf32, #tpu.memory_space<vmem>>[vector<16xi32>, vector<16xi32>], vector<16xf32>,
      %add3A_210 = arith.constant 9 : i32
      %add3A_211 = vector.broadcast %add3A_210 : i32 to vector<16xi32>
      %add3A_212 = arith.addi %and3A_28, %add3A_211 : vector<16xi32>
      %mul3A_213 = arith.constant 32 : i32
      %mul3A_214 = arith.muli %mul3A_213, %scan3A_20 : i32
      %add3A_215 = vector.broadcast %mul3A_214 : i32 to vector<16xi32>
      %add3A_216 = arith.addi %add3A_215, %iota3A : vector<16xi32>
      %shift_right_logical3A_217 = arith.constant 4 : i32
      %shift_right_logical3A_218 = vector.broadcast %shift_right_logical3A_217 : i32 to vector<16xi32>
      %shift_right_logical3A_219 = arith.shrui %add3A_212, %shift_right_logical3A_218 : vector<16xi32>
      %mul3A_220 = arith.constant 16 : i32
      %mul3A_221 = vector.broadcast %mul3A_220 : i32 to vector<16xi32>
      %mul3A_222 = arith.muli %mul3A_221, %shift_right_logical3A_219 : vector<16xi32>
      %add3A_223 = arith.addi %add3A_216, %mul3A_222 : vector<16xi32>
      %and3A_224 = arith.constant 15 : i32
      %and3A_225 = vector.broadcast %and3A_224 : i32 to vector<16xi32>
      %and3A_226 = arith.andi %add3A_212, %and3A_225 : vector<16xi32>
      %gather3A_227 = tpu.vector_load_idx %arg7[%add3A_223, %and3A_226] : memref<1408x16xf32, #tpu.memory_space<vmem>>[vector<16xi32>, vector<16xi32>], vector<16xf32>,
      %broadcast_in_dim3A_228 = arith.constant 9 : i32
      %broadcast_in_dim3A_229 = vector.broadcast %broadcast_in_dim3A_228 : i32 to vector<16xi32>
      tpu.vector_store_idx %arg8[%add3A_32, %broadcast_in_dim3A_229], %gather3A_227 : memref<704x16xf32, #tpu.memory_space<vmem>>[vector<16xi32>, vector<16xi32>], vector<16xf32>,
      %add3A_230 = arith.constant 10 : i32
      %add3A_231 = vector.broadcast %add3A_230 : i32 to vector<16xi32>
      %add3A_232 = arith.addi %and3A_28, %add3A_231 : vector<16xi32>
      %mul3A_233 = arith.constant 32 : i32
      %mul3A_234 = arith.muli %mul3A_233, %scan3A_20 : i32
      %add3A_235 = vector.broadcast %mul3A_234 : i32 to vector<16xi32>
      %add3A_236 = arith.addi %add3A_235, %iota3A : vector<16xi32>
      %shift_right_logical3A_237 = arith.constant 4 : i32
      %shift_right_logical3A_238 = vector.broadcast %shift_right_logical3A_237 : i32 to vector<16xi32>
      %shift_right_logical3A_239 = arith.shrui %add3A_232, %shift_right_logical3A_238 : vector<16xi32>
      %mul3A_240 = arith.constant 16 : i32
      %mul3A_241 = vector.broadcast %mul3A_240 : i32 to vector<16xi32>
      %mul3A_242 = arith.muli %mul3A_241, %shift_right_logical3A_239 : vector<16xi32>
      %add3A_243 = arith.addi %add3A_236, %mul3A_242 : vector<16xi32>
      %and3A_244 = arith.constant 15 : i32
      %and3A_245 = vector.broadcast %and3A_244 : i32 to vector<16xi32>
      %and3A_246 = arith.andi %add3A_232, %and3A_245 : vector<16xi32>
      %gather3A_247 = tpu.vector_load_idx %arg7[%add3A_243, %and3A_246] : memref<1408x16xf32, #tpu.memory_space<vmem>>[vector<16xi32>, vector<16xi32>], vector<16xf32>,
      %broadcast_in_dim3A_248 = arith.constant 10 : i32
      %broadcast_in_dim3A_249 = vector.broadcast %broadcast_in_dim3A_248 : i32 to vector<16xi32>
      tpu.vector_store_idx %arg8[%add3A_32, %broadcast_in_dim3A_249], %gather3A_247 : memref<704x16xf32, #tpu.memory_space<vmem>>[vector<16xi32>, vector<16xi32>], vector<16xf32>,
      %add3A_250 = arith.constant 11 : i32
      %add3A_251 = vector.broadcast %add3A_250 : i32 to vector<16xi32>
      %add3A_252 = arith.addi %and3A_28, %add3A_251 : vector<16xi32>
      %mul3A_253 = arith.constant 32 : i32
      %mul3A_254 = arith.muli %mul3A_253, %scan3A_20 : i32
      %add3A_255 = vector.broadcast %mul3A_254 : i32 to vector<16xi32>
      %add3A_256 = arith.addi %add3A_255, %iota3A : vector<16xi32>
      %shift_right_logical3A_257 = arith.constant 4 : i32
      %shift_right_logical3A_258 = vector.broadcast %shift_right_logical3A_257 : i32 to vector<16xi32>
      %shift_right_logical3A_259 = arith.shrui %add3A_252, %shift_right_logical3A_258 : vector<16xi32>
      %mul3A_260 = arith.constant 16 : i32
      %mul3A_261 = vector.broadcast %mul3A_260 : i32 to vector<16xi32>
      %mul3A_262 = arith.muli %mul3A_261, %shift_right_logical3A_259 : vector<16xi32>
      %add3A_263 = arith.addi %add3A_256, %mul3A_262 : vector<16xi32>
      %and3A_264 = arith.constant 15 : i32
      %and3A_265 = vector.broadcast %and3A_264 : i32 to vector<16xi32>
      %and3A_266 = arith.andi %add3A_252, %and3A_265 : vector<16xi32>
      %gather3A_267 = tpu.vector_load_idx %arg7[%add3A_263, %and3A_266] : memref<1408x16xf32, #tpu.memory_space<vmem>>[vector<16xi32>, vector<16xi32>], vector<16xf32>,
      %broadcast_in_dim3A_268 = arith.constant 11 : i32
      %broadcast_in_dim3A_269 = vector.broadcast %broadcast_in_dim3A_268 : i32 to vector<16xi32>
      tpu.vector_store_idx %arg8[%add3A_32, %broadcast_in_dim3A_269], %gather3A_267 : memref<704x16xf32, #tpu.memory_space<vmem>>[vector<16xi32>, vector<16xi32>], vector<16xf32>,
    }
    %scan3A_17 = arith.constant 44 : i32
    %mul3A_18 = arith.constant 704 : i32
    %mul3A_19 = arith.muli %add3A, %mul3A_18 : i32
    "tpu.region"() ({
      %run_scoped3A = tpu.sem_alloc : memref<!tpu.dma_semaphore, #tpu.memory_space<semaphore_mem>>
      %dma_start3A = arith.constant 0 : i32
      %dma_start3A_20 = tpu.memref_slice %arg4[%mul3A_19, %dma_start3A] : memref<22528x16xf32, #tpu.memory_space<hbm>> -> memref<704x16xf32, #tpu.memory_space<hbm>>
      %dma_start3A_21 = arith.constant 0 : i32
      %dma_start3A_22 = tpu.memref_slice %arg4[%mul3A_19, %dma_start3A_21] : memref<22528x16xf32, #tpu.memory_space<hbm>> -> memref<704x16xf32, #tpu.memory_space<hbm>>
      tpu.enqueue_dma source(%arg8 : memref<704x16xf32, #tpu.memory_space<vmem>>) target(%dma_start3A_22 : memref<704x16xf32, #tpu.memory_space<hbm>>) target_semaphore(%run_scoped3A : memref<!tpu.dma_semaphore, #tpu.memory_space<semaphore_mem>>)
      %dma_wait3A = arith.constant 0 : i32
      %dma_wait3A_23 = tpu.memref_slice %arg4[%mul3A_19, %dma_wait3A] : memref<22528x16xf32, #tpu.memory_space<hbm>> -> memref<704x16xf32, #tpu.memory_space<hbm>>
      %dma_wait3A_24 = arith.constant 0 : i32
      %dma_wait3A_25 = tpu.memref_slice %arg4[%mul3A_19, %dma_wait3A_24] : memref<22528x16xf32, #tpu.memory_space<hbm>> -> memref<704x16xf32, #tpu.memory_space<hbm>>
      tpu.wait_dma2 semaphore(%run_scoped3A : memref<!tpu.dma_semaphore, #tpu.memory_space<semaphore_mem>>) src(%arg8 : memref<704x16xf32, #tpu.memory_space<vmem>>) dst(%dma_wait3A_25 : memref<704x16xf32, #tpu.memory_space<hbm>>)
      tpu.yield
    }) : () -> ()
    return
  }
}

#map = affine_map<(d0, d1) -> (0, 0)>
#map1 = affine_map<(d0, d1) -> (0, 0, 0)>
module attributes {stable_mosaic.version = 14 : i64} {
  func.func @body(%arg0: i32, %arg1: i32, %arg2: memref<100000x128xf32, #tpu.memory_space<hbm>>, %arg3: memref<32x5x120xi32, #tpu.memory_space<hbm>>, %arg4: memref<19200x128xf32, #tpu.memory_space<hbm>>, %arg5: memref<5x120xi32, #tpu.memory_space<vmem>>, %arg6: memref<120x128xf32, #tpu.memory_space<vmem>>, %arg7: memref<120x128xf32, #tpu.memory_space<vmem>>, %arg8: memref<120x128xf32, #tpu.memory_space<vmem>>, %arg9: memref<120x128xf32, #tpu.memory_space<vmem>>, %arg10: memref<120x128xf32, #tpu.memory_space<vmem>>, %arg11: memref<!tpu.dma_semaphore, #tpu.memory_space<semaphore_mem>>, %arg12: memref<!tpu.dma_semaphore, #tpu.memory_space<semaphore_mem>>, %arg13: memref<!tpu.dma_semaphore, #tpu.memory_space<semaphore_mem>>, %arg14: memref<!tpu.dma_semaphore, #tpu.memory_space<semaphore_mem>>, %arg15: memref<!tpu.dma_semaphore, #tpu.memory_space<semaphore_mem>>, %arg16: memref<!tpu.dma_semaphore, #tpu.memory_space<semaphore_mem>>, %arg17: memref<!tpu.dma_semaphore, #tpu.memory_space<semaphore_mem>>, %arg18: memref<!tpu.dma_semaphore, #tpu.memory_space<semaphore_mem>>, %arg19: memref<!tpu.dma_semaphore, #tpu.memory_space<semaphore_mem>>, %arg20: memref<!tpu.dma_semaphore, #tpu.memory_space<semaphore_mem>>) attributes {dimension_semantics = [#tpu.dimension_semantics<core_parallel>, #tpu.dimension_semantics<subcore_parallel>], iteration_bounds = array<i64: 2, 16>, scalar_prefetch = 0 : i64, scratch_operands = 16 : i64, tpu.core_type = #tpu.core_type<sc_vector_subcore>, window_params = [{transform_indices = #map}, {transform_indices = #map1}, {transform_indices = #map}]} {
    %mul3A = arith.constant 2 : i32
    %mul3A_0 = arith.muli %arg1, %mul3A : i32
    %add3A = arith.addi %mul3A_0, %arg0 : i32
    "tpu.region"() ({
      %run_scoped3A = tpu.sem_alloc : memref<!tpu.dma_semaphore, #tpu.memory_space<semaphore_mem>>
      %dma_start3A_198 = arith.constant 0 : i32
      %dma_start3A_199 = arith.constant 0 : i32
      %dma_start3A_200 = tpu.memref_slice %arg3[%add3A, %dma_start3A_198, %dma_start3A_199] : memref<32x5x120xi32, #tpu.memory_space<hbm>> -> memref<1x5x120xi32, #tpu.memory_space<hbm>>
      %dma_start3A_201 = tpu.memref_squeeze %dma_start3A_200 : memref<1x5x120xi32, #tpu.memory_space<hbm>> -> memref<5x120xi32, #tpu.memory_space<hbm>>
      %dma_start3A_202 = arith.constant 0 : i32
      %dma_start3A_203 = arith.constant 0 : i32
      %dma_start3A_204 = tpu.memref_slice %arg3[%add3A, %dma_start3A_202, %dma_start3A_203] : memref<32x5x120xi32, #tpu.memory_space<hbm>> -> memref<1x5x120xi32, #tpu.memory_space<hbm>>
      %dma_start3A_205 = tpu.memref_squeeze %dma_start3A_204 : memref<1x5x120xi32, #tpu.memory_space<hbm>> -> memref<5x120xi32, #tpu.memory_space<hbm>>
      tpu.enqueue_dma source(%dma_start3A_205 : memref<5x120xi32, #tpu.memory_space<hbm>>) target(%arg5 : memref<5x120xi32, #tpu.memory_space<vmem>>) target_semaphore(%run_scoped3A : memref<!tpu.dma_semaphore, #tpu.memory_space<semaphore_mem>>)
      %dma_wait3A_206 = arith.constant 0 : i32
      %dma_wait3A_207 = arith.constant 0 : i32
      %dma_wait3A_208 = tpu.memref_slice %arg3[%add3A, %dma_wait3A_206, %dma_wait3A_207] : memref<32x5x120xi32, #tpu.memory_space<hbm>> -> memref<1x5x120xi32, #tpu.memory_space<hbm>>
      %dma_wait3A_209 = tpu.memref_squeeze %dma_wait3A_208 : memref<1x5x120xi32, #tpu.memory_space<hbm>> -> memref<5x120xi32, #tpu.memory_space<hbm>>
      %dma_wait3A_210 = arith.constant 0 : i32
      %dma_wait3A_211 = arith.constant 0 : i32
      %dma_wait3A_212 = tpu.memref_slice %arg3[%add3A, %dma_wait3A_210, %dma_wait3A_211] : memref<32x5x120xi32, #tpu.memory_space<hbm>> -> memref<1x5x120xi32, #tpu.memory_space<hbm>>
      %dma_wait3A_213 = tpu.memref_squeeze %dma_wait3A_212 : memref<1x5x120xi32, #tpu.memory_space<hbm>> -> memref<5x120xi32, #tpu.memory_space<hbm>>
      tpu.wait_dma2 semaphore(%run_scoped3A : memref<!tpu.dma_semaphore, #tpu.memory_space<semaphore_mem>>) src(%dma_wait3A_213 : memref<5x120xi32, #tpu.memory_space<hbm>>) dst(%arg5 : memref<5x120xi32, #tpu.memory_space<vmem>>)
      tpu.yield
    }) : () -> ()
    %dma_start3A = arith.constant 0 : i32
    %dma_start3A_1 = arith.constant 0 : i32
    %dma_start3A_2 = tpu.memref_slice %arg5[%dma_start3A, %dma_start3A_1] : memref<5x120xi32, #tpu.memory_space<vmem>> -> memref<1x120xi32, #tpu.memory_space<vmem>>
    %dma_start3A_3 = tpu.memref_squeeze %dma_start3A_2 : memref<1x120xi32, #tpu.memory_space<vmem>> -> memref<120xi32, #tpu.memory_space<vmem>>
    %dma_start3A_4 = arith.constant 0 : i32
    %dma_start3A_5 = arith.constant 0 : i32
    %dma_start3A_6 = tpu.memref_slice %arg2[%dma_start3A_4, %dma_start3A_5] : memref<100000x128xf32, #tpu.memory_space<hbm>> -> memref<100000x128xf32, #tpu.memory_space<hbm>>
    tpu.enqueue_indirect_dma source(%dma_start3A_6 : memref<100000x128xf32, #tpu.memory_space<hbm>>) target(%arg6 : memref<120x128xf32, #tpu.memory_space<vmem>>) offsets(%dma_start3A_3 : memref<120xi32, #tpu.memory_space<vmem>>) semaphore(%arg11 : memref<!tpu.dma_semaphore, #tpu.memory_space<semaphore_mem>>)
    %dma_start3A_7 = arith.constant 1 : i32
    %dma_start3A_8 = arith.constant 0 : i32
    %dma_start3A_9 = tpu.memref_slice %arg5[%dma_start3A_7, %dma_start3A_8] : memref<5x120xi32, #tpu.memory_space<vmem>> -> memref<1x120xi32, #tpu.memory_space<vmem>>
    %dma_start3A_10 = tpu.memref_squeeze %dma_start3A_9 : memref<1x120xi32, #tpu.memory_space<vmem>> -> memref<120xi32, #tpu.memory_space<vmem>>
    %dma_start3A_11 = arith.constant 0 : i32
    %dma_start3A_12 = arith.constant 0 : i32
    %dma_start3A_13 = tpu.memref_slice %arg2[%dma_start3A_11, %dma_start3A_12] : memref<100000x128xf32, #tpu.memory_space<hbm>> -> memref<100000x128xf32, #tpu.memory_space<hbm>>
    tpu.enqueue_indirect_dma source(%dma_start3A_13 : memref<100000x128xf32, #tpu.memory_space<hbm>>) target(%arg7 : memref<120x128xf32, #tpu.memory_space<vmem>>) offsets(%dma_start3A_10 : memref<120xi32, #tpu.memory_space<vmem>>) semaphore(%arg12 : memref<!tpu.dma_semaphore, #tpu.memory_space<semaphore_mem>>)
    %dma_start3A_14 = arith.constant 2 : i32
    %dma_start3A_15 = arith.constant 0 : i32
    %dma_start3A_16 = tpu.memref_slice %arg5[%dma_start3A_14, %dma_start3A_15] : memref<5x120xi32, #tpu.memory_space<vmem>> -> memref<1x120xi32, #tpu.memory_space<vmem>>
    %dma_start3A_17 = tpu.memref_squeeze %dma_start3A_16 : memref<1x120xi32, #tpu.memory_space<vmem>> -> memref<120xi32, #tpu.memory_space<vmem>>
    %dma_start3A_18 = arith.constant 0 : i32
    %dma_start3A_19 = arith.constant 0 : i32
    %dma_start3A_20 = tpu.memref_slice %arg2[%dma_start3A_18, %dma_start3A_19] : memref<100000x128xf32, #tpu.memory_space<hbm>> -> memref<100000x128xf32, #tpu.memory_space<hbm>>
    tpu.enqueue_indirect_dma source(%dma_start3A_20 : memref<100000x128xf32, #tpu.memory_space<hbm>>) target(%arg8 : memref<120x128xf32, #tpu.memory_space<vmem>>) offsets(%dma_start3A_17 : memref<120xi32, #tpu.memory_space<vmem>>) semaphore(%arg13 : memref<!tpu.dma_semaphore, #tpu.memory_space<semaphore_mem>>)
    %dma_start3A_21 = arith.constant 3 : i32
    %dma_start3A_22 = arith.constant 0 : i32
    %dma_start3A_23 = tpu.memref_slice %arg5[%dma_start3A_21, %dma_start3A_22] : memref<5x120xi32, #tpu.memory_space<vmem>> -> memref<1x120xi32, #tpu.memory_space<vmem>>
    %dma_start3A_24 = tpu.memref_squeeze %dma_start3A_23 : memref<1x120xi32, #tpu.memory_space<vmem>> -> memref<120xi32, #tpu.memory_space<vmem>>
    %dma_start3A_25 = arith.constant 0 : i32
    %dma_start3A_26 = arith.constant 0 : i32
    %dma_start3A_27 = tpu.memref_slice %arg2[%dma_start3A_25, %dma_start3A_26] : memref<100000x128xf32, #tpu.memory_space<hbm>> -> memref<100000x128xf32, #tpu.memory_space<hbm>>
    tpu.enqueue_indirect_dma source(%dma_start3A_27 : memref<100000x128xf32, #tpu.memory_space<hbm>>) target(%arg9 : memref<120x128xf32, #tpu.memory_space<vmem>>) offsets(%dma_start3A_24 : memref<120xi32, #tpu.memory_space<vmem>>) semaphore(%arg14 : memref<!tpu.dma_semaphore, #tpu.memory_space<semaphore_mem>>)
    %dma_start3A_28 = arith.constant 4 : i32
    %dma_start3A_29 = arith.constant 0 : i32
    %dma_start3A_30 = tpu.memref_slice %arg5[%dma_start3A_28, %dma_start3A_29] : memref<5x120xi32, #tpu.memory_space<vmem>> -> memref<1x120xi32, #tpu.memory_space<vmem>>
    %dma_start3A_31 = tpu.memref_squeeze %dma_start3A_30 : memref<1x120xi32, #tpu.memory_space<vmem>> -> memref<120xi32, #tpu.memory_space<vmem>>
    %dma_start3A_32 = arith.constant 0 : i32
    %dma_start3A_33 = arith.constant 0 : i32
    %dma_start3A_34 = tpu.memref_slice %arg2[%dma_start3A_32, %dma_start3A_33] : memref<100000x128xf32, #tpu.memory_space<hbm>> -> memref<100000x128xf32, #tpu.memory_space<hbm>>
    tpu.enqueue_indirect_dma source(%dma_start3A_34 : memref<100000x128xf32, #tpu.memory_space<hbm>>) target(%arg10 : memref<120x128xf32, #tpu.memory_space<vmem>>) offsets(%dma_start3A_31 : memref<120xi32, #tpu.memory_space<vmem>>) semaphore(%arg15 : memref<!tpu.dma_semaphore, #tpu.memory_space<semaphore_mem>>)
    %scan3A = arith.constant 0 : i32
    %scan3A_35 = arith.constant 0 : i32
    %mul3A_36 = arith.constant 5 : i32
    %mul3A_37 = arith.muli %scan3A_35, %mul3A_36 : i32
    %add3A_38 = arith.constant 0 : i32
    %add3A_39 = arith.addi %mul3A_37, %add3A_38 : i32
    %dma_wait3A = arith.constant 0 : i32
    %dma_wait3A_40 = arith.constant 0 : i32
    %dma_wait3A_41 = tpu.memref_slice %arg5[%dma_wait3A, %dma_wait3A_40] : memref<5x120xi32, #tpu.memory_space<vmem>> -> memref<1x120xi32, #tpu.memory_space<vmem>>
    %dma_wait3A_42 = tpu.memref_squeeze %dma_wait3A_41 : memref<1x120xi32, #tpu.memory_space<vmem>> -> memref<120xi32, #tpu.memory_space<vmem>>
    %dma_wait3A_43 = arith.constant 0 : i32
    %dma_wait3A_44 = arith.constant 0 : i32
    %dma_wait3A_45 = tpu.memref_slice %arg2[%dma_wait3A_43, %dma_wait3A_44] : memref<100000x128xf32, #tpu.memory_space<hbm>> -> memref<100000x128xf32, #tpu.memory_space<hbm>>
    tpu.wait_indirect_dma semaphore(%arg11 : memref<!tpu.dma_semaphore, #tpu.memory_space<semaphore_mem>>) src(%dma_wait3A_45 : memref<100000x128xf32, #tpu.memory_space<hbm>>) dst(%arg6 : memref<120x128xf32, #tpu.memory_space<vmem>>)
    %mul3A_46 = arith.constant 5 : i32
    %mul3A_47 = arith.muli %add3A, %mul3A_46 : i32
    %add3A_48 = arith.addi %mul3A_47, %add3A_39 : i32
    %mul3A_49 = arith.constant 120 : i32
    %mul3A_50 = arith.muli %add3A_48, %mul3A_49 : i32
    %dma_start3A_51 = arith.constant 0 : i32
    %dma_start3A_52 = tpu.memref_slice %arg4[%mul3A_50, %dma_start3A_51] : memref<19200x128xf32, #tpu.memory_space<hbm>> -> memref<120x128xf32, #tpu.memory_space<hbm>>
    %dma_start3A_53 = arith.constant 0 : i32
    %dma_start3A_54 = tpu.memref_slice %arg4[%mul3A_50, %dma_start3A_53] : memref<19200x128xf32, #tpu.memory_space<hbm>> -> memref<120x128xf32, #tpu.memory_space<hbm>>
    tpu.enqueue_dma source(%arg6 : memref<120x128xf32, #tpu.memory_space<vmem>>) target(%dma_start3A_54 : memref<120x128xf32, #tpu.memory_space<hbm>>) target_semaphore(%arg16 : memref<!tpu.dma_semaphore, #tpu.memory_space<semaphore_mem>>)
    %add3A_55 = arith.constant 5 : i32
    %add3A_56 = arith.addi %add3A_39, %add3A_55 : i32
    %lt3A = arith.constant 5 : i32
    %lt3A_57 = arith.cmpi slt, %add3A_56, %lt3A : i32
    %convert_element_type3A = arith.extui %lt3A_57 : i1 to i32
    %cond3A = arith.constant 0 : i32
    %cond3A_58 = arith.cmpi ne, %convert_element_type3A, %cond3A : i32
    scf.if %cond3A_58 {
      %dma_wait3A_198 = arith.constant 0 : i32
      %dma_wait3A_199 = arith.constant 0 : i32
      %dma_wait3A_200 = tpu.memref_slice %arg4[%dma_wait3A_198, %dma_wait3A_199] : memref<19200x128xf32, #tpu.memory_space<hbm>> -> memref<120x128xf32, #tpu.memory_space<hbm>>
      %dma_wait3A_201 = arith.constant 0 : i32
      %dma_wait3A_202 = arith.constant 0 : i32
      %dma_wait3A_203 = tpu.memref_slice %arg4[%dma_wait3A_201, %dma_wait3A_202] : memref<19200x128xf32, #tpu.memory_space<hbm>> -> memref<120x128xf32, #tpu.memory_space<hbm>>
      tpu.wait_dma2 semaphore(%arg16 : memref<!tpu.dma_semaphore, #tpu.memory_space<semaphore_mem>>) src(%arg6 : memref<120x128xf32, #tpu.memory_space<vmem>>) dst(%dma_wait3A_203 : memref<120x128xf32, #tpu.memory_space<hbm>>)
      %add3A_204 = arith.constant 5 : i32
      %add3A_205 = arith.addi %add3A_39, %add3A_204 : i32
      %dma_start3A_206 = arith.constant 0 : i32
      %dma_start3A_207 = tpu.memref_slice %arg5[%add3A_205, %dma_start3A_206] : memref<5x120xi32, #tpu.memory_space<vmem>> -> memref<1x120xi32, #tpu.memory_space<vmem>>
      %dma_start3A_208 = tpu.memref_squeeze %dma_start3A_207 : memref<1x120xi32, #tpu.memory_space<vmem>> -> memref<120xi32, #tpu.memory_space<vmem>>
      %dma_start3A_209 = arith.constant 0 : i32
      %dma_start3A_210 = arith.constant 0 : i32
      %dma_start3A_211 = tpu.memref_slice %arg2[%dma_start3A_209, %dma_start3A_210] : memref<100000x128xf32, #tpu.memory_space<hbm>> -> memref<100000x128xf32, #tpu.memory_space<hbm>>
      tpu.enqueue_indirect_dma source(%dma_start3A_211 : memref<100000x128xf32, #tpu.memory_space<hbm>>) target(%arg6 : memref<120x128xf32, #tpu.memory_space<vmem>>) offsets(%dma_start3A_208 : memref<120xi32, #tpu.memory_space<vmem>>) semaphore(%arg11 : memref<!tpu.dma_semaphore, #tpu.memory_space<semaphore_mem>>)
    } else {
    }
    %mul3A_59 = arith.constant 5 : i32
    %mul3A_60 = arith.muli %scan3A_35, %mul3A_59 : i32
    %add3A_61 = arith.constant 1 : i32
    %add3A_62 = arith.addi %mul3A_60, %add3A_61 : i32
    %dma_wait3A_63 = arith.constant 0 : i32
    %dma_wait3A_64 = arith.constant 0 : i32
    %dma_wait3A_65 = tpu.memref_slice %arg5[%dma_wait3A_63, %dma_wait3A_64] : memref<5x120xi32, #tpu.memory_space<vmem>> -> memref<1x120xi32, #tpu.memory_space<vmem>>
    %dma_wait3A_66 = tpu.memref_squeeze %dma_wait3A_65 : memref<1x120xi32, #tpu.memory_space<vmem>> -> memref<120xi32, #tpu.memory_space<vmem>>
    %dma_wait3A_67 = arith.constant 0 : i32
    %dma_wait3A_68 = arith.constant 0 : i32
    %dma_wait3A_69 = tpu.memref_slice %arg2[%dma_wait3A_67, %dma_wait3A_68] : memref<100000x128xf32, #tpu.memory_space<hbm>> -> memref<100000x128xf32, #tpu.memory_space<hbm>>
    tpu.wait_indirect_dma semaphore(%arg12 : memref<!tpu.dma_semaphore, #tpu.memory_space<semaphore_mem>>) src(%dma_wait3A_69 : memref<100000x128xf32, #tpu.memory_space<hbm>>) dst(%arg7 : memref<120x128xf32, #tpu.memory_space<vmem>>)
    %mul3A_70 = arith.constant 5 : i32
    %mul3A_71 = arith.muli %add3A, %mul3A_70 : i32
    %add3A_72 = arith.addi %mul3A_71, %add3A_62 : i32
    %mul3A_73 = arith.constant 120 : i32
    %mul3A_74 = arith.muli %add3A_72, %mul3A_73 : i32
    %dma_start3A_75 = arith.constant 0 : i32
    %dma_start3A_76 = tpu.memref_slice %arg4[%mul3A_74, %dma_start3A_75] : memref<19200x128xf32, #tpu.memory_space<hbm>> -> memref<120x128xf32, #tpu.memory_space<hbm>>
    %dma_start3A_77 = arith.constant 0 : i32
    %dma_start3A_78 = tpu.memref_slice %arg4[%mul3A_74, %dma_start3A_77] : memref<19200x128xf32, #tpu.memory_space<hbm>> -> memref<120x128xf32, #tpu.memory_space<hbm>>
    tpu.enqueue_dma source(%arg7 : memref<120x128xf32, #tpu.memory_space<vmem>>) target(%dma_start3A_78 : memref<120x128xf32, #tpu.memory_space<hbm>>) target_semaphore(%arg17 : memref<!tpu.dma_semaphore, #tpu.memory_space<semaphore_mem>>)
    %add3A_79 = arith.constant 5 : i32
    %add3A_80 = arith.addi %add3A_62, %add3A_79 : i32
    %lt3A_81 = arith.constant 5 : i32
    %lt3A_82 = arith.cmpi slt, %add3A_80, %lt3A_81 : i32
    %convert_element_type3A_83 = arith.extui %lt3A_82 : i1 to i32
    %cond3A_84 = arith.constant 0 : i32
    %cond3A_85 = arith.cmpi ne, %convert_element_type3A_83, %cond3A_84 : i32
    scf.if %cond3A_85 {
      %dma_wait3A_198 = arith.constant 0 : i32
      %dma_wait3A_199 = arith.constant 0 : i32
      %dma_wait3A_200 = tpu.memref_slice %arg4[%dma_wait3A_198, %dma_wait3A_199] : memref<19200x128xf32, #tpu.memory_space<hbm>> -> memref<120x128xf32, #tpu.memory_space<hbm>>
      %dma_wait3A_201 = arith.constant 0 : i32
      %dma_wait3A_202 = arith.constant 0 : i32
      %dma_wait3A_203 = tpu.memref_slice %arg4[%dma_wait3A_201, %dma_wait3A_202] : memref<19200x128xf32, #tpu.memory_space<hbm>> -> memref<120x128xf32, #tpu.memory_space<hbm>>
      tpu.wait_dma2 semaphore(%arg17 : memref<!tpu.dma_semaphore, #tpu.memory_space<semaphore_mem>>) src(%arg7 : memref<120x128xf32, #tpu.memory_space<vmem>>) dst(%dma_wait3A_203 : memref<120x128xf32, #tpu.memory_space<hbm>>)
      %add3A_204 = arith.constant 5 : i32
      %add3A_205 = arith.addi %add3A_62, %add3A_204 : i32
      %dma_start3A_206 = arith.constant 0 : i32
      %dma_start3A_207 = tpu.memref_slice %arg5[%add3A_205, %dma_start3A_206] : memref<5x120xi32, #tpu.memory_space<vmem>> -> memref<1x120xi32, #tpu.memory_space<vmem>>
      %dma_start3A_208 = tpu.memref_squeeze %dma_start3A_207 : memref<1x120xi32, #tpu.memory_space<vmem>> -> memref<120xi32, #tpu.memory_space<vmem>>
      %dma_start3A_209 = arith.constant 0 : i32
      %dma_start3A_210 = arith.constant 0 : i32
      %dma_start3A_211 = tpu.memref_slice %arg2[%dma_start3A_209, %dma_start3A_210] : memref<100000x128xf32, #tpu.memory_space<hbm>> -> memref<100000x128xf32, #tpu.memory_space<hbm>>
      tpu.enqueue_indirect_dma source(%dma_start3A_211 : memref<100000x128xf32, #tpu.memory_space<hbm>>) target(%arg7 : memref<120x128xf32, #tpu.memory_space<vmem>>) offsets(%dma_start3A_208 : memref<120xi32, #tpu.memory_space<vmem>>) semaphore(%arg12 : memref<!tpu.dma_semaphore, #tpu.memory_space<semaphore_mem>>)
    } else {
    }
    %mul3A_86 = arith.constant 5 : i32
    %mul3A_87 = arith.muli %scan3A_35, %mul3A_86 : i32
    %add3A_88 = arith.constant 2 : i32
    %add3A_89 = arith.addi %mul3A_87, %add3A_88 : i32
    %dma_wait3A_90 = arith.constant 0 : i32
    %dma_wait3A_91 = arith.constant 0 : i32
    %dma_wait3A_92 = tpu.memref_slice %arg5[%dma_wait3A_90, %dma_wait3A_91] : memref<5x120xi32, #tpu.memory_space<vmem>> -> memref<1x120xi32, #tpu.memory_space<vmem>>
    %dma_wait3A_93 = tpu.memref_squeeze %dma_wait3A_92 : memref<1x120xi32, #tpu.memory_space<vmem>> -> memref<120xi32, #tpu.memory_space<vmem>>
    %dma_wait3A_94 = arith.constant 0 : i32
    %dma_wait3A_95 = arith.constant 0 : i32
    %dma_wait3A_96 = tpu.memref_slice %arg2[%dma_wait3A_94, %dma_wait3A_95] : memref<100000x128xf32, #tpu.memory_space<hbm>> -> memref<100000x128xf32, #tpu.memory_space<hbm>>
    tpu.wait_indirect_dma semaphore(%arg13 : memref<!tpu.dma_semaphore, #tpu.memory_space<semaphore_mem>>) src(%dma_wait3A_96 : memref<100000x128xf32, #tpu.memory_space<hbm>>) dst(%arg8 : memref<120x128xf32, #tpu.memory_space<vmem>>)
    %mul3A_97 = arith.constant 5 : i32
    %mul3A_98 = arith.muli %add3A, %mul3A_97 : i32
    %add3A_99 = arith.addi %mul3A_98, %add3A_89 : i32
    %mul3A_100 = arith.constant 120 : i32
    %mul3A_101 = arith.muli %add3A_99, %mul3A_100 : i32
    %dma_start3A_102 = arith.constant 0 : i32
    %dma_start3A_103 = tpu.memref_slice %arg4[%mul3A_101, %dma_start3A_102] : memref<19200x128xf32, #tpu.memory_space<hbm>> -> memref<120x128xf32, #tpu.memory_space<hbm>>
    %dma_start3A_104 = arith.constant 0 : i32
    %dma_start3A_105 = tpu.memref_slice %arg4[%mul3A_101, %dma_start3A_104] : memref<19200x128xf32, #tpu.memory_space<hbm>> -> memref<120x128xf32, #tpu.memory_space<hbm>>
    tpu.enqueue_dma source(%arg8 : memref<120x128xf32, #tpu.memory_space<vmem>>) target(%dma_start3A_105 : memref<120x128xf32, #tpu.memory_space<hbm>>) target_semaphore(%arg18 : memref<!tpu.dma_semaphore, #tpu.memory_space<semaphore_mem>>)
    %add3A_106 = arith.constant 5 : i32
    %add3A_107 = arith.addi %add3A_89, %add3A_106 : i32
    %lt3A_108 = arith.constant 5 : i32
    %lt3A_109 = arith.cmpi slt, %add3A_107, %lt3A_108 : i32
    %convert_element_type3A_110 = arith.extui %lt3A_109 : i1 to i32
    %cond3A_111 = arith.constant 0 : i32
    %cond3A_112 = arith.cmpi ne, %convert_element_type3A_110, %cond3A_111 : i32
    scf.if %cond3A_112 {
      %dma_wait3A_198 = arith.constant 0 : i32
      %dma_wait3A_199 = arith.constant 0 : i32
      %dma_wait3A_200 = tpu.memref_slice %arg4[%dma_wait3A_198, %dma_wait3A_199] : memref<19200x128xf32, #tpu.memory_space<hbm>> -> memref<120x128xf32, #tpu.memory_space<hbm>>
      %dma_wait3A_201 = arith.constant 0 : i32
      %dma_wait3A_202 = arith.constant 0 : i32
      %dma_wait3A_203 = tpu.memref_slice %arg4[%dma_wait3A_201, %dma_wait3A_202] : memref<19200x128xf32, #tpu.memory_space<hbm>> -> memref<120x128xf32, #tpu.memory_space<hbm>>
      tpu.wait_dma2 semaphore(%arg18 : memref<!tpu.dma_semaphore, #tpu.memory_space<semaphore_mem>>) src(%arg8 : memref<120x128xf32, #tpu.memory_space<vmem>>) dst(%dma_wait3A_203 : memref<120x128xf32, #tpu.memory_space<hbm>>)
      %add3A_204 = arith.constant 5 : i32
      %add3A_205 = arith.addi %add3A_89, %add3A_204 : i32
      %dma_start3A_206 = arith.constant 0 : i32
      %dma_start3A_207 = tpu.memref_slice %arg5[%add3A_205, %dma_start3A_206] : memref<5x120xi32, #tpu.memory_space<vmem>> -> memref<1x120xi32, #tpu.memory_space<vmem>>
      %dma_start3A_208 = tpu.memref_squeeze %dma_start3A_207 : memref<1x120xi32, #tpu.memory_space<vmem>> -> memref<120xi32, #tpu.memory_space<vmem>>
      %dma_start3A_209 = arith.constant 0 : i32
      %dma_start3A_210 = arith.constant 0 : i32
      %dma_start3A_211 = tpu.memref_slice %arg2[%dma_start3A_209, %dma_start3A_210] : memref<100000x128xf32, #tpu.memory_space<hbm>> -> memref<100000x128xf32, #tpu.memory_space<hbm>>
      tpu.enqueue_indirect_dma source(%dma_start3A_211 : memref<100000x128xf32, #tpu.memory_space<hbm>>) target(%arg8 : memref<120x128xf32, #tpu.memory_space<vmem>>) offsets(%dma_start3A_208 : memref<120xi32, #tpu.memory_space<vmem>>) semaphore(%arg13 : memref<!tpu.dma_semaphore, #tpu.memory_space<semaphore_mem>>)
    } else {
    }
    %mul3A_113 = arith.constant 5 : i32
    %mul3A_114 = arith.muli %scan3A_35, %mul3A_113 : i32
    %add3A_115 = arith.constant 3 : i32
    %add3A_116 = arith.addi %mul3A_114, %add3A_115 : i32
    %dma_wait3A_117 = arith.constant 0 : i32
    %dma_wait3A_118 = arith.constant 0 : i32
    %dma_wait3A_119 = tpu.memref_slice %arg5[%dma_wait3A_117, %dma_wait3A_118] : memref<5x120xi32, #tpu.memory_space<vmem>> -> memref<1x120xi32, #tpu.memory_space<vmem>>
    %dma_wait3A_120 = tpu.memref_squeeze %dma_wait3A_119 : memref<1x120xi32, #tpu.memory_space<vmem>> -> memref<120xi32, #tpu.memory_space<vmem>>
    %dma_wait3A_121 = arith.constant 0 : i32
    %dma_wait3A_122 = arith.constant 0 : i32
    %dma_wait3A_123 = tpu.memref_slice %arg2[%dma_wait3A_121, %dma_wait3A_122] : memref<100000x128xf32, #tpu.memory_space<hbm>> -> memref<100000x128xf32, #tpu.memory_space<hbm>>
    tpu.wait_indirect_dma semaphore(%arg14 : memref<!tpu.dma_semaphore, #tpu.memory_space<semaphore_mem>>) src(%dma_wait3A_123 : memref<100000x128xf32, #tpu.memory_space<hbm>>) dst(%arg9 : memref<120x128xf32, #tpu.memory_space<vmem>>)
    %mul3A_124 = arith.constant 5 : i32
    %mul3A_125 = arith.muli %add3A, %mul3A_124 : i32
    %add3A_126 = arith.addi %mul3A_125, %add3A_116 : i32
    %mul3A_127 = arith.constant 120 : i32
    %mul3A_128 = arith.muli %add3A_126, %mul3A_127 : i32
    %dma_start3A_129 = arith.constant 0 : i32
    %dma_start3A_130 = tpu.memref_slice %arg4[%mul3A_128, %dma_start3A_129] : memref<19200x128xf32, #tpu.memory_space<hbm>> -> memref<120x128xf32, #tpu.memory_space<hbm>>
    %dma_start3A_131 = arith.constant 0 : i32
    %dma_start3A_132 = tpu.memref_slice %arg4[%mul3A_128, %dma_start3A_131] : memref<19200x128xf32, #tpu.memory_space<hbm>> -> memref<120x128xf32, #tpu.memory_space<hbm>>
    tpu.enqueue_dma source(%arg9 : memref<120x128xf32, #tpu.memory_space<vmem>>) target(%dma_start3A_132 : memref<120x128xf32, #tpu.memory_space<hbm>>) target_semaphore(%arg19 : memref<!tpu.dma_semaphore, #tpu.memory_space<semaphore_mem>>)
    %add3A_133 = arith.constant 5 : i32
    %add3A_134 = arith.addi %add3A_116, %add3A_133 : i32
    %lt3A_135 = arith.constant 5 : i32
    %lt3A_136 = arith.cmpi slt, %add3A_134, %lt3A_135 : i32
    %convert_element_type3A_137 = arith.extui %lt3A_136 : i1 to i32
    %cond3A_138 = arith.constant 0 : i32
    %cond3A_139 = arith.cmpi ne, %convert_element_type3A_137, %cond3A_138 : i32
    scf.if %cond3A_139 {
      %dma_wait3A_198 = arith.constant 0 : i32
      %dma_wait3A_199 = arith.constant 0 : i32
      %dma_wait3A_200 = tpu.memref_slice %arg4[%dma_wait3A_198, %dma_wait3A_199] : memref<19200x128xf32, #tpu.memory_space<hbm>> -> memref<120x128xf32, #tpu.memory_space<hbm>>
      %dma_wait3A_201 = arith.constant 0 : i32
      %dma_wait3A_202 = arith.constant 0 : i32
      %dma_wait3A_203 = tpu.memref_slice %arg4[%dma_wait3A_201, %dma_wait3A_202] : memref<19200x128xf32, #tpu.memory_space<hbm>> -> memref<120x128xf32, #tpu.memory_space<hbm>>
      tpu.wait_dma2 semaphore(%arg19 : memref<!tpu.dma_semaphore, #tpu.memory_space<semaphore_mem>>) src(%arg9 : memref<120x128xf32, #tpu.memory_space<vmem>>) dst(%dma_wait3A_203 : memref<120x128xf32, #tpu.memory_space<hbm>>)
      %add3A_204 = arith.constant 5 : i32
      %add3A_205 = arith.addi %add3A_116, %add3A_204 : i32
      %dma_start3A_206 = arith.constant 0 : i32
      %dma_start3A_207 = tpu.memref_slice %arg5[%add3A_205, %dma_start3A_206] : memref<5x120xi32, #tpu.memory_space<vmem>> -> memref<1x120xi32, #tpu.memory_space<vmem>>
      %dma_start3A_208 = tpu.memref_squeeze %dma_start3A_207 : memref<1x120xi32, #tpu.memory_space<vmem>> -> memref<120xi32, #tpu.memory_space<vmem>>
      %dma_start3A_209 = arith.constant 0 : i32
      %dma_start3A_210 = arith.constant 0 : i32
      %dma_start3A_211 = tpu.memref_slice %arg2[%dma_start3A_209, %dma_start3A_210] : memref<100000x128xf32, #tpu.memory_space<hbm>> -> memref<100000x128xf32, #tpu.memory_space<hbm>>
      tpu.enqueue_indirect_dma source(%dma_start3A_211 : memref<100000x128xf32, #tpu.memory_space<hbm>>) target(%arg9 : memref<120x128xf32, #tpu.memory_space<vmem>>) offsets(%dma_start3A_208 : memref<120xi32, #tpu.memory_space<vmem>>) semaphore(%arg14 : memref<!tpu.dma_semaphore, #tpu.memory_space<semaphore_mem>>)
    } else {
    }
    %mul3A_140 = arith.constant 5 : i32
    %mul3A_141 = arith.muli %scan3A_35, %mul3A_140 : i32
    %add3A_142 = arith.constant 4 : i32
    %add3A_143 = arith.addi %mul3A_141, %add3A_142 : i32
    %dma_wait3A_144 = arith.constant 0 : i32
    %dma_wait3A_145 = arith.constant 0 : i32
    %dma_wait3A_146 = tpu.memref_slice %arg5[%dma_wait3A_144, %dma_wait3A_145] : memref<5x120xi32, #tpu.memory_space<vmem>> -> memref<1x120xi32, #tpu.memory_space<vmem>>
    %dma_wait3A_147 = tpu.memref_squeeze %dma_wait3A_146 : memref<1x120xi32, #tpu.memory_space<vmem>> -> memref<120xi32, #tpu.memory_space<vmem>>
    %dma_wait3A_148 = arith.constant 0 : i32
    %dma_wait3A_149 = arith.constant 0 : i32
    %dma_wait3A_150 = tpu.memref_slice %arg2[%dma_wait3A_148, %dma_wait3A_149] : memref<100000x128xf32, #tpu.memory_space<hbm>> -> memref<100000x128xf32, #tpu.memory_space<hbm>>
    tpu.wait_indirect_dma semaphore(%arg15 : memref<!tpu.dma_semaphore, #tpu.memory_space<semaphore_mem>>) src(%dma_wait3A_150 : memref<100000x128xf32, #tpu.memory_space<hbm>>) dst(%arg10 : memref<120x128xf32, #tpu.memory_space<vmem>>)
    %mul3A_151 = arith.constant 5 : i32
    %mul3A_152 = arith.muli %add3A, %mul3A_151 : i32
    %add3A_153 = arith.addi %mul3A_152, %add3A_143 : i32
    %mul3A_154 = arith.constant 120 : i32
    %mul3A_155 = arith.muli %add3A_153, %mul3A_154 : i32
    %dma_start3A_156 = arith.constant 0 : i32
    %dma_start3A_157 = tpu.memref_slice %arg4[%mul3A_155, %dma_start3A_156] : memref<19200x128xf32, #tpu.memory_space<hbm>> -> memref<120x128xf32, #tpu.memory_space<hbm>>
    %dma_start3A_158 = arith.constant 0 : i32
    %dma_start3A_159 = tpu.memref_slice %arg4[%mul3A_155, %dma_start3A_158] : memref<19200x128xf32, #tpu.memory_space<hbm>> -> memref<120x128xf32, #tpu.memory_space<hbm>>
    tpu.enqueue_dma source(%arg10 : memref<120x128xf32, #tpu.memory_space<vmem>>) target(%dma_start3A_159 : memref<120x128xf32, #tpu.memory_space<hbm>>) target_semaphore(%arg20 : memref<!tpu.dma_semaphore, #tpu.memory_space<semaphore_mem>>)
    %add3A_160 = arith.constant 5 : i32
    %add3A_161 = arith.addi %add3A_143, %add3A_160 : i32
    %lt3A_162 = arith.constant 5 : i32
    %lt3A_163 = arith.cmpi slt, %add3A_161, %lt3A_162 : i32
    %convert_element_type3A_164 = arith.extui %lt3A_163 : i1 to i32
    %cond3A_165 = arith.constant 0 : i32
    %cond3A_166 = arith.cmpi ne, %convert_element_type3A_164, %cond3A_165 : i32
    scf.if %cond3A_166 {
      %dma_wait3A_198 = arith.constant 0 : i32
      %dma_wait3A_199 = arith.constant 0 : i32
      %dma_wait3A_200 = tpu.memref_slice %arg4[%dma_wait3A_198, %dma_wait3A_199] : memref<19200x128xf32, #tpu.memory_space<hbm>> -> memref<120x128xf32, #tpu.memory_space<hbm>>
      %dma_wait3A_201 = arith.constant 0 : i32
      %dma_wait3A_202 = arith.constant 0 : i32
      %dma_wait3A_203 = tpu.memref_slice %arg4[%dma_wait3A_201, %dma_wait3A_202] : memref<19200x128xf32, #tpu.memory_space<hbm>> -> memref<120x128xf32, #tpu.memory_space<hbm>>
      tpu.wait_dma2 semaphore(%arg20 : memref<!tpu.dma_semaphore, #tpu.memory_space<semaphore_mem>>) src(%arg10 : memref<120x128xf32, #tpu.memory_space<vmem>>) dst(%dma_wait3A_203 : memref<120x128xf32, #tpu.memory_space<hbm>>)
      %add3A_204 = arith.constant 5 : i32
      %add3A_205 = arith.addi %add3A_143, %add3A_204 : i32
      %dma_start3A_206 = arith.constant 0 : i32
      %dma_start3A_207 = tpu.memref_slice %arg5[%add3A_205, %dma_start3A_206] : memref<5x120xi32, #tpu.memory_space<vmem>> -> memref<1x120xi32, #tpu.memory_space<vmem>>
      %dma_start3A_208 = tpu.memref_squeeze %dma_start3A_207 : memref<1x120xi32, #tpu.memory_space<vmem>> -> memref<120xi32, #tpu.memory_space<vmem>>
      %dma_start3A_209 = arith.constant 0 : i32
      %dma_start3A_210 = arith.constant 0 : i32
      %dma_start3A_211 = tpu.memref_slice %arg2[%dma_start3A_209, %dma_start3A_210] : memref<100000x128xf32, #tpu.memory_space<hbm>> -> memref<100000x128xf32, #tpu.memory_space<hbm>>
      tpu.enqueue_indirect_dma source(%dma_start3A_211 : memref<100000x128xf32, #tpu.memory_space<hbm>>) target(%arg10 : memref<120x128xf32, #tpu.memory_space<vmem>>) offsets(%dma_start3A_208 : memref<120xi32, #tpu.memory_space<vmem>>) semaphore(%arg15 : memref<!tpu.dma_semaphore, #tpu.memory_space<semaphore_mem>>)
    } else {
    }
    %scan3A_167 = arith.constant 1 : i32
    %dma_wait3A_168 = arith.constant 0 : i32
    %dma_wait3A_169 = arith.constant 0 : i32
    %dma_wait3A_170 = tpu.memref_slice %arg4[%dma_wait3A_168, %dma_wait3A_169] : memref<19200x128xf32, #tpu.memory_space<hbm>> -> memref<120x128xf32, #tpu.memory_space<hbm>>
    %dma_wait3A_171 = arith.constant 0 : i32
    %dma_wait3A_172 = arith.constant 0 : i32
    %dma_wait3A_173 = tpu.memref_slice %arg4[%dma_wait3A_171, %dma_wait3A_172] : memref<19200x128xf32, #tpu.memory_space<hbm>> -> memref<120x128xf32, #tpu.memory_space<hbm>>
    tpu.wait_dma2 semaphore(%arg16 : memref<!tpu.dma_semaphore, #tpu.memory_space<semaphore_mem>>) src(%arg6 : memref<120x128xf32, #tpu.memory_space<vmem>>) dst(%dma_wait3A_173 : memref<120x128xf32, #tpu.memory_space<hbm>>)
    %dma_wait3A_174 = arith.constant 0 : i32
    %dma_wait3A_175 = arith.constant 0 : i32
    %dma_wait3A_176 = tpu.memref_slice %arg4[%dma_wait3A_174, %dma_wait3A_175] : memref<19200x128xf32, #tpu.memory_space<hbm>> -> memref<120x128xf32, #tpu.memory_space<hbm>>
    %dma_wait3A_177 = arith.constant 0 : i32
    %dma_wait3A_178 = arith.constant 0 : i32
    %dma_wait3A_179 = tpu.memref_slice %arg4[%dma_wait3A_177, %dma_wait3A_178] : memref<19200x128xf32, #tpu.memory_space<hbm>> -> memref<120x128xf32, #tpu.memory_space<hbm>>
    tpu.wait_dma2 semaphore(%arg17 : memref<!tpu.dma_semaphore, #tpu.memory_space<semaphore_mem>>) src(%arg7 : memref<120x128xf32, #tpu.memory_space<vmem>>) dst(%dma_wait3A_179 : memref<120x128xf32, #tpu.memory_space<hbm>>)
    %dma_wait3A_180 = arith.constant 0 : i32
    %dma_wait3A_181 = arith.constant 0 : i32
    %dma_wait3A_182 = tpu.memref_slice %arg4[%dma_wait3A_180, %dma_wait3A_181] : memref<19200x128xf32, #tpu.memory_space<hbm>> -> memref<120x128xf32, #tpu.memory_space<hbm>>
    %dma_wait3A_183 = arith.constant 0 : i32
    %dma_wait3A_184 = arith.constant 0 : i32
    %dma_wait3A_185 = tpu.memref_slice %arg4[%dma_wait3A_183, %dma_wait3A_184] : memref<19200x128xf32, #tpu.memory_space<hbm>> -> memref<120x128xf32, #tpu.memory_space<hbm>>
    tpu.wait_dma2 semaphore(%arg18 : memref<!tpu.dma_semaphore, #tpu.memory_space<semaphore_mem>>) src(%arg8 : memref<120x128xf32, #tpu.memory_space<vmem>>) dst(%dma_wait3A_185 : memref<120x128xf32, #tpu.memory_space<hbm>>)
    %dma_wait3A_186 = arith.constant 0 : i32
    %dma_wait3A_187 = arith.constant 0 : i32
    %dma_wait3A_188 = tpu.memref_slice %arg4[%dma_wait3A_186, %dma_wait3A_187] : memref<19200x128xf32, #tpu.memory_space<hbm>> -> memref<120x128xf32, #tpu.memory_space<hbm>>
    %dma_wait3A_189 = arith.constant 0 : i32
    %dma_wait3A_190 = arith.constant 0 : i32
    %dma_wait3A_191 = tpu.memref_slice %arg4[%dma_wait3A_189, %dma_wait3A_190] : memref<19200x128xf32, #tpu.memory_space<hbm>> -> memref<120x128xf32, #tpu.memory_space<hbm>>
    tpu.wait_dma2 semaphore(%arg19 : memref<!tpu.dma_semaphore, #tpu.memory_space<semaphore_mem>>) src(%arg9 : memref<120x128xf32, #tpu.memory_space<vmem>>) dst(%dma_wait3A_191 : memref<120x128xf32, #tpu.memory_space<hbm>>)
    %dma_wait3A_192 = arith.constant 0 : i32
    %dma_wait3A_193 = arith.constant 0 : i32
    %dma_wait3A_194 = tpu.memref_slice %arg4[%dma_wait3A_192, %dma_wait3A_193] : memref<19200x128xf32, #tpu.memory_space<hbm>> -> memref<120x128xf32, #tpu.memory_space<hbm>>
    %dma_wait3A_195 = arith.constant 0 : i32
    %dma_wait3A_196 = arith.constant 0 : i32
    %dma_wait3A_197 = tpu.memref_slice %arg4[%dma_wait3A_195, %dma_wait3A_196] : memref<19200x128xf32, #tpu.memory_space<hbm>> -> memref<120x128xf32, #tpu.memory_space<hbm>>
    tpu.wait_dma2 semaphore(%arg20 : memref<!tpu.dma_semaphore, #tpu.memory_space<semaphore_mem>>) src(%arg10 : memref<120x128xf32, #tpu.memory_space<vmem>>) dst(%dma_wait3A_197 : memref<120x128xf32, #tpu.memory_space<hbm>>)
    return
  }
}

#map = affine_map<(d0, d1) -> (0, 0)>
#map1 = affine_map<(d0, d1) -> (0, 0, 0)>
module attributes {stable_mosaic.version = 14 : i64} {
  func.func @body(%arg0: i32, %arg1: i32, %arg2: memref<100000x128xf32, #tpu.memory_space<hbm>>, %arg3: memref<32x75x96xi32, #tpu.memory_space<hbm>>, %arg4: memref<230400x128xf32, #tpu.memory_space<hbm>>, %arg5: memref<75x96xi32, #tpu.memory_space<vmem>>, %arg6: memref<96x128xf32, #tpu.memory_space<vmem>>, %arg7: memref<96x128xf32, #tpu.memory_space<vmem>>, %arg8: memref<96x128xf32, #tpu.memory_space<vmem>>, %arg9: memref<96x128xf32, #tpu.memory_space<vmem>>, %arg10: memref<96x128xf32, #tpu.memory_space<vmem>>, %arg11: memref<!tpu.dma_semaphore, #tpu.memory_space<semaphore_mem>>, %arg12: memref<!tpu.dma_semaphore, #tpu.memory_space<semaphore_mem>>, %arg13: memref<!tpu.dma_semaphore, #tpu.memory_space<semaphore_mem>>, %arg14: memref<!tpu.dma_semaphore, #tpu.memory_space<semaphore_mem>>, %arg15: memref<!tpu.dma_semaphore, #tpu.memory_space<semaphore_mem>>, %arg16: memref<!tpu.dma_semaphore, #tpu.memory_space<semaphore_mem>>, %arg17: memref<!tpu.dma_semaphore, #tpu.memory_space<semaphore_mem>>, %arg18: memref<!tpu.dma_semaphore, #tpu.memory_space<semaphore_mem>>, %arg19: memref<!tpu.dma_semaphore, #tpu.memory_space<semaphore_mem>>, %arg20: memref<!tpu.dma_semaphore, #tpu.memory_space<semaphore_mem>>) attributes {dimension_semantics = [#tpu.dimension_semantics<core_parallel>, #tpu.dimension_semantics<subcore_parallel>], iteration_bounds = array<i64: 2, 16>, scalar_prefetch = 0 : i64, scratch_operands = 16 : i64, tpu.core_type = #tpu.core_type<sc_vector_subcore>, window_params = [{transform_indices = #map}, {transform_indices = #map1}, {transform_indices = #map}]} {
    %mul3A = arith.constant 2 : i32
    %mul3A_0 = arith.muli %arg1, %mul3A : i32
    %add3A = arith.addi %mul3A_0, %arg0 : i32
    "tpu.region"() ({
      %run_scoped3A = tpu.sem_alloc : memref<!tpu.dma_semaphore, #tpu.memory_space<semaphore_mem>>
      %dma_start3A_69 = arith.constant 0 : i32
      %dma_start3A_70 = arith.constant 0 : i32
      %dma_start3A_71 = tpu.memref_slice %arg3[%add3A, %dma_start3A_69, %dma_start3A_70] : memref<32x75x96xi32, #tpu.memory_space<hbm>> -> memref<1x75x96xi32, #tpu.memory_space<hbm>>
      %dma_start3A_72 = tpu.memref_squeeze %dma_start3A_71 : memref<1x75x96xi32, #tpu.memory_space<hbm>> -> memref<75x96xi32, #tpu.memory_space<hbm>>
      %dma_start3A_73 = arith.constant 0 : i32
      %dma_start3A_74 = arith.constant 0 : i32
      %dma_start3A_75 = tpu.memref_slice %arg3[%add3A, %dma_start3A_73, %dma_start3A_74] : memref<32x75x96xi32, #tpu.memory_space<hbm>> -> memref<1x75x96xi32, #tpu.memory_space<hbm>>
      %dma_start3A_76 = tpu.memref_squeeze %dma_start3A_75 : memref<1x75x96xi32, #tpu.memory_space<hbm>> -> memref<75x96xi32, #tpu.memory_space<hbm>>
      tpu.enqueue_dma source(%dma_start3A_76 : memref<75x96xi32, #tpu.memory_space<hbm>>) target(%arg5 : memref<75x96xi32, #tpu.memory_space<vmem>>) target_semaphore(%run_scoped3A : memref<!tpu.dma_semaphore, #tpu.memory_space<semaphore_mem>>)
      %dma_wait3A_77 = arith.constant 0 : i32
      %dma_wait3A_78 = arith.constant 0 : i32
      %dma_wait3A_79 = tpu.memref_slice %arg3[%add3A, %dma_wait3A_77, %dma_wait3A_78] : memref<32x75x96xi32, #tpu.memory_space<hbm>> -> memref<1x75x96xi32, #tpu.memory_space<hbm>>
      %dma_wait3A_80 = tpu.memref_squeeze %dma_wait3A_79 : memref<1x75x96xi32, #tpu.memory_space<hbm>> -> memref<75x96xi32, #tpu.memory_space<hbm>>
      %dma_wait3A_81 = arith.constant 0 : i32
      %dma_wait3A_82 = arith.constant 0 : i32
      %dma_wait3A_83 = tpu.memref_slice %arg3[%add3A, %dma_wait3A_81, %dma_wait3A_82] : memref<32x75x96xi32, #tpu.memory_space<hbm>> -> memref<1x75x96xi32, #tpu.memory_space<hbm>>
      %dma_wait3A_84 = tpu.memref_squeeze %dma_wait3A_83 : memref<1x75x96xi32, #tpu.memory_space<hbm>> -> memref<75x96xi32, #tpu.memory_space<hbm>>
      tpu.wait_dma2 semaphore(%run_scoped3A : memref<!tpu.dma_semaphore, #tpu.memory_space<semaphore_mem>>) src(%dma_wait3A_84 : memref<75x96xi32, #tpu.memory_space<hbm>>) dst(%arg5 : memref<75x96xi32, #tpu.memory_space<vmem>>)
      tpu.yield
    }) : () -> ()
    %dma_start3A = arith.constant 0 : i32
    %dma_start3A_1 = arith.constant 0 : i32
    %dma_start3A_2 = tpu.memref_slice %arg5[%dma_start3A, %dma_start3A_1] : memref<75x96xi32, #tpu.memory_space<vmem>> -> memref<1x96xi32, #tpu.memory_space<vmem>>
    %dma_start3A_3 = tpu.memref_squeeze %dma_start3A_2 : memref<1x96xi32, #tpu.memory_space<vmem>> -> memref<96xi32, #tpu.memory_space<vmem>>
    %dma_start3A_4 = arith.constant 0 : i32
    %dma_start3A_5 = arith.constant 0 : i32
    %dma_start3A_6 = tpu.memref_slice %arg2[%dma_start3A_4, %dma_start3A_5] : memref<100000x128xf32, #tpu.memory_space<hbm>> -> memref<100000x128xf32, #tpu.memory_space<hbm>>
    tpu.enqueue_indirect_dma source(%dma_start3A_6 : memref<100000x128xf32, #tpu.memory_space<hbm>>) target(%arg6 : memref<96x128xf32, #tpu.memory_space<vmem>>) offsets(%dma_start3A_3 : memref<96xi32, #tpu.memory_space<vmem>>) semaphore(%arg11 : memref<!tpu.dma_semaphore, #tpu.memory_space<semaphore_mem>>)
    %dma_start3A_7 = arith.constant 1 : i32
    %dma_start3A_8 = arith.constant 0 : i32
    %dma_start3A_9 = tpu.memref_slice %arg5[%dma_start3A_7, %dma_start3A_8] : memref<75x96xi32, #tpu.memory_space<vmem>> -> memref<1x96xi32, #tpu.memory_space<vmem>>
    %dma_start3A_10 = tpu.memref_squeeze %dma_start3A_9 : memref<1x96xi32, #tpu.memory_space<vmem>> -> memref<96xi32, #tpu.memory_space<vmem>>
    %dma_start3A_11 = arith.constant 0 : i32
    %dma_start3A_12 = arith.constant 0 : i32
    %dma_start3A_13 = tpu.memref_slice %arg2[%dma_start3A_11, %dma_start3A_12] : memref<100000x128xf32, #tpu.memory_space<hbm>> -> memref<100000x128xf32, #tpu.memory_space<hbm>>
    tpu.enqueue_indirect_dma source(%dma_start3A_13 : memref<100000x128xf32, #tpu.memory_space<hbm>>) target(%arg7 : memref<96x128xf32, #tpu.memory_space<vmem>>) offsets(%dma_start3A_10 : memref<96xi32, #tpu.memory_space<vmem>>) semaphore(%arg12 : memref<!tpu.dma_semaphore, #tpu.memory_space<semaphore_mem>>)
    %dma_start3A_14 = arith.constant 2 : i32
    %dma_start3A_15 = arith.constant 0 : i32
    %dma_start3A_16 = tpu.memref_slice %arg5[%dma_start3A_14, %dma_start3A_15] : memref<75x96xi32, #tpu.memory_space<vmem>> -> memref<1x96xi32, #tpu.memory_space<vmem>>
    %dma_start3A_17 = tpu.memref_squeeze %dma_start3A_16 : memref<1x96xi32, #tpu.memory_space<vmem>> -> memref<96xi32, #tpu.memory_space<vmem>>
    %dma_start3A_18 = arith.constant 0 : i32
    %dma_start3A_19 = arith.constant 0 : i32
    %dma_start3A_20 = tpu.memref_slice %arg2[%dma_start3A_18, %dma_start3A_19] : memref<100000x128xf32, #tpu.memory_space<hbm>> -> memref<100000x128xf32, #tpu.memory_space<hbm>>
    tpu.enqueue_indirect_dma source(%dma_start3A_20 : memref<100000x128xf32, #tpu.memory_space<hbm>>) target(%arg8 : memref<96x128xf32, #tpu.memory_space<vmem>>) offsets(%dma_start3A_17 : memref<96xi32, #tpu.memory_space<vmem>>) semaphore(%arg13 : memref<!tpu.dma_semaphore, #tpu.memory_space<semaphore_mem>>)
    %dma_start3A_21 = arith.constant 3 : i32
    %dma_start3A_22 = arith.constant 0 : i32
    %dma_start3A_23 = tpu.memref_slice %arg5[%dma_start3A_21, %dma_start3A_22] : memref<75x96xi32, #tpu.memory_space<vmem>> -> memref<1x96xi32, #tpu.memory_space<vmem>>
    %dma_start3A_24 = tpu.memref_squeeze %dma_start3A_23 : memref<1x96xi32, #tpu.memory_space<vmem>> -> memref<96xi32, #tpu.memory_space<vmem>>
    %dma_start3A_25 = arith.constant 0 : i32
    %dma_start3A_26 = arith.constant 0 : i32
    %dma_start3A_27 = tpu.memref_slice %arg2[%dma_start3A_25, %dma_start3A_26] : memref<100000x128xf32, #tpu.memory_space<hbm>> -> memref<100000x128xf32, #tpu.memory_space<hbm>>
    tpu.enqueue_indirect_dma source(%dma_start3A_27 : memref<100000x128xf32, #tpu.memory_space<hbm>>) target(%arg9 : memref<96x128xf32, #tpu.memory_space<vmem>>) offsets(%dma_start3A_24 : memref<96xi32, #tpu.memory_space<vmem>>) semaphore(%arg14 : memref<!tpu.dma_semaphore, #tpu.memory_space<semaphore_mem>>)
    %dma_start3A_28 = arith.constant 4 : i32
    %dma_start3A_29 = arith.constant 0 : i32
    %dma_start3A_30 = tpu.memref_slice %arg5[%dma_start3A_28, %dma_start3A_29] : memref<75x96xi32, #tpu.memory_space<vmem>> -> memref<1x96xi32, #tpu.memory_space<vmem>>
    %dma_start3A_31 = tpu.memref_squeeze %dma_start3A_30 : memref<1x96xi32, #tpu.memory_space<vmem>> -> memref<96xi32, #tpu.memory_space<vmem>>
    %dma_start3A_32 = arith.constant 0 : i32
    %dma_start3A_33 = arith.constant 0 : i32
    %dma_start3A_34 = tpu.memref_slice %arg2[%dma_start3A_32, %dma_start3A_33] : memref<100000x128xf32, #tpu.memory_space<hbm>> -> memref<100000x128xf32, #tpu.memory_space<hbm>>
    tpu.enqueue_indirect_dma source(%dma_start3A_34 : memref<100000x128xf32, #tpu.memory_space<hbm>>) target(%arg10 : memref<96x128xf32, #tpu.memory_space<vmem>>) offsets(%dma_start3A_31 : memref<96xi32, #tpu.memory_space<vmem>>) semaphore(%arg15 : memref<!tpu.dma_semaphore, #tpu.memory_space<semaphore_mem>>)
    %scan3A = arith.constant 0 : i32
    %scan3A_35 = arith.constant 0 : i32
    %scan3A_36 = arith.constant 15 : i32
    %scan3A_37 = arith.addi %scan3A_35, %scan3A_36 : i32
    %scan3A_38 = arith.constant 1 : i32
    scf.for %scan3A_69 = %scan3A_35 to %scan3A_37 step %scan3A_38  : i32 {
      %mul3A_70 = arith.constant 5 : i32
      %mul3A_71 = arith.muli %scan3A_69, %mul3A_70 : i32
      %add3A_72 = arith.constant 0 : i32
      %add3A_73 = arith.addi %mul3A_71, %add3A_72 : i32
      %dma_wait3A_74 = arith.constant 0 : i32
      %dma_wait3A_75 = arith.constant 0 : i32
      %dma_wait3A_76 = tpu.memref_slice %arg5[%dma_wait3A_74, %dma_wait3A_75] : memref<75x96xi32, #tpu.memory_space<vmem>> -> memref<1x96xi32, #tpu.memory_space<vmem>>
      %dma_wait3A_77 = tpu.memref_squeeze %dma_wait3A_76 : memref<1x96xi32, #tpu.memory_space<vmem>> -> memref<96xi32, #tpu.memory_space<vmem>>
      %dma_wait3A_78 = arith.constant 0 : i32
      %dma_wait3A_79 = arith.constant 0 : i32
      %dma_wait3A_80 = tpu.memref_slice %arg2[%dma_wait3A_78, %dma_wait3A_79] : memref<100000x128xf32, #tpu.memory_space<hbm>> -> memref<100000x128xf32, #tpu.memory_space<hbm>>
      tpu.wait_indirect_dma semaphore(%arg11 : memref<!tpu.dma_semaphore, #tpu.memory_space<semaphore_mem>>) src(%dma_wait3A_80 : memref<100000x128xf32, #tpu.memory_space<hbm>>) dst(%arg6 : memref<96x128xf32, #tpu.memory_space<vmem>>)
      %mul3A_81 = arith.constant 75 : i32
      %mul3A_82 = arith.muli %add3A, %mul3A_81 : i32
      %add3A_83 = arith.addi %mul3A_82, %add3A_73 : i32
      %mul3A_84 = arith.constant 96 : i32
      %mul3A_85 = arith.muli %add3A_83, %mul3A_84 : i32
      %dma_start3A_86 = arith.constant 0 : i32
      %dma_start3A_87 = tpu.memref_slice %arg4[%mul3A_85, %dma_start3A_86] : memref<230400x128xf32, #tpu.memory_space<hbm>> -> memref<96x128xf32, #tpu.memory_space<hbm>>
      %dma_start3A_88 = arith.constant 0 : i32
      %dma_start3A_89 = tpu.memref_slice %arg4[%mul3A_85, %dma_start3A_88] : memref<230400x128xf32, #tpu.memory_space<hbm>> -> memref<96x128xf32, #tpu.memory_space<hbm>>
      tpu.enqueue_dma source(%arg6 : memref<96x128xf32, #tpu.memory_space<vmem>>) target(%dma_start3A_89 : memref<96x128xf32, #tpu.memory_space<hbm>>) target_semaphore(%arg16 : memref<!tpu.dma_semaphore, #tpu.memory_space<semaphore_mem>>)
      %add3A_90 = arith.constant 5 : i32
      %add3A_91 = arith.addi %add3A_73, %add3A_90 : i32
      %lt3A = arith.constant 75 : i32
      %lt3A_92 = arith.cmpi slt, %add3A_91, %lt3A : i32
      %convert_element_type3A = arith.extui %lt3A_92 : i1 to i32
      %cond3A = arith.constant 0 : i32
      %cond3A_93 = arith.cmpi ne, %convert_element_type3A, %cond3A : i32
      scf.if %cond3A_93 {
        %dma_wait3A_202 = arith.constant 0 : i32
        %dma_wait3A_203 = arith.constant 0 : i32
        %dma_wait3A_204 = tpu.memref_slice %arg4[%dma_wait3A_202, %dma_wait3A_203] : memref<230400x128xf32, #tpu.memory_space<hbm>> -> memref<96x128xf32, #tpu.memory_space<hbm>>
        %dma_wait3A_205 = arith.constant 0 : i32
        %dma_wait3A_206 = arith.constant 0 : i32
        %dma_wait3A_207 = tpu.memref_slice %arg4[%dma_wait3A_205, %dma_wait3A_206] : memref<230400x128xf32, #tpu.memory_space<hbm>> -> memref<96x128xf32, #tpu.memory_space<hbm>>
        tpu.wait_dma2 semaphore(%arg16 : memref<!tpu.dma_semaphore, #tpu.memory_space<semaphore_mem>>) src(%arg6 : memref<96x128xf32, #tpu.memory_space<vmem>>) dst(%dma_wait3A_207 : memref<96x128xf32, #tpu.memory_space<hbm>>)
        %add3A_208 = arith.constant 5 : i32
        %add3A_209 = arith.addi %add3A_73, %add3A_208 : i32
        %dma_start3A_210 = arith.constant 0 : i32
        %dma_start3A_211 = tpu.memref_slice %arg5[%add3A_209, %dma_start3A_210] : memref<75x96xi32, #tpu.memory_space<vmem>> -> memref<1x96xi32, #tpu.memory_space<vmem>>
        %dma_start3A_212 = tpu.memref_squeeze %dma_start3A_211 : memref<1x96xi32, #tpu.memory_space<vmem>> -> memref<96xi32, #tpu.memory_space<vmem>>
        %dma_start3A_213 = arith.constant 0 : i32
        %dma_start3A_214 = arith.constant 0 : i32
        %dma_start3A_215 = tpu.memref_slice %arg2[%dma_start3A_213, %dma_start3A_214] : memref<100000x128xf32, #tpu.memory_space<hbm>> -> memref<100000x128xf32, #tpu.memory_space<hbm>>
        tpu.enqueue_indirect_dma source(%dma_start3A_215 : memref<100000x128xf32, #tpu.memory_space<hbm>>) target(%arg6 : memref<96x128xf32, #tpu.memory_space<vmem>>) offsets(%dma_start3A_212 : memref<96xi32, #tpu.memory_space<vmem>>) semaphore(%arg11 : memref<!tpu.dma_semaphore, #tpu.memory_space<semaphore_mem>>)
      } else {
      }
      %mul3A_94 = arith.constant 5 : i32
      %mul3A_95 = arith.muli %scan3A_69, %mul3A_94 : i32
      %add3A_96 = arith.constant 1 : i32
      %add3A_97 = arith.addi %mul3A_95, %add3A_96 : i32
      %dma_wait3A_98 = arith.constant 0 : i32
      %dma_wait3A_99 = arith.constant 0 : i32
      %dma_wait3A_100 = tpu.memref_slice %arg5[%dma_wait3A_98, %dma_wait3A_99] : memref<75x96xi32, #tpu.memory_space<vmem>> -> memref<1x96xi32, #tpu.memory_space<vmem>>
      %dma_wait3A_101 = tpu.memref_squeeze %dma_wait3A_100 : memref<1x96xi32, #tpu.memory_space<vmem>> -> memref<96xi32, #tpu.memory_space<vmem>>
      %dma_wait3A_102 = arith.constant 0 : i32
      %dma_wait3A_103 = arith.constant 0 : i32
      %dma_wait3A_104 = tpu.memref_slice %arg2[%dma_wait3A_102, %dma_wait3A_103] : memref<100000x128xf32, #tpu.memory_space<hbm>> -> memref<100000x128xf32, #tpu.memory_space<hbm>>
      tpu.wait_indirect_dma semaphore(%arg12 : memref<!tpu.dma_semaphore, #tpu.memory_space<semaphore_mem>>) src(%dma_wait3A_104 : memref<100000x128xf32, #tpu.memory_space<hbm>>) dst(%arg7 : memref<96x128xf32, #tpu.memory_space<vmem>>)
      %mul3A_105 = arith.constant 75 : i32
      %mul3A_106 = arith.muli %add3A, %mul3A_105 : i32
      %add3A_107 = arith.addi %mul3A_106, %add3A_97 : i32
      %mul3A_108 = arith.constant 96 : i32
      %mul3A_109 = arith.muli %add3A_107, %mul3A_108 : i32
      %dma_start3A_110 = arith.constant 0 : i32
      %dma_start3A_111 = tpu.memref_slice %arg4[%mul3A_109, %dma_start3A_110] : memref<230400x128xf32, #tpu.memory_space<hbm>> -> memref<96x128xf32, #tpu.memory_space<hbm>>
      %dma_start3A_112 = arith.constant 0 : i32
      %dma_start3A_113 = tpu.memref_slice %arg4[%mul3A_109, %dma_start3A_112] : memref<230400x128xf32, #tpu.memory_space<hbm>> -> memref<96x128xf32, #tpu.memory_space<hbm>>
      tpu.enqueue_dma source(%arg7 : memref<96x128xf32, #tpu.memory_space<vmem>>) target(%dma_start3A_113 : memref<96x128xf32, #tpu.memory_space<hbm>>) target_semaphore(%arg17 : memref<!tpu.dma_semaphore, #tpu.memory_space<semaphore_mem>>)
      %add3A_114 = arith.constant 5 : i32
      %add3A_115 = arith.addi %add3A_97, %add3A_114 : i32
      %lt3A_116 = arith.constant 75 : i32
      %lt3A_117 = arith.cmpi slt, %add3A_115, %lt3A_116 : i32
      %convert_element_type3A_118 = arith.extui %lt3A_117 : i1 to i32
      %cond3A_119 = arith.constant 0 : i32
      %cond3A_120 = arith.cmpi ne, %convert_element_type3A_118, %cond3A_119 : i32
      scf.if %cond3A_120 {
        %dma_wait3A_202 = arith.constant 0 : i32
        %dma_wait3A_203 = arith.constant 0 : i32
        %dma_wait3A_204 = tpu.memref_slice %arg4[%dma_wait3A_202, %dma_wait3A_203] : memref<230400x128xf32, #tpu.memory_space<hbm>> -> memref<96x128xf32, #tpu.memory_space<hbm>>
        %dma_wait3A_205 = arith.constant 0 : i32
        %dma_wait3A_206 = arith.constant 0 : i32
        %dma_wait3A_207 = tpu.memref_slice %arg4[%dma_wait3A_205, %dma_wait3A_206] : memref<230400x128xf32, #tpu.memory_space<hbm>> -> memref<96x128xf32, #tpu.memory_space<hbm>>
        tpu.wait_dma2 semaphore(%arg17 : memref<!tpu.dma_semaphore, #tpu.memory_space<semaphore_mem>>) src(%arg7 : memref<96x128xf32, #tpu.memory_space<vmem>>) dst(%dma_wait3A_207 : memref<96x128xf32, #tpu.memory_space<hbm>>)
        %add3A_208 = arith.constant 5 : i32
        %add3A_209 = arith.addi %add3A_97, %add3A_208 : i32
        %dma_start3A_210 = arith.constant 0 : i32
        %dma_start3A_211 = tpu.memref_slice %arg5[%add3A_209, %dma_start3A_210] : memref<75x96xi32, #tpu.memory_space<vmem>> -> memref<1x96xi32, #tpu.memory_space<vmem>>
        %dma_start3A_212 = tpu.memref_squeeze %dma_start3A_211 : memref<1x96xi32, #tpu.memory_space<vmem>> -> memref<96xi32, #tpu.memory_space<vmem>>
        %dma_start3A_213 = arith.constant 0 : i32
        %dma_start3A_214 = arith.constant 0 : i32
        %dma_start3A_215 = tpu.memref_slice %arg2[%dma_start3A_213, %dma_start3A_214] : memref<100000x128xf32, #tpu.memory_space<hbm>> -> memref<100000x128xf32, #tpu.memory_space<hbm>>
        tpu.enqueue_indirect_dma source(%dma_start3A_215 : memref<100000x128xf32, #tpu.memory_space<hbm>>) target(%arg7 : memref<96x128xf32, #tpu.memory_space<vmem>>) offsets(%dma_start3A_212 : memref<96xi32, #tpu.memory_space<vmem>>) semaphore(%arg12 : memref<!tpu.dma_semaphore, #tpu.memory_space<semaphore_mem>>)
      } else {
      }
      %mul3A_121 = arith.constant 5 : i32
      %mul3A_122 = arith.muli %scan3A_69, %mul3A_121 : i32
      %add3A_123 = arith.constant 2 : i32
      %add3A_124 = arith.addi %mul3A_122, %add3A_123 : i32
      %dma_wait3A_125 = arith.constant 0 : i32
      %dma_wait3A_126 = arith.constant 0 : i32
      %dma_wait3A_127 = tpu.memref_slice %arg5[%dma_wait3A_125, %dma_wait3A_126] : memref<75x96xi32, #tpu.memory_space<vmem>> -> memref<1x96xi32, #tpu.memory_space<vmem>>
      %dma_wait3A_128 = tpu.memref_squeeze %dma_wait3A_127 : memref<1x96xi32, #tpu.memory_space<vmem>> -> memref<96xi32, #tpu.memory_space<vmem>>
      %dma_wait3A_129 = arith.constant 0 : i32
      %dma_wait3A_130 = arith.constant 0 : i32
      %dma_wait3A_131 = tpu.memref_slice %arg2[%dma_wait3A_129, %dma_wait3A_130] : memref<100000x128xf32, #tpu.memory_space<hbm>> -> memref<100000x128xf32, #tpu.memory_space<hbm>>
      tpu.wait_indirect_dma semaphore(%arg13 : memref<!tpu.dma_semaphore, #tpu.memory_space<semaphore_mem>>) src(%dma_wait3A_131 : memref<100000x128xf32, #tpu.memory_space<hbm>>) dst(%arg8 : memref<96x128xf32, #tpu.memory_space<vmem>>)
      %mul3A_132 = arith.constant 75 : i32
      %mul3A_133 = arith.muli %add3A, %mul3A_132 : i32
      %add3A_134 = arith.addi %mul3A_133, %add3A_124 : i32
      %mul3A_135 = arith.constant 96 : i32
      %mul3A_136 = arith.muli %add3A_134, %mul3A_135 : i32
      %dma_start3A_137 = arith.constant 0 : i32
      %dma_start3A_138 = tpu.memref_slice %arg4[%mul3A_136, %dma_start3A_137] : memref<230400x128xf32, #tpu.memory_space<hbm>> -> memref<96x128xf32, #tpu.memory_space<hbm>>
      %dma_start3A_139 = arith.constant 0 : i32
      %dma_start3A_140 = tpu.memref_slice %arg4[%mul3A_136, %dma_start3A_139] : memref<230400x128xf32, #tpu.memory_space<hbm>> -> memref<96x128xf32, #tpu.memory_space<hbm>>
      tpu.enqueue_dma source(%arg8 : memref<96x128xf32, #tpu.memory_space<vmem>>) target(%dma_start3A_140 : memref<96x128xf32, #tpu.memory_space<hbm>>) target_semaphore(%arg18 : memref<!tpu.dma_semaphore, #tpu.memory_space<semaphore_mem>>)
      %add3A_141 = arith.constant 5 : i32
      %add3A_142 = arith.addi %add3A_124, %add3A_141 : i32
      %lt3A_143 = arith.constant 75 : i32
      %lt3A_144 = arith.cmpi slt, %add3A_142, %lt3A_143 : i32
      %convert_element_type3A_145 = arith.extui %lt3A_144 : i1 to i32
      %cond3A_146 = arith.constant 0 : i32
      %cond3A_147 = arith.cmpi ne, %convert_element_type3A_145, %cond3A_146 : i32
      scf.if %cond3A_147 {
        %dma_wait3A_202 = arith.constant 0 : i32
        %dma_wait3A_203 = arith.constant 0 : i32
        %dma_wait3A_204 = tpu.memref_slice %arg4[%dma_wait3A_202, %dma_wait3A_203] : memref<230400x128xf32, #tpu.memory_space<hbm>> -> memref<96x128xf32, #tpu.memory_space<hbm>>
        %dma_wait3A_205 = arith.constant 0 : i32
        %dma_wait3A_206 = arith.constant 0 : i32
        %dma_wait3A_207 = tpu.memref_slice %arg4[%dma_wait3A_205, %dma_wait3A_206] : memref<230400x128xf32, #tpu.memory_space<hbm>> -> memref<96x128xf32, #tpu.memory_space<hbm>>
        tpu.wait_dma2 semaphore(%arg18 : memref<!tpu.dma_semaphore, #tpu.memory_space<semaphore_mem>>) src(%arg8 : memref<96x128xf32, #tpu.memory_space<vmem>>) dst(%dma_wait3A_207 : memref<96x128xf32, #tpu.memory_space<hbm>>)
        %add3A_208 = arith.constant 5 : i32
        %add3A_209 = arith.addi %add3A_124, %add3A_208 : i32
        %dma_start3A_210 = arith.constant 0 : i32
        %dma_start3A_211 = tpu.memref_slice %arg5[%add3A_209, %dma_start3A_210] : memref<75x96xi32, #tpu.memory_space<vmem>> -> memref<1x96xi32, #tpu.memory_space<vmem>>
        %dma_start3A_212 = tpu.memref_squeeze %dma_start3A_211 : memref<1x96xi32, #tpu.memory_space<vmem>> -> memref<96xi32, #tpu.memory_space<vmem>>
        %dma_start3A_213 = arith.constant 0 : i32
        %dma_start3A_214 = arith.constant 0 : i32
        %dma_start3A_215 = tpu.memref_slice %arg2[%dma_start3A_213, %dma_start3A_214] : memref<100000x128xf32, #tpu.memory_space<hbm>> -> memref<100000x128xf32, #tpu.memory_space<hbm>>
        tpu.enqueue_indirect_dma source(%dma_start3A_215 : memref<100000x128xf32, #tpu.memory_space<hbm>>) target(%arg8 : memref<96x128xf32, #tpu.memory_space<vmem>>) offsets(%dma_start3A_212 : memref<96xi32, #tpu.memory_space<vmem>>) semaphore(%arg13 : memref<!tpu.dma_semaphore, #tpu.memory_space<semaphore_mem>>)
      } else {
      }
      %mul3A_148 = arith.constant 5 : i32
      %mul3A_149 = arith.muli %scan3A_69, %mul3A_148 : i32
      %add3A_150 = arith.constant 3 : i32
      %add3A_151 = arith.addi %mul3A_149, %add3A_150 : i32
      %dma_wait3A_152 = arith.constant 0 : i32
      %dma_wait3A_153 = arith.constant 0 : i32
      %dma_wait3A_154 = tpu.memref_slice %arg5[%dma_wait3A_152, %dma_wait3A_153] : memref<75x96xi32, #tpu.memory_space<vmem>> -> memref<1x96xi32, #tpu.memory_space<vmem>>
      %dma_wait3A_155 = tpu.memref_squeeze %dma_wait3A_154 : memref<1x96xi32, #tpu.memory_space<vmem>> -> memref<96xi32, #tpu.memory_space<vmem>>
      %dma_wait3A_156 = arith.constant 0 : i32
      %dma_wait3A_157 = arith.constant 0 : i32
      %dma_wait3A_158 = tpu.memref_slice %arg2[%dma_wait3A_156, %dma_wait3A_157] : memref<100000x128xf32, #tpu.memory_space<hbm>> -> memref<100000x128xf32, #tpu.memory_space<hbm>>
      tpu.wait_indirect_dma semaphore(%arg14 : memref<!tpu.dma_semaphore, #tpu.memory_space<semaphore_mem>>) src(%dma_wait3A_158 : memref<100000x128xf32, #tpu.memory_space<hbm>>) dst(%arg9 : memref<96x128xf32, #tpu.memory_space<vmem>>)
      %mul3A_159 = arith.constant 75 : i32
      %mul3A_160 = arith.muli %add3A, %mul3A_159 : i32
      %add3A_161 = arith.addi %mul3A_160, %add3A_151 : i32
      %mul3A_162 = arith.constant 96 : i32
      %mul3A_163 = arith.muli %add3A_161, %mul3A_162 : i32
      %dma_start3A_164 = arith.constant 0 : i32
      %dma_start3A_165 = tpu.memref_slice %arg4[%mul3A_163, %dma_start3A_164] : memref<230400x128xf32, #tpu.memory_space<hbm>> -> memref<96x128xf32, #tpu.memory_space<hbm>>
      %dma_start3A_166 = arith.constant 0 : i32
      %dma_start3A_167 = tpu.memref_slice %arg4[%mul3A_163, %dma_start3A_166] : memref<230400x128xf32, #tpu.memory_space<hbm>> -> memref<96x128xf32, #tpu.memory_space<hbm>>
      tpu.enqueue_dma source(%arg9 : memref<96x128xf32, #tpu.memory_space<vmem>>) target(%dma_start3A_167 : memref<96x128xf32, #tpu.memory_space<hbm>>) target_semaphore(%arg19 : memref<!tpu.dma_semaphore, #tpu.memory_space<semaphore_mem>>)
      %add3A_168 = arith.constant 5 : i32
      %add3A_169 = arith.addi %add3A_151, %add3A_168 : i32
      %lt3A_170 = arith.constant 75 : i32
      %lt3A_171 = arith.cmpi slt, %add3A_169, %lt3A_170 : i32
      %convert_element_type3A_172 = arith.extui %lt3A_171 : i1 to i32
      %cond3A_173 = arith.constant 0 : i32
      %cond3A_174 = arith.cmpi ne, %convert_element_type3A_172, %cond3A_173 : i32
      scf.if %cond3A_174 {
        %dma_wait3A_202 = arith.constant 0 : i32
        %dma_wait3A_203 = arith.constant 0 : i32
        %dma_wait3A_204 = tpu.memref_slice %arg4[%dma_wait3A_202, %dma_wait3A_203] : memref<230400x128xf32, #tpu.memory_space<hbm>> -> memref<96x128xf32, #tpu.memory_space<hbm>>
        %dma_wait3A_205 = arith.constant 0 : i32
        %dma_wait3A_206 = arith.constant 0 : i32
        %dma_wait3A_207 = tpu.memref_slice %arg4[%dma_wait3A_205, %dma_wait3A_206] : memref<230400x128xf32, #tpu.memory_space<hbm>> -> memref<96x128xf32, #tpu.memory_space<hbm>>
        tpu.wait_dma2 semaphore(%arg19 : memref<!tpu.dma_semaphore, #tpu.memory_space<semaphore_mem>>) src(%arg9 : memref<96x128xf32, #tpu.memory_space<vmem>>) dst(%dma_wait3A_207 : memref<96x128xf32, #tpu.memory_space<hbm>>)
        %add3A_208 = arith.constant 5 : i32
        %add3A_209 = arith.addi %add3A_151, %add3A_208 : i32
        %dma_start3A_210 = arith.constant 0 : i32
        %dma_start3A_211 = tpu.memref_slice %arg5[%add3A_209, %dma_start3A_210] : memref<75x96xi32, #tpu.memory_space<vmem>> -> memref<1x96xi32, #tpu.memory_space<vmem>>
        %dma_start3A_212 = tpu.memref_squeeze %dma_start3A_211 : memref<1x96xi32, #tpu.memory_space<vmem>> -> memref<96xi32, #tpu.memory_space<vmem>>
        %dma_start3A_213 = arith.constant 0 : i32
        %dma_start3A_214 = arith.constant 0 : i32
        %dma_start3A_215 = tpu.memref_slice %arg2[%dma_start3A_213, %dma_start3A_214] : memref<100000x128xf32, #tpu.memory_space<hbm>> -> memref<100000x128xf32, #tpu.memory_space<hbm>>
        tpu.enqueue_indirect_dma source(%dma_start3A_215 : memref<100000x128xf32, #tpu.memory_space<hbm>>) target(%arg9 : memref<96x128xf32, #tpu.memory_space<vmem>>) offsets(%dma_start3A_212 : memref<96xi32, #tpu.memory_space<vmem>>) semaphore(%arg14 : memref<!tpu.dma_semaphore, #tpu.memory_space<semaphore_mem>>)
      } else {
      }
      %mul3A_175 = arith.constant 5 : i32
      %mul3A_176 = arith.muli %scan3A_69, %mul3A_175 : i32
      %add3A_177 = arith.constant 4 : i32
      %add3A_178 = arith.addi %mul3A_176, %add3A_177 : i32
      %dma_wait3A_179 = arith.constant 0 : i32
      %dma_wait3A_180 = arith.constant 0 : i32
      %dma_wait3A_181 = tpu.memref_slice %arg5[%dma_wait3A_179, %dma_wait3A_180] : memref<75x96xi32, #tpu.memory_space<vmem>> -> memref<1x96xi32, #tpu.memory_space<vmem>>
      %dma_wait3A_182 = tpu.memref_squeeze %dma_wait3A_181 : memref<1x96xi32, #tpu.memory_space<vmem>> -> memref<96xi32, #tpu.memory_space<vmem>>
      %dma_wait3A_183 = arith.constant 0 : i32
      %dma_wait3A_184 = arith.constant 0 : i32
      %dma_wait3A_185 = tpu.memref_slice %arg2[%dma_wait3A_183, %dma_wait3A_184] : memref<100000x128xf32, #tpu.memory_space<hbm>> -> memref<100000x128xf32, #tpu.memory_space<hbm>>
      tpu.wait_indirect_dma semaphore(%arg15 : memref<!tpu.dma_semaphore, #tpu.memory_space<semaphore_mem>>) src(%dma_wait3A_185 : memref<100000x128xf32, #tpu.memory_space<hbm>>) dst(%arg10 : memref<96x128xf32, #tpu.memory_space<vmem>>)
      %mul3A_186 = arith.constant 75 : i32
      %mul3A_187 = arith.muli %add3A, %mul3A_186 : i32
      %add3A_188 = arith.addi %mul3A_187, %add3A_178 : i32
      %mul3A_189 = arith.constant 96 : i32
      %mul3A_190 = arith.muli %add3A_188, %mul3A_189 : i32
      %dma_start3A_191 = arith.constant 0 : i32
      %dma_start3A_192 = tpu.memref_slice %arg4[%mul3A_190, %dma_start3A_191] : memref<230400x128xf32, #tpu.memory_space<hbm>> -> memref<96x128xf32, #tpu.memory_space<hbm>>
      %dma_start3A_193 = arith.constant 0 : i32
      %dma_start3A_194 = tpu.memref_slice %arg4[%mul3A_190, %dma_start3A_193] : memref<230400x128xf32, #tpu.memory_space<hbm>> -> memref<96x128xf32, #tpu.memory_space<hbm>>
      tpu.enqueue_dma source(%arg10 : memref<96x128xf32, #tpu.memory_space<vmem>>) target(%dma_start3A_194 : memref<96x128xf32, #tpu.memory_space<hbm>>) target_semaphore(%arg20 : memref<!tpu.dma_semaphore, #tpu.memory_space<semaphore_mem>>)
      %add3A_195 = arith.constant 5 : i32
      %add3A_196 = arith.addi %add3A_178, %add3A_195 : i32
      %lt3A_197 = arith.constant 75 : i32
      %lt3A_198 = arith.cmpi slt, %add3A_196, %lt3A_197 : i32
      %convert_element_type3A_199 = arith.extui %lt3A_198 : i1 to i32
      %cond3A_200 = arith.constant 0 : i32
      %cond3A_201 = arith.cmpi ne, %convert_element_type3A_199, %cond3A_200 : i32
      scf.if %cond3A_201 {
        %dma_wait3A_202 = arith.constant 0 : i32
        %dma_wait3A_203 = arith.constant 0 : i32
        %dma_wait3A_204 = tpu.memref_slice %arg4[%dma_wait3A_202, %dma_wait3A_203] : memref<230400x128xf32, #tpu.memory_space<hbm>> -> memref<96x128xf32, #tpu.memory_space<hbm>>
        %dma_wait3A_205 = arith.constant 0 : i32
        %dma_wait3A_206 = arith.constant 0 : i32
        %dma_wait3A_207 = tpu.memref_slice %arg4[%dma_wait3A_205, %dma_wait3A_206] : memref<230400x128xf32, #tpu.memory_space<hbm>> -> memref<96x128xf32, #tpu.memory_space<hbm>>
        tpu.wait_dma2 semaphore(%arg20 : memref<!tpu.dma_semaphore, #tpu.memory_space<semaphore_mem>>) src(%arg10 : memref<96x128xf32, #tpu.memory_space<vmem>>) dst(%dma_wait3A_207 : memref<96x128xf32, #tpu.memory_space<hbm>>)
        %add3A_208 = arith.constant 5 : i32
        %add3A_209 = arith.addi %add3A_178, %add3A_208 : i32
        %dma_start3A_210 = arith.constant 0 : i32
        %dma_start3A_211 = tpu.memref_slice %arg5[%add3A_209, %dma_start3A_210] : memref<75x96xi32, #tpu.memory_space<vmem>> -> memref<1x96xi32, #tpu.memory_space<vmem>>
        %dma_start3A_212 = tpu.memref_squeeze %dma_start3A_211 : memref<1x96xi32, #tpu.memory_space<vmem>> -> memref<96xi32, #tpu.memory_space<vmem>>
        %dma_start3A_213 = arith.constant 0 : i32
        %dma_start3A_214 = arith.constant 0 : i32
        %dma_start3A_215 = tpu.memref_slice %arg2[%dma_start3A_213, %dma_start3A_214] : memref<100000x128xf32, #tpu.memory_space<hbm>> -> memref<100000x128xf32, #tpu.memory_space<hbm>>
        tpu.enqueue_indirect_dma source(%dma_start3A_215 : memref<100000x128xf32, #tpu.memory_space<hbm>>) target(%arg10 : memref<96x128xf32, #tpu.memory_space<vmem>>) offsets(%dma_start3A_212 : memref<96xi32, #tpu.memory_space<vmem>>) semaphore(%arg15 : memref<!tpu.dma_semaphore, #tpu.memory_space<semaphore_mem>>)
      } else {
      }
    }
    %scan3A_39 = arith.constant 15 : i32
    %dma_wait3A = arith.constant 0 : i32
    %dma_wait3A_40 = arith.constant 0 : i32
    %dma_wait3A_41 = tpu.memref_slice %arg4[%dma_wait3A, %dma_wait3A_40] : memref<230400x128xf32, #tpu.memory_space<hbm>> -> memref<96x128xf32, #tpu.memory_space<hbm>>
    %dma_wait3A_42 = arith.constant 0 : i32
    %dma_wait3A_43 = arith.constant 0 : i32
    %dma_wait3A_44 = tpu.memref_slice %arg4[%dma_wait3A_42, %dma_wait3A_43] : memref<230400x128xf32, #tpu.memory_space<hbm>> -> memref<96x128xf32, #tpu.memory_space<hbm>>
    tpu.wait_dma2 semaphore(%arg16 : memref<!tpu.dma_semaphore, #tpu.memory_space<semaphore_mem>>) src(%arg6 : memref<96x128xf32, #tpu.memory_space<vmem>>) dst(%dma_wait3A_44 : memref<96x128xf32, #tpu.memory_space<hbm>>)
    %dma_wait3A_45 = arith.constant 0 : i32
    %dma_wait3A_46 = arith.constant 0 : i32
    %dma_wait3A_47 = tpu.memref_slice %arg4[%dma_wait3A_45, %dma_wait3A_46] : memref<230400x128xf32, #tpu.memory_space<hbm>> -> memref<96x128xf32, #tpu.memory_space<hbm>>
    %dma_wait3A_48 = arith.constant 0 : i32
    %dma_wait3A_49 = arith.constant 0 : i32
    %dma_wait3A_50 = tpu.memref_slice %arg4[%dma_wait3A_48, %dma_wait3A_49] : memref<230400x128xf32, #tpu.memory_space<hbm>> -> memref<96x128xf32, #tpu.memory_space<hbm>>
    tpu.wait_dma2 semaphore(%arg17 : memref<!tpu.dma_semaphore, #tpu.memory_space<semaphore_mem>>) src(%arg7 : memref<96x128xf32, #tpu.memory_space<vmem>>) dst(%dma_wait3A_50 : memref<96x128xf32, #tpu.memory_space<hbm>>)
    %dma_wait3A_51 = arith.constant 0 : i32
    %dma_wait3A_52 = arith.constant 0 : i32
    %dma_wait3A_53 = tpu.memref_slice %arg4[%dma_wait3A_51, %dma_wait3A_52] : memref<230400x128xf32, #tpu.memory_space<hbm>> -> memref<96x128xf32, #tpu.memory_space<hbm>>
    %dma_wait3A_54 = arith.constant 0 : i32
    %dma_wait3A_55 = arith.constant 0 : i32
    %dma_wait3A_56 = tpu.memref_slice %arg4[%dma_wait3A_54, %dma_wait3A_55] : memref<230400x128xf32, #tpu.memory_space<hbm>> -> memref<96x128xf32, #tpu.memory_space<hbm>>
    tpu.wait_dma2 semaphore(%arg18 : memref<!tpu.dma_semaphore, #tpu.memory_space<semaphore_mem>>) src(%arg8 : memref<96x128xf32, #tpu.memory_space<vmem>>) dst(%dma_wait3A_56 : memref<96x128xf32, #tpu.memory_space<hbm>>)
    %dma_wait3A_57 = arith.constant 0 : i32
    %dma_wait3A_58 = arith.constant 0 : i32
    %dma_wait3A_59 = tpu.memref_slice %arg4[%dma_wait3A_57, %dma_wait3A_58] : memref<230400x128xf32, #tpu.memory_space<hbm>> -> memref<96x128xf32, #tpu.memory_space<hbm>>
    %dma_wait3A_60 = arith.constant 0 : i32
    %dma_wait3A_61 = arith.constant 0 : i32
    %dma_wait3A_62 = tpu.memref_slice %arg4[%dma_wait3A_60, %dma_wait3A_61] : memref<230400x128xf32, #tpu.memory_space<hbm>> -> memref<96x128xf32, #tpu.memory_space<hbm>>
    tpu.wait_dma2 semaphore(%arg19 : memref<!tpu.dma_semaphore, #tpu.memory_space<semaphore_mem>>) src(%arg9 : memref<96x128xf32, #tpu.memory_space<vmem>>) dst(%dma_wait3A_62 : memref<96x128xf32, #tpu.memory_space<hbm>>)
    %dma_wait3A_63 = arith.constant 0 : i32
    %dma_wait3A_64 = arith.constant 0 : i32
    %dma_wait3A_65 = tpu.memref_slice %arg4[%dma_wait3A_63, %dma_wait3A_64] : memref<230400x128xf32, #tpu.memory_space<hbm>> -> memref<96x128xf32, #tpu.memory_space<hbm>>
    %dma_wait3A_66 = arith.constant 0 : i32
    %dma_wait3A_67 = arith.constant 0 : i32
    %dma_wait3A_68 = tpu.memref_slice %arg4[%dma_wait3A_66, %dma_wait3A_67] : memref<230400x128xf32, #tpu.memory_space<hbm>> -> memref<96x128xf32, #tpu.memory_space<hbm>>
    tpu.wait_dma2 semaphore(%arg20 : memref<!tpu.dma_semaphore, #tpu.memory_space<semaphore_mem>>) src(%arg10 : memref<96x128xf32, #tpu.memory_space<vmem>>) dst(%dma_wait3A_68 : memref<96x128xf32, #tpu.memory_space<hbm>>)
    return
  }
}

module attributes {stable_mosaic.version = 14 : i64} {
  func.func @body(%arg0: i32, %arg1: memref<1x50x128xf32, #tpu.memory_space<vmem>>, %arg2: memref<1x50x128xf32, #tpu.memory_space<vmem>>, %arg3: memref<1x50x50xi32, #tpu.memory_space<vmem>>, %arg4: memref<1x1x50xf32, #tpu.memory_space<vmem>>, %arg5: memref<4x128xf32, #tpu.memory_space<vmem>>, %arg6: memref<1x50x128xf32, #tpu.memory_space<vmem>>, %arg7: memref<1x1x128xf32, #tpu.memory_space<vmem>>) attributes {dimension_semantics = [#tpu.dimension_semantics<arbitrary>], iteration_bounds = array<i64: 32>, scalar_prefetch = 0 : i64, scratch_operands = 0 : i64, tpu.core_type = #tpu.core_type<tc>, window_params = [{transform_indices = @transform_0, window_bounds = array<i64: 1, 50, 128>}, {transform_indices = @transform_1, window_bounds = array<i64: 1, 50, 128>}, {transform_indices = @transform_2, window_bounds = array<i64: 1, 50, 50>}, {transform_indices = @transform_3, window_bounds = array<i64: 1, 1, 50>}, {pipeline_mode = #tpu.pipeline_mode<synchronous>, transform_indices = @transform_4, window_bounds = array<i64: 4, 128>}, {transform_indices = @transform_5, window_bounds = array<i64: 1, 50, 128>}, {transform_indices = @transform_6, window_bounds = array<i64: 1, 1, 128>}]} {
    %get3A = arith.constant 0 : index
    %get3A_0 = arith.constant 0 : index
    %get3A_1 = arith.constant 0 : index
    %get3A_2 = vector.load %arg1[%get3A, %get3A_0, %get3A_1] : memref<1x50x128xf32, #tpu.memory_space<vmem>>, vector<1x50x128xf32>
    %get3A_3 = vector.shape_cast %get3A_2 : vector<1x50x128xf32> to vector<50x128xf32>
    %get3A_4 = arith.constant 0 : index
    %get3A_5 = arith.constant 0 : index
    %get3A_6 = vector.load %arg5[%get3A_4, %get3A_5] : memref<4x128xf32, #tpu.memory_space<vmem>>, vector<4x128xf32>
    %get3A_7 = arith.constant 0 : index
    %get3A_8 = arith.constant 0 : index
    %get3A_9 = arith.constant 0 : index
    %get3A_10 = vector.load %arg3[%get3A_7, %get3A_8, %get3A_9] : memref<1x50x50xi32, #tpu.memory_space<vmem>>, vector<1x50x50xi32>
    %get3A_11 = vector.shape_cast %get3A_10 : vector<1x50x50xi32> to vector<50x50xi32>
    %broadcast_in_dim3A = arith.constant -9.000000e+15 : f32
    %broadcast_in_dim3A_12 = vector.broadcast %broadcast_in_dim3A : f32 to vector<50x50xf32>
    %slice3A = vector.extract_strided_slice %get3A_6 {offsets = [0, 0], sizes = [1, 128], strides = [1, 1]} : vector<4x128xf32> to vector<1x128xf32>
    %squeeze3A = vector.shape_cast %slice3A : vector<1x128xf32> to vector<128xf32>
    %broadcast_in_dim3A_13 = vector.shape_cast %squeeze3A : vector<128xf32> to vector<1x128xf32>
    %mul3A = vector.broadcast %broadcast_in_dim3A_13 : vector<1x128xf32> to vector<50x128xf32>
    %mul3A_14 = arith.mulf %get3A_3, %mul3A : vector<50x128xf32>
    %dot_general3A = arith.constant dense<0.000000e+00> : vector<50x50xf32>
    %dot_general3A_15 = tpu.matmul %mul3A_14, %get3A_3, %dot_general3A {dimension_numbers = #tpu.dot_dimension_numbers<[1], [1], [0], [0], [0, 0, 1, 0], [], []>, transpose_lhs_hint = false} : vector<50x128xf32>, vector<50x128xf32>, vector<50x50xf32> -> vector<50x50xf32>
    %ge3A = arith.constant 0.000000e+00 : f32
    %ge3A_16 = vector.broadcast %ge3A : f32 to vector<50x50xf32>
    %ge3A_17 = arith.cmpf oge, %dot_general3A_15, %ge3A_16 : vector<50x50xf32>
    %mul3A_18 = arith.constant 2.000000e-01 : f32
    %mul3A_19 = vector.broadcast %mul3A_18 : f32 to vector<50x50xf32>
    %mul3A_20 = arith.mulf %mul3A_19, %dot_general3A_15 : vector<50x50xf32>
    %select_n3A = arith.select %ge3A_17, %dot_general3A_15, %mul3A_20 : vector<50x50xi1>, vector<50x50xf32>
    %eq3A = arith.constant 1 : i32
    %eq3A_21 = vector.broadcast %eq3A : i32 to vector<50x50xi32>
    %eq3A_22 = arith.cmpi eq, %get3A_11, %eq3A_21 : vector<50x50xi32>
    %select_n3A_23 = arith.select %eq3A_22, %select_n3A, %broadcast_in_dim3A_12 : vector<50x50xi1>, vector<50x50xf32>
    %slice3A_24 = vector.extract_strided_slice %get3A_6 {offsets = [1, 0], sizes = [1, 128], strides = [1, 1]} : vector<4x128xf32> to vector<1x128xf32>
    %squeeze3A_25 = vector.shape_cast %slice3A_24 : vector<1x128xf32> to vector<128xf32>
    %broadcast_in_dim3A_26 = vector.shape_cast %squeeze3A_25 : vector<128xf32> to vector<1x128xf32>
    %mul3A_27 = vector.broadcast %broadcast_in_dim3A_26 : vector<1x128xf32> to vector<50x128xf32>
    %mul3A_28 = arith.mulf %get3A_3, %mul3A_27 : vector<50x128xf32>
    %dot_general3A_29 = arith.constant dense<0.000000e+00> : vector<50x50xf32>
    %dot_general3A_30 = tpu.matmul %mul3A_28, %get3A_3, %dot_general3A_29 {dimension_numbers = #tpu.dot_dimension_numbers<[1], [1], [0], [0], [0, 0, 1, 0], [], []>, transpose_lhs_hint = false} : vector<50x128xf32>, vector<50x128xf32>, vector<50x50xf32> -> vector<50x50xf32>
    %ge3A_31 = arith.constant 0.000000e+00 : f32
    %ge3A_32 = vector.broadcast %ge3A_31 : f32 to vector<50x50xf32>
    %ge3A_33 = arith.cmpf oge, %dot_general3A_30, %ge3A_32 : vector<50x50xf32>
    %mul3A_34 = arith.constant 2.000000e-01 : f32
    %mul3A_35 = vector.broadcast %mul3A_34 : f32 to vector<50x50xf32>
    %mul3A_36 = arith.mulf %mul3A_35, %dot_general3A_30 : vector<50x50xf32>
    %select_n3A_37 = arith.select %ge3A_33, %dot_general3A_30, %mul3A_36 : vector<50x50xi1>, vector<50x50xf32>
    %eq3A_38 = arith.constant 2 : i32
    %eq3A_39 = vector.broadcast %eq3A_38 : i32 to vector<50x50xi32>
    %eq3A_40 = arith.cmpi eq, %get3A_11, %eq3A_39 : vector<50x50xi32>
    %select_n3A_41 = arith.select %eq3A_40, %select_n3A_37, %select_n3A_23 : vector<50x50xi1>, vector<50x50xf32>
    %slice3A_42 = vector.extract_strided_slice %get3A_6 {offsets = [2, 0], sizes = [1, 128], strides = [1, 1]} : vector<4x128xf32> to vector<1x128xf32>
    %squeeze3A_43 = vector.shape_cast %slice3A_42 : vector<1x128xf32> to vector<128xf32>
    %broadcast_in_dim3A_44 = vector.shape_cast %squeeze3A_43 : vector<128xf32> to vector<1x128xf32>
    %mul3A_45 = vector.broadcast %broadcast_in_dim3A_44 : vector<1x128xf32> to vector<50x128xf32>
    %mul3A_46 = arith.mulf %get3A_3, %mul3A_45 : vector<50x128xf32>
    %dot_general3A_47 = arith.constant dense<0.000000e+00> : vector<50x50xf32>
    %dot_general3A_48 = tpu.matmul %mul3A_46, %get3A_3, %dot_general3A_47 {dimension_numbers = #tpu.dot_dimension_numbers<[1], [1], [0], [0], [0, 0, 1, 0], [], []>, transpose_lhs_hint = false} : vector<50x128xf32>, vector<50x128xf32>, vector<50x50xf32> -> vector<50x50xf32>
    %ge3A_49 = arith.constant 0.000000e+00 : f32
    %ge3A_50 = vector.broadcast %ge3A_49 : f32 to vector<50x50xf32>
    %ge3A_51 = arith.cmpf oge, %dot_general3A_48, %ge3A_50 : vector<50x50xf32>
    %mul3A_52 = arith.constant 2.000000e-01 : f32
    %mul3A_53 = vector.broadcast %mul3A_52 : f32 to vector<50x50xf32>
    %mul3A_54 = arith.mulf %mul3A_53, %dot_general3A_48 : vector<50x50xf32>
    %select_n3A_55 = arith.select %ge3A_51, %dot_general3A_48, %mul3A_54 : vector<50x50xi1>, vector<50x50xf32>
    %eq3A_56 = arith.constant 3 : i32
    %eq3A_57 = vector.broadcast %eq3A_56 : i32 to vector<50x50xi32>
    %eq3A_58 = arith.cmpi eq, %get3A_11, %eq3A_57 : vector<50x50xi32>
    %select_n3A_59 = arith.select %eq3A_58, %select_n3A_55, %select_n3A_41 : vector<50x50xi1>, vector<50x50xf32>
    %slice3A_60 = vector.extract_strided_slice %get3A_6 {offsets = [3, 0], sizes = [1, 128], strides = [1, 1]} : vector<4x128xf32> to vector<1x128xf32>
    %squeeze3A_61 = vector.shape_cast %slice3A_60 : vector<1x128xf32> to vector<128xf32>
    %broadcast_in_dim3A_62 = vector.shape_cast %squeeze3A_61 : vector<128xf32> to vector<1x128xf32>
    %mul3A_63 = vector.broadcast %broadcast_in_dim3A_62 : vector<1x128xf32> to vector<50x128xf32>
    %mul3A_64 = arith.mulf %get3A_3, %mul3A_63 : vector<50x128xf32>
    %dot_general3A_65 = arith.constant dense<0.000000e+00> : vector<50x50xf32>
    %dot_general3A_66 = tpu.matmul %mul3A_64, %get3A_3, %dot_general3A_65 {dimension_numbers = #tpu.dot_dimension_numbers<[1], [1], [0], [0], [0, 0, 1, 0], [], []>, transpose_lhs_hint = false} : vector<50x128xf32>, vector<50x128xf32>, vector<50x50xf32> -> vector<50x50xf32>
    %ge3A_67 = arith.constant 0.000000e+00 : f32
    %ge3A_68 = vector.broadcast %ge3A_67 : f32 to vector<50x50xf32>
    %ge3A_69 = arith.cmpf oge, %dot_general3A_66, %ge3A_68 : vector<50x50xf32>
    %mul3A_70 = arith.constant 2.000000e-01 : f32
    %mul3A_71 = vector.broadcast %mul3A_70 : f32 to vector<50x50xf32>
    %mul3A_72 = arith.mulf %mul3A_71, %dot_general3A_66 : vector<50x50xf32>
    %select_n3A_73 = arith.select %ge3A_69, %dot_general3A_66, %mul3A_72 : vector<50x50xi1>, vector<50x50xf32>
    %eq3A_74 = arith.constant 4 : i32
    %eq3A_75 = vector.broadcast %eq3A_74 : i32 to vector<50x50xi32>
    %eq3A_76 = arith.cmpi eq, %get3A_11, %eq3A_75 : vector<50x50xi32>
    %select_n3A_77 = arith.select %eq3A_76, %select_n3A_73, %select_n3A_59 : vector<50x50xi1>, vector<50x50xf32>
    %reduce_max3A = arith.constant dense<0xFF800000> : vector<50xf32>
    %reduce_max3A_78 = vector.multi_reduction <maximumf>, %select_n3A_77, %reduce_max3A [1] : vector<50x50xf32> to vector<50xf32>
    %max3A = arith.constant 0xFF800000 : f32
    %max3A_79 = vector.broadcast %max3A : f32 to vector<50xf32>
    %max3A_80 = arith.maximumf %max3A_79, %reduce_max3A_78 : vector<50xf32>
    %broadcast_in_dim3A_81 = vector.shape_cast %max3A_80 : vector<50xf32> to vector<50x1xf32>
    %sub3A = vector.broadcast %broadcast_in_dim3A_81 : vector<50x1xf32> to vector<50x50xf32>
    %sub3A_82 = arith.subf %select_n3A_77, %sub3A : vector<50x50xf32>
    %exp3A = math.exp %sub3A_82 : vector<50x50xf32>
    %reduce_sum3A = arith.constant dense<0.000000e+00> : vector<50xf32>
    %reduce_sum3A_83 = vector.multi_reduction <add>, %exp3A, %reduce_sum3A [1] : vector<50x50xf32> to vector<50xf32>
    %broadcast_in_dim3A_84 = vector.shape_cast %reduce_sum3A_83 : vector<50xf32> to vector<50x1xf32>
    %div3A = vector.broadcast %broadcast_in_dim3A_84 : vector<50x1xf32> to vector<50x50xf32>
    %div3A_85 = arith.divf %exp3A, %div3A : vector<50x50xf32>
    %dot_general3A_86 = arith.constant dense<0.000000e+00> : vector<50x128xf32>
    %dot_general3A_87 = tpu.matmul %div3A_85, %get3A_3, %dot_general3A_86 {dimension_numbers = #tpu.dot_dimension_numbers<[1], [0], [0], [1], [0, 0, 1, 1], [], []>, transpose_lhs_hint = false} : vector<50x50xf32>, vector<50x128xf32>, vector<50x128xf32> -> vector<50x128xf32>
    %swap3A = arith.constant 0 : index
    %swap3A_88 = arith.constant 0 : index
    %swap3A_89 = arith.constant 0 : index
    %swap3A_90 = vector.load %arg6[%swap3A, %swap3A_88, %swap3A_89] : memref<1x50x128xf32, #tpu.memory_space<vmem>>, vector<1x50x128xf32>
    %swap3A_91 = vector.shape_cast %swap3A_90 : vector<1x50x128xf32> to vector<50x128xf32>
    %swap3A_92 = vector.shape_cast %dot_general3A_87 : vector<50x128xf32> to vector<1x50x128xf32>
    tpu.vector_store %arg6[%swap3A, %swap3A_88, %swap3A_89], %swap3A_92 {strides = array<i32>} : memref<1x50x128xf32, #tpu.memory_space<vmem>>, vector<1x50x128xf32>,
    %get3A_93 = arith.constant 0 : index
    %get3A_94 = arith.constant 0 : index
    %get3A_95 = arith.constant 0 : index
    %get3A_96 = vector.load %arg4[%get3A_93, %get3A_94, %get3A_95] : memref<1x1x50xf32, #tpu.memory_space<vmem>>, vector<1x1x50xf32>
    %get3A_97 = vector.shape_cast %get3A_96 : vector<1x1x50xf32> to vector<50xf32>
    %get3A_98 = arith.constant 0 : index
    %get3A_99 = arith.constant 0 : index
    %get3A_100 = arith.constant 0 : index
    %get3A_101 = vector.load %arg2[%get3A_98, %get3A_99, %get3A_100] : memref<1x50x128xf32, #tpu.memory_space<vmem>>, vector<1x50x128xf32>
    %get3A_102 = vector.shape_cast %get3A_101 : vector<1x50x128xf32> to vector<50x128xf32>
    %broadcast_in_dim3A_103 = vector.shape_cast %get3A_97 : vector<50xf32> to vector<50x1xf32>
    %mul3A_104 = vector.broadcast %broadcast_in_dim3A_103 : vector<50x1xf32> to vector<50x128xf32>
    %mul3A_105 = arith.mulf %get3A_102, %mul3A_104 : vector<50x128xf32>
    %reduce_sum3A_106 = arith.constant dense<0.000000e+00> : vector<128xf32>
    %reduce_sum3A_107 = vector.multi_reduction <add>, %mul3A_105, %reduce_sum3A_106 [0] : vector<50x128xf32> to vector<128xf32>
    %reduce_sum3A_108 = vector.shape_cast %get3A_97 : vector<50xf32> to vector<1x50xf32>
    %reduce_sum3A_109 = arith.constant dense<0.000000e+00> : vector<1xf32>
    %reduce_sum3A_110 = vector.multi_reduction <add>, %reduce_sum3A_108, %reduce_sum3A_109 [1] : vector<1x50xf32> to vector<1xf32>
    %reduce_sum3A_111 = vector.shape_cast %reduce_sum3A_110 : vector<1xf32> to vector<1x1xf32>
    %reduce_sum3A_112 = vector.extract %reduce_sum3A_111[0, 0] : f32 from vector<1x1xf32>
    %div3A_113 = vector.broadcast %reduce_sum3A_112 : f32 to vector<128xf32>
    %div3A_114 = arith.divf %reduce_sum3A_107, %div3A_113 : vector<128xf32>
    %swap3A_115 = arith.constant 0 : index
    %swap3A_116 = arith.constant 0 : index
    %swap3A_117 = arith.constant 0 : index
    %swap3A_118 = vector.load %arg7[%swap3A_115, %swap3A_116, %swap3A_117] : memref<1x1x128xf32, #tpu.memory_space<vmem>>, vector<1x1x128xf32>
    %swap3A_119 = vector.shape_cast %swap3A_118 : vector<1x1x128xf32> to vector<128xf32>
    %swap3A_120 = vector.shape_cast %div3A_114 : vector<128xf32> to vector<1x1x128xf32>
    tpu.vector_store %arg7[%swap3A_115, %swap3A_116, %swap3A_117], %swap3A_120 {strides = array<i32>} : memref<1x1x128xf32, #tpu.memory_space<vmem>>, vector<1x1x128xf32>,
    return
  }
  func.func @transform_0(%arg0: i32) -> (i32, i32, i32) {
    %c0_i32 = arith.constant 0 : i32
    %c0_i32_0 = arith.constant 0 : i32
    %c0_i32_1 = arith.constant 0 : i32
    return %arg0, %c0_i32, %c0_i32_0 : i32, i32, i32
  }
  func.func @transform_1(%arg0: i32) -> (i32, i32, i32) {
    %c0_i32 = arith.constant 0 : i32
    %c0_i32_0 = arith.constant 0 : i32
    %c0_i32_1 = arith.constant 0 : i32
    return %arg0, %c0_i32, %c0_i32_0 : i32, i32, i32
  }
  func.func @transform_2(%arg0: i32) -> (i32, i32, i32) {
    %c0_i32 = arith.constant 0 : i32
    %c0_i32_0 = arith.constant 0 : i32
    %c0_i32_1 = arith.constant 0 : i32
    return %arg0, %c0_i32, %c0_i32_0 : i32, i32, i32
  }
  func.func @transform_3(%arg0: i32) -> (i32, i32, i32) {
    %c0_i32 = arith.constant 0 : i32
    %c0_i32_0 = arith.constant 0 : i32
    %c0_i32_1 = arith.constant 0 : i32
    return %arg0, %c0_i32, %c0_i32_0 : i32, i32, i32
  }
  func.func @transform_4(%arg0: i32) -> (i32, i32) {
    %c0_i32 = arith.constant 0 : i32
    %c0_i32_0 = arith.constant 0 : i32
    %c0_i32_1 = arith.constant 0 : i32
    return %c0_i32, %c0_i32_0 : i32, i32
  }
  func.func @transform_5(%arg0: i32) -> (i32, i32, i32) {
    %c0_i32 = arith.constant 0 : i32
    %c0_i32_0 = arith.constant 0 : i32
    %c0_i32_1 = arith.constant 0 : i32
    return %arg0, %c0_i32, %c0_i32_0 : i32, i32, i32
  }
  func.func @transform_6(%arg0: i32) -> (i32, i32, i32) {
    %c0_i32 = arith.constant 0 : i32
    %c0_i32_0 = arith.constant 0 : i32
    %c0_i32_1 = arith.constant 0 : i32
    return %arg0, %c0_i32, %c0_i32_0 : i32, i32, i32
  }
}

module attributes {stable_mosaic.version = 14 : i64} {
  func.func @body(%arg0: i32, %arg1: i32, %arg2: memref<1x50x128xf32, #tpu.memory_space<vmem>>, %arg3: memref<1x600x128xf32, #tpu.memory_space<vmem>>, %arg4: memref<1x600x1xf32, #tpu.memory_space<vmem>>, %arg5: memref<1x1x128xf32, #tpu.memory_space<vmem>>, %arg6: memref<50x600xf32, #tpu.memory_space<vmem>>, %arg7: memref<128x128xf32, #tpu.memory_space<vmem>>, %arg8: memref<1x128xf32, #tpu.memory_space<vmem>>, %arg9: memref<128x1xf32, #tpu.memory_space<vmem>>, %arg10: memref<128x128xf32, #tpu.memory_space<vmem>>, %arg11: memref<128x128xf32, #tpu.memory_space<vmem>>, %arg12: memref<1x50x128xf32, #tpu.memory_space<vmem>>) attributes {dimension_semantics = [#tpu.dimension_semantics<parallel>, #tpu.dimension_semantics<parallel>], iteration_bounds = array<i64: 32, 1>, scalar_prefetch = 0 : i64, scratch_operands = 0 : i64, tpu.core_type = #tpu.core_type<tc>, window_params = [{transform_indices = @transform_0, window_bounds = array<i64: 1, 50, 128>}, {transform_indices = @transform_1, window_bounds = array<i64: 1, 600, 128>}, {transform_indices = @transform_2, window_bounds = array<i64: 1, 600, 1>}, {transform_indices = @transform_3, window_bounds = array<i64: 1, 1, 128>}, {pipeline_mode = #tpu.pipeline_mode<synchronous>, transform_indices = @transform_4, window_bounds = array<i64: 50, 600>}, {pipeline_mode = #tpu.pipeline_mode<synchronous>, transform_indices = @transform_5, window_bounds = array<i64: 128, 128>}, {pipeline_mode = #tpu.pipeline_mode<synchronous>, transform_indices = @transform_6, window_bounds = array<i64: 1, 128>}, {pipeline_mode = #tpu.pipeline_mode<synchronous>, transform_indices = @transform_7, window_bounds = array<i64: 128, 1>}, {pipeline_mode = #tpu.pipeline_mode<synchronous>, transform_indices = @transform_8, window_bounds = array<i64: 128, 128>}, {pipeline_mode = #tpu.pipeline_mode<synchronous>, transform_indices = @transform_9, window_bounds = array<i64: 128, 128>}, {transform_indices = @transform_10, window_bounds = array<i64: 1, 50, 128>}]} {
    %get3A = arith.constant 0 : index
    %get3A_0 = arith.constant 0 : index
    %get3A_1 = arith.constant 0 : index
    %get3A_2 = vector.load %arg3[%get3A, %get3A_0, %get3A_1] : memref<1x600x128xf32, #tpu.memory_space<vmem>>, vector<1x600x128xf32>
    %get3A_3 = vector.shape_cast %get3A_2 : vector<1x600x128xf32> to vector<600x128xf32>
    %get3A_4 = arith.constant 0 : index
    %get3A_5 = arith.constant 0 : index
    %get3A_6 = arith.constant 0 : index
    %get3A_7 = vector.load %arg5[%get3A_4, %get3A_5, %get3A_6] : memref<1x1x128xf32, #tpu.memory_space<vmem>>, vector<1x1x128xf32>
    %get3A_8 = vector.shape_cast %get3A_7 : vector<1x1x128xf32> to vector<128xf32>
    %broadcast_in_dim3A = vector.shape_cast %get3A_8 : vector<128xf32> to vector<128x1xf32>
    %get3A_9 = arith.constant 0 : index
    %get3A_10 = arith.constant 0 : index
    %get3A_11 = vector.load %arg7[%get3A_9, %get3A_10] : memref<128x128xf32, #tpu.memory_space<vmem>>, vector<128x128xf32>
    %mul3A = vector.broadcast %broadcast_in_dim3A : vector<128x1xf32> to vector<128x128xf32>
    %mul3A_12 = arith.mulf %mul3A, %get3A_11 : vector<128x128xf32>
    %dot_general3A = arith.constant dense<0.000000e+00> : vector<600x128xf32>
    %dot_general3A_13 = tpu.matmul %get3A_3, %mul3A_12, %dot_general3A {dimension_numbers = #tpu.dot_dimension_numbers<[1], [0], [0], [1], [0, 0, 1, 1], [], []>, transpose_lhs_hint = false} : vector<600x128xf32>, vector<128x128xf32>, vector<600x128xf32> -> vector<600x128xf32>
    %get3A_14 = arith.constant 0 : index
    %get3A_15 = arith.constant 0 : index
    %get3A_16 = arith.constant 0 : index
    %get3A_17 = vector.load %arg4[%get3A_14, %get3A_15, %get3A_16] : memref<1x600x1xf32, #tpu.memory_space<vmem>>, vector<1x600x1xf32>
    %get3A_18 = vector.shape_cast %get3A_17 : vector<1x600x1xf32> to vector<600x1xf32>
    %get3A_19 = arith.constant 0 : index
    %get3A_20 = arith.constant 0 : index
    %get3A_21 = vector.load %arg8[%get3A_19, %get3A_20] : memref<1x128xf32, #tpu.memory_space<vmem>>, vector<1x128xf32>
    %mul3A_22 = vector.broadcast %get3A_18 : vector<600x1xf32> to vector<600x128xf32>
    %mul3A_23 = vector.broadcast %get3A_21 : vector<1x128xf32> to vector<600x128xf32>
    %mul3A_24 = arith.mulf %mul3A_22, %mul3A_23 : vector<600x128xf32>
    %add3A = arith.addf %dot_general3A_13, %mul3A_24 : vector<600x128xf32>
    %ge3A = arith.constant 0.000000e+00 : f32
    %ge3A_25 = vector.broadcast %ge3A : f32 to vector<600x128xf32>
    %ge3A_26 = arith.cmpf oge, %add3A, %ge3A_25 : vector<600x128xf32>
    %mul3A_27 = arith.constant 2.000000e-01 : f32
    %mul3A_28 = vector.broadcast %mul3A_27 : f32 to vector<600x128xf32>
    %mul3A_29 = arith.mulf %mul3A_28, %add3A : vector<600x128xf32>
    %select_n3A = arith.select %ge3A_26, %add3A, %mul3A_29 : vector<600x128xi1>, vector<600x128xf32>
    %get3A_30 = arith.constant 0 : index
    %get3A_31 = arith.constant 0 : index
    %get3A_32 = vector.load %arg9[%get3A_30, %get3A_31] : memref<128x1xf32, #tpu.memory_space<vmem>>, vector<128x1xf32>
    %dot_general3A_33 = arith.constant dense<0.000000e+00> : vector<600x1xf32>
    %dot_general3A_34 = tpu.matmul %select_n3A, %get3A_32, %dot_general3A_33 {dimension_numbers = #tpu.dot_dimension_numbers<[1], [0], [0], [1], [0, 0, 1, 1], [], []>, transpose_lhs_hint = false} : vector<600x128xf32>, vector<128x1xf32>, vector<600x1xf32> -> vector<600x1xf32>
    %exp3A = math.exp %dot_general3A_34 : vector<600x1xf32>
    %get3A_35 = arith.constant 0 : index
    %get3A_36 = arith.constant 0 : index
    %get3A_37 = vector.load %arg6[%get3A_35, %get3A_36] : memref<50x600xf32, #tpu.memory_space<vmem>>, vector<50x600xf32>
    %dot_general3A_38 = arith.constant dense<0.000000e+00> : vector<50x1xf32>
    %dot_general3A_39 = tpu.matmul %get3A_37, %exp3A, %dot_general3A_38 {dimension_numbers = #tpu.dot_dimension_numbers<[1], [0], [0], [1], [0, 0, 1, 1], [], []>, transpose_lhs_hint = false} : vector<50x600xf32>, vector<600x1xf32>, vector<50x1xf32> -> vector<50x1xf32>
    %get3A_40 = arith.constant 0 : index
    %get3A_41 = arith.constant 0 : index
    %get3A_42 = vector.load %arg6[%get3A_40, %get3A_41] : memref<50x600xf32, #tpu.memory_space<vmem>>, vector<50x600xf32>
    %mul3A_43 = vector.broadcast %exp3A : vector<600x1xf32> to vector<600x128xf32>
    %mul3A_44 = arith.mulf %mul3A_43, %get3A_3 : vector<600x128xf32>
    %dot_general3A_45 = arith.constant dense<0.000000e+00> : vector<50x128xf32>
    %dot_general3A_46 = tpu.matmul %get3A_42, %mul3A_44, %dot_general3A_45 {dimension_numbers = #tpu.dot_dimension_numbers<[1], [0], [0], [1], [0, 0, 1, 1], [], []>, transpose_lhs_hint = false} : vector<50x600xf32>, vector<600x128xf32>, vector<50x128xf32> -> vector<50x128xf32>
    %div3A = vector.broadcast %dot_general3A_39 : vector<50x1xf32> to vector<50x128xf32>
    %div3A_47 = arith.divf %dot_general3A_46, %div3A : vector<50x128xf32>
    %get3A_48 = arith.constant 0 : index
    %get3A_49 = arith.constant 0 : index
    %get3A_50 = arith.constant 0 : index
    %get3A_51 = vector.load %arg2[%get3A_48, %get3A_49, %get3A_50] : memref<1x50x128xf32, #tpu.memory_space<vmem>>, vector<1x50x128xf32>
    %get3A_52 = vector.shape_cast %get3A_51 : vector<1x50x128xf32> to vector<50x128xf32>
    %get3A_53 = arith.constant 0 : index
    %get3A_54 = arith.constant 0 : index
    %get3A_55 = vector.load %arg10[%get3A_53, %get3A_54] : memref<128x128xf32, #tpu.memory_space<vmem>>, vector<128x128xf32>
    %dot_general3A_56 = arith.constant dense<0.000000e+00> : vector<50x128xf32>
    %dot_general3A_57 = tpu.matmul %get3A_52, %get3A_55, %dot_general3A_56 {dimension_numbers = #tpu.dot_dimension_numbers<[1], [0], [0], [1], [0, 0, 1, 1], [], []>, transpose_lhs_hint = false} : vector<50x128xf32>, vector<128x128xf32>, vector<50x128xf32> -> vector<50x128xf32>
    %get3A_58 = arith.constant 0 : index
    %get3A_59 = arith.constant 0 : index
    %get3A_60 = vector.load %arg11[%get3A_58, %get3A_59] : memref<128x128xf32, #tpu.memory_space<vmem>>, vector<128x128xf32>
    %dot_general3A_61 = arith.constant dense<0.000000e+00> : vector<50x128xf32>
    %dot_general3A_62 = tpu.matmul %div3A_47, %get3A_60, %dot_general3A_61 {dimension_numbers = #tpu.dot_dimension_numbers<[1], [0], [0], [1], [0, 0, 1, 1], [], []>, transpose_lhs_hint = false} : vector<50x128xf32>, vector<128x128xf32>, vector<50x128xf32> -> vector<50x128xf32>
    %add3A_63 = arith.addf %dot_general3A_57, %dot_general3A_62 : vector<50x128xf32>
    %max3A = arith.constant 0.000000e+00 : f32
    %max3A_64 = vector.broadcast %max3A : f32 to vector<50x128xf32>
    %max3A_65 = arith.maximumf %add3A_63, %max3A_64 : vector<50x128xf32>
    %swap3A = arith.constant 0 : index
    %swap3A_66 = arith.constant 0 : index
    %swap3A_67 = arith.constant 0 : index
    %swap3A_68 = vector.load %arg12[%swap3A, %swap3A_66, %swap3A_67] : memref<1x50x128xf32, #tpu.memory_space<vmem>>, vector<1x50x128xf32>
    %swap3A_69 = vector.shape_cast %swap3A_68 : vector<1x50x128xf32> to vector<50x128xf32>
    %swap3A_70 = vector.shape_cast %max3A_65 : vector<50x128xf32> to vector<1x50x128xf32>
    tpu.vector_store %arg12[%swap3A, %swap3A_66, %swap3A_67], %swap3A_70 {strides = array<i32>} : memref<1x50x128xf32, #tpu.memory_space<vmem>>, vector<1x50x128xf32>,
    return
  }
  func.func @transform_0(%arg0: i32, %arg1: i32) -> (i32, i32, i32) {
    %c0_i32 = arith.constant 0 : i32
    %c0_i32_0 = arith.constant 0 : i32
    return %arg0, %arg1, %c0_i32 : i32, i32, i32
  }
  func.func @transform_1(%arg0: i32, %arg1: i32) -> (i32, i32, i32) {
    %c0_i32 = arith.constant 0 : i32
    %c0_i32_0 = arith.constant 0 : i32
    return %arg0, %arg1, %c0_i32 : i32, i32, i32
  }
  func.func @transform_2(%arg0: i32, %arg1: i32) -> (i32, i32, i32) {
    %c0_i32 = arith.constant 0 : i32
    %c0_i32_0 = arith.constant 0 : i32
    return %arg0, %arg1, %c0_i32 : i32, i32, i32
  }
  func.func @transform_3(%arg0: i32, %arg1: i32) -> (i32, i32, i32) {
    %c0_i32 = arith.constant 0 : i32
    %c0_i32_0 = arith.constant 0 : i32
    %c0_i32_1 = arith.constant 0 : i32
    return %arg0, %c0_i32, %c0_i32_0 : i32, i32, i32
  }
  func.func @transform_4(%arg0: i32, %arg1: i32) -> (i32, i32) {
    %c0_i32 = arith.constant 0 : i32
    %c0_i32_0 = arith.constant 0 : i32
    %c0_i32_1 = arith.constant 0 : i32
    return %c0_i32, %c0_i32_0 : i32, i32
  }
  func.func @transform_5(%arg0: i32, %arg1: i32) -> (i32, i32) {
    %c0_i32 = arith.constant 0 : i32
    %c0_i32_0 = arith.constant 0 : i32
    %c0_i32_1 = arith.constant 0 : i32
    return %c0_i32, %c0_i32_0 : i32, i32
  }
  func.func @transform_6(%arg0: i32, %arg1: i32) -> (i32, i32) {
    %c0_i32 = arith.constant 0 : i32
    %c0_i32_0 = arith.constant 0 : i32
    %c0_i32_1 = arith.constant 0 : i32
    return %c0_i32, %c0_i32_0 : i32, i32
  }
  func.func @transform_7(%arg0: i32, %arg1: i32) -> (i32, i32) {
    %c0_i32 = arith.constant 0 : i32
    %c0_i32_0 = arith.constant 0 : i32
    %c0_i32_1 = arith.constant 0 : i32
    return %c0_i32, %c0_i32_0 : i32, i32
  }
  func.func @transform_8(%arg0: i32, %arg1: i32) -> (i32, i32) {
    %c0_i32 = arith.constant 0 : i32
    %c0_i32_0 = arith.constant 0 : i32
    %c0_i32_1 = arith.constant 0 : i32
    return %c0_i32, %c0_i32_0 : i32, i32
  }
  func.func @transform_9(%arg0: i32, %arg1: i32) -> (i32, i32) {
    %c0_i32 = arith.constant 0 : i32
    %c0_i32_0 = arith.constant 0 : i32
    %c0_i32_1 = arith.constant 0 : i32
    return %c0_i32, %c0_i32_0 : i32, i32
  }
  func.func @transform_10(%arg0: i32, %arg1: i32) -> (i32, i32, i32) {
    %c0_i32 = arith.constant 0 : i32
    %c0_i32_0 = arith.constant 0 : i32
    return %arg0, %arg1, %c0_i32 : i32, i32, i32
  }
}

module attributes {stable_mosaic.version = 14 : i64} {
  func.func @body(%arg0: i32, %arg1: i32, %arg2: memref<1x200x128xf32, #tpu.memory_space<vmem>>, %arg3: memref<1x2400x128xf32, #tpu.memory_space<vmem>>, %arg4: memref<1x2400x1xf32, #tpu.memory_space<vmem>>, %arg5: memref<1x1x128xf32, #tpu.memory_space<vmem>>, %arg6: memref<200x2400xf32, #tpu.memory_space<vmem>>, %arg7: memref<128x128xf32, #tpu.memory_space<vmem>>, %arg8: memref<1x128xf32, #tpu.memory_space<vmem>>, %arg9: memref<128x1xf32, #tpu.memory_space<vmem>>, %arg10: memref<128x128xf32, #tpu.memory_space<vmem>>, %arg11: memref<128x128xf32, #tpu.memory_space<vmem>>, %arg12: memref<1x200x128xf32, #tpu.memory_space<vmem>>) attributes {dimension_semantics = [#tpu.dimension_semantics<parallel>, #tpu.dimension_semantics<parallel>], iteration_bounds = array<i64: 32, 3>, scalar_prefetch = 0 : i64, scratch_operands = 0 : i64, tpu.core_type = #tpu.core_type<tc>, window_params = [{transform_indices = @transform_0, window_bounds = array<i64: 1, 200, 128>}, {transform_indices = @transform_1, window_bounds = array<i64: 1, 2400, 128>}, {transform_indices = @transform_2, window_bounds = array<i64: 1, 2400, 1>}, {transform_indices = @transform_3, window_bounds = array<i64: 1, 1, 128>}, {pipeline_mode = #tpu.pipeline_mode<synchronous>, transform_indices = @transform_4, window_bounds = array<i64: 200, 2400>}, {pipeline_mode = #tpu.pipeline_mode<synchronous>, transform_indices = @transform_5, window_bounds = array<i64: 128, 128>}, {pipeline_mode = #tpu.pipeline_mode<synchronous>, transform_indices = @transform_6, window_bounds = array<i64: 1, 128>}, {pipeline_mode = #tpu.pipeline_mode<synchronous>, transform_indices = @transform_7, window_bounds = array<i64: 128, 1>}, {pipeline_mode = #tpu.pipeline_mode<synchronous>, transform_indices = @transform_8, window_bounds = array<i64: 128, 128>}, {pipeline_mode = #tpu.pipeline_mode<synchronous>, transform_indices = @transform_9, window_bounds = array<i64: 128, 128>}, {transform_indices = @transform_10, window_bounds = array<i64: 1, 200, 128>}]} {
    %get3A = arith.constant 0 : index
    %get3A_0 = arith.constant 0 : index
    %get3A_1 = arith.constant 0 : index
    %get3A_2 = vector.load %arg3[%get3A, %get3A_0, %get3A_1] : memref<1x2400x128xf32, #tpu.memory_space<vmem>>, vector<1x2400x128xf32>
    %get3A_3 = vector.shape_cast %get3A_2 : vector<1x2400x128xf32> to vector<2400x128xf32>
    %get3A_4 = arith.constant 0 : index
    %get3A_5 = arith.constant 0 : index
    %get3A_6 = arith.constant 0 : index
    %get3A_7 = vector.load %arg5[%get3A_4, %get3A_5, %get3A_6] : memref<1x1x128xf32, #tpu.memory_space<vmem>>, vector<1x1x128xf32>
    %get3A_8 = vector.shape_cast %get3A_7 : vector<1x1x128xf32> to vector<128xf32>
    %broadcast_in_dim3A = vector.shape_cast %get3A_8 : vector<128xf32> to vector<128x1xf32>
    %get3A_9 = arith.constant 0 : index
    %get3A_10 = arith.constant 0 : index
    %get3A_11 = vector.load %arg7[%get3A_9, %get3A_10] : memref<128x128xf32, #tpu.memory_space<vmem>>, vector<128x128xf32>
    %mul3A = vector.broadcast %broadcast_in_dim3A : vector<128x1xf32> to vector<128x128xf32>
    %mul3A_12 = arith.mulf %mul3A, %get3A_11 : vector<128x128xf32>
    %dot_general3A = arith.constant dense<0.000000e+00> : vector<2400x128xf32>
    %dot_general3A_13 = tpu.matmul %get3A_3, %mul3A_12, %dot_general3A {dimension_numbers = #tpu.dot_dimension_numbers<[1], [0], [0], [1], [0, 0, 1, 1], [], []>, transpose_lhs_hint = false} : vector<2400x128xf32>, vector<128x128xf32>, vector<2400x128xf32> -> vector<2400x128xf32>
    %get3A_14 = arith.constant 0 : index
    %get3A_15 = arith.constant 0 : index
    %get3A_16 = arith.constant 0 : index
    %get3A_17 = vector.load %arg4[%get3A_14, %get3A_15, %get3A_16] : memref<1x2400x1xf32, #tpu.memory_space<vmem>>, vector<1x2400x1xf32>
    %get3A_18 = vector.shape_cast %get3A_17 : vector<1x2400x1xf32> to vector<2400x1xf32>
    %get3A_19 = arith.constant 0 : index
    %get3A_20 = arith.constant 0 : index
    %get3A_21 = vector.load %arg8[%get3A_19, %get3A_20] : memref<1x128xf32, #tpu.memory_space<vmem>>, vector<1x128xf32>
    %mul3A_22 = vector.broadcast %get3A_18 : vector<2400x1xf32> to vector<2400x128xf32>
    %mul3A_23 = vector.broadcast %get3A_21 : vector<1x128xf32> to vector<2400x128xf32>
    %mul3A_24 = arith.mulf %mul3A_22, %mul3A_23 : vector<2400x128xf32>
    %add3A = arith.addf %dot_general3A_13, %mul3A_24 : vector<2400x128xf32>
    %ge3A = arith.constant 0.000000e+00 : f32
    %ge3A_25 = vector.broadcast %ge3A : f32 to vector<2400x128xf32>
    %ge3A_26 = arith.cmpf oge, %add3A, %ge3A_25 : vector<2400x128xf32>
    %mul3A_27 = arith.constant 2.000000e-01 : f32
    %mul3A_28 = vector.broadcast %mul3A_27 : f32 to vector<2400x128xf32>
    %mul3A_29 = arith.mulf %mul3A_28, %add3A : vector<2400x128xf32>
    %select_n3A = arith.select %ge3A_26, %add3A, %mul3A_29 : vector<2400x128xi1>, vector<2400x128xf32>
    %get3A_30 = arith.constant 0 : index
    %get3A_31 = arith.constant 0 : index
    %get3A_32 = vector.load %arg9[%get3A_30, %get3A_31] : memref<128x1xf32, #tpu.memory_space<vmem>>, vector<128x1xf32>
    %dot_general3A_33 = arith.constant dense<0.000000e+00> : vector<2400x1xf32>
    %dot_general3A_34 = tpu.matmul %select_n3A, %get3A_32, %dot_general3A_33 {dimension_numbers = #tpu.dot_dimension_numbers<[1], [0], [0], [1], [0, 0, 1, 1], [], []>, transpose_lhs_hint = false} : vector<2400x128xf32>, vector<128x1xf32>, vector<2400x1xf32> -> vector<2400x1xf32>
    %exp3A = math.exp %dot_general3A_34 : vector<2400x1xf32>
    %get3A_35 = arith.constant 0 : index
    %get3A_36 = arith.constant 0 : index
    %get3A_37 = vector.load %arg6[%get3A_35, %get3A_36] : memref<200x2400xf32, #tpu.memory_space<vmem>>, vector<200x2400xf32>
    %dot_general3A_38 = arith.constant dense<0.000000e+00> : vector<200x1xf32>
    %dot_general3A_39 = tpu.matmul %get3A_37, %exp3A, %dot_general3A_38 {dimension_numbers = #tpu.dot_dimension_numbers<[1], [0], [0], [1], [0, 0, 1, 1], [], []>, transpose_lhs_hint = false} : vector<200x2400xf32>, vector<2400x1xf32>, vector<200x1xf32> -> vector<200x1xf32>
    %get3A_40 = arith.constant 0 : index
    %get3A_41 = arith.constant 0 : index
    %get3A_42 = vector.load %arg6[%get3A_40, %get3A_41] : memref<200x2400xf32, #tpu.memory_space<vmem>>, vector<200x2400xf32>
    %mul3A_43 = vector.broadcast %exp3A : vector<2400x1xf32> to vector<2400x128xf32>
    %mul3A_44 = arith.mulf %mul3A_43, %get3A_3 : vector<2400x128xf32>
    %dot_general3A_45 = arith.constant dense<0.000000e+00> : vector<200x128xf32>
    %dot_general3A_46 = tpu.matmul %get3A_42, %mul3A_44, %dot_general3A_45 {dimension_numbers = #tpu.dot_dimension_numbers<[1], [0], [0], [1], [0, 0, 1, 1], [], []>, transpose_lhs_hint = false} : vector<200x2400xf32>, vector<2400x128xf32>, vector<200x128xf32> -> vector<200x128xf32>
    %div3A = vector.broadcast %dot_general3A_39 : vector<200x1xf32> to vector<200x128xf32>
    %div3A_47 = arith.divf %dot_general3A_46, %div3A : vector<200x128xf32>
    %get3A_48 = arith.constant 0 : index
    %get3A_49 = arith.constant 0 : index
    %get3A_50 = arith.constant 0 : index
    %get3A_51 = vector.load %arg2[%get3A_48, %get3A_49, %get3A_50] : memref<1x200x128xf32, #tpu.memory_space<vmem>>, vector<1x200x128xf32>
    %get3A_52 = vector.shape_cast %get3A_51 : vector<1x200x128xf32> to vector<200x128xf32>
    %get3A_53 = arith.constant 0 : index
    %get3A_54 = arith.constant 0 : index
    %get3A_55 = vector.load %arg10[%get3A_53, %get3A_54] : memref<128x128xf32, #tpu.memory_space<vmem>>, vector<128x128xf32>
    %dot_general3A_56 = arith.constant dense<0.000000e+00> : vector<200x128xf32>
    %dot_general3A_57 = tpu.matmul %get3A_52, %get3A_55, %dot_general3A_56 {dimension_numbers = #tpu.dot_dimension_numbers<[1], [0], [0], [1], [0, 0, 1, 1], [], []>, transpose_lhs_hint = false} : vector<200x128xf32>, vector<128x128xf32>, vector<200x128xf32> -> vector<200x128xf32>
    %get3A_58 = arith.constant 0 : index
    %get3A_59 = arith.constant 0 : index
    %get3A_60 = vector.load %arg11[%get3A_58, %get3A_59] : memref<128x128xf32, #tpu.memory_space<vmem>>, vector<128x128xf32>
    %dot_general3A_61 = arith.constant dense<0.000000e+00> : vector<200x128xf32>
    %dot_general3A_62 = tpu.matmul %div3A_47, %get3A_60, %dot_general3A_61 {dimension_numbers = #tpu.dot_dimension_numbers<[1], [0], [0], [1], [0, 0, 1, 1], [], []>, transpose_lhs_hint = false} : vector<200x128xf32>, vector<128x128xf32>, vector<200x128xf32> -> vector<200x128xf32>
    %add3A_63 = arith.addf %dot_general3A_57, %dot_general3A_62 : vector<200x128xf32>
    %max3A = arith.constant 0.000000e+00 : f32
    %max3A_64 = vector.broadcast %max3A : f32 to vector<200x128xf32>
    %max3A_65 = arith.maximumf %add3A_63, %max3A_64 : vector<200x128xf32>
    %swap3A = arith.constant 0 : index
    %swap3A_66 = arith.constant 0 : index
    %swap3A_67 = arith.constant 0 : index
    %swap3A_68 = vector.load %arg12[%swap3A, %swap3A_66, %swap3A_67] : memref<1x200x128xf32, #tpu.memory_space<vmem>>, vector<1x200x128xf32>
    %swap3A_69 = vector.shape_cast %swap3A_68 : vector<1x200x128xf32> to vector<200x128xf32>
    %swap3A_70 = vector.shape_cast %max3A_65 : vector<200x128xf32> to vector<1x200x128xf32>
    tpu.vector_store %arg12[%swap3A, %swap3A_66, %swap3A_67], %swap3A_70 {strides = array<i32>} : memref<1x200x128xf32, #tpu.memory_space<vmem>>, vector<1x200x128xf32>,
    return
  }
  func.func @transform_0(%arg0: i32, %arg1: i32) -> (i32, i32, i32) {
    %c0_i32 = arith.constant 0 : i32
    %c0_i32_0 = arith.constant 0 : i32
    return %arg0, %arg1, %c0_i32 : i32, i32, i32
  }
  func.func @transform_1(%arg0: i32, %arg1: i32) -> (i32, i32, i32) {
    %c0_i32 = arith.constant 0 : i32
    %c0_i32_0 = arith.constant 0 : i32
    return %arg0, %arg1, %c0_i32 : i32, i32, i32
  }
  func.func @transform_2(%arg0: i32, %arg1: i32) -> (i32, i32, i32) {
    %c0_i32 = arith.constant 0 : i32
    %c0_i32_0 = arith.constant 0 : i32
    return %arg0, %arg1, %c0_i32 : i32, i32, i32
  }
  func.func @transform_3(%arg0: i32, %arg1: i32) -> (i32, i32, i32) {
    %c0_i32 = arith.constant 0 : i32
    %c0_i32_0 = arith.constant 0 : i32
    %c0_i32_1 = arith.constant 0 : i32
    return %arg0, %c0_i32, %c0_i32_0 : i32, i32, i32
  }
  func.func @transform_4(%arg0: i32, %arg1: i32) -> (i32, i32) {
    %c0_i32 = arith.constant 0 : i32
    %c0_i32_0 = arith.constant 0 : i32
    %c0_i32_1 = arith.constant 0 : i32
    return %c0_i32, %c0_i32_0 : i32, i32
  }
  func.func @transform_5(%arg0: i32, %arg1: i32) -> (i32, i32) {
    %c0_i32 = arith.constant 0 : i32
    %c0_i32_0 = arith.constant 0 : i32
    %c0_i32_1 = arith.constant 0 : i32
    return %c0_i32, %c0_i32_0 : i32, i32
  }
  func.func @transform_6(%arg0: i32, %arg1: i32) -> (i32, i32) {
    %c0_i32 = arith.constant 0 : i32
    %c0_i32_0 = arith.constant 0 : i32
    %c0_i32_1 = arith.constant 0 : i32
    return %c0_i32, %c0_i32_0 : i32, i32
  }
  func.func @transform_7(%arg0: i32, %arg1: i32) -> (i32, i32) {
    %c0_i32 = arith.constant 0 : i32
    %c0_i32_0 = arith.constant 0 : i32
    %c0_i32_1 = arith.constant 0 : i32
    return %c0_i32, %c0_i32_0 : i32, i32
  }
  func.func @transform_8(%arg0: i32, %arg1: i32) -> (i32, i32) {
    %c0_i32 = arith.constant 0 : i32
    %c0_i32_0 = arith.constant 0 : i32
    %c0_i32_1 = arith.constant 0 : i32
    return %c0_i32, %c0_i32_0 : i32, i32
  }
  func.func @transform_9(%arg0: i32, %arg1: i32) -> (i32, i32) {
    %c0_i32 = arith.constant 0 : i32
    %c0_i32_0 = arith.constant 0 : i32
    %c0_i32_1 = arith.constant 0 : i32
    return %c0_i32, %c0_i32_0 : i32, i32
  }
  func.func @transform_10(%arg0: i32, %arg1: i32) -> (i32, i32, i32) {
    %c0_i32 = arith.constant 0 : i32
    %c0_i32_0 = arith.constant 0 : i32
    return %arg0, %arg1, %c0_i32 : i32, i32, i32
  }
}

module attributes {stable_mosaic.version = 14 : i64} {
  func.func @body(%arg0: i32, %arg1: i32, %arg2: memref<1x50x128xf32, #tpu.memory_space<vmem>>, %arg3: memref<1x600x128xf32, #tpu.memory_space<vmem>>, %arg4: memref<1x600x1xf32, #tpu.memory_space<vmem>>, %arg5: memref<1x1x128xf32, #tpu.memory_space<vmem>>, %arg6: memref<50x600xf32, #tpu.memory_space<vmem>>, %arg7: memref<128x128xf32, #tpu.memory_space<vmem>>, %arg8: memref<1x128xf32, #tpu.memory_space<vmem>>, %arg9: memref<128x1xf32, #tpu.memory_space<vmem>>, %arg10: memref<128x128xf32, #tpu.memory_space<vmem>>, %arg11: memref<128x128xf32, #tpu.memory_space<vmem>>, %arg12: memref<1x50x128xf32, #tpu.memory_space<vmem>>, %arg13: memref<1x50x128xf32, #tpu.memory_space<vmem>>) attributes {dimension_semantics = [#tpu.dimension_semantics<parallel>, #tpu.dimension_semantics<parallel>], iteration_bounds = array<i64: 32, 1>, scalar_prefetch = 0 : i64, scratch_operands = 0 : i64, tpu.core_type = #tpu.core_type<tc>, window_params = [{transform_indices = @transform_0, window_bounds = array<i64: 1, 50, 128>}, {transform_indices = @transform_1, window_bounds = array<i64: 1, 600, 128>}, {transform_indices = @transform_2, window_bounds = array<i64: 1, 600, 1>}, {transform_indices = @transform_3, window_bounds = array<i64: 1, 1, 128>}, {pipeline_mode = #tpu.pipeline_mode<synchronous>, transform_indices = @transform_4, window_bounds = array<i64: 50, 600>}, {pipeline_mode = #tpu.pipeline_mode<synchronous>, transform_indices = @transform_5, window_bounds = array<i64: 128, 128>}, {pipeline_mode = #tpu.pipeline_mode<synchronous>, transform_indices = @transform_6, window_bounds = array<i64: 1, 128>}, {pipeline_mode = #tpu.pipeline_mode<synchronous>, transform_indices = @transform_7, window_bounds = array<i64: 128, 1>}, {pipeline_mode = #tpu.pipeline_mode<synchronous>, transform_indices = @transform_8, window_bounds = array<i64: 128, 128>}, {pipeline_mode = #tpu.pipeline_mode<synchronous>, transform_indices = @transform_9, window_bounds = array<i64: 128, 128>}, {transform_indices = @transform_10, window_bounds = array<i64: 1, 50, 128>}, {transform_indices = @transform_11, window_bounds = array<i64: 1, 50, 128>}]} {
    %get3A = arith.constant 0 : index
    %get3A_0 = arith.constant 0 : index
    %get3A_1 = arith.constant 0 : index
    %get3A_2 = vector.load %arg3[%get3A, %get3A_0, %get3A_1] : memref<1x600x128xf32, #tpu.memory_space<vmem>>, vector<1x600x128xf32>
    %get3A_3 = vector.shape_cast %get3A_2 : vector<1x600x128xf32> to vector<600x128xf32>
    %get3A_4 = arith.constant 0 : index
    %get3A_5 = arith.constant 0 : index
    %get3A_6 = arith.constant 0 : index
    %get3A_7 = vector.load %arg5[%get3A_4, %get3A_5, %get3A_6] : memref<1x1x128xf32, #tpu.memory_space<vmem>>, vector<1x1x128xf32>
    %get3A_8 = vector.shape_cast %get3A_7 : vector<1x1x128xf32> to vector<128xf32>
    %broadcast_in_dim3A = vector.shape_cast %get3A_8 : vector<128xf32> to vector<128x1xf32>
    %get3A_9 = arith.constant 0 : index
    %get3A_10 = arith.constant 0 : index
    %get3A_11 = vector.load %arg7[%get3A_9, %get3A_10] : memref<128x128xf32, #tpu.memory_space<vmem>>, vector<128x128xf32>
    %mul3A = vector.broadcast %broadcast_in_dim3A : vector<128x1xf32> to vector<128x128xf32>
    %mul3A_12 = arith.mulf %mul3A, %get3A_11 : vector<128x128xf32>
    %dot_general3A = arith.constant dense<0.000000e+00> : vector<600x128xf32>
    %dot_general3A_13 = tpu.matmul %get3A_3, %mul3A_12, %dot_general3A {dimension_numbers = #tpu.dot_dimension_numbers<[1], [0], [0], [1], [0, 0, 1, 1], [], []>, transpose_lhs_hint = false} : vector<600x128xf32>, vector<128x128xf32>, vector<600x128xf32> -> vector<600x128xf32>
    %get3A_14 = arith.constant 0 : index
    %get3A_15 = arith.constant 0 : index
    %get3A_16 = arith.constant 0 : index
    %get3A_17 = vector.load %arg4[%get3A_14, %get3A_15, %get3A_16] : memref<1x600x1xf32, #tpu.memory_space<vmem>>, vector<1x600x1xf32>
    %get3A_18 = vector.shape_cast %get3A_17 : vector<1x600x1xf32> to vector<600x1xf32>
    %get3A_19 = arith.constant 0 : index
    %get3A_20 = arith.constant 0 : index
    %get3A_21 = vector.load %arg8[%get3A_19, %get3A_20] : memref<1x128xf32, #tpu.memory_space<vmem>>, vector<1x128xf32>
    %mul3A_22 = vector.broadcast %get3A_18 : vector<600x1xf32> to vector<600x128xf32>
    %mul3A_23 = vector.broadcast %get3A_21 : vector<1x128xf32> to vector<600x128xf32>
    %mul3A_24 = arith.mulf %mul3A_22, %mul3A_23 : vector<600x128xf32>
    %add3A = arith.addf %dot_general3A_13, %mul3A_24 : vector<600x128xf32>
    %ge3A = arith.constant 0.000000e+00 : f32
    %ge3A_25 = vector.broadcast %ge3A : f32 to vector<600x128xf32>
    %ge3A_26 = arith.cmpf oge, %add3A, %ge3A_25 : vector<600x128xf32>
    %mul3A_27 = arith.constant 2.000000e-01 : f32
    %mul3A_28 = vector.broadcast %mul3A_27 : f32 to vector<600x128xf32>
    %mul3A_29 = arith.mulf %mul3A_28, %add3A : vector<600x128xf32>
    %select_n3A = arith.select %ge3A_26, %add3A, %mul3A_29 : vector<600x128xi1>, vector<600x128xf32>
    %get3A_30 = arith.constant 0 : index
    %get3A_31 = arith.constant 0 : index
    %get3A_32 = vector.load %arg9[%get3A_30, %get3A_31] : memref<128x1xf32, #tpu.memory_space<vmem>>, vector<128x1xf32>
    %dot_general3A_33 = arith.constant dense<0.000000e+00> : vector<600x1xf32>
    %dot_general3A_34 = tpu.matmul %select_n3A, %get3A_32, %dot_general3A_33 {dimension_numbers = #tpu.dot_dimension_numbers<[1], [0], [0], [1], [0, 0, 1, 1], [], []>, transpose_lhs_hint = false} : vector<600x128xf32>, vector<128x1xf32>, vector<600x1xf32> -> vector<600x1xf32>
    %exp3A = math.exp %dot_general3A_34 : vector<600x1xf32>
    %get3A_35 = arith.constant 0 : index
    %get3A_36 = arith.constant 0 : index
    %get3A_37 = vector.load %arg6[%get3A_35, %get3A_36] : memref<50x600xf32, #tpu.memory_space<vmem>>, vector<50x600xf32>
    %dot_general3A_38 = arith.constant dense<0.000000e+00> : vector<50x1xf32>
    %dot_general3A_39 = tpu.matmul %get3A_37, %exp3A, %dot_general3A_38 {dimension_numbers = #tpu.dot_dimension_numbers<[1], [0], [0], [1], [0, 0, 1, 1], [], []>, transpose_lhs_hint = false} : vector<50x600xf32>, vector<600x1xf32>, vector<50x1xf32> -> vector<50x1xf32>
    %get3A_40 = arith.constant 0 : index
    %get3A_41 = arith.constant 0 : index
    %get3A_42 = vector.load %arg6[%get3A_40, %get3A_41] : memref<50x600xf32, #tpu.memory_space<vmem>>, vector<50x600xf32>
    %mul3A_43 = vector.broadcast %exp3A : vector<600x1xf32> to vector<600x128xf32>
    %mul3A_44 = arith.mulf %mul3A_43, %get3A_3 : vector<600x128xf32>
    %dot_general3A_45 = arith.constant dense<0.000000e+00> : vector<50x128xf32>
    %dot_general3A_46 = tpu.matmul %get3A_42, %mul3A_44, %dot_general3A_45 {dimension_numbers = #tpu.dot_dimension_numbers<[1], [0], [0], [1], [0, 0, 1, 1], [], []>, transpose_lhs_hint = false} : vector<50x600xf32>, vector<600x128xf32>, vector<50x128xf32> -> vector<50x128xf32>
    %div3A = vector.broadcast %dot_general3A_39 : vector<50x1xf32> to vector<50x128xf32>
    %div3A_47 = arith.divf %dot_general3A_46, %div3A : vector<50x128xf32>
    %get3A_48 = arith.constant 0 : index
    %get3A_49 = arith.constant 0 : index
    %get3A_50 = arith.constant 0 : index
    %get3A_51 = vector.load %arg2[%get3A_48, %get3A_49, %get3A_50] : memref<1x50x128xf32, #tpu.memory_space<vmem>>, vector<1x50x128xf32>
    %get3A_52 = vector.shape_cast %get3A_51 : vector<1x50x128xf32> to vector<50x128xf32>
    %get3A_53 = arith.constant 0 : index
    %get3A_54 = arith.constant 0 : index
    %get3A_55 = vector.load %arg10[%get3A_53, %get3A_54] : memref<128x128xf32, #tpu.memory_space<vmem>>, vector<128x128xf32>
    %dot_general3A_56 = arith.constant dense<0.000000e+00> : vector<50x128xf32>
    %dot_general3A_57 = tpu.matmul %get3A_52, %get3A_55, %dot_general3A_56 {dimension_numbers = #tpu.dot_dimension_numbers<[1], [0], [0], [1], [0, 0, 1, 1], [], []>, transpose_lhs_hint = false} : vector<50x128xf32>, vector<128x128xf32>, vector<50x128xf32> -> vector<50x128xf32>
    %get3A_58 = arith.constant 0 : index
    %get3A_59 = arith.constant 0 : index
    %get3A_60 = vector.load %arg11[%get3A_58, %get3A_59] : memref<128x128xf32, #tpu.memory_space<vmem>>, vector<128x128xf32>
    %dot_general3A_61 = arith.constant dense<0.000000e+00> : vector<50x128xf32>
    %dot_general3A_62 = tpu.matmul %div3A_47, %get3A_60, %dot_general3A_61 {dimension_numbers = #tpu.dot_dimension_numbers<[1], [0], [0], [1], [0, 0, 1, 1], [], []>, transpose_lhs_hint = false} : vector<50x128xf32>, vector<128x128xf32>, vector<50x128xf32> -> vector<50x128xf32>
    %add3A_63 = arith.addf %dot_general3A_57, %dot_general3A_62 : vector<50x128xf32>
    %max3A = arith.constant 0.000000e+00 : f32
    %max3A_64 = vector.broadcast %max3A : f32 to vector<50x128xf32>
    %max3A_65 = arith.maximumf %add3A_63, %max3A_64 : vector<50x128xf32>
    %get3A_66 = arith.constant 0 : index
    %get3A_67 = arith.constant 0 : index
    %get3A_68 = arith.constant 0 : index
    %get3A_69 = vector.load %arg12[%get3A_66, %get3A_67, %get3A_68] : memref<1x50x128xf32, #tpu.memory_space<vmem>>, vector<1x50x128xf32>
    %get3A_70 = vector.shape_cast %get3A_69 : vector<1x50x128xf32> to vector<50x128xf32>
    %add3A_71 = arith.addf %max3A_65, %get3A_70 : vector<50x128xf32>
    %swap3A = arith.constant 0 : index
    %swap3A_72 = arith.constant 0 : index
    %swap3A_73 = arith.constant 0 : index
    %swap3A_74 = vector.load %arg13[%swap3A, %swap3A_72, %swap3A_73] : memref<1x50x128xf32, #tpu.memory_space<vmem>>, vector<1x50x128xf32>
    %swap3A_75 = vector.shape_cast %swap3A_74 : vector<1x50x128xf32> to vector<50x128xf32>
    %swap3A_76 = vector.shape_cast %add3A_71 : vector<50x128xf32> to vector<1x50x128xf32>
    tpu.vector_store %arg13[%swap3A, %swap3A_72, %swap3A_73], %swap3A_76 {strides = array<i32>} : memref<1x50x128xf32, #tpu.memory_space<vmem>>, vector<1x50x128xf32>,
    return
  }
  func.func @transform_0(%arg0: i32, %arg1: i32) -> (i32, i32, i32) {
    %c0_i32 = arith.constant 0 : i32
    %c0_i32_0 = arith.constant 0 : i32
    return %arg0, %arg1, %c0_i32 : i32, i32, i32
  }
  func.func @transform_1(%arg0: i32, %arg1: i32) -> (i32, i32, i32) {
    %c0_i32 = arith.constant 0 : i32
    %c0_i32_0 = arith.constant 0 : i32
    return %arg0, %arg1, %c0_i32 : i32, i32, i32
  }
  func.func @transform_2(%arg0: i32, %arg1: i32) -> (i32, i32, i32) {
    %c0_i32 = arith.constant 0 : i32
    %c0_i32_0 = arith.constant 0 : i32
    return %arg0, %arg1, %c0_i32 : i32, i32, i32
  }
  func.func @transform_3(%arg0: i32, %arg1: i32) -> (i32, i32, i32) {
    %c0_i32 = arith.constant 0 : i32
    %c0_i32_0 = arith.constant 0 : i32
    %c0_i32_1 = arith.constant 0 : i32
    return %arg0, %c0_i32, %c0_i32_0 : i32, i32, i32
  }
  func.func @transform_4(%arg0: i32, %arg1: i32) -> (i32, i32) {
    %c0_i32 = arith.constant 0 : i32
    %c0_i32_0 = arith.constant 0 : i32
    %c0_i32_1 = arith.constant 0 : i32
    return %c0_i32, %c0_i32_0 : i32, i32
  }
  func.func @transform_5(%arg0: i32, %arg1: i32) -> (i32, i32) {
    %c0_i32 = arith.constant 0 : i32
    %c0_i32_0 = arith.constant 0 : i32
    %c0_i32_1 = arith.constant 0 : i32
    return %c0_i32, %c0_i32_0 : i32, i32
  }
  func.func @transform_6(%arg0: i32, %arg1: i32) -> (i32, i32) {
    %c0_i32 = arith.constant 0 : i32
    %c0_i32_0 = arith.constant 0 : i32
    %c0_i32_1 = arith.constant 0 : i32
    return %c0_i32, %c0_i32_0 : i32, i32
  }
  func.func @transform_7(%arg0: i32, %arg1: i32) -> (i32, i32) {
    %c0_i32 = arith.constant 0 : i32
    %c0_i32_0 = arith.constant 0 : i32
    %c0_i32_1 = arith.constant 0 : i32
    return %c0_i32, %c0_i32_0 : i32, i32
  }
  func.func @transform_8(%arg0: i32, %arg1: i32) -> (i32, i32) {
    %c0_i32 = arith.constant 0 : i32
    %c0_i32_0 = arith.constant 0 : i32
    %c0_i32_1 = arith.constant 0 : i32
    return %c0_i32, %c0_i32_0 : i32, i32
  }
  func.func @transform_9(%arg0: i32, %arg1: i32) -> (i32, i32) {
    %c0_i32 = arith.constant 0 : i32
    %c0_i32_0 = arith.constant 0 : i32
    %c0_i32_1 = arith.constant 0 : i32
    return %c0_i32, %c0_i32_0 : i32, i32
  }
  func.func @transform_10(%arg0: i32, %arg1: i32) -> (i32, i32, i32) {
    %c0_i32 = arith.constant 0 : i32
    %c0_i32_0 = arith.constant 0 : i32
    return %arg0, %arg1, %c0_i32 : i32, i32, i32
  }
  func.func @transform_11(%arg0: i32, %arg1: i32) -> (i32, i32, i32) {
    %c0_i32 = arith.constant 0 : i32
    %c0_i32_0 = arith.constant 0 : i32
    return %arg0, %arg1, %c0_i32 : i32, i32, i32
  }
}

</mosaic_0001>

<sc_bundles>
// kernel: kernel.12.cloned.1.call-start
scs
__scs_entry_jumppad:
0x0: {  	(pc) =	sbr.rel $0x88, $3  }
0x1: {  	(tag) =	ssettag $0x0;
	lr =	simm.s32 $0x1  }
0x2: {  	[smem:$0x3F93] =	sst lr;
	_ =	strace $0xD0000000  }
0x3: {  	_ = 	snop  }
0x4: {  	_ = 	snop  }
0x5: {  	_ = 	snop  }
0x6: {  	_ = 	snop  }
0x7: {  	_ = 	snop  }
__scs_overlays_trampoline_lowered:
0x8: {  	[smem:$0x3FA2] =	sst s0  }
0x9: {  	[smem:$0x3FA3] =	sst s1  }
0xa: {  	[smem:$0x3FA4] =	sst s2  }
0xb: {  	[smem:$0x3FA5] =	sst s3  }
0xc: {  	[smem:$0x3FA6] =	sst s4  }
0xd: {  	[smem:$0x3FA7] =	sst s5  }
0xe: {  	[smem:$0x3FA8] =	sst s6  }
0xf: {  	[smem:$0x3FA9] =	sst s7  }
0x10: {  	[smem:$0x3FAA] =	sst s8  }
0x11: {  	[smem:$0x3FAB] =	sst s9;
	s0 =	simm.s32 @!p0 $0x0  }
0x12: {  	s1 =	sld [smem:$0x3F91];
	s0 =	simm.s32 @p0 $0x1  }
0x13: {  	[smem:$0x3FAC] =	sst s0;
	s0 =	simm.s32 @!p1 $0x0  }
0x14: {  	s2 =	sld [smem:$0x3F90];
	s0 =	simm.s32 @p1 $0x1  }
0x15: {  	[smem:$0x3FAD] =	sst s0;
	s0 =	simm.s32 @!p2 $0x0  }
0x16: {  	s3 =	sld [smem:$0x3FDB];
	s0 =	simm.s32 @p2 $0x1  }
0x17: {  	s4 =	simm.s32 $0x1BF5;
	[smem:$0x3FAF] =	sst s0  }
0x18: {  	s0 =	sld [smem:$0x3F92];
	_ =	swait.ge [sflag:s4], $0x0  }
0x19: {  	s7 =	sld [smem:$0x3F93]  }
0x1a: {  	s8 =	sadd.s32 $0xFFFFE003, lr  }
0x1b: {  	s9 =	sadd.s32 $0xFFFFFEF7, lr;
	s5 =	simm.s32 $0xFFFFFFFF;
	p2 =	slt.u32 s8, $0xFFFFF086  }
0x1c: {  	p1 =	slt.u32 s9, $0xF7A;
	s5 =	simm.s32 @!p2 $0x0  }
0x1d: {  	s5 =	simm.s32 @p1 $0x1;
	p0 =	seq.s32 s7, s2  }
0x1e: {  	s7 =	smul.u32 @!p0 $0xF7A, s2;
	p2 =	seq.s32 @!p0 s5, $0x0  }
0x1f: {  	s9 =	smul.u32 $0xF7A, s1;
	s8 =	simm.s32 @!p0 $0x1BF5;
	p2 =	por !p2, p0  }
0x20: {  	[sflag:s8] =	ssyncset.s32 @!p0 $0xFFFFF086;
	s6 =	sadd.s32 @!p0 s3, s7;
	s7 =	simm.s32 @!p0 $0x108  }
0x21: {  	s3 =	sadd.s32 s3, s9;
	s6 =	sadd.s32 @!p0 $0x88, s6;
	s7 =	simm.s32 @p2 $0x1082  }
0x22: {  	[simem:s7], [sflag:s8] =	dma.local @!p0 [hbm:s6], $0xF7A  }
0x23: {  	s9 =	sor.u32 $0xD0000000, s2;
	s6 =	simm.s32 $0x108;
	_ =	swait.ge @!p0 [sflag:s8], $0x0  }
0x24: {  	s3 =	sadd.s32 $0x88, s3;
	s6 =	simm.s32 @!p1 $0x1082;
	[sflag:s4] =	ssyncset.s32 $0xFFFFF086  }
0x25: {  	[simem:s6], [sflag:s4] =	dma.local [hbm:s3], $0xF7A  }
0x26: {  	[smem:$0x3F93] =	sst s1;
	(tag) =	ssettag s2;
	_ =	strace s9  }
0x27: {  	s1 =	sld [smem:$0x3FA3]  }
0x28: {  	s2 =	sld [smem:$0x3FA4]  }
0x29: {  	s4 =	sld [smem:$0x3FA6]  }
0x2a: {  	p0 =	seq.s32 s5, $0x0;
	s5 =	sld [smem:$0x3FA7]  }
0x2b: {  	s6 =	sld [smem:$0x3FA8]  }
0x2c: {  	s7 =	sld [smem:$0x3FA9]  }
0x2d: {  	s3 =	simm.s32 $0x108;
	s8 =	sld [smem:$0x3FAA]  }
0x2e: {  	s3 =	simm.s32 @!p0 $0x1082;
	s9 =	sld [smem:$0x3FAB]  }
0x2f: {  	lr =	sadd.s32 s0, s3;
	s0 =	sld [smem:$0x3FA2]  }
0x30: {  	s3 =	sld [smem:$0x3FA5]  }
0x31: {  	[smem:$0x3FAE] =	sst s10  }
0x32: {  	s10 =	sld [smem:$0x3FAC];
	_ =	sdelay $0x3  }
0x33: {  	p0 =	seq.s32 s10, $0x1;
	s10 =	sld [smem:$0x3FAE];
	_ =	sdelay $0x3  }
0x34: {  	[smem:$0x3FAE] =	sst s10  }
0x35: {  	s10 =	sld [smem:$0x3FAD];
	_ =	sdelay $0x3  }
0x36: {  	p1 =	seq.s32 s10, $0x1;
	s10 =	sld [smem:$0x3FAE];
	_ =	sdelay $0x3  }
0x37: {  	[smem:$0x3FAE] =	sst s10  }
0x38: {  	s10 =	sld [smem:$0x3FAF]  }
0x39: {  	_ = 	snop;
	(pc) =	sbr.ind lr, $3  }
0x3a: {  	_ = 	snop  }
0x3b: {  	_ = 	snop  }
0x3c: {  	p2 =	seq.s32 s10, $0x1;
	s10 =	sld [smem:$0x3FAE]  }
0x3d: {  	_ =	shalt  }
0x3e: {  	_ =	shalt  }
0x3f: {  	_ =	shalt  }
0x40: {  	_ =	shalt  }
0x41: {  	_ =	shalt  }
0x42: {  	_ =	shalt  }
0x43: {  	_ =	shalt  }
0x44: {  	_ =	shalt  }
0x45: {  	_ =	shalt  }
0x46: {  	_ =	shalt  }
0x47: {  	_ =	shalt  }
0x48: {  	_ =	shalt  }
0x49: {  	_ =	shalt  }
0x4a: {  	_ =	shalt  }
0x4b: {  	_ =	shalt  }
0x4c: {  	_ =	shalt  }
0x4d: {  	_ =	shalt  }
0x4e: {  	_ =	shalt  }
0x4f: {  	_ =	shalt  }
0x50: {  	_ =	shalt  }
0x51: {  	_ =	shalt  }
0x52: {  	_ =	shalt  }
0x53: {  	_ =	shalt  }
0x54: {  	_ =	shalt  }
0x55: {  	_ =	shalt  }
0x56: {  	_ =	shalt  }
0x57: {  	_ =	shalt  }
0x58: {  	_ =	shalt  }
0x59: {  	_ =	shalt  }
0x5a: {  	_ =	shalt  }
0x5b: {  	_ =	shalt  }
0x5c: {  	_ =	shalt  }
0x5d: {  	_ =	shalt  }
0x5e: {  	_ =	shalt  }
0x5f: {  	_ =	shalt  }
0x60: {  	_ =	shalt  }
0x61: {  	_ =	shalt  }
0x62: {  	_ =	shalt  }
0x63: {  	_ =	shalt  }
0x64: {  	_ =	shalt  }
0x65: {  	_ =	shalt  }
0x66: {  	_ =	shalt  }
0x67: {  	_ =	shalt  }
0x68: {  	_ =	shalt  }
0x69: {  	_ =	shalt  }
0x6a: {  	_ =	shalt  }
0x6b: {  	_ =	shalt  }
0x6c: {  	_ =	shalt  }
0x6d: {  	_ =	shalt  }
0x6e: {  	_ =	shalt  }
0x6f: {  	_ =	shalt  }
0x70: {  	_ =	shalt  }
0x71: {  	_ =	shalt  }
0x72: {  	_ =	shalt  }
0x73: {  	_ =	shalt  }
0x74: {  	_ =	shalt  }
0x75: {  	_ =	shalt  }
0x76: {  	_ =	shalt  }
0x77: {  	_ =	shalt  }
0x78: {  	_ =	shalt  }
0x79: {  	_ =	shalt  }
0x7a: {  	_ =	shalt  }
0x7b: {  	_ =	shalt  }
0x7c: {  	_ =	shalt  }
0x7d: {  	_ =	shalt  }
0x7e: {  	_ =	shalt  }
0x7f: {  	_ =	shalt  }
0x80: {  	_ =	shalt  }
0x81: {  	_ =	shalt  }
0x82: {  	_ =	shalt  }
0x83: {  	_ =	shalt  }
0x84: {  	_ =	shalt  }
0x85: {  	_ =	shalt  }
0x86: {  	_ =	shalt  }
0x87: {  	_ =	shalt  }
.Lfunc_end0:
.L_simem_size_0:
called_computation_lowered:
.L_overlay_start_0:
0x88: {  	s2 =	sld [smem:$0x3FD9]  }
0x89: {  	s3 =	sld [smem:$0x3FFE];
	_ =	sdelay $0x1  }
0x8a: {  	s1 =	srdreg.scid  }
0x8b: {  	s0 =	sand.u32 $0x1, s1  }
0x8c: {  	s17 =	sshll.u32 s0, $0xA;
	s2 =	sadd.s32 s3, s2  }
0x8d: {  	s2 =	sadd.s32 s2, s17  }
0x8e: {  	[smem:$0x3FBA] =	sst s2  }
0x8f: {  	_ = 	snop  }
0x90: {  	s2 =	sld [smem:$0x3FD0];
	(tm) =	ssettm $0x1  }
0x91: {  	s18 =	sld [smem:$0x3FFB];
	_ =	sdelay $0x3  }
0x92: {  	_ =	strace s18  }
0x93: {  	s3 =	sld [smem:$0x3FFC];
	_ =	sdelay $0x3  }
0x94: {  	_ =	strace s3  }
0x95: {  	s3 =	sld [smem:$0x3FFD];
	_ =	sdelay $0x3  }
0x96: {  	_ =	strace s3  }
0x97: {  	_ =	strace $0x8FFFFFFF  }
0x98: {  	s19 =	sld [smem:$0x3FDB];
	_ =	sdelay $0x1  }
0x99: {  	s4 =	simm.s32 $_scs_section_size  }
0x9a: {  	s5 =	simm.s32 $_size__tile_overlayer_lowered;
	s6 =	simm.s32 $_tile_overlayer_lowered  }
0x9b: {  	s22 =	simm.s32 $0x1BFF;
	s21 =	sshll.u32 s6, $0x1;
	s3 =	sadd.s32 s4, s19  }
0x9c: {  	s7 =	simm.s32 $0x0;
	s20 =	sshll.u32 s5, $0x1;
	s5 =	sadd.s32 s21, s3  }
0x9d: {  	[timem:s7], [sflag:s22] =	dma.local [hbm:s5], s20  }
0x9e: {  	_ =	swait.ge [sflag:s22], s20  }
0x9f: {  	s4 =	ssub.s32 $0x0, s20;
	[sflag:s22] =	ssyncset.done $0x0  }
0xa0: {  	[sflag:s22] =	ssyncadd.s32 s4;
	_ =	sdelay $0x1  }
0xa1: {  	s23 =	simm.s32 $0x1B8B  }
0xa2: {  	_ =	swait.ge [sflag:s23], $0x1  }
0xa3: {  	[sflag:s23] =	ssyncset.done $0x0  }
0xa4: {  	s25 =	simm.s32 $0x1B8E;
	s24 =	sld [smem:$0x3FFE];
	[sflag:s23] =	ssyncadd.s32 $0xFFFFFFFF  }
0xa5: {  	s26 =	simm.s32 $execute0_lowered;
	[smem:$0x3FD2] =	sst s25  }
0xa6: {  	s5 =	sshll.u32 s26, $0x1;
	_ =	strace $0x80000046;
	[dreg:$0x1] =	wrdreg $0xFFFFFFFF  }
0xa7: {  	s28 =	simm.s32 $_size_execute0_lowered;
	s3 =	sadd.s32 s3, s5;
	[dreg:$0x0] =	wrdreg $0x0  }
0xa8: {  	s5 =	sshll.u32 s28, $0x1;
	[dreg:$0x2] =	wrdreg s3  }
0xa9: {  	[dreg:$0x3] =	wrdreg s5  }
0xaa: {  	[dreg:$0x4] =	wrdreg $0xC0  }
0xab: {  	_ =	task [dreg:s7], $0x5FFFF  }
0xac: {  	[dreg:$0x1] =	wrdreg $0xFFFFFFFF  }
0xad: {  	[dreg:$0x0] =	wrdreg $0x60  }
0xae: {  	[dreg:$0x2] =	wrdreg s24  }
0xaf: {  	[dreg:$0x3] =	wrdreg s2  }
0xb0: {  	[dreg:$0x4] =	wrdreg $0x9  }
0xb1: {  	_ =	task.clear_ibuf [dreg:s7], $0x5FFFF;
	_ =	strace $0x90000046  }
0xb2: {  	s29 =	simm.s32 $0x9;
	_ =	strace $0x80000048  }
0xb3: {  	_ =	swait.ge [sflag:s29], $0x1  }
0xb4: {  	[sflag:s29] =	ssyncadd.s32 $0xFFFFFFFF  }
0xb5: {  	_ =	strace $0x90000048  }
0xb6: {  	_ =	sfence  }
0xb7: {  	s30 =	sld [smem:$0x0];
	_ =	sdelay $0x2  }
0xb8: {  	s31 =	sshll.u32 s1, $0xD;
	s1 =	sshrl.u32 s1, $0x2  }
0xb9: {  	s3 =	sand.u32 $0x4000, s31;
	s1 =	sadd.s32 s1, s30  }
0xba: {  	s0 =	sor.u32 s3, s0;
	s1 =	sshll.u32 s1, $0x11  }
0xbb: {  	s0 =	sor.u32 s1, s0  }
0xbc: {  	s0 =	sadd.s32 $0x8F2B, s0  }
0xbd: {  	[sflag:s0] =	ssyncadd.remote.s32 $0x1  }
0xbe: {  	_ =	sfence.sel $0xFFFF  }
0xbf: {  	[dreg:$0x0] =	wrdreg $0xFFFFFFFF;
	(pc) =	sbr.abs _section_cstart, $3  }
0xc0: {  	[dreg:$0x1] =	wrdreg $0xFFFFFFFF  }
0xc1: {  	_ =	task.clear_ibuf [dreg:s7], $0x2FFFF;
	_ =	strace $0x9FFFFFFF  }
0xc2: {  	(tm) =	ssettm $0x7FFFFFFF  }
0xc3: {  	_ =	shalt  }
tec
execute0_lowered:
.L_overlay_start_1:
0x0: {  	(tag) =	ssettag $0x1  }
0x1: {  	s4 =	rddreg [dreg:$0x0]  }
0x2: {  	s5 =	rddreg [dreg:$0x1];
	s2 =	srdreg.scid  }
0x3: {  	s0 =	rddreg [dreg:$0x2];
	s1 =	stileid.u32  }
0x4: {  	s9 =	simm.s32 $0x40;
	s10 =	simm.s32 $0xC0;
	s11 =	simm.s32 $0x1  }
0x5: {  	s12 =	simm.s32 $0x8C0;
	s13 =	simm.s32 $0x0;
	s3 =	sand.u32 $0x1, s2  }
0x6: {  	s2 =	simm.s32 $0x0;
	s6 =	sshll.u32 s1, $0x7;
	s7 =	sshll.u32 s3, $0x6  }
0x7: {  	[smem:$0x7FF] =	sst s2;
	s8 =	ssub.s32 $0x2, s3;
	s6 =	sor.u32 s7, s6  }
0x8: {  	s3 =	sadd.s32 $0x18BE00, s4;
	_ =	strace $0x80000047;
	s7 =	sshrl.u32 s6, $0x3  }
0x9: {  	s31 =	sshrl.u32 s8, $0x1;
	s6 =	sshll.u32 s6, $0x1;
	s4 =	sadd.s32 s7, s4  }
0xa: {  	v0 =	vlaneseq.u32;
	s7 =	ssub.s32 s8, s31;
	s5 =	sadd.s32 s5, s6;
	s8 =	simm.s32 $0x80  }
0xb: {  	v1 =	vmul.u32 $0x10, v0;
	s4 =	sadd.s32 $0x5400, s4;
	s6 =	smax.u32 s7, $0x1;
	s7 =	simm.s32 $0x2  }
.LBB2_1:
0xc: {  	[tilespmem:s2], [sflag:$0x2] =	stream.linear.gather [hbm4b:s4+s2], $0x40, $0x38;
	[tilespmem:$0xCC0] =	vst v63  }
0xd: {  	_ =	swait.ge [sflag:s7], $0x40  }
0xe: {  	[sflag:s7] =	ssyncset.done $0x0  }
0xf: {  	[sflag:s7] =	ssyncadd.s32 $0xFFFFFFC0  }
0x10: {  	v2 =	vld [tilespmem:$0x0];
	_ =	sdelay $0x1  }
0x11: {  	v3 =	vld [tilespmem:$0x10];
	_ =	sdelay $0x1  }
0x12: {  	v4 =	vld [tilespmem:$0x20]  }
0x13: {  	v2 =	vmul.u32 $0xC, v2  }
0x14: {  	v5 =	vld [tilespmem:$0x30]  }
0x15: {  	v3 =	vmul.u32 $0xC, v3;
	v2 =	vshrl.u32 v2, $0x4  }
0x16: {  	v6 =	vmin.u32 v2, $0x124F6  }
0x17: {  	v4 =	vmul.u32 $0xC, v4;
	v3 =	vshrl.u32 v3, $0x4;
	[tilespmem:$0x40] =	vst v2;
	v2 =	vadd.s32 $0x1, v6  }
0x18: {  	[tilespmem:$0x50] =	vst v2;
	v2 =	vmin.u32 v3, $0x124F6  }
0x19: {  	[tilespmem:$0x60] =	vst v3;
	v3 =	vshrl.u32 v4, $0x4;
	v4 =	vmul.u32 $0xC, v5;
	v2 =	vadd.s32 $0x1, v2  }
0x1a: {  	[tilespmem:$0x70] =	vst v2;
	v2 =	vmin.u32 v3, $0x124F6  }
0x1b: {  	[tilespmem:$0x80] =	vst v3;
	v3 =	vshrl.u32 v4, $0x4;
	v2 =	vadd.s32 $0x1, v2  }
0x1c: {  	[tilespmem:$0x90] =	vst v2;
	v2 =	vmin.u32 v3, $0x124F6  }
0x1d: {  	[tilespmem:$0xA0] =	vst v3;
	v2 =	vadd.s32 $0x1, v2  }
0x1e: {  	[tilespmem:$0xB0] =	vst v2  }
0x1f: {  	[tilespmem:s10], [sflag:$0x1] =	stream.indirect.gather [hbm4b:s3+s8], $0x10, s9, s8, $0xb8;
	[tilespmem:$0xCC0] =	vst v63  }
0x20: {  	_ =	swait.ge [sflag:s11], $0x800  }
0x21: {  	[sflag:s11] =	ssyncset.done $0x0  }
0x22: {  	[sflag:s11] =	ssyncadd.s32 $0xFFFFF800  }
0x23: {  	v2 =	vld [tilespmem:s2+$0x0];
	_ =	sdelay $0x4  }
0x24: {  	v2 =	vmul.u32 $0xC, v2  }
0x25: {  	v3 =	vor.u32 s2, v0  }
0x26: {  	v5 =	vshll.u32 v3, $0x4;
	v4 =	vand.u32 $0xC, v2  }
0x27: {  	v35 =	vor.u32 v5, v4;
	_ =	sdelay $0x2  }
0x28: {  	v8 =	vmov s2;
	v7 =	vand.u32 $0x8, v2  }
0x29: {  	v36 =	vshll.u32 v8, $0x4;
	v2 =	vand.u32 $0x4, v2;
	v5 =	vor.u32 v5, v7  }
0x2a: {  	v7 =	vor.u32 v1, v36;
	v5 =	vor.u32 v2, v5;
	v6 =	vld.idx.msk [tilespmem:v35+s10+$0x0], $0xffff  }
0x2b: {  	v37 =	vor.u32 $0x1, v5;
	_ =	sdelay $0x3  }
0x2c: {  	[tilespmem:v7+s12+$0x0] =	vst.idx.msk $0xffff, v6  }
0x2d: {  	v38 =	vor.u32 $0x1, v7;
	v6 =	vld.idx.msk [tilespmem:v37+s10+$0x0], $0xffff  }
0x2e: {  	v9 =	vor.u32 $0x2, v5;
	_ =	sdelay $0x3  }
0x2f: {  	[tilespmem:v38+s12+$0x0] =	vst.idx.msk $0xffff, v6  }
0x30: {  	v39 =	vor.u32 $0x2, v7;
	v6 =	vld.idx.msk [tilespmem:v9+s10+$0x0], $0xffff  }
0x31: {  	v5 =	vor.u32 $0x3, v5;
	_ =	sdelay $0x1  }
0x32: {  	v40 =	vadd.s32 $0x4, v4  }
0x33: {  	v10 =	vand.u32 $0x10, v40  }
0x34: {  	v10 =	vor.u32 v3, v10;
	[tilespmem:v39+s12+$0x0] =	vst.idx.msk $0xffff, v6  }
0x35: {  	v42 =	vor.u32 $0x3, v7;
	v41 =	vshll.u32 v10, $0x4;
	v9 =	vand.u32 $0xC, v40;
	v5 =	vld.idx.msk [tilespmem:v5+s10+$0x0], $0xffff  }
0x36: {  	v6 =	vor.u32 v9, v41;
	_ =	sdelay $0x1  }
0x37: {  	v43 =	vadd.s32 $0x5, v4  }
0x38: {  	v44 =	vand.u32 $0x10, v43  }
0x39: {  	v10 =	vor.u32 v3, v44;
	[tilespmem:v42+s12+$0x0] =	vst.idx.msk $0xffff, v5  }
0x3a: {  	v45 =	vor.u32 $0x4, v7;
	v9 =	vand.u32 $0xD, v43;
	v5 =	vshll.u32 v10, $0x4;
	v6 =	vld.idx.msk [tilespmem:v6+s10+$0x0], $0xffff  }
0x3b: {  	v5 =	vor.u32 v9, v5;
	_ =	sdelay $0x1  }
0x3c: {  	v46 =	vadd.s32 $0x6, v4  }
0x3d: {  	v47 =	vand.u32 $0x10, v46  }
0x3e: {  	v10 =	vor.u32 v3, v47;
	[tilespmem:v45+s12+$0x0] =	vst.idx.msk $0xffff, v6  }
0x3f: {  	v49 =	vor.u32 $0x5, v7;
	v48 =	vshll.u32 v10, $0x4;
	v9 =	vand.u32 $0xE, v46;
	v5 =	vld.idx.msk [tilespmem:v5+s10+$0x0], $0xffff  }
0x40: {  	v6 =	vor.u32 v9, v48;
	_ =	sdelay $0x1  }
0x41: {  	v50 =	vadd.s32 $0x7, v4  }
0x42: {  	v51 =	vand.u32 $0x10, v50  }
0x43: {  	v10 =	vor.u32 v3, v51;
	[tilespmem:v49+s12+$0x0] =	vst.idx.msk $0xffff, v5  }
0x44: {  	v52 =	vor.u32 $0x6, v7;
	v9 =	vand.u32 $0xF, v50;
	v5 =	vshll.u32 v10, $0x4;
	v6 =	vld.idx.msk [tilespmem:v6+s10+$0x0], $0xffff  }
0x45: {  	v5 =	vor.u32 v9, v5  }
0x46: {  	v53 =	vadd.s32 $0x8, v4  }
0x47: {  	v54 =	vand.u32 $0x10, v53  }
0x48: {  	v10 =	vor.u32 v3, v54  }
0x49: {  	v9 =	vand.u32 $0x8, v53;
	v10 =	vshll.u32 v10, $0x4;
	[tilespmem:v52+s12+$0x0] =	vst.idx.msk $0xffff, v6  }
0x4a: {  	v56 =	vor.u32 $0x7, v7;
	v55 =	vor.u32 v9, v10;
	v5 =	vld.idx.msk [tilespmem:v5+s10+$0x0], $0xffff  }
0x4b: {  	v2 =	vor.u32 v2, v55;
	_ =	sdelay $0x1  }
0x4c: {  	v57 =	vadd.s32 $0x9, v4  }
0x4d: {  	v58 =	vand.u32 $0x10, v57  }
0x4e: {  	v9 =	vor.u32 v3, v58;
	[tilespmem:v56+s12+$0x0] =	vst.idx.msk $0xffff, v5  }
0x4f: {  	v59 =	vor.u32 $0x8, v7;
	v6 =	vand.u32 $0xD, v57;
	v5 =	vshll.u32 v9, $0x4;
	v2 =	vld.idx.msk [tilespmem:v2+s10+$0x0], $0xffff  }
0x50: {  	v5 =	vor.u32 v6, v5;
	_ =	sdelay $0x1  }
0x51: {  	v60 =	vadd.s32 $0xA, v4  }
0x52: {  	v61 =	vand.u32 $0x10, v60  }
0x53: {  	v9 =	vor.u32 v3, v61;
	[tilespmem:v59+s12+$0x0] =	vst.idx.msk $0xffff, v2  }
0x54: {  	v62 =	vor.u32 $0x9, v7;
	v6 =	vand.u32 $0xE, v60;
	v2 =	vshll.u32 v9, $0x4;
	v5 =	vld.idx.msk [tilespmem:v5+s10+$0x0], $0xffff  }
0x55: {  	v2 =	vor.u32 v6, v2;
	_ =	sdelay $0x1  }
0x56: {  	v4 =	vadd.s32 $0xB, v4  }
0x57: {  	v63 =	vand.u32 $0x10, v4  }
0x58: {  	v3 =	vor.u32 v3, v63;
	[tilespmem:v62+s12+$0x0] =	vst.idx.msk $0xffff, v5  }
0x59: {  	v4 =	vand.u32 $0xF, v4;
	v3 =	vshll.u32 v3, $0x4;
	v5 =	vor.u32 $0xA, v7;
	v2 =	vld.idx.msk [tilespmem:v2+s10+$0x0], $0xffff  }
0x5a: {  	v3 =	vor.u32 v4, v3;
	_ =	sdelay $0x3  }
0x5b: {  	[tilespmem:v5+s12+$0x0] =	vst.idx.msk $0xffff, v2  }
0x5c: {  	s14 =	simm.s32 $0x10;
	s15 =	simm.s32 $0x0;
	s16 =	simm.s32 $0x0;
	v2 =	vor.u32 $0xB, v7;
	v3 =	vld.idx.msk [tilespmem:v3+s10+$0x0], $0xffff  }
.LBB2_2:
0x5d: {  	_ =	sdelay $0x3  }
0x5e: {  	p0 =	sne.s32 s14, $0x30;
	s15 =	sadd.s32 $0x20, s15;
	s16 =	sadd.s32 $0x10, s16;
	[tilespmem:v2+s12+$0x0] =	vst.idx.msk $0xffff, v3  }
0x5f: {  	s17 =	smov.u32 s14;
	s14 =	sadd.s32 $0x10, s14;
	v2 =	vld [tilespmem:s16+$0x0];
	_ =	sdelay $0x4  }
0x60: {  	v2 =	vmul.u32 $0xC, v2  }
0x61: {  	v3 =	vor.u32 s15, v0  }
0x62: {  	v5 =	vshll.u32 v3, $0x4;
	v4 =	vand.u32 $0xC, v2;
	v6 =	vand.u32 $0x8, v2  }
0x63: {  	v8 =	vand.u32 $0x4, v2;
	v7 =	vor.u32 v5, v4;
	v2 =	vor.u32 v5, v6  }
0x64: {  	v6 =	vadd.s32 $0x4, v4;
	v9 =	vadd.s32 $0x5, v4;
	v5 =	vor.u32 v8, v2  }
0x65: {  	v11 =	vadd.s32 $0x6, v4;
	v2 =	vand.u32 $0x10, v6;
	v10 =	vand.u32 $0x10, v9  }
0x66: {  	v12 =	vand.u32 $0x10, v11;
	v2 =	vor.u32 v3, v2;
	v10 =	vor.u32 v3, v10  }
0x67: {  	v13 =	vmov s17;
	v14 =	vshll.u32 v2, $0x4;
	v10 =	vshll.u32 v10, $0x4  }
0x68: {  	v12 =	vor.u32 v3, v12;
	v2 =	vshll.u32 v13, $0x4;
	v13 =	vadd.s32 $0x7, v4;
	v7 =	vld.idx.msk [tilespmem:v7+s10+$0x0], $0xffff  }
0x69: {  	v12 =	vshll.u32 v12, $0x4;
	v2 =	vor.u32 v1, v2;
	v15 =	vand.u32 $0x10, v13  }
0x6a: {  	v17 =	vadd.s32 $0x8, v4;
	v16 =	vor.u32 $0x1, v5;
	v15 =	vor.u32 v3, v15  }
0x6b: {  	v19 =	vadd.s32 $0x9, v4;
	v18 =	vand.u32 $0x10, v17;
	v15 =	vshll.u32 v15, $0x4  }
0x6c: {  	v21 =	vadd.s32 $0xA, v4;
	v20 =	vand.u32 $0x10, v19;
	v18 =	vor.u32 v3, v18  }
0x6d: {  	v17 =	vand.u32 $0x8, v17;
	v20 =	vor.u32 v3, v20;
	v18 =	vshll.u32 v18, $0x4  }
0x6e: {  	[tilespmem:v2+s12+$0x0] =	vst.idx.msk $0xffff, v7;
	v7 =	vor.u32 v17, v18;
	v17 =	vshll.u32 v20, $0x4;
	v18 =	vand.u32 $0x10, v21  }
0x6f: {  	v4 =	vadd.s32 $0xB, v4;
	v16 =	vld.idx.msk [tilespmem:v16+s10+$0x0], $0xffff;
	v7 =	vor.u32 v8, v7;
	v8 =	vor.u32 v3, v18  }
0x70: {  	v20 =	vand.u32 $0x10, v4;
	v18 =	vor.u32 $0x1, v2;
	v8 =	vshll.u32 v8, $0x4  }
0x71: {  	v22 =	vor.u32 $0x2, v5;
	v3 =	vor.u32 v3, v20  }
0x72: {  	v3 =	vshll.u32 v3, $0x4;
	_ =	sdelay $0x2  }
0x73: {  	[tilespmem:v18+s12+$0x0] =	vst.idx.msk $0xffff, v16  }
0x74: {  	v16 =	vld.idx.msk [tilespmem:v22+s10+$0x0], $0xffff  }
0x75: {  	v18 =	vor.u32 $0x2, v2  }
0x76: {  	v5 =	vor.u32 $0x3, v5;
	_ =	sdelay $0x3  }
0x77: {  	[tilespmem:v18+s12+$0x0] =	vst.idx.msk $0xffff, v16  }
0x78: {  	v5 =	vld.idx.msk [tilespmem:v5+s10+$0x0], $0xffff  }
0x79: {  	v6 =	vand.u32 $0xC, v6;
	v16 =	vor.u32 $0x3, v2  }
0x7a: {  	v6 =	vor.u32 v6, v14;
	_ =	sdelay $0x3  }
0x7b: {  	[tilespmem:v16+s12+$0x0] =	vst.idx.msk $0xffff, v5  }
0x7c: {  	v5 =	vld.idx.msk [tilespmem:v6+s10+$0x0], $0xffff  }
0x7d: {  	v9 =	vand.u32 $0xD, v9;
	v6 =	vor.u32 $0x4, v2  }
0x7e: {  	v9 =	vor.u32 v9, v10;
	_ =	sdelay $0x3  }
0x7f: {  	[tilespmem:v6+s12+$0x0] =	vst.idx.msk $0xffff, v5  }
0x80: {  	v5 =	vld.idx.msk [tilespmem:v9+s10+$0x0], $0xffff  }
0x81: {  	v6 =	vor.u32 $0x5, v2;
	v9 =	vand.u32 $0xE, v11  }
0x82: {  	v9 =	vor.u32 v9, v12;
	_ =	sdelay $0x3  }
0x83: {  	[tilespmem:v6+s12+$0x0] =	vst.idx.msk $0xffff, v5  }
0x84: {  	v5 =	vld.idx.msk [tilespmem:v9+s10+$0x0], $0xffff  }
0x85: {  	v6 =	vor.u32 $0x6, v2;
	v9 =	vand.u32 $0xF, v13  }
0x86: {  	v9 =	vor.u32 v9, v15;
	_ =	sdelay $0x3  }
0x87: {  	[tilespmem:v6+s12+$0x0] =	vst.idx.msk $0xffff, v5  }
0x88: {  	v5 =	vld.idx.msk [tilespmem:v9+s10+$0x0], $0xffff  }
0x89: {  	v6 =	vor.u32 $0x7, v2;
	_ =	sdelay $0x4  }
0x8a: {  	[tilespmem:v6+s12+$0x0] =	vst.idx.msk $0xffff, v5  }
0x8b: {  	v5 =	vld.idx.msk [tilespmem:v7+s10+$0x0], $0xffff  }
0x8c: {  	v6 =	vor.u32 $0x8, v2;
	v7 =	vand.u32 $0xD, v19  }
0x8d: {  	v7 =	vor.u32 v7, v17;
	_ =	sdelay $0x3  }
0x8e: {  	[tilespmem:v6+s12+$0x0] =	vst.idx.msk $0xffff, v5  }
0x8f: {  	v5 =	vld.idx.msk [tilespmem:v7+s10+$0x0], $0xffff  }
0x90: {  	v6 =	vor.u32 $0x9, v2;
	v7 =	vand.u32 $0xE, v21  }
0x91: {  	v7 =	vor.u32 v7, v8;
	_ =	sdelay $0x3  }
0x92: {  	[tilespmem:v6+s12+$0x0] =	vst.idx.msk $0xffff, v5  }
0x93: {  	v5 =	vld.idx.msk [tilespmem:v7+s10+$0x0], $0xffff  }
0x94: {  	v4 =	vand.u32 $0xF, v4;
	v6 =	vor.u32 $0xA, v2  }
0x95: {  	v3 =	vor.u32 v4, v3;
	_ =	sdelay $0x1  }
.Ltmp0:
0x96: {  	(pc) =	sbr.rel @p0 .LBB2_2-.Ltmp0, $4  }
0x97: {  	_ = 	snop  }
0x98: {  	[tilespmem:v6+s12+$0x0] =	vst.idx.msk $0xffff, v5  }
0x99: {  	v3 =	vld.idx.msk [tilespmem:v3+s10+$0x0], $0xffff  }
0x9a: {  	v2 =	vor.u32 $0xB, v2  }
0x9b: {  	_ =	sdelay $0x1  }
0x9c: {  	s13 =	sadd.s32 $0x1, s13  }
0x9d: {  	p0 =	sne.s32 s13, s6  }
.Ltmp1:
0x9e: {  	[tilespmem:v2+s12+$0x0] =	vst.idx.msk $0xffff, v3;
	(pc) =	sbr.rel @p0 .LBB2_1-.Ltmp1, $4  }
0x9f: {  	[hbm4b:s5+s2] =	stream.linear.scatter [tilespmem:s12], [sflag:$0x2], $0x400, $0x38;
	[tilespmem:$0xCC0] =	vst v63  }
0xa0: {  	_ =	swait.ge [sflag:s7], $0x400  }
0xa1: {  	[sflag:s7] =	ssyncset.done $0x0  }
0xa2: {  	[sflag:s7] =	ssyncadd.s32 $0xFFFFFC00  }
0xa3: {  	_ =	sfence.sel $0x180000  }
0xa4: {  	[bflag:$0x0] =	sbarrier.arrive $0xFFFF  }
0xa5: {  	p0 =	sne.s32 s1, $0x0;
	_ =	strace $0x90000047  }
0xa6: {  	s0 =	sadd.s32 @!p0 $0x100000, s0;
	[bflag:$0x2] =	sbarrier.arrive $0xFFFF  }
0xa7: {  	[sflag:s0] =	ssyncadd.tile.s32 @!p0 $0x1;
	_ =	shalt  }
.Lfunc_end2:
_tile_overlayer_lowered:
.L_overlay_start_2:
0xa8: {  	(tag) =	ssettag $0x2  }
0xa9: {  	s0 =	rddreg [dreg:$0x0];
	s2 =	stileid.u32  }
0xaa: {  	s1 =	rddreg [dreg:$0x1];
	p0 =	sne.s32 s2, $0x0  }
0xab: {  	s3 =	rddreg [dreg:$0x2];
	[bflag:$0x3] =	sbarrier.arrive $0xFFFF;
	s2 =	simm.s32 @!p0 $0x1C02  }
0xac: {  	[timem:s3], [sflag:s2] =	dma.local @!p0 [hbm:s0], s1  }
0xad: {  	s0 =	simm.s32 @!p0 $0x2  }
0xae: {  	_ =	swait.ge @!p0 [sflag:s0], s1  }
0xaf: {  	s1 =	ssub.s32 @!p0 $0x0, s1;
	[sflag:s0] =	ssyncset.done @!p0 $0x0  }
0xb0: {  	[sflag:s0] =	ssyncadd.s32 @!p0 s1  }
0xb1: {  	[bflag:$0x3] =	sbarrier.arrive $0xFFFF  }
0xb2: {  	_ =	shalt  }

// kernel: kernel.15.cloned.1.call-start
scs
__scs_entry_jumppad:
0x0: {  	(pc) =	sbr.rel $0x88, $3  }
0x1: {  	(tag) =	ssettag $0x0;
	lr =	simm.s32 $0x1  }
0x2: {  	[smem:$0x3F93] =	sst lr;
	_ =	strace $0xD0000000  }
0x3: {  	_ = 	snop  }
0x4: {  	_ = 	snop  }
0x5: {  	_ = 	snop  }
0x6: {  	_ = 	snop  }
0x7: {  	_ = 	snop  }
__scs_overlays_trampoline_lowered:
0x8: {  	[smem:$0x3FA2] =	sst s0  }
0x9: {  	[smem:$0x3FA3] =	sst s1  }
0xa: {  	[smem:$0x3FA4] =	sst s2  }
0xb: {  	[smem:$0x3FA5] =	sst s3  }
0xc: {  	[smem:$0x3FA6] =	sst s4  }
0xd: {  	[smem:$0x3FA7] =	sst s5  }
0xe: {  	[smem:$0x3FA8] =	sst s6  }
0xf: {  	[smem:$0x3FA9] =	sst s7  }
0x10: {  	[smem:$0x3FAA] =	sst s8  }
0x11: {  	[smem:$0x3FAB] =	sst s9;
	s0 =	simm.s32 @!p0 $0x0  }
0x12: {  	s1 =	sld [smem:$0x3F91];
	s0 =	simm.s32 @p0 $0x1  }
0x13: {  	[smem:$0x3FAC] =	sst s0;
	s0 =	simm.s32 @!p1 $0x0  }
0x14: {  	s2 =	sld [smem:$0x3F90];
	s0 =	simm.s32 @p1 $0x1  }
0x15: {  	[smem:$0x3FAD] =	sst s0;
	s0 =	simm.s32 @!p2 $0x0  }
0x16: {  	s3 =	sld [smem:$0x3FDB];
	s0 =	simm.s32 @p2 $0x1  }
0x17: {  	s4 =	simm.s32 $0x1BF5;
	[smem:$0x3FAF] =	sst s0  }
0x18: {  	s0 =	sld [smem:$0x3F92];
	_ =	swait.ge [sflag:s4], $0x0  }
0x19: {  	s7 =	sld [smem:$0x3F93]  }
0x1a: {  	s8 =	sadd.s32 $0xFFFFE003, lr  }
0x1b: {  	s9 =	sadd.s32 $0xFFFFFEF7, lr;
	s5 =	simm.s32 $0xFFFFFFFF;
	p2 =	slt.u32 s8, $0xFFFFF086  }
0x1c: {  	p1 =	slt.u32 s9, $0xF7A;
	s5 =	simm.s32 @!p2 $0x0  }
0x1d: {  	s5 =	simm.s32 @p1 $0x1;
	p0 =	seq.s32 s7, s2  }
0x1e: {  	s7 =	smul.u32 @!p0 $0xF7A, s2;
	p2 =	seq.s32 @!p0 s5, $0x0  }
0x1f: {  	s9 =	smul.u32 $0xF7A, s1;
	s8 =	simm.s32 @!p0 $0x1BF5;
	p2 =	por !p2, p0  }
0x20: {  	[sflag:s8] =	ssyncset.s32 @!p0 $0xFFFFF086;
	s6 =	sadd.s32 @!p0 s3, s7;
	s7 =	simm.s32 @!p0 $0x108  }
0x21: {  	s3 =	sadd.s32 s3, s9;
	s6 =	sadd.s32 @!p0 $0x88, s6;
	s7 =	simm.s32 @p2 $0x1082  }
0x22: {  	[simem:s7], [sflag:s8] =	dma.local @!p0 [hbm:s6], $0xF7A  }
0x23: {  	s9 =	sor.u32 $0xD0000000, s2;
	s6 =	simm.s32 $0x108;
	_ =	swait.ge @!p0 [sflag:s8], $0x0  }
0x24: {  	s3 =	sadd.s32 $0x88, s3;
	s6 =	simm.s32 @!p1 $0x1082;
	[sflag:s4] =	ssyncset.s32 $0xFFFFF086  }
0x25: {  	[simem:s6], [sflag:s4] =	dma.local [hbm:s3], $0xF7A  }
0x26: {  	[smem:$0x3F93] =	sst s1;
	(tag) =	ssettag s2;
	_ =	strace s9  }
0x27: {  	s1 =	sld [smem:$0x3FA3]  }
0x28: {  	s2 =	sld [smem:$0x3FA4]  }
0x29: {  	s4 =	sld [smem:$0x3FA6]  }
0x2a: {  	p0 =	seq.s32 s5, $0x0;
	s5 =	sld [smem:$0x3FA7]  }
0x2b: {  	s6 =	sld [smem:$0x3FA8]  }
0x2c: {  	s7 =	sld [smem:$0x3FA9]  }
0x2d: {  	s3 =	simm.s32 $0x108;
	s8 =	sld [smem:$0x3FAA]  }
0x2e: {  	s3 =	simm.s32 @!p0 $0x1082;
	s9 =	sld [smem:$0x3FAB]  }
0x2f: {  	lr =	sadd.s32 s0, s3;
	s0 =	sld [smem:$0x3FA2]  }
0x30: {  	s3 =	sld [smem:$0x3FA5]  }
0x31: {  	[smem:$0x3FAE] =	sst s10  }
0x32: {  	s10 =	sld [smem:$0x3FAC];
	_ =	sdelay $0x3  }
0x33: {  	p0 =	seq.s32 s10, $0x1;
	s10 =	sld [smem:$0x3FAE];
	_ =	sdelay $0x3  }
0x34: {  	[smem:$0x3FAE] =	sst s10  }
0x35: {  	s10 =	sld [smem:$0x3FAD];
	_ =	sdelay $0x3  }
0x36: {  	p1 =	seq.s32 s10, $0x1;
	s10 =	sld [smem:$0x3FAE];
	_ =	sdelay $0x3  }
0x37: {  	[smem:$0x3FAE] =	sst s10  }
0x38: {  	s10 =	sld [smem:$0x3FAF]  }
0x39: {  	_ = 	snop;
	(pc) =	sbr.ind lr, $3  }
0x3a: {  	_ = 	snop  }
0x3b: {  	_ = 	snop  }
0x3c: {  	p2 =	seq.s32 s10, $0x1;
	s10 =	sld [smem:$0x3FAE]  }
0x3d: {  	_ =	shalt  }
0x3e: {  	_ =	shalt  }
0x3f: {  	_ =	shalt  }
0x40: {  	_ =	shalt  }
0x41: {  	_ =	shalt  }
0x42: {  	_ =	shalt  }
0x43: {  	_ =	shalt  }
0x44: {  	_ =	shalt  }
0x45: {  	_ =	shalt  }
0x46: {  	_ =	shalt  }
0x47: {  	_ =	shalt  }
0x48: {  	_ =	shalt  }
0x49: {  	_ =	shalt  }
0x4a: {  	_ =	shalt  }
0x4b: {  	_ =	shalt  }
0x4c: {  	_ =	shalt  }
0x4d: {  	_ =	shalt  }
0x4e: {  	_ =	shalt  }
0x4f: {  	_ =	shalt  }
0x50: {  	_ =	shalt  }
0x51: {  	_ =	shalt  }
0x52: {  	_ =	shalt  }
0x53: {  	_ =	shalt  }
0x54: {  	_ =	shalt  }
0x55: {  	_ =	shalt  }
0x56: {  	_ =	shalt  }
0x57: {  	_ =	shalt  }
0x58: {  	_ =	shalt  }
0x59: {  	_ =	shalt  }
0x5a: {  	_ =	shalt  }
0x5b: {  	_ =	shalt  }
0x5c: {  	_ =	shalt  }
0x5d: {  	_ =	shalt  }
0x5e: {  	_ =	shalt  }
0x5f: {  	_ =	shalt  }
0x60: {  	_ =	shalt  }
0x61: {  	_ =	shalt  }
0x62: {  	_ =	shalt  }
0x63: {  	_ =	shalt  }
0x64: {  	_ =	shalt  }
0x65: {  	_ =	shalt  }
0x66: {  	_ =	shalt  }
0x67: {  	_ =	shalt  }
0x68: {  	_ =	shalt  }
0x69: {  	_ =	shalt  }
0x6a: {  	_ =	shalt  }
0x6b: {  	_ =	shalt  }
0x6c: {  	_ =	shalt  }
0x6d: {  	_ =	shalt  }
0x6e: {  	_ =	shalt  }
0x6f: {  	_ =	shalt  }
0x70: {  	_ =	shalt  }
0x71: {  	_ =	shalt  }
0x72: {  	_ =	shalt  }
0x73: {  	_ =	shalt  }
0x74: {  	_ =	shalt  }
0x75: {  	_ =	shalt  }
0x76: {  	_ =	shalt  }
0x77: {  	_ =	shalt  }
0x78: {  	_ =	shalt  }
0x79: {  	_ =	shalt  }
0x7a: {  	_ =	shalt  }
0x7b: {  	_ =	shalt  }
0x7c: {  	_ =	shalt  }
0x7d: {  	_ =	shalt  }
0x7e: {  	_ =	shalt  }
0x7f: {  	_ =	shalt  }
0x80: {  	_ =	shalt  }
0x81: {  	_ =	shalt  }
0x82: {  	_ =	shalt  }
0x83: {  	_ =	shalt  }
0x84: {  	_ =	shalt  }
0x85: {  	_ =	shalt  }
0x86: {  	_ =	shalt  }
0x87: {  	_ =	shalt  }
.Lfunc_end0:
.L_simem_size_0:
called_computation.1_lowered:
.L_overlay_start_0:
0x88: {  	s2 =	sld [smem:$0x3FD9]  }
0x89: {  	s3 =	sld [smem:$0x3FFE];
	_ =	sdelay $0x1  }
0x8a: {  	s1 =	srdreg.scid  }
0x8b: {  	s0 =	sand.u32 $0x1, s1  }
0x8c: {  	s16 =	sshll.u32 s0, $0xA;
	s2 =	sadd.s32 s3, s2  }
0x8d: {  	s2 =	sadd.s32 s2, s16  }
0x8e: {  	[smem:$0x3FBA] =	sst s2  }
0x8f: {  	_ = 	snop  }
0x90: {  	(tm) =	ssettm $0x1  }
0x91: {  	s17 =	sld [smem:$0x3FFB];
	_ =	sdelay $0x3  }
0x92: {  	_ =	strace s17  }
0x93: {  	s2 =	sld [smem:$0x3FFC];
	_ =	sdelay $0x3  }
0x94: {  	_ =	strace s2  }
0x95: {  	s2 =	sld [smem:$0x3FFD];
	_ =	sdelay $0x3  }
0x96: {  	_ =	strace s2  }
0x97: {  	_ =	strace $0x8FFFFFFF  }
0x98: {  	s18 =	sld [smem:$0x3FDB];
	_ =	sdelay $0x1  }
0x99: {  	s19 =	simm.s32 $_scs_section_size  }
0x9a: {  	s4 =	simm.s32 $_size__tile_overlayer_lowered;
	s5 =	simm.s32 $_tile_overlayer_lowered  }
0x9b: {  	s22 =	simm.s32 $0x1BFF;
	s21 =	sshll.u32 s5, $0x1;
	s2 =	sadd.s32 s19, s18  }
0x9c: {  	s6 =	simm.s32 $0x0;
	s20 =	sshll.u32 s4, $0x1;
	s4 =	sadd.s32 s21, s2  }
0x9d: {  	[timem:s6], [sflag:s22] =	dma.local [hbm:s4], s20  }
0x9e: {  	_ =	swait.ge [sflag:s22], s20  }
0x9f: {  	s3 =	ssub.s32 $0x0, s20;
	[sflag:s22] =	ssyncset.done $0x0  }
0xa0: {  	[sflag:s22] =	ssyncadd.s32 s3;
	_ =	sdelay $0x1  }
0xa1: {  	s23 =	simm.s32 $0x1B8B  }
0xa2: {  	_ =	swait.ge [sflag:s23], $0x1  }
0xa3: {  	[sflag:s23] =	ssyncset.done $0x0  }
0xa4: {  	s25 =	simm.s32 $0x1B8E;
	s24 =	sld [smem:$0x3FFE];
	[sflag:s23] =	ssyncadd.s32 $0xFFFFFFFF  }
0xa5: {  	s26 =	simm.s32 $execute0_lowered;
	[smem:$0x3FD2] =	sst s25  }
0xa6: {  	s4 =	sshll.u32 s26, $0x1;
	_ =	strace $0x80000049;
	[dreg:$0x1] =	wrdreg $0xFFFFFFFF  }
0xa7: {  	s28 =	simm.s32 $_size_execute0_lowered;
	s2 =	sadd.s32 s2, s4;
	[dreg:$0x0] =	wrdreg $0x0  }
0xa8: {  	s4 =	sshll.u32 s28, $0x1;
	[dreg:$0x2] =	wrdreg s2  }
0xa9: {  	[dreg:$0x3] =	wrdreg s4  }
0xaa: {  	[dreg:$0x4] =	wrdreg $0xC0  }
0xab: {  	_ =	task [dreg:s6], $0x5FFFF  }
0xac: {  	[dreg:$0x1] =	wrdreg $0xFFFFFFFF  }
0xad: {  	[dreg:$0x0] =	wrdreg $0x60  }
0xae: {  	[dreg:$0x2] =	wrdreg s24  }
0xaf: {  	[dreg:$0x3] =	wrdreg $0xC  }
0xb0: {  	_ =	task.clear_ibuf [dreg:s6], $0x4FFFF;
	_ =	strace $0x90000049  }
0xb1: {  	s29 =	simm.s32 $0xC;
	_ =	strace $0x8000004B  }
0xb2: {  	_ =	swait.ge [sflag:s29], $0x1  }
0xb3: {  	[sflag:s29] =	ssyncadd.s32 $0xFFFFFFFF  }
0xb4: {  	_ =	strace $0x9000004B  }
0xb5: {  	_ =	sfence  }
0xb6: {  	s30 =	sld [smem:$0x0];
	_ =	sdelay $0x2  }
0xb7: {  	s31 =	sshll.u32 s1, $0xD;
	s1 =	sshrl.u32 s1, $0x2  }
0xb8: {  	s3 =	sand.u32 $0x4000, s31;
	s1 =	sadd.s32 s1, s30  }
0xb9: {  	s0 =	sor.u32 s3, s0;
	s1 =	sshll.u32 s1, $0x11  }
0xba: {  	s0 =	sor.u32 s1, s0  }
0xbb: {  	s0 =	sadd.s32 $0x8F2B, s0  }
0xbc: {  	[sflag:s0] =	ssyncadd.remote.s32 $0x1  }
0xbd: {  	_ =	sfence.sel $0xFFFF  }
0xbe: {  	[dreg:$0x0] =	wrdreg $0xFFFFFFFF;
	(pc) =	sbr.abs _section_cstart, $3  }
0xbf: {  	[dreg:$0x1] =	wrdreg $0xFFFFFFFF  }
0xc0: {  	_ =	task.clear_ibuf [dreg:s6], $0x2FFFF;
	_ =	strace $0x9FFFFFFF  }
0xc1: {  	(tm) =	ssettm $0x7FFFFFFF  }
tec
execute0_lowered:
.L_overlay_start_1:
0x0: {  	(tag) =	ssettag $0x1  }
0x1: {  	s1 =	srdreg.scid  }
0x2: {  	s0 =	stileid.u32;
	s4 =	rddreg [dreg:$0x0]  }
0x3: {  	s2 =	simm.s32 $0x0;
	s9 =	simm.s32 $0x1;
	s10 =	simm.s32 $0x780  }
0x4: {  	s11 =	simm.s32 $0x5780;
	s3 =	sand.u32 $0x1, s1;
	s31 =	sshll.u32 s0, $0x1  }
0x5: {  	s12 =	simm.s32 $0x0;
	s1 =	rddreg [dreg:$0x1];
	s5 =	sor.u32 s3, s31  }
0x6: {  	[smem:$0x7FF] =	sst s2;
	s7 =	ssub.s32 $0x2, s3;
	s6 =	smul.u32 $0x50, s5  }
0x7: {  	_ =	strace $0x8000004A;
	s5 =	smul.u32 $0x500, s5;
	s8 =	sshrl.u32 s7, $0x1  }
0x8: {  	s3 =	sadd.s32 $0x18BE00, s4;
	s7 =	ssub.s32 s7, s8;
	s6 =	sadd.s32 s6, s4  }
0x9: {  	v0 =	vlaneseq.u32;
	s8 =	simm.s32 $0x80;
	s5 =	sadd.s32 s5, s4;
	s4 =	sadd.s32 $0x5400, s6  }
0xa: {  	v1 =	vmul.u32 $0x10, v0;
	s5 =	sadd.s32 $0x5E00, s5;
	s6 =	smax.u32 s7, $0x1;
	s7 =	simm.s32 $0x2  }
.LBB2_1:
0xb: {  	[tilespmem:s2], [sflag:$0x2] =	stream.linear.gather [hbm4b:s4+s2], $0x280, $0x38;
	[tilespmem:$0x7F80] =	vst v63  }
0xc: {  	_ =	swait.ge [sflag:s7], $0x280  }
0xd: {  	[sflag:s7] =	ssyncset.done $0x0  }
0xe: {  	s14 =	simm.s32 $0x20;
	[sflag:s7] =	ssyncadd.s32 $0xFFFFFD80  }
0xf: {  	v2 =	vld [tilespmem:s14+$0xFFFFFFE0];
	_ =	sdelay $0x4  }
0x10: {  	v2 =	vmul.u32 $0xC, v2;
	_ =	sdelay $0x1  }
0x11: {  	v2 =	vshrl.u32 v2, $0x4  }
0x12: {  	s13 =	simm.s32 $0x280;
	v3 =	vmin.u32 v2, $0x124F6  }
0x13: {  	[tilespmem:s13+$0x0] =	vst v2;
	v2 =	vadd.s32 $0x1, v3  }
0x14: {  	[tilespmem:s13+$0x10] =	vst v2  }
0x15: {  	v2 =	vld [tilespmem:s14+$0xFFFFFFF0];
	_ =	sdelay $0x4  }
0x16: {  	v2 =	vmul.u32 $0xC, v2;
	_ =	sdelay $0x1  }
0x17: {  	v2 =	vshrl.u32 v2, $0x4  }
0x18: {  	v3 =	vmin.u32 v2, $0x124F6  }
0x19: {  	[tilespmem:s13+$0x20] =	vst v2;
	v2 =	vadd.s32 $0x1, v3  }
0x1a: {  	[tilespmem:s13+$0x30] =	vst v2  }
0x1b: {  	v2 =	vld [tilespmem:s14+$0x0];
	_ =	sdelay $0x4  }
0x1c: {  	v2 =	vmul.u32 $0xC, v2;
	_ =	sdelay $0x1  }
0x1d: {  	v2 =	vshrl.u32 v2, $0x4  }
0x1e: {  	v3 =	vmin.u32 v2, $0x124F6  }
0x1f: {  	[tilespmem:s13+$0x40] =	vst v2;
	v2 =	vadd.s32 $0x1, v3  }
0x20: {  	[tilespmem:s13+$0x50] =	vst v2  }
0x21: {  	v2 =	vld [tilespmem:s14+$0x10];
	_ =	sdelay $0x4  }
0x22: {  	v2 =	vmul.u32 $0xC, v2;
	_ =	sdelay $0x1  }
0x23: {  	v2 =	vshrl.u32 v2, $0x4  }
0x24: {  	v3 =	vmin.u32 v2, $0x124F6  }
0x25: {  	s17 =	simm.s32 $0x780;
	[tilespmem:s13+$0x60] =	vst v2;
	v2 =	vadd.s32 $0x1, v3  }
0x26: {  	s15 =	simm.s32 $0x300;
	s16 =	simm.s32 $0x60;
	s14 =	simm.s32 $0x2000;
	[tilespmem:s13+$0x70] =	vst v2  }
.LBB2_2:
0x27: {  	[tilespmem:s17], [sflag:$0x1] =	stream.indirect.gather [hbm4b:s3+s8], $0x10, s13, s8, $0xb8;
	[tilespmem:$0x7F80] =	vst v63  }
0x28: {  	p0 =	sne.s32 s14, $0x12000;
	s17 =	smov.u32 s14;
	s14 =	sadd.s32 $0x2000, s14;
	v2 =	vld [tilespmem:s16+$0xFFFFFFE0]  }
0x29: {  	s13 =	smov.u32 s15;
	_ =	sdelay $0x3  }
0x2a: {  	v2 =	vmul.u32 $0xC, v2;
	_ =	sdelay $0x1  }
0x2b: {  	v2 =	vshrl.u32 v2, $0x4  }
0x2c: {  	v3 =	vmin.u32 v2, $0x124F6  }
0x2d: {  	[tilespmem:s15+$0x0] =	vst v2;
	v2 =	vadd.s32 $0x1, v3  }
0x2e: {  	[tilespmem:s15+$0x10] =	vst v2  }
0x2f: {  	v2 =	vld [tilespmem:s16+$0xFFFFFFF0];
	_ =	sdelay $0x4  }
0x30: {  	v2 =	vmul.u32 $0xC, v2;
	_ =	sdelay $0x1  }
0x31: {  	v2 =	vshrl.u32 v2, $0x4  }
0x32: {  	v3 =	vmin.u32 v2, $0x124F6  }
0x33: {  	[tilespmem:s15+$0x20] =	vst v2;
	v2 =	vadd.s32 $0x1, v3  }
0x34: {  	[tilespmem:s15+$0x30] =	vst v2  }
0x35: {  	v2 =	vld [tilespmem:s16+$0x0];
	_ =	sdelay $0x4  }
0x36: {  	v2 =	vmul.u32 $0xC, v2;
	_ =	sdelay $0x1  }
0x37: {  	v2 =	vshrl.u32 v2, $0x4  }
0x38: {  	[tilespmem:s15+$0x40] =	vst v2;
	v2 =	vmin.u32 v2, $0x124F6  }
0x39: {  	v2 =	vadd.s32 $0x1, v2  }
0x3a: {  	[tilespmem:s15+$0x50] =	vst v2  }
0x3b: {  	v2 =	vld [tilespmem:s16+$0x10];
	_ =	sdelay $0x4  }
0x3c: {  	v2 =	vmul.u32 $0xC, v2  }
.Ltmp0:
0x3d: {  	(pc) =	sbr.rel @p0 .LBB2_2-.Ltmp0, $4  }
0x3e: {  	v2 =	vshrl.u32 v2, $0x4  }
0x3f: {  	[tilespmem:s15+$0x60] =	vst v2;
	v2 =	vmin.u32 v2, $0x124F6  }
0x40: {  	s17 =	sshra.s32 s17, $0x2;
	v2 =	vadd.s32 $0x1, v2  }
0x41: {  	s17 =	sadd.s32 $0x780, s17;
	s16 =	sadd.s32 $0x40, s16;
	s15 =	sadd.s32 $0x80, s15;
	[tilespmem:s13+$0x70] =	vst v2  }
0x42: {  	[tilespmem:s17], [sflag:$0x1] =	stream.indirect.gather [hbm4b:s3+s8], $0x10, s13, s8, $0xb8;
	[tilespmem:$0x7F80] =	vst v63  }
0x43: {  	_ =	swait.ge [sflag:s9], $0x800  }
0x44: {  	[sflag:s9] =	ssyncset.done $0x0  }
0x45: {  	[sflag:s9] =	ssyncadd.s32 $0xFFFFF800  }
0x46: {  	_ =	swait.ge [sflag:s9], $0x800  }
0x47: {  	[sflag:s9] =	ssyncset.done $0x0  }
0x48: {  	[sflag:s9] =	ssyncadd.s32 $0xFFFFF800  }
0x49: {  	_ =	swait.ge [sflag:s9], $0x800  }
0x4a: {  	[sflag:s9] =	ssyncset.done $0x0  }
0x4b: {  	[sflag:s9] =	ssyncadd.s32 $0xFFFFF800  }
0x4c: {  	_ =	swait.ge [sflag:s9], $0x800  }
0x4d: {  	[sflag:s9] =	ssyncset.done $0x0  }
0x4e: {  	[sflag:s9] =	ssyncadd.s32 $0xFFFFF800  }
0x4f: {  	_ =	swait.ge [sflag:s9], $0x800  }
0x50: {  	[sflag:s9] =	ssyncset.done $0x0  }
0x51: {  	[sflag:s9] =	ssyncadd.s32 $0xFFFFF800  }
0x52: {  	_ =	swait.ge [sflag:s9], $0x800  }
0x53: {  	[sflag:s9] =	ssyncset.done $0x0  }
0x54: {  	[sflag:s9] =	ssyncadd.s32 $0xFFFFF800  }
0x55: {  	_ =	swait.ge [sflag:s9], $0x800  }
0x56: {  	[sflag:s9] =	ssyncset.done $0x0  }
0x57: {  	[sflag:s9] =	ssyncadd.s32 $0xFFFFF800  }
0x58: {  	_ =	swait.ge [sflag:s9], $0x800  }
0x59: {  	[sflag:s9] =	ssyncset.done $0x0  }
0x5a: {  	[sflag:s9] =	ssyncadd.s32 $0xFFFFF800  }
0x5b: {  	_ =	swait.ge [sflag:s9], $0x800  }
0x5c: {  	[sflag:s9] =	ssyncset.done $0x0  }
0x5d: {  	[sflag:s9] =	ssyncadd.s32 $0xFFFFF800  }
0x5e: {  	_ =	swait.ge [sflag:s9], $0x800  }
0x5f: {  	[sflag:s9] =	ssyncset.done $0x0  }
0x60: {  	s13 =	simm.s32 $0x0;
	[sflag:s9] =	ssyncadd.s32 $0xFFFFF800  }
0x61: {  	v2 =	vld [tilespmem:s13+$0x0];
	_ =	sdelay $0x4  }
0x62: {  	v2 =	vmul.u32 $0xC, v2  }
0x63: {  	v3 =	vor.u32 s13, v0  }
0x64: {  	v5 =	vshll.u32 v3, $0x4;
	v4 =	vand.u32 $0xC, v2  }
0x65: {  	v6 =	vor.u32 v5, v4;
	_ =	sdelay $0x2  }
0x66: {  	v8 =	vmov s13;
	v7 =	vand.u32 $0x8, v2  }
0x67: {  	v36 =	vshll.u32 v8, $0x4;
	v2 =	vand.u32 $0x4, v2;
	v5 =	vor.u32 v5, v7  }
0x68: {  	v7 =	vor.u32 v1, v36;
	v5 =	vor.u32 v2, v5;
	v6 =	vld.idx.msk [tilespmem:v6+s10+$0x0], $0xffff  }
0x69: {  	v37 =	vor.u32 $0x1, v5;
	_ =	sdelay $0x3  }
0x6a: {  	[tilespmem:v7+s11+$0x0] =	vst.idx.msk $0xffff, v6  }
0x6b: {  	v38 =	vor.u32 $0x1, v7;
	v6 =	vld.idx.msk [tilespmem:v37+s10+$0x0], $0xffff  }
0x6c: {  	v9 =	vor.u32 $0x2, v5;
	_ =	sdelay $0x3  }
0x6d: {  	[tilespmem:v38+s11+$0x0] =	vst.idx.msk $0xffff, v6  }
0x6e: {  	v39 =	vor.u32 $0x2, v7;
	v6 =	vld.idx.msk [tilespmem:v9+s10+$0x0], $0xffff  }
0x6f: {  	v5 =	vor.u32 $0x3, v5;
	_ =	sdelay $0x1  }
0x70: {  	v40 =	vadd.s32 $0x4, v4  }
0x71: {  	v10 =	vand.u32 $0x10, v40  }
0x72: {  	v10 =	vor.u32 v3, v10;
	[tilespmem:v39+s11+$0x0] =	vst.idx.msk $0xffff, v6  }
0x73: {  	v42 =	vor.u32 $0x3, v7;
	v41 =	vshll.u32 v10, $0x4;
	v9 =	vand.u32 $0xC, v40;
	v5 =	vld.idx.msk [tilespmem:v5+s10+$0x0], $0xffff  }
0x74: {  	v6 =	vor.u32 v9, v41;
	_ =	sdelay $0x1  }
0x75: {  	v43 =	vadd.s32 $0x5, v4  }
0x76: {  	v44 =	vand.u32 $0x10, v43  }
0x77: {  	v10 =	vor.u32 v3, v44;
	[tilespmem:v42+s11+$0x0] =	vst.idx.msk $0xffff, v5  }
0x78: {  	v45 =	vor.u32 $0x4, v7;
	v9 =	vand.u32 $0xD, v43;
	v5 =	vshll.u32 v10, $0x4;
	v6 =	vld.idx.msk [tilespmem:v6+s10+$0x0], $0xffff  }
0x79: {  	v5 =	vor.u32 v9, v5;
	_ =	sdelay $0x1  }
0x7a: {  	v46 =	vadd.s32 $0x6, v4  }
0x7b: {  	v47 =	vand.u32 $0x10, v46  }
0x7c: {  	v10 =	vor.u32 v3, v47;
	[tilespmem:v45+s11+$0x0] =	vst.idx.msk $0xffff, v6  }
0x7d: {  	v49 =	vor.u32 $0x5, v7;
	v48 =	vshll.u32 v10, $0x4;
	v9 =	vand.u32 $0xE, v46;
	v5 =	vld.idx.msk [tilespmem:v5+s10+$0x0], $0xffff  }
0x7e: {  	v6 =	vor.u32 v9, v48;
	_ =	sdelay $0x1  }
0x7f: {  	v50 =	vadd.s32 $0x7, v4  }
0x80: {  	v51 =	vand.u32 $0x10, v50  }
0x81: {  	v10 =	vor.u32 v3, v51;
	[tilespmem:v49+s11+$0x0] =	vst.idx.msk $0xffff, v5  }
0x82: {  	v52 =	vor.u32 $0x6, v7;
	v9 =	vand.u32 $0xF, v50;
	v5 =	vshll.u32 v10, $0x4;
	v6 =	vld.idx.msk [tilespmem:v6+s10+$0x0], $0xffff  }
0x83: {  	v5 =	vor.u32 v9, v5  }
0x84: {  	v53 =	vadd.s32 $0x8, v4  }
0x85: {  	v54 =	vand.u32 $0x10, v53  }
0x86: {  	v10 =	vor.u32 v3, v54  }
0x87: {  	v9 =	vand.u32 $0x8, v53;
	v10 =	vshll.u32 v10, $0x4;
	[tilespmem:v52+s11+$0x0] =	vst.idx.msk $0xffff, v6  }
0x88: {  	v56 =	vor.u32 $0x7, v7;
	v55 =	vor.u32 v9, v10;
	v5 =	vld.idx.msk [tilespmem:v5+s10+$0x0], $0xffff  }
0x89: {  	v2 =	vor.u32 v2, v55;
	_ =	sdelay $0x1  }
0x8a: {  	v57 =	vadd.s32 $0x9, v4  }
0x8b: {  	v58 =	vand.u32 $0x10, v57  }
0x8c: {  	v9 =	vor.u32 v3, v58;
	[tilespmem:v56+s11+$0x0] =	vst.idx.msk $0xffff, v5  }
0x8d: {  	v59 =	vor.u32 $0x8, v7;
	v6 =	vand.u32 $0xD, v57;
	v5 =	vshll.u32 v9, $0x4;
	v2 =	vld.idx.msk [tilespmem:v2+s10+$0x0], $0xffff  }
0x8e: {  	v5 =	vor.u32 v6, v5;
	_ =	sdelay $0x1  }
0x8f: {  	v60 =	vadd.s32 $0xA, v4  }
0x90: {  	v61 =	vand.u32 $0x10, v60  }
0x91: {  	v9 =	vor.u32 v3, v61;
	[tilespmem:v59+s11+$0x0] =	vst.idx.msk $0xffff, v2  }
0x92: {  	v62 =	vor.u32 $0x9, v7;
	v6 =	vand.u32 $0xE, v60;
	v2 =	vshll.u32 v9, $0x4;
	v5 =	vld.idx.msk [tilespmem:v5+s10+$0x0], $0xffff  }
0x93: {  	v2 =	vor.u32 v6, v2;
	_ =	sdelay $0x1  }
0x94: {  	v4 =	vadd.s32 $0xB, v4  }
0x95: {  	v63 =	vand.u32 $0x10, v4  }
0x96: {  	v3 =	vor.u32 v3, v63;
	[tilespmem:v62+s11+$0x0] =	vst.idx.msk $0xffff, v5  }
0x97: {  	v4 =	vand.u32 $0xF, v4;
	v3 =	vshll.u32 v3, $0x4;
	v5 =	vor.u32 $0xA, v7;
	v2 =	vld.idx.msk [tilespmem:v2+s10+$0x0], $0xffff  }
0x98: {  	v3 =	vor.u32 v4, v3;
	_ =	sdelay $0x3  }
0x99: {  	[tilespmem:v5+s11+$0x0] =	vst.idx.msk $0xffff, v2  }
0x9a: {  	s14 =	simm.s32 $0x10;
	s15 =	simm.s32 $0x0;
	v2 =	vor.u32 $0xB, v7;
	v3 =	vld.idx.msk [tilespmem:v3+s10+$0x0], $0xffff  }
.LBB2_4:
0x9b: {  	_ =	sdelay $0x3  }
0x9c: {  	p0 =	sne.s32 s14, $0x270;
	s13 =	sadd.s32 $0x20, s13;
	s15 =	sadd.s32 $0x10, s15;
	[tilespmem:v2+s11+$0x0] =	vst.idx.msk $0xffff, v3  }
0x9d: {  	s16 =	smov.u32 s14;
	s14 =	sadd.s32 $0x10, s14;
	v2 =	vld [tilespmem:s15+$0x0];
	_ =	sdelay $0x4  }
0x9e: {  	v2 =	vmul.u32 $0xC, v2  }
0x9f: {  	v3 =	vor.u32 s13, v0  }
0xa0: {  	v5 =	vshll.u32 v3, $0x4;
	v4 =	vand.u32 $0xC, v2;
	v6 =	vand.u32 $0x8, v2  }
0xa1: {  	v8 =	vand.u32 $0x4, v2;
	v7 =	vor.u32 v5, v4;
	v2 =	vor.u32 v5, v6  }
0xa2: {  	v6 =	vadd.s32 $0x4, v4;
	v9 =	vadd.s32 $0x5, v4;
	v5 =	vor.u32 v8, v2  }
0xa3: {  	v11 =	vadd.s32 $0x6, v4;
	v2 =	vand.u32 $0x10, v6;
	v10 =	vand.u32 $0x10, v9  }
0xa4: {  	v12 =	vand.u32 $0x10, v11;
	v2 =	vor.u32 v3, v2;
	v10 =	vor.u32 v3, v10  }
0xa5: {  	v13 =	vmov s16;
	v14 =	vshll.u32 v2, $0x4;
	v10 =	vshll.u32 v10, $0x4  }
0xa6: {  	v12 =	vor.u32 v3, v12;
	v2 =	vshll.u32 v13, $0x4;
	v13 =	vadd.s32 $0x7, v4;
	v7 =	vld.idx.msk [tilespmem:v7+s10+$0x0], $0xffff  }
0xa7: {  	v12 =	vshll.u32 v12, $0x4;
	v2 =	vor.u32 v1, v2;
	v15 =	vand.u32 $0x10, v13  }
0xa8: {  	v17 =	vadd.s32 $0x8, v4;
	v16 =	vor.u32 $0x1, v5;
	v15 =	vor.u32 v3, v15  }
0xa9: {  	v19 =	vadd.s32 $0x9, v4;
	v18 =	vand.u32 $0x10, v17;
	v15 =	vshll.u32 v15, $0x4  }
0xaa: {  	v21 =	vadd.s32 $0xA, v4;
	v20 =	vand.u32 $0x10, v19;
	v18 =	vor.u32 v3, v18  }
0xab: {  	v17 =	vand.u32 $0x8, v17;
	v20 =	vor.u32 v3, v20;
	v18 =	vshll.u32 v18, $0x4  }
0xac: {  	[tilespmem:v2+s11+$0x0] =	vst.idx.msk $0xffff, v7;
	v7 =	vor.u32 v17, v18;
	v17 =	vshll.u32 v20, $0x4;
	v18 =	vand.u32 $0x10, v21  }
0xad: {  	v4 =	vadd.s32 $0xB, v4;
	v16 =	vld.idx.msk [tilespmem:v16+s10+$0x0], $0xffff;
	v7 =	vor.u32 v8, v7;
	v8 =	vor.u32 v3, v18  }
0xae: {  	v20 =	vand.u32 $0x10, v4;
	v18 =	vor.u32 $0x1, v2;
	v8 =	vshll.u32 v8, $0x4  }
0xaf: {  	v22 =	vor.u32 $0x2, v5;
	v3 =	vor.u32 v3, v20  }
0xb0: {  	v3 =	vshll.u32 v3, $0x4;
	_ =	sdelay $0x2  }
0xb1: {  	[tilespmem:v18+s11+$0x0] =	vst.idx.msk $0xffff, v16  }
0xb2: {  	v16 =	vld.idx.msk [tilespmem:v22+s10+$0x0], $0xffff  }
0xb3: {  	v18 =	vor.u32 $0x2, v2  }
0xb4: {  	v5 =	vor.u32 $0x3, v5;
	_ =	sdelay $0x3  }
0xb5: {  	[tilespmem:v18+s11+$0x0] =	vst.idx.msk $0xffff, v16  }
0xb6: {  	v5 =	vld.idx.msk [tilespmem:v5+s10+$0x0], $0xffff  }
0xb7: {  	v6 =	vand.u32 $0xC, v6;
	v16 =	vor.u32 $0x3, v2  }
0xb8: {  	v6 =	vor.u32 v6, v14;
	_ =	sdelay $0x3  }
0xb9: {  	[tilespmem:v16+s11+$0x0] =	vst.idx.msk $0xffff, v5  }
0xba: {  	v5 =	vld.idx.msk [tilespmem:v6+s10+$0x0], $0xffff  }
0xbb: {  	v9 =	vand.u32 $0xD, v9;
	v6 =	vor.u32 $0x4, v2  }
0xbc: {  	v9 =	vor.u32 v9, v10;
	_ =	sdelay $0x3  }
0xbd: {  	[tilespmem:v6+s11+$0x0] =	vst.idx.msk $0xffff, v5  }
0xbe: {  	v5 =	vld.idx.msk [tilespmem:v9+s10+$0x0], $0xffff  }
0xbf: {  	v6 =	vor.u32 $0x5, v2;
	v9 =	vand.u32 $0xE, v11  }
0xc0: {  	v9 =	vor.u32 v9, v12;
	_ =	sdelay $0x3  }
0xc1: {  	[tilespmem:v6+s11+$0x0] =	vst.idx.msk $0xffff, v5  }
0xc2: {  	v5 =	vld.idx.msk [tilespmem:v9+s10+$0x0], $0xffff  }
0xc3: {  	v6 =	vor.u32 $0x6, v2;
	v9 =	vand.u32 $0xF, v13  }
0xc4: {  	v9 =	vor.u32 v9, v15;
	_ =	sdelay $0x3  }
0xc5: {  	[tilespmem:v6+s11+$0x0] =	vst.idx.msk $0xffff, v5  }
0xc6: {  	v5 =	vld.idx.msk [tilespmem:v9+s10+$0x0], $0xffff  }
0xc7: {  	v6 =	vor.u32 $0x7, v2;
	_ =	sdelay $0x4  }
0xc8: {  	[tilespmem:v6+s11+$0x0] =	vst.idx.msk $0xffff, v5  }
0xc9: {  	v5 =	vld.idx.msk [tilespmem:v7+s10+$0x0], $0xffff  }
0xca: {  	v6 =	vor.u32 $0x8, v2;
	v7 =	vand.u32 $0xD, v19  }
0xcb: {  	v7 =	vor.u32 v7, v17;
	_ =	sdelay $0x3  }
0xcc: {  	[tilespmem:v6+s11+$0x0] =	vst.idx.msk $0xffff, v5  }
0xcd: {  	v5 =	vld.idx.msk [tilespmem:v7+s10+$0x0], $0xffff  }
0xce: {  	v6 =	vor.u32 $0x9, v2;
	v7 =	vand.u32 $0xE, v21  }
0xcf: {  	v7 =	vor.u32 v7, v8;
	_ =	sdelay $0x3  }
0xd0: {  	[tilespmem:v6+s11+$0x0] =	vst.idx.msk $0xffff, v5  }
0xd1: {  	v5 =	vld.idx.msk [tilespmem:v7+s10+$0x0], $0xffff  }
0xd2: {  	v4 =	vand.u32 $0xF, v4;
	v6 =	vor.u32 $0xA, v2  }
0xd3: {  	v3 =	vor.u32 v4, v3;
	_ =	sdelay $0x1  }
.Ltmp1:
0xd4: {  	(pc) =	sbr.rel @p0 .LBB2_4-.Ltmp1, $4  }
0xd5: {  	_ = 	snop  }
0xd6: {  	[tilespmem:v6+s11+$0x0] =	vst.idx.msk $0xffff, v5  }
0xd7: {  	v3 =	vld.idx.msk [tilespmem:v3+s10+$0x0], $0xffff  }
0xd8: {  	v2 =	vor.u32 $0xB, v2  }
0xd9: {  	_ =	sdelay $0x1  }
0xda: {  	s12 =	sadd.s32 $0x1, s12  }
0xdb: {  	p0 =	sne.s32 s12, s6  }
.Ltmp2:
0xdc: {  	[tilespmem:v2+s11+$0x0] =	vst.idx.msk $0xffff, v3;
	(pc) =	sbr.rel @p0 .LBB2_1-.Ltmp2, $4  }
0xdd: {  	[hbm4b:s5+s2] =	stream.linear.scatter [tilespmem:s11], [sflag:$0x2], $0x2800, $0x38;
	[tilespmem:$0x7F80] =	vst v63  }
0xde: {  	_ =	swait.ge [sflag:s7], $0x2800  }
0xdf: {  	[sflag:s7] =	ssyncset.done $0x0  }
0xe0: {  	[sflag:s7] =	ssyncadd.s32 $0xFFFFD800  }
0xe1: {  	_ =	sfence.sel $0x180000  }
0xe2: {  	[bflag:$0x0] =	sbarrier.arrive $0xFFFF  }
0xe3: {  	p0 =	sne.s32 s0, $0x0;
	_ =	strace $0x9000004A  }
0xe4: {  	s0 =	sadd.s32 @!p0 $0x100000, s1;
	[bflag:$0x2] =	sbarrier.arrive $0xFFFF  }
0xe5: {  	[sflag:s0] =	ssyncadd.tile.s32 @!p0 $0x1;
	_ =	shalt  }
.Lfunc_end2:
_tile_overlayer_lowered:
.L_overlay_start_2:
0xe6: {  	(tag) =	ssettag $0x2  }
0xe7: {  	s0 =	rddreg [dreg:$0x0];
	s2 =	stileid.u32  }
0xe8: {  	s1 =	rddreg [dreg:$0x1];
	p0 =	sne.s32 s2, $0x0  }
0xe9: {  	s3 =	rddreg [dreg:$0x2];
	[bflag:$0x3] =	sbarrier.arrive $0xFFFF;
	s2 =	simm.s32 @!p0 $0x1C02  }
0xea: {  	[timem:s3], [sflag:s2] =	dma.local @!p0 [hbm:s0], s1  }
0xeb: {  	s0 =	simm.s32 @!p0 $0x2  }
0xec: {  	_ =	swait.ge @!p0 [sflag:s0], s1  }
0xed: {  	s1 =	ssub.s32 @!p0 $0x0, s1;
	[sflag:s0] =	ssyncset.done @!p0 $0x0  }
0xee: {  	[sflag:s0] =	ssyncadd.s32 @!p0 s1  }
0xef: {  	[bflag:$0x3] =	sbarrier.arrive $0xFFFF  }
0xf0: {  	_ =	shalt  }

// kernel: kernel.18.cloned.1.call-start
scs
__scs_entry_jumppad:
0x0: {  	(pc) =	sbr.rel $0x88, $3  }
0x1: {  	(tag) =	ssettag $0x0;
	lr =	simm.s32 $0x1  }
0x2: {  	[smem:$0x3F93] =	sst lr;
	_ =	strace $0xD0000000  }
0x3: {  	_ = 	snop  }
0x4: {  	_ = 	snop  }
0x5: {  	_ = 	snop  }
0x6: {  	_ = 	snop  }
0x7: {  	_ = 	snop  }
__scs_overlays_trampoline_lowered:
0x8: {  	[smem:$0x3FA2] =	sst s0  }
0x9: {  	[smem:$0x3FA3] =	sst s1  }
0xa: {  	[smem:$0x3FA4] =	sst s2  }
0xb: {  	[smem:$0x3FA5] =	sst s3  }
0xc: {  	[smem:$0x3FA6] =	sst s4  }
0xd: {  	[smem:$0x3FA7] =	sst s5  }
0xe: {  	[smem:$0x3FA8] =	sst s6  }
0xf: {  	[smem:$0x3FA9] =	sst s7  }
0x10: {  	[smem:$0x3FAA] =	sst s8  }
0x11: {  	[smem:$0x3FAB] =	sst s9;
	s0 =	simm.s32 @!p0 $0x0  }
0x12: {  	s1 =	sld [smem:$0x3F91];
	s0 =	simm.s32 @p0 $0x1  }
0x13: {  	[smem:$0x3FAC] =	sst s0;
	s0 =	simm.s32 @!p1 $0x0  }
0x14: {  	s2 =	sld [smem:$0x3F90];
	s0 =	simm.s32 @p1 $0x1  }
0x15: {  	[smem:$0x3FAD] =	sst s0;
	s0 =	simm.s32 @!p2 $0x0  }
0x16: {  	s3 =	sld [smem:$0x3FDB];
	s0 =	simm.s32 @p2 $0x1  }
0x17: {  	s4 =	simm.s32 $0x1BF5;
	[smem:$0x3FAF] =	sst s0  }
0x18: {  	s0 =	sld [smem:$0x3F92];
	_ =	swait.ge [sflag:s4], $0x0  }
0x19: {  	s7 =	sld [smem:$0x3F93]  }
0x1a: {  	s8 =	sadd.s32 $0xFFFFE003, lr  }
0x1b: {  	s9 =	sadd.s32 $0xFFFFFEF7, lr;
	s5 =	simm.s32 $0xFFFFFFFF;
	p2 =	slt.u32 s8, $0xFFFFF086  }
0x1c: {  	p1 =	slt.u32 s9, $0xF7A;
	s5 =	simm.s32 @!p2 $0x0  }
0x1d: {  	s5 =	simm.s32 @p1 $0x1;
	p0 =	seq.s32 s7, s2  }
0x1e: {  	s7 =	smul.u32 @!p0 $0xF7A, s2;
	p2 =	seq.s32 @!p0 s5, $0x0  }
0x1f: {  	s9 =	smul.u32 $0xF7A, s1;
	s8 =	simm.s32 @!p0 $0x1BF5;
	p2 =	por !p2, p0  }
0x20: {  	[sflag:s8] =	ssyncset.s32 @!p0 $0xFFFFF086;
	s6 =	sadd.s32 @!p0 s3, s7;
	s7 =	simm.s32 @!p0 $0x108  }
0x21: {  	s3 =	sadd.s32 s3, s9;
	s6 =	sadd.s32 @!p0 $0x88, s6;
	s7 =	simm.s32 @p2 $0x1082  }
0x22: {  	[simem:s7], [sflag:s8] =	dma.local @!p0 [hbm:s6], $0xF7A  }
0x23: {  	s9 =	sor.u32 $0xD0000000, s2;
	s6 =	simm.s32 $0x108;
	_ =	swait.ge @!p0 [sflag:s8], $0x0  }
0x24: {  	s3 =	sadd.s32 $0x88, s3;
	s6 =	simm.s32 @!p1 $0x1082;
	[sflag:s4] =	ssyncset.s32 $0xFFFFF086  }
0x25: {  	[simem:s6], [sflag:s4] =	dma.local [hbm:s3], $0xF7A  }
0x26: {  	[smem:$0x3F93] =	sst s1;
	(tag) =	ssettag s2;
	_ =	strace s9  }
0x27: {  	s1 =	sld [smem:$0x3FA3]  }
0x28: {  	s2 =	sld [smem:$0x3FA4]  }
0x29: {  	s4 =	sld [smem:$0x3FA6]  }
0x2a: {  	p0 =	seq.s32 s5, $0x0;
	s5 =	sld [smem:$0x3FA7]  }
0x2b: {  	s6 =	sld [smem:$0x3FA8]  }
0x2c: {  	s7 =	sld [smem:$0x3FA9]  }
0x2d: {  	s3 =	simm.s32 $0x108;
	s8 =	sld [smem:$0x3FAA]  }
0x2e: {  	s3 =	simm.s32 @!p0 $0x1082;
	s9 =	sld [smem:$0x3FAB]  }
0x2f: {  	lr =	sadd.s32 s0, s3;
	s0 =	sld [smem:$0x3FA2]  }
0x30: {  	s3 =	sld [smem:$0x3FA5]  }
0x31: {  	[smem:$0x3FAE] =	sst s10  }
0x32: {  	s10 =	sld [smem:$0x3FAC];
	_ =	sdelay $0x3  }
0x33: {  	p0 =	seq.s32 s10, $0x1;
	s10 =	sld [smem:$0x3FAE];
	_ =	sdelay $0x3  }
0x34: {  	[smem:$0x3FAE] =	sst s10  }
0x35: {  	s10 =	sld [smem:$0x3FAD];
	_ =	sdelay $0x3  }
0x36: {  	p1 =	seq.s32 s10, $0x1;
	s10 =	sld [smem:$0x3FAE];
	_ =	sdelay $0x3  }
0x37: {  	[smem:$0x3FAE] =	sst s10  }
0x38: {  	s10 =	sld [smem:$0x3FAF]  }
0x39: {  	_ = 	snop;
	(pc) =	sbr.ind lr, $3  }
0x3a: {  	_ = 	snop  }
0x3b: {  	_ = 	snop  }
0x3c: {  	p2 =	seq.s32 s10, $0x1;
	s10 =	sld [smem:$0x3FAE]  }
0x3d: {  	_ =	shalt  }
0x3e: {  	_ =	shalt  }
0x3f: {  	_ =	shalt  }
0x40: {  	_ =	shalt  }
0x41: {  	_ =	shalt  }
0x42: {  	_ =	shalt  }
0x43: {  	_ =	shalt  }
0x44: {  	_ =	shalt  }
0x45: {  	_ =	shalt  }
0x46: {  	_ =	shalt  }
0x47: {  	_ =	shalt  }
0x48: {  	_ =	shalt  }
0x49: {  	_ =	shalt  }
0x4a: {  	_ =	shalt  }
0x4b: {  	_ =	shalt  }
0x4c: {  	_ =	shalt  }
0x4d: {  	_ =	shalt  }
0x4e: {  	_ =	shalt  }
0x4f: {  	_ =	shalt  }
0x50: {  	_ =	shalt  }
0x51: {  	_ =	shalt  }
0x52: {  	_ =	shalt  }
0x53: {  	_ =	shalt  }
0x54: {  	_ =	shalt  }
0x55: {  	_ =	shalt  }
0x56: {  	_ =	shalt  }
0x57: {  	_ =	shalt  }
0x58: {  	_ =	shalt  }
0x59: {  	_ =	shalt  }
0x5a: {  	_ =	shalt  }
0x5b: {  	_ =	shalt  }
0x5c: {  	_ =	shalt  }
0x5d: {  	_ =	shalt  }
0x5e: {  	_ =	shalt  }
0x5f: {  	_ =	shalt  }
0x60: {  	_ =	shalt  }
0x61: {  	_ =	shalt  }
0x62: {  	_ =	shalt  }
0x63: {  	_ =	shalt  }
0x64: {  	_ =	shalt  }
0x65: {  	_ =	shalt  }
0x66: {  	_ =	shalt  }
0x67: {  	_ =	shalt  }
0x68: {  	_ =	shalt  }
0x69: {  	_ =	shalt  }
0x6a: {  	_ =	shalt  }
0x6b: {  	_ =	shalt  }
0x6c: {  	_ =	shalt  }
0x6d: {  	_ =	shalt  }
0x6e: {  	_ =	shalt  }
0x6f: {  	_ =	shalt  }
0x70: {  	_ =	shalt  }
0x71: {  	_ =	shalt  }
0x72: {  	_ =	shalt  }
0x73: {  	_ =	shalt  }
0x74: {  	_ =	shalt  }
0x75: {  	_ =	shalt  }
0x76: {  	_ =	shalt  }
0x77: {  	_ =	shalt  }
0x78: {  	_ =	shalt  }
0x79: {  	_ =	shalt  }
0x7a: {  	_ =	shalt  }
0x7b: {  	_ =	shalt  }
0x7c: {  	_ =	shalt  }
0x7d: {  	_ =	shalt  }
0x7e: {  	_ =	shalt  }
0x7f: {  	_ =	shalt  }
0x80: {  	_ =	shalt  }
0x81: {  	_ =	shalt  }
0x82: {  	_ =	shalt  }
0x83: {  	_ =	shalt  }
0x84: {  	_ =	shalt  }
0x85: {  	_ =	shalt  }
0x86: {  	_ =	shalt  }
0x87: {  	_ =	shalt  }
.Lfunc_end0:
.L_simem_size_0:
called_computation.2_lowered:
.L_overlay_start_0:
0x88: {  	s2 =	sld [smem:$0x3FD9]  }
0x89: {  	s3 =	sld [smem:$0x3FFE];
	_ =	sdelay $0x1  }
0x8a: {  	s1 =	srdreg.scid  }
0x8b: {  	s0 =	sand.u32 $0x1, s1  }
0x8c: {  	s17 =	sshll.u32 s0, $0xA;
	s2 =	sadd.s32 s3, s2  }
0x8d: {  	s2 =	sadd.s32 s2, s17  }
0x8e: {  	[smem:$0x3FBA] =	sst s2  }
0x8f: {  	_ = 	snop  }
0x90: {  	(tm) =	ssettm $0x1  }
0x91: {  	s18 =	sld [smem:$0x3FFB];
	_ =	sdelay $0x3  }
0x92: {  	_ =	strace s18  }
0x93: {  	s2 =	sld [smem:$0x3FFC];
	_ =	sdelay $0x3  }
0x94: {  	_ =	strace s2  }
0x95: {  	s2 =	sld [smem:$0x3FFD];
	_ =	sdelay $0x3  }
0x96: {  	_ =	strace s2  }
0x97: {  	_ =	strace $0x8FFFFFFF  }
0x98: {  	s19 =	sld [smem:$0x3FDB];
	_ =	sdelay $0x1  }
0x99: {  	s20 =	simm.s32 $_scs_section_size  }
0x9a: {  	s4 =	simm.s32 $_size__tile_overlayer_lowered;
	s5 =	simm.s32 $_tile_overlayer_lowered  }
0x9b: {  	s6 =	simm.s32 $0x1BFF;
	s21 =	sshll.u32 s5, $0x1;
	s3 =	sadd.s32 s20, s19  }
0x9c: {  	s22 =	simm.s32 $0x0;
	s4 =	sshll.u32 s4, $0x1;
	s5 =	sadd.s32 s21, s3  }
0x9d: {  	[timem:s22], [sflag:s6] =	dma.local [hbm:s5], s4  }
0x9e: {  	_ =	swait.ge [sflag:s6], s4  }
0x9f: {  	s4 =	ssub.s32 $0x0, s4;
	[sflag:s6] =	ssyncset.done $0x0  }
0xa0: {  	[sflag:s6] =	ssyncadd.s32 s4;
	_ =	sdelay $0x1  }
0xa1: {  	s23 =	simm.s32 $0x1B8B  }
0xa2: {  	_ =	swait.ge [sflag:s23], $0x1  }
0xa3: {  	[sflag:s23] =	ssyncset.done $0x0  }
0xa4: {  	[sflag:s23] =	ssyncadd.s32 $0xFFFFFFFF  }
0xa5: {  	s4 =	sld [smem:$0x0]  }
0xa6: {  	s5 =	sand.u32 $0xFFFFFFFE, s1  }
0xa7: {  	p0 =	sne.s32 s1, s5  }
0xa8: {  	s5 =	sshll.u32 @p0 s5, $0xE  }
0xa9: {  	s5 =	sadd.s32 @p0 $0x11B8D, s5;
	s6 =	sshll.u32 @p0 s4, $0x11  }
0xaa: {  	s5 =	sor.u32 @p0 s6, s5  }
0xab: {  	[sflag:s5] =	ssyncadd.remote.s32 @p0 $0x1;
	_ =	sdelay $0x1  }
0xac: {  	s5 =	simm.s32 @p0 $0x1B8D  }
0xad: {  	_ =	swait.eq @p0 [sflag:s5], $0x1  }
0xae: {  	[sflag:s5] =	ssyncadd.s32 @p0 $0xFFFFFFFF  }
0xaf: {  	s6 =	sshll.u32 @!p0 s1, $0xE  }
0xb0: {  	s6 =	sor.u32 @!p0 $0x4000, s6;
	s5 =	simm.s32 @!p0 $0x1B8D  }
0xb1: {  	s4 =	sshll.u32 @!p0 s4, $0x11;
	s6 =	sadd.s32 @!p0 $0x11B8D, s6;
	_ =	swait.eq @!p0 [sflag:s5], $0x1  }
0xb2: {  	s4 =	sor.u32 @!p0 s4, s6;
	[sflag:s5] =	ssyncadd.s32 @!p0 $0xFFFFFFFF  }
0xb3: {  	s25 =	simm.s32 $0x1B8E;
	s24 =	sld [smem:$0x3FFE];
	[sflag:s4] =	ssyncadd.remote.s32 @!p0 $0x1  }
0xb4: {  	s26 =	simm.s32 $execute0_lowered;
	[smem:$0x3FD2] =	sst s25  }
0xb5: {  	s5 =	sshll.u32 s26, $0x1;
	_ =	strace $0x8000004F;
	[dreg:$0x1] =	wrdreg $0xFFFFFFFF  }
0xb6: {  	s28 =	simm.s32 $_size_execute0_lowered;
	s3 =	sadd.s32 s3, s5;
	[dreg:$0x0] =	wrdreg $0x0  }
0xb7: {  	s5 =	sshll.u32 s28, $0x1;
	[dreg:$0x2] =	wrdreg s3  }
0xb8: {  	[dreg:$0x3] =	wrdreg s5  }
0xb9: {  	[dreg:$0x4] =	wrdreg $0xC0  }
0xba: {  	_ =	task [dreg:s22], $0x5FFFF  }
0xbb: {  	[dreg:$0x1] =	wrdreg $0xFFFFFFFF  }
0xbc: {  	[dreg:$0x0] =	wrdreg $0x60  }
0xbd: {  	[dreg:$0x2] =	wrdreg s24  }
0xbe: {  	[dreg:$0x3] =	wrdreg $0x9  }
0xbf: {  	_ =	task.clear_ibuf [dreg:s22], $0x4FFFF;
	_ =	strace $0x9000004F  }
0xc0: {  	s29 =	simm.s32 $0x9;
	_ =	strace $0x80000051  }
0xc1: {  	_ =	swait.ge [sflag:s29], $0x1  }
0xc2: {  	[sflag:s29] =	ssyncadd.s32 $0xFFFFFFFF  }
0xc3: {  	_ =	strace $0x90000051  }
0xc4: {  	_ =	sfence  }
0xc5: {  	s30 =	sld [smem:$0x0];
	_ =	sdelay $0x2  }
0xc6: {  	s31 =	sshll.u32 s1, $0xD;
	s1 =	sshrl.u32 s1, $0x2  }
0xc7: {  	s4 =	sand.u32 $0x4000, s31;
	s1 =	sadd.s32 s1, s30  }
0xc8: {  	s0 =	sor.u32 s4, s0;
	s1 =	sshll.u32 s1, $0x11  }
0xc9: {  	s0 =	sor.u32 s1, s0  }
0xca: {  	s0 =	sadd.s32 $0x8F2B, s0  }
0xcb: {  	[sflag:s0] =	ssyncadd.remote.s32 $0x1  }
0xcc: {  	_ =	sfence.sel $0xFFFF  }
0xcd: {  	[dreg:$0x0] =	wrdreg $0xFFFFFFFF;
	(pc) =	sbr.abs _section_cstart, $3  }
0xce: {  	[dreg:$0x1] =	wrdreg $0xFFFFFFFF  }
0xcf: {  	_ =	task.clear_ibuf [dreg:s22], $0x2FFFF;
	_ =	strace $0x9FFFFFFF  }
0xd0: {  	(tm) =	ssettm $0x7FFFFFFF  }
0xd1: {  	_ =	shalt  }
tec
execute0_lowered:
.L_overlay_start_1:
0x0: {  	(tag) =	ssettag $0x1  }
0x1: {  	s1 =	srdreg.scid  }
0x2: {  	s0 =	stileid.u32;
	s4 =	rddreg [dreg:$0x0]  }
0x3: {  	s2 =	simm.s32 $0x0;
	s9 =	simm.s32 $0x1;
	s10 =	simm.s32 $0x840  }
0x4: {  	s11 =	simm.s32 $0x6040;
	s3 =	sand.u32 $0x1, s1;
	s31 =	sshll.u32 s0, $0x1  }
0x5: {  	s12 =	simm.s32 $0x0;
	s1 =	rddreg [dreg:$0x1];
	s5 =	sor.u32 s3, s31  }
0x6: {  	[smem:$0x7FF] =	sst s2;
	s7 =	ssub.s32 $0x2, s3;
	s6 =	smul.u32 $0x58, s5  }
0x7: {  	_ =	strace $0x80000050;
	s5 =	smul.u32 $0x580, s5;
	s8 =	sshrl.u32 s7, $0x1  }
0x8: {  	s3 =	sadd.s32 $0x20000, s4;
	s7 =	ssub.s32 s7, s8;
	s6 =	sadd.s32 s6, s4  }
0x9: {  	v0 =	vlaneseq.u32;
	s8 =	simm.s32 $0x80;
	s5 =	sadd.s32 s5, s4;
	s4 =	sadd.s32 $0x44A00, s6  }
0xa: {  	v1 =	vmul.u32 $0x10, v0;
	s5 =	sadd.s32 $0x45600, s5;
	s6 =	smax.u32 s7, $0x1;
	s7 =	simm.s32 $0x2  }
.LBB2_1:
0xb: {  	[tilespmem:s2], [sflag:$0x2] =	stream.linear.gather [hbm4b:s4+s2], $0x2C0, $0x38;
	[tilespmem:$0x8C40] =	vst v63  }
0xc: {  	_ =	swait.ge [sflag:s7], $0x2C0  }
0xd: {  	[sflag:s7] =	ssyncset.done $0x0  }
0xe: {  	s14 =	simm.s32 $0x20;
	[sflag:s7] =	ssyncadd.s32 $0xFFFFFD40  }
0xf: {  	v2 =	vld [tilespmem:s14+$0xFFFFFFE0];
	_ =	sdelay $0x4  }
0x10: {  	v2 =	vmul.u32 $0xC, v2;
	_ =	sdelay $0x1  }
0x11: {  	v2 =	vshrl.u32 v2, $0x4  }
0x12: {  	s13 =	simm.s32 $0x2C0;
	v3 =	vmin.u32 v2, $0x124F6  }
0x13: {  	[tilespmem:s13+$0x0] =	vst v2;
	v2 =	vadd.s32 $0x1, v3  }
0x14: {  	[tilespmem:s13+$0x10] =	vst v2  }
0x15: {  	v2 =	vld [tilespmem:s14+$0xFFFFFFF0];
	_ =	sdelay $0x4  }
0x16: {  	v2 =	vmul.u32 $0xC, v2;
	_ =	sdelay $0x1  }
0x17: {  	v2 =	vshrl.u32 v2, $0x4  }
0x18: {  	v3 =	vmin.u32 v2, $0x124F6  }
0x19: {  	[tilespmem:s13+$0x20] =	vst v2;
	v2 =	vadd.s32 $0x1, v3  }
0x1a: {  	[tilespmem:s13+$0x30] =	vst v2  }
0x1b: {  	v2 =	vld [tilespmem:s14+$0x0];
	_ =	sdelay $0x4  }
0x1c: {  	v2 =	vmul.u32 $0xC, v2;
	_ =	sdelay $0x1  }
0x1d: {  	v2 =	vshrl.u32 v2, $0x4  }
0x1e: {  	v3 =	vmin.u32 v2, $0x124F6  }
0x1f: {  	[tilespmem:s13+$0x40] =	vst v2;
	v2 =	vadd.s32 $0x1, v3  }
0x20: {  	[tilespmem:s13+$0x50] =	vst v2  }
0x21: {  	v2 =	vld [tilespmem:s14+$0x10];
	_ =	sdelay $0x4  }
0x22: {  	v2 =	vmul.u32 $0xC, v2;
	_ =	sdelay $0x1  }
0x23: {  	v2 =	vshrl.u32 v2, $0x4  }
0x24: {  	v3 =	vmin.u32 v2, $0x124F6  }
0x25: {  	s17 =	simm.s32 $0x840;
	[tilespmem:s13+$0x60] =	vst v2;
	v2 =	vadd.s32 $0x1, v3  }
0x26: {  	s15 =	simm.s32 $0x340;
	s16 =	simm.s32 $0x60;
	s14 =	simm.s32 $0x2000;
	[tilespmem:s13+$0x70] =	vst v2  }
.LBB2_2:
0x27: {  	[tilespmem:s17], [sflag:$0x1] =	stream.indirect.gather [hbm4b:s3+s8], $0x10, s13, s8, $0xb8;
	[tilespmem:$0x8C40] =	vst v63  }
0x28: {  	p0 =	sne.s32 s14, $0x14000;
	s17 =	smov.u32 s14;
	s14 =	sadd.s32 $0x2000, s14;
	v2 =	vld [tilespmem:s16+$0xFFFFFFE0]  }
0x29: {  	s13 =	smov.u32 s15;
	_ =	sdelay $0x3  }
0x2a: {  	v2 =	vmul.u32 $0xC, v2;
	_ =	sdelay $0x1  }
0x2b: {  	v2 =	vshrl.u32 v2, $0x4  }
0x2c: {  	v3 =	vmin.u32 v2, $0x124F6  }
0x2d: {  	[tilespmem:s15+$0x0] =	vst v2;
	v2 =	vadd.s32 $0x1, v3  }
0x2e: {  	[tilespmem:s15+$0x10] =	vst v2  }
0x2f: {  	v2 =	vld [tilespmem:s16+$0xFFFFFFF0];
	_ =	sdelay $0x4  }
0x30: {  	v2 =	vmul.u32 $0xC, v2;
	_ =	sdelay $0x1  }
0x31: {  	v2 =	vshrl.u32 v2, $0x4  }
0x32: {  	v3 =	vmin.u32 v2, $0x124F6  }
0x33: {  	[tilespmem:s15+$0x20] =	vst v2;
	v2 =	vadd.s32 $0x1, v3  }
0x34: {  	[tilespmem:s15+$0x30] =	vst v2  }
0x35: {  	v2 =	vld [tilespmem:s16+$0x0];
	_ =	sdelay $0x4  }
0x36: {  	v2 =	vmul.u32 $0xC, v2;
	_ =	sdelay $0x1  }
0x37: {  	v2 =	vshrl.u32 v2, $0x4  }
0x38: {  	[tilespmem:s15+$0x40] =	vst v2;
	v2 =	vmin.u32 v2, $0x124F6  }
0x39: {  	v2 =	vadd.s32 $0x1, v2  }
0x3a: {  	[tilespmem:s15+$0x50] =	vst v2  }
0x3b: {  	v2 =	vld [tilespmem:s16+$0x10];
	_ =	sdelay $0x4  }
0x3c: {  	v2 =	vmul.u32 $0xC, v2  }
.Ltmp0:
0x3d: {  	(pc) =	sbr.rel @p0 .LBB2_2-.Ltmp0, $4  }
0x3e: {  	v2 =	vshrl.u32 v2, $0x4  }
0x3f: {  	[tilespmem:s15+$0x60] =	vst v2;
	v2 =	vmin.u32 v2, $0x124F6  }
0x40: {  	s17 =	sshra.s32 s17, $0x2;
	v2 =	vadd.s32 $0x1, v2  }
0x41: {  	s17 =	sadd.s32 $0x840, s17;
	s16 =	sadd.s32 $0x40, s16;
	s15 =	sadd.s32 $0x80, s15;
	[tilespmem:s13+$0x70] =	vst v2  }
0x42: {  	[tilespmem:s17], [sflag:$0x1] =	stream.indirect.gather [hbm4b:s3+s8], $0x10, s13, s8, $0xb8;
	[tilespmem:$0x8C40] =	vst v63  }
0x43: {  	_ =	swait.ge [sflag:s9], $0x800  }
0x44: {  	[sflag:s9] =	ssyncset.done $0x0  }
0x45: {  	[sflag:s9] =	ssyncadd.s32 $0xFFFFF800  }
0x46: {  	_ =	swait.ge [sflag:s9], $0x800  }
0x47: {  	[sflag:s9] =	ssyncset.done $0x0  }
0x48: {  	[sflag:s9] =	ssyncadd.s32 $0xFFFFF800  }
0x49: {  	_ =	swait.ge [sflag:s9], $0x800  }
0x4a: {  	[sflag:s9] =	ssyncset.done $0x0  }
0x4b: {  	[sflag:s9] =	ssyncadd.s32 $0xFFFFF800  }
0x4c: {  	_ =	swait.ge [sflag:s9], $0x800  }
0x4d: {  	[sflag:s9] =	ssyncset.done $0x0  }
0x4e: {  	[sflag:s9] =	ssyncadd.s32 $0xFFFFF800  }
0x4f: {  	_ =	swait.ge [sflag:s9], $0x800  }
0x50: {  	[sflag:s9] =	ssyncset.done $0x0  }
0x51: {  	[sflag:s9] =	ssyncadd.s32 $0xFFFFF800  }
0x52: {  	_ =	swait.ge [sflag:s9], $0x800  }
0x53: {  	[sflag:s9] =	ssyncset.done $0x0  }
0x54: {  	[sflag:s9] =	ssyncadd.s32 $0xFFFFF800  }
0x55: {  	_ =	swait.ge [sflag:s9], $0x800  }
0x56: {  	[sflag:s9] =	ssyncset.done $0x0  }
0x57: {  	[sflag:s9] =	ssyncadd.s32 $0xFFFFF800  }
0x58: {  	_ =	swait.ge [sflag:s9], $0x800  }
0x59: {  	[sflag:s9] =	ssyncset.done $0x0  }
0x5a: {  	[sflag:s9] =	ssyncadd.s32 $0xFFFFF800  }
0x5b: {  	_ =	swait.ge [sflag:s9], $0x800  }
0x5c: {  	[sflag:s9] =	ssyncset.done $0x0  }
0x5d: {  	[sflag:s9] =	ssyncadd.s32 $0xFFFFF800  }
0x5e: {  	_ =	swait.ge [sflag:s9], $0x800  }
0x5f: {  	[sflag:s9] =	ssyncset.done $0x0  }
0x60: {  	[sflag:s9] =	ssyncadd.s32 $0xFFFFF800  }
0x61: {  	_ =	swait.ge [sflag:s9], $0x800  }
0x62: {  	[sflag:s9] =	ssyncset.done $0x0  }
0x63: {  	s13 =	simm.s32 $0x0;
	[sflag:s9] =	ssyncadd.s32 $0xFFFFF800  }
0x64: {  	v2 =	vld [tilespmem:s13+$0x0];
	_ =	sdelay $0x4  }
0x65: {  	v2 =	vmul.u32 $0xC, v2  }
0x66: {  	v3 =	vor.u32 s13, v0  }
0x67: {  	v5 =	vshll.u32 v3, $0x4;
	v4 =	vand.u32 $0xC, v2  }
0x68: {  	v6 =	vor.u32 v5, v4;
	_ =	sdelay $0x2  }
0x69: {  	v8 =	vmov s13;
	v7 =	vand.u32 $0x8, v2  }
0x6a: {  	v36 =	vshll.u32 v8, $0x4;
	v2 =	vand.u32 $0x4, v2;
	v5 =	vor.u32 v5, v7  }
0x6b: {  	v7 =	vor.u32 v1, v36;
	v5 =	vor.u32 v2, v5;
	v6 =	vld.idx.msk [tilespmem:v6+s10+$0x0], $0xffff  }
0x6c: {  	v37 =	vor.u32 $0x1, v5;
	_ =	sdelay $0x3  }
0x6d: {  	[tilespmem:v7+s11+$0x0] =	vst.idx.msk $0xffff, v6  }
0x6e: {  	v38 =	vor.u32 $0x1, v7;
	v6 =	vld.idx.msk [tilespmem:v37+s10+$0x0], $0xffff  }
0x6f: {  	v9 =	vor.u32 $0x2, v5;
	_ =	sdelay $0x3  }
0x70: {  	[tilespmem:v38+s11+$0x0] =	vst.idx.msk $0xffff, v6  }
0x71: {  	v39 =	vor.u32 $0x2, v7;
	v6 =	vld.idx.msk [tilespmem:v9+s10+$0x0], $0xffff  }
0x72: {  	v5 =	vor.u32 $0x3, v5;
	_ =	sdelay $0x1  }
0x73: {  	v40 =	vadd.s32 $0x4, v4  }
0x74: {  	v10 =	vand.u32 $0x10, v40  }
0x75: {  	v10 =	vor.u32 v3, v10;
	[tilespmem:v39+s11+$0x0] =	vst.idx.msk $0xffff, v6  }
0x76: {  	v42 =	vor.u32 $0x3, v7;
	v41 =	vshll.u32 v10, $0x4;
	v9 =	vand.u32 $0xC, v40;
	v5 =	vld.idx.msk [tilespmem:v5+s10+$0x0], $0xffff  }
0x77: {  	v6 =	vor.u32 v9, v41;
	_ =	sdelay $0x1  }
0x78: {  	v43 =	vadd.s32 $0x5, v4  }
0x79: {  	v44 =	vand.u32 $0x10, v43  }
0x7a: {  	v10 =	vor.u32 v3, v44;
	[tilespmem:v42+s11+$0x0] =	vst.idx.msk $0xffff, v5  }
0x7b: {  	v45 =	vor.u32 $0x4, v7;
	v9 =	vand.u32 $0xD, v43;
	v5 =	vshll.u32 v10, $0x4;
	v6 =	vld.idx.msk [tilespmem:v6+s10+$0x0], $0xffff  }
0x7c: {  	v5 =	vor.u32 v9, v5;
	_ =	sdelay $0x1  }
0x7d: {  	v46 =	vadd.s32 $0x6, v4  }
0x7e: {  	v47 =	vand.u32 $0x10, v46  }
0x7f: {  	v10 =	vor.u32 v3, v47;
	[tilespmem:v45+s11+$0x0] =	vst.idx.msk $0xffff, v6  }
0x80: {  	v49 =	vor.u32 $0x5, v7;
	v48 =	vshll.u32 v10, $0x4;
	v9 =	vand.u32 $0xE, v46;
	v5 =	vld.idx.msk [tilespmem:v5+s10+$0x0], $0xffff  }
0x81: {  	v6 =	vor.u32 v9, v48;
	_ =	sdelay $0x1  }
0x82: {  	v50 =	vadd.s32 $0x7, v4  }
0x83: {  	v51 =	vand.u32 $0x10, v50  }
0x84: {  	v10 =	vor.u32 v3, v51;
	[tilespmem:v49+s11+$0x0] =	vst.idx.msk $0xffff, v5  }
0x85: {  	v52 =	vor.u32 $0x6, v7;
	v9 =	vand.u32 $0xF, v50;
	v5 =	vshll.u32 v10, $0x4;
	v6 =	vld.idx.msk [tilespmem:v6+s10+$0x0], $0xffff  }
0x86: {  	v5 =	vor.u32 v9, v5  }
0x87: {  	v53 =	vadd.s32 $0x8, v4  }
0x88: {  	v54 =	vand.u32 $0x10, v53  }
0x89: {  	v10 =	vor.u32 v3, v54  }
0x8a: {  	v9 =	vand.u32 $0x8, v53;
	v10 =	vshll.u32 v10, $0x4;
	[tilespmem:v52+s11+$0x0] =	vst.idx.msk $0xffff, v6  }
0x8b: {  	v56 =	vor.u32 $0x7, v7;
	v55 =	vor.u32 v9, v10;
	v5 =	vld.idx.msk [tilespmem:v5+s10+$0x0], $0xffff  }
0x8c: {  	v2 =	vor.u32 v2, v55;
	_ =	sdelay $0x1  }
0x8d: {  	v57 =	vadd.s32 $0x9, v4  }
0x8e: {  	v58 =	vand.u32 $0x10, v57  }
0x8f: {  	v9 =	vor.u32 v3, v58;
	[tilespmem:v56+s11+$0x0] =	vst.idx.msk $0xffff, v5  }
0x90: {  	v59 =	vor.u32 $0x8, v7;
	v6 =	vand.u32 $0xD, v57;
	v5 =	vshll.u32 v9, $0x4;
	v2 =	vld.idx.msk [tilespmem:v2+s10+$0x0], $0xffff  }
0x91: {  	v5 =	vor.u32 v6, v5;
	_ =	sdelay $0x1  }
0x92: {  	v60 =	vadd.s32 $0xA, v4  }
0x93: {  	v61 =	vand.u32 $0x10, v60  }
0x94: {  	v9 =	vor.u32 v3, v61;
	[tilespmem:v59+s11+$0x0] =	vst.idx.msk $0xffff, v2  }
0x95: {  	v62 =	vor.u32 $0x9, v7;
	v6 =	vand.u32 $0xE, v60;
	v2 =	vshll.u32 v9, $0x4;
	v5 =	vld.idx.msk [tilespmem:v5+s10+$0x0], $0xffff  }
0x96: {  	v2 =	vor.u32 v6, v2;
	_ =	sdelay $0x1  }
0x97: {  	v4 =	vadd.s32 $0xB, v4  }
0x98: {  	v63 =	vand.u32 $0x10, v4  }
0x99: {  	v3 =	vor.u32 v3, v63;
	[tilespmem:v62+s11+$0x0] =	vst.idx.msk $0xffff, v5  }
0x9a: {  	v4 =	vand.u32 $0xF, v4;
	v3 =	vshll.u32 v3, $0x4;
	v5 =	vor.u32 $0xA, v7;
	v2 =	vld.idx.msk [tilespmem:v2+s10+$0x0], $0xffff  }
0x9b: {  	v3 =	vor.u32 v4, v3;
	_ =	sdelay $0x3  }
0x9c: {  	[tilespmem:v5+s11+$0x0] =	vst.idx.msk $0xffff, v2  }
0x9d: {  	s14 =	simm.s32 $0x10;
	s15 =	simm.s32 $0x0;
	v2 =	vor.u32 $0xB, v7;
	v3 =	vld.idx.msk [tilespmem:v3+s10+$0x0], $0xffff  }
.LBB2_4:
0x9e: {  	_ =	sdelay $0x3  }
0x9f: {  	p0 =	sne.s32 s14, $0x2B0;
	s13 =	sadd.s32 $0x20, s13;
	s15 =	sadd.s32 $0x10, s15;
	[tilespmem:v2+s11+$0x0] =	vst.idx.msk $0xffff, v3  }
0xa0: {  	s16 =	smov.u32 s14;
	s14 =	sadd.s32 $0x10, s14;
	v2 =	vld [tilespmem:s15+$0x0];
	_ =	sdelay $0x4  }
0xa1: {  	v2 =	vmul.u32 $0xC, v2  }
0xa2: {  	v3 =	vor.u32 s13, v0  }
0xa3: {  	v5 =	vshll.u32 v3, $0x4;
	v4 =	vand.u32 $0xC, v2;
	v6 =	vand.u32 $0x8, v2  }
0xa4: {  	v8 =	vand.u32 $0x4, v2;
	v7 =	vor.u32 v5, v4;
	v2 =	vor.u32 v5, v6  }
0xa5: {  	v6 =	vadd.s32 $0x4, v4;
	v9 =	vadd.s32 $0x5, v4;
	v5 =	vor.u32 v8, v2  }
0xa6: {  	v11 =	vadd.s32 $0x6, v4;
	v2 =	vand.u32 $0x10, v6;
	v10 =	vand.u32 $0x10, v9  }
0xa7: {  	v12 =	vand.u32 $0x10, v11;
	v2 =	vor.u32 v3, v2;
	v10 =	vor.u32 v3, v10  }
0xa8: {  	v13 =	vmov s16;
	v14 =	vshll.u32 v2, $0x4;
	v10 =	vshll.u32 v10, $0x4  }
0xa9: {  	v12 =	vor.u32 v3, v12;
	v2 =	vshll.u32 v13, $0x4;
	v13 =	vadd.s32 $0x7, v4;
	v7 =	vld.idx.msk [tilespmem:v7+s10+$0x0], $0xffff  }
0xaa: {  	v12 =	vshll.u32 v12, $0x4;
	v2 =	vor.u32 v1, v2;
	v15 =	vand.u32 $0x10, v13  }
0xab: {  	v17 =	vadd.s32 $0x8, v4;
	v16 =	vor.u32 $0x1, v5;
	v15 =	vor.u32 v3, v15  }
0xac: {  	v19 =	vadd.s32 $0x9, v4;
	v18 =	vand.u32 $0x10, v17;
	v15 =	vshll.u32 v15, $0x4  }
0xad: {  	v21 =	vadd.s32 $0xA, v4;
	v20 =	vand.u32 $0x10, v19;
	v18 =	vor.u32 v3, v18  }
0xae: {  	v17 =	vand.u32 $0x8, v17;
	v20 =	vor.u32 v3, v20;
	v18 =	vshll.u32 v18, $0x4  }
0xaf: {  	[tilespmem:v2+s11+$0x0] =	vst.idx.msk $0xffff, v7;
	v7 =	vor.u32 v17, v18;
	v17 =	vshll.u32 v20, $0x4;
	v18 =	vand.u32 $0x10, v21  }
0xb0: {  	v4 =	vadd.s32 $0xB, v4;
	v16 =	vld.idx.msk [tilespmem:v16+s10+$0x0], $0xffff;
	v7 =	vor.u32 v8, v7;
	v8 =	vor.u32 v3, v18  }
0xb1: {  	v20 =	vand.u32 $0x10, v4;
	v18 =	vor.u32 $0x1, v2;
	v8 =	vshll.u32 v8, $0x4  }
0xb2: {  	v22 =	vor.u32 $0x2, v5;
	v3 =	vor.u32 v3, v20  }
0xb3: {  	v3 =	vshll.u32 v3, $0x4;
	_ =	sdelay $0x2  }
0xb4: {  	[tilespmem:v18+s11+$0x0] =	vst.idx.msk $0xffff, v16  }
0xb5: {  	v16 =	vld.idx.msk [tilespmem:v22+s10+$0x0], $0xffff  }
0xb6: {  	v18 =	vor.u32 $0x2, v2  }
0xb7: {  	v5 =	vor.u32 $0x3, v5;
	_ =	sdelay $0x3  }
0xb8: {  	[tilespmem:v18+s11+$0x0] =	vst.idx.msk $0xffff, v16  }
0xb9: {  	v5 =	vld.idx.msk [tilespmem:v5+s10+$0x0], $0xffff  }
0xba: {  	v6 =	vand.u32 $0xC, v6;
	v16 =	vor.u32 $0x3, v2  }
0xbb: {  	v6 =	vor.u32 v6, v14;
	_ =	sdelay $0x3  }
0xbc: {  	[tilespmem:v16+s11+$0x0] =	vst.idx.msk $0xffff, v5  }
0xbd: {  	v5 =	vld.idx.msk [tilespmem:v6+s10+$0x0], $0xffff  }
0xbe: {  	v9 =	vand.u32 $0xD, v9;
	v6 =	vor.u32 $0x4, v2  }
0xbf: {  	v9 =	vor.u32 v9, v10;
	_ =	sdelay $0x3  }
0xc0: {  	[tilespmem:v6+s11+$0x0] =	vst.idx.msk $0xffff, v5  }
0xc1: {  	v5 =	vld.idx.msk [tilespmem:v9+s10+$0x0], $0xffff  }
0xc2: {  	v6 =	vor.u32 $0x5, v2;
	v9 =	vand.u32 $0xE, v11  }
0xc3: {  	v9 =	vor.u32 v9, v12;
	_ =	sdelay $0x3  }
0xc4: {  	[tilespmem:v6+s11+$0x0] =	vst.idx.msk $0xffff, v5  }
0xc5: {  	v5 =	vld.idx.msk [tilespmem:v9+s10+$0x0], $0xffff  }
0xc6: {  	v6 =	vor.u32 $0x6, v2;
	v9 =	vand.u32 $0xF, v13  }
0xc7: {  	v9 =	vor.u32 v9, v15;
	_ =	sdelay $0x3  }
0xc8: {  	[tilespmem:v6+s11+$0x0] =	vst.idx.msk $0xffff, v5  }
0xc9: {  	v5 =	vld.idx.msk [tilespmem:v9+s10+$0x0], $0xffff  }
0xca: {  	v6 =	vor.u32 $0x7, v2;
	_ =	sdelay $0x4  }
0xcb: {  	[tilespmem:v6+s11+$0x0] =	vst.idx.msk $0xffff, v5  }
0xcc: {  	v5 =	vld.idx.msk [tilespmem:v7+s10+$0x0], $0xffff  }
0xcd: {  	v6 =	vor.u32 $0x8, v2;
	v7 =	vand.u32 $0xD, v19  }
0xce: {  	v7 =	vor.u32 v7, v17;
	_ =	sdelay $0x3  }
0xcf: {  	[tilespmem:v6+s11+$0x0] =	vst.idx.msk $0xffff, v5  }
0xd0: {  	v5 =	vld.idx.msk [tilespmem:v7+s10+$0x0], $0xffff  }
0xd1: {  	v6 =	vor.u32 $0x9, v2;
	v7 =	vand.u32 $0xE, v21  }
0xd2: {  	v7 =	vor.u32 v7, v8;
	_ =	sdelay $0x3  }
0xd3: {  	[tilespmem:v6+s11+$0x0] =	vst.idx.msk $0xffff, v5  }
0xd4: {  	v5 =	vld.idx.msk [tilespmem:v7+s10+$0x0], $0xffff  }
0xd5: {  	v4 =	vand.u32 $0xF, v4;
	v6 =	vor.u32 $0xA, v2  }
0xd6: {  	v3 =	vor.u32 v4, v3;
	_ =	sdelay $0x1  }
.Ltmp1:
0xd7: {  	(pc) =	sbr.rel @p0 .LBB2_4-.Ltmp1, $4  }
0xd8: {  	_ = 	snop  }
0xd9: {  	[tilespmem:v6+s11+$0x0] =	vst.idx.msk $0xffff, v5  }
0xda: {  	v3 =	vld.idx.msk [tilespmem:v3+s10+$0x0], $0xffff  }
0xdb: {  	v2 =	vor.u32 $0xB, v2  }
0xdc: {  	_ =	sdelay $0x1  }
0xdd: {  	s12 =	sadd.s32 $0x1, s12  }
0xde: {  	p0 =	sne.s32 s12, s6  }
.Ltmp2:
0xdf: {  	[tilespmem:v2+s11+$0x0] =	vst.idx.msk $0xffff, v3;
	(pc) =	sbr.rel @p0 .LBB2_1-.Ltmp2, $4  }
0xe0: {  	[hbm4b:s5+s2] =	stream.linear.scatter [tilespmem:s11], [sflag:$0x2], $0x2C00, $0x38;
	[tilespmem:$0x8C40] =	vst v63  }
0xe1: {  	_ =	swait.ge [sflag:s7], $0x2C00  }
0xe2: {  	[sflag:s7] =	ssyncset.done $0x0  }
0xe3: {  	[sflag:s7] =	ssyncadd.s32 $0xFFFFD400  }
0xe4: {  	_ =	sfence.sel $0x180000  }
0xe5: {  	[bflag:$0x0] =	sbarrier.arrive $0xFFFF  }
0xe6: {  	p0 =	sne.s32 s0, $0x0;
	_ =	strace $0x90000050  }
0xe7: {  	s0 =	sadd.s32 @!p0 $0x100000, s1;
	[bflag:$0x2] =	sbarrier.arrive $0xFFFF  }
0xe8: {  	[sflag:s0] =	ssyncadd.tile.s32 @!p0 $0x1;
	_ =	shalt  }
.Lfunc_end2:
_tile_overlayer_lowered:
.L_overlay_start_2:
0xe9: {  	(tag) =	ssettag $0x2  }
0xea: {  	s0 =	rddreg [dreg:$0x0];
	s2 =	stileid.u32  }
0xeb: {  	s1 =	rddreg [dreg:$0x1];
	p0 =	sne.s32 s2, $0x0  }
0xec: {  	s3 =	rddreg [dreg:$0x2];
	[bflag:$0x3] =	sbarrier.arrive $0xFFFF;
	s2 =	simm.s32 @!p0 $0x1C02  }
0xed: {  	[timem:s3], [sflag:s2] =	dma.local @!p0 [hbm:s0], s1  }
0xee: {  	s0 =	simm.s32 @!p0 $0x2  }
0xef: {  	_ =	swait.ge @!p0 [sflag:s0], s1  }
0xf0: {  	s1 =	ssub.s32 @!p0 $0x0, s1;
	[sflag:s0] =	ssyncset.done @!p0 $0x0  }
0xf1: {  	[sflag:s0] =	ssyncadd.s32 @!p0 s1  }
0xf2: {  	[bflag:$0x3] =	sbarrier.arrive $0xFFFF  }
0xf3: {  	_ =	shalt  }

// kernel: kernel.21.cloned.1.call-start
scs
__scs_entry_jumppad:
0x0: {  	(pc) =	sbr.rel $0x88, $3  }
0x1: {  	(tag) =	ssettag $0x0;
	lr =	simm.s32 $0x1  }
0x2: {  	[smem:$0x3F93] =	sst lr;
	_ =	strace $0xD0000000  }
0x3: {  	_ = 	snop  }
0x4: {  	_ = 	snop  }
0x5: {  	_ = 	snop  }
0x6: {  	_ = 	snop  }
0x7: {  	_ = 	snop  }
__scs_overlays_trampoline_lowered:
0x8: {  	[smem:$0x3FA2] =	sst s0  }
0x9: {  	[smem:$0x3FA3] =	sst s1  }
0xa: {  	[smem:$0x3FA4] =	sst s2  }
0xb: {  	[smem:$0x3FA5] =	sst s3  }
0xc: {  	[smem:$0x3FA6] =	sst s4  }
0xd: {  	[smem:$0x3FA7] =	sst s5  }
0xe: {  	[smem:$0x3FA8] =	sst s6  }
0xf: {  	[smem:$0x3FA9] =	sst s7  }
0x10: {  	[smem:$0x3FAA] =	sst s8  }
0x11: {  	[smem:$0x3FAB] =	sst s9;
	s0 =	simm.s32 @!p0 $0x0  }
0x12: {  	s1 =	sld [smem:$0x3F91];
	s0 =	simm.s32 @p0 $0x1  }
0x13: {  	[smem:$0x3FAC] =	sst s0;
	s0 =	simm.s32 @!p1 $0x0  }
0x14: {  	s2 =	sld [smem:$0x3F90];
	s0 =	simm.s32 @p1 $0x1  }
0x15: {  	[smem:$0x3FAD] =	sst s0;
	s0 =	simm.s32 @!p2 $0x0  }
0x16: {  	s3 =	sld [smem:$0x3FDB];
	s0 =	simm.s32 @p2 $0x1  }
0x17: {  	s4 =	simm.s32 $0x1BF5;
	[smem:$0x3FAF] =	sst s0  }
0x18: {  	s0 =	sld [smem:$0x3F92];
	_ =	swait.ge [sflag:s4], $0x0  }
0x19: {  	s7 =	sld [smem:$0x3F93]  }
0x1a: {  	s8 =	sadd.s32 $0xFFFFE003, lr  }
0x1b: {  	s9 =	sadd.s32 $0xFFFFFEF7, lr;
	s5 =	simm.s32 $0xFFFFFFFF;
	p2 =	slt.u32 s8, $0xFFFFF086  }
0x1c: {  	p1 =	slt.u32 s9, $0xF7A;
	s5 =	simm.s32 @!p2 $0x0  }
0x1d: {  	s5 =	simm.s32 @p1 $0x1;
	p0 =	seq.s32 s7, s2  }
0x1e: {  	s7 =	smul.u32 @!p0 $0xF7A, s2;
	p2 =	seq.s32 @!p0 s5, $0x0  }
0x1f: {  	s9 =	smul.u32 $0xF7A, s1;
	s8 =	simm.s32 @!p0 $0x1BF5;
	p2 =	por !p2, p0  }
0x20: {  	[sflag:s8] =	ssyncset.s32 @!p0 $0xFFFFF086;
	s6 =	sadd.s32 @!p0 s3, s7;
	s7 =	simm.s32 @!p0 $0x108  }
0x21: {  	s3 =	sadd.s32 s3, s9;
	s6 =	sadd.s32 @!p0 $0x88, s6;
	s7 =	simm.s32 @p2 $0x1082  }
0x22: {  	[simem:s7], [sflag:s8] =	dma.local @!p0 [hbm:s6], $0xF7A  }
0x23: {  	s9 =	sor.u32 $0xD0000000, s2;
	s6 =	simm.s32 $0x108;
	_ =	swait.ge @!p0 [sflag:s8], $0x0  }
0x24: {  	s3 =	sadd.s32 $0x88, s3;
	s6 =	simm.s32 @!p1 $0x1082;
	[sflag:s4] =	ssyncset.s32 $0xFFFFF086  }
0x25: {  	[simem:s6], [sflag:s4] =	dma.local [hbm:s3], $0xF7A  }
0x26: {  	[smem:$0x3F93] =	sst s1;
	(tag) =	ssettag s2;
	_ =	strace s9  }
0x27: {  	s1 =	sld [smem:$0x3FA3]  }
0x28: {  	s2 =	sld [smem:$0x3FA4]  }
0x29: {  	s4 =	sld [smem:$0x3FA6]  }
0x2a: {  	p0 =	seq.s32 s5, $0x0;
	s5 =	sld [smem:$0x3FA7]  }
0x2b: {  	s6 =	sld [smem:$0x3FA8]  }
0x2c: {  	s7 =	sld [smem:$0x3FA9]  }
0x2d: {  	s3 =	simm.s32 $0x108;
	s8 =	sld [smem:$0x3FAA]  }
0x2e: {  	s3 =	simm.s32 @!p0 $0x1082;
	s9 =	sld [smem:$0x3FAB]  }
0x2f: {  	lr =	sadd.s32 s0, s3;
	s0 =	sld [smem:$0x3FA2]  }
0x30: {  	s3 =	sld [smem:$0x3FA5]  }
0x31: {  	[smem:$0x3FAE] =	sst s10  }
0x32: {  	s10 =	sld [smem:$0x3FAC];
	_ =	sdelay $0x3  }
0x33: {  	p0 =	seq.s32 s10, $0x1;
	s10 =	sld [smem:$0x3FAE];
	_ =	sdelay $0x3  }
0x34: {  	[smem:$0x3FAE] =	sst s10  }
0x35: {  	s10 =	sld [smem:$0x3FAD];
	_ =	sdelay $0x3  }
0x36: {  	p1 =	seq.s32 s10, $0x1;
	s10 =	sld [smem:$0x3FAE];
	_ =	sdelay $0x3  }
0x37: {  	[smem:$0x3FAE] =	sst s10  }
0x38: {  	s10 =	sld [smem:$0x3FAF]  }
0x39: {  	_ = 	snop;
	(pc) =	sbr.ind lr, $3  }
0x3a: {  	_ = 	snop  }
0x3b: {  	_ = 	snop  }
0x3c: {  	p2 =	seq.s32 s10, $0x1;
	s10 =	sld [smem:$0x3FAE]  }
0x3d: {  	_ =	shalt  }
0x3e: {  	_ =	shalt  }
0x3f: {  	_ =	shalt  }
0x40: {  	_ =	shalt  }
0x41: {  	_ =	shalt  }
0x42: {  	_ =	shalt  }
0x43: {  	_ =	shalt  }
0x44: {  	_ =	shalt  }
0x45: {  	_ =	shalt  }
0x46: {  	_ =	shalt  }
0x47: {  	_ =	shalt  }
0x48: {  	_ =	shalt  }
0x49: {  	_ =	shalt  }
0x4a: {  	_ =	shalt  }
0x4b: {  	_ =	shalt  }
0x4c: {  	_ =	shalt  }
0x4d: {  	_ =	shalt  }
0x4e: {  	_ =	shalt  }
0x4f: {  	_ =	shalt  }
0x50: {  	_ =	shalt  }
0x51: {  	_ =	shalt  }
0x52: {  	_ =	shalt  }
0x53: {  	_ =	shalt  }
0x54: {  	_ =	shalt  }
0x55: {  	_ =	shalt  }
0x56: {  	_ =	shalt  }
0x57: {  	_ =	shalt  }
0x58: {  	_ =	shalt  }
0x59: {  	_ =	shalt  }
0x5a: {  	_ =	shalt  }
0x5b: {  	_ =	shalt  }
0x5c: {  	_ =	shalt  }
0x5d: {  	_ =	shalt  }
0x5e: {  	_ =	shalt  }
0x5f: {  	_ =	shalt  }
0x60: {  	_ =	shalt  }
0x61: {  	_ =	shalt  }
0x62: {  	_ =	shalt  }
0x63: {  	_ =	shalt  }
0x64: {  	_ =	shalt  }
0x65: {  	_ =	shalt  }
0x66: {  	_ =	shalt  }
0x67: {  	_ =	shalt  }
0x68: {  	_ =	shalt  }
0x69: {  	_ =	shalt  }
0x6a: {  	_ =	shalt  }
0x6b: {  	_ =	shalt  }
0x6c: {  	_ =	shalt  }
0x6d: {  	_ =	shalt  }
0x6e: {  	_ =	shalt  }
0x6f: {  	_ =	shalt  }
0x70: {  	_ =	shalt  }
0x71: {  	_ =	shalt  }
0x72: {  	_ =	shalt  }
0x73: {  	_ =	shalt  }
0x74: {  	_ =	shalt  }
0x75: {  	_ =	shalt  }
0x76: {  	_ =	shalt  }
0x77: {  	_ =	shalt  }
0x78: {  	_ =	shalt  }
0x79: {  	_ =	shalt  }
0x7a: {  	_ =	shalt  }
0x7b: {  	_ =	shalt  }
0x7c: {  	_ =	shalt  }
0x7d: {  	_ =	shalt  }
0x7e: {  	_ =	shalt  }
0x7f: {  	_ =	shalt  }
0x80: {  	_ =	shalt  }
0x81: {  	_ =	shalt  }
0x82: {  	_ =	shalt  }
0x83: {  	_ =	shalt  }
0x84: {  	_ =	shalt  }
0x85: {  	_ =	shalt  }
0x86: {  	_ =	shalt  }
0x87: {  	_ =	shalt  }
.Lfunc_end0:
.L_simem_size_0:
called_computation.3_lowered:
.L_overlay_start_0:
0x88: {  	s2 =	sld [smem:$0x3FD9]  }
0x89: {  	s3 =	sld [smem:$0x3FFE];
	_ =	sdelay $0x1  }
0x8a: {  	s1 =	srdreg.scid  }
0x8b: {  	s0 =	sand.u32 $0x1, s1  }
0x8c: {  	s17 =	sshll.u32 s0, $0xA;
	s2 =	sadd.s32 s3, s2  }
0x8d: {  	s2 =	sadd.s32 s2, s17  }
0x8e: {  	[smem:$0x3FBA] =	sst s2  }
0x8f: {  	_ = 	snop  }
0x90: {  	s18 =	sld [smem:$0x3FC3];
	(tm) =	ssettm $0x1  }
0x91: {  	s19 =	sld [smem:$0x3FFB];
	_ =	sdelay $0x3  }
0x92: {  	_ =	strace s19  }
0x93: {  	s2 =	sld [smem:$0x3FFC];
	_ =	sdelay $0x3  }
0x94: {  	_ =	strace s2  }
0x95: {  	s2 =	sld [smem:$0x3FFD];
	_ =	sdelay $0x3  }
0x96: {  	_ =	strace s2  }
0x97: {  	_ =	strace $0x8FFFFFFF  }
0x98: {  	s20 =	sld [smem:$0x3FDB];
	_ =	sdelay $0x1  }
0x99: {  	s4 =	simm.s32 $_scs_section_size  }
0x9a: {  	s5 =	simm.s32 $_size__tile_overlayer_lowered;
	s6 =	simm.s32 $_tile_overlayer_lowered  }
0x9b: {  	s7 =	simm.s32 $0x1BFF;
	s21 =	sshll.u32 s6, $0x1;
	s4 =	sadd.s32 s4, s20  }
0x9c: {  	s22 =	simm.s32 $0x0;
	s5 =	sshll.u32 s5, $0x1;
	s6 =	sadd.s32 s21, s4  }
0x9d: {  	[timem:s22], [sflag:s7] =	dma.local [hbm:s6], s5  }
0x9e: {  	_ =	swait.ge [sflag:s7], s5  }
0x9f: {  	s5 =	ssub.s32 $0x0, s5;
	[sflag:s7] =	ssyncset.done $0x0  }
0xa0: {  	[sflag:s7] =	ssyncadd.s32 s5;
	_ =	sdelay $0x1  }
0xa1: {  	s23 =	simm.s32 $0x1B8B  }
0xa2: {  	_ =	swait.ge [sflag:s23], $0x1  }
0xa3: {  	[sflag:s23] =	ssyncset.done $0x0  }
0xa4: {  	[sflag:s23] =	ssyncadd.s32 $0xFFFFFFFF  }
0xa5: {  	s5 =	sld [smem:$0x0]  }
0xa6: {  	s6 =	sand.u32 $0xFFFFFFFE, s1  }
0xa7: {  	p0 =	sne.s32 s1, s6  }
0xa8: {  	s6 =	sshll.u32 @p0 s6, $0xE  }
0xa9: {  	s6 =	sadd.s32 @p0 $0x11B8D, s6;
	s7 =	sshll.u32 @p0 s5, $0x11  }
0xaa: {  	s6 =	sor.u32 @p0 s7, s6  }
0xab: {  	[sflag:s6] =	ssyncadd.remote.s32 @p0 $0x1;
	_ =	sdelay $0x1  }
0xac: {  	s6 =	simm.s32 @p0 $0x1B8D  }
0xad: {  	_ =	swait.eq @p0 [sflag:s6], $0x1  }
0xae: {  	[sflag:s6] =	ssyncadd.s32 @p0 $0xFFFFFFFF  }
0xaf: {  	s7 =	sshll.u32 @!p0 s1, $0xE  }
0xb0: {  	s7 =	sor.u32 @!p0 $0x4000, s7;
	s6 =	simm.s32 @!p0 $0x1B8D  }
0xb1: {  	s5 =	sshll.u32 @!p0 s5, $0x11;
	s7 =	sadd.s32 @!p0 $0x11B8D, s7;
	_ =	swait.eq @!p0 [sflag:s6], $0x1  }
0xb2: {  	s5 =	sor.u32 @!p0 s5, s7;
	[sflag:s6] =	ssyncadd.s32 @!p0 $0xFFFFFFFF  }
0xb3: {  	s25 =	simm.s32 $0x1B8E;
	s24 =	sld [smem:$0x3FFE];
	[sflag:s5] =	ssyncadd.remote.s32 @!p0 $0x1  }
0xb4: {  	s26 =	simm.s32 $execute0_lowered;
	[smem:$0x3FD2] =	sst s25  }
0xb5: {  	s6 =	sshll.u32 s26, $0x1;
	_ =	strace $0x8000004C;
	[dreg:$0x1] =	wrdreg $0xFFFFFFFF  }
0xb6: {  	s28 =	simm.s32 $_size_execute0_lowered;
	s4 =	sadd.s32 s4, s6;
	[dreg:$0x0] =	wrdreg $0x0  }
0xb7: {  	s6 =	sshll.u32 s28, $0x1;
	[dreg:$0x2] =	wrdreg s4  }
0xb8: {  	[dreg:$0x3] =	wrdreg s6  }
0xb9: {  	[dreg:$0x4] =	wrdreg $0xC0  }
0xba: {  	_ =	task [dreg:s22], $0x5FFFF  }
0xbb: {  	[dreg:$0x1] =	wrdreg $0xFFFFFFFF  }
0xbc: {  	[dreg:$0x0] =	wrdreg $0x60  }
0xbd: {  	[dreg:$0x2] =	wrdreg s18  }
0xbe: {  	[dreg:$0x3] =	wrdreg s24  }
0xbf: {  	[dreg:$0x4] =	wrdreg $0xA  }
0xc0: {  	_ =	task.clear_ibuf [dreg:s22], $0x5FFFF;
	_ =	strace $0x9000004C  }
0xc1: {  	s29 =	simm.s32 $0xA;
	_ =	strace $0x8000004E  }
0xc2: {  	_ =	swait.ge [sflag:s29], $0x1  }
0xc3: {  	[sflag:s29] =	ssyncadd.s32 $0xFFFFFFFF  }
0xc4: {  	_ =	strace $0x9000004E  }
0xc5: {  	_ =	sfence  }
0xc6: {  	s30 =	sld [smem:$0x0];
	_ =	sdelay $0x2  }
0xc7: {  	s31 =	sshll.u32 s1, $0xD;
	s1 =	sshrl.u32 s1, $0x2  }
0xc8: {  	s4 =	sand.u32 $0x4000, s31;
	s1 =	sadd.s32 s1, s30  }
0xc9: {  	s0 =	sor.u32 s4, s0;
	s1 =	sshll.u32 s1, $0x11  }
0xca: {  	s0 =	sor.u32 s1, s0  }
0xcb: {  	s0 =	sadd.s32 $0x8F2B, s0  }
0xcc: {  	[sflag:s0] =	ssyncadd.remote.s32 $0x1  }
0xcd: {  	_ =	sfence.sel $0xFFFF  }
0xce: {  	[dreg:$0x0] =	wrdreg $0xFFFFFFFF;
	(pc) =	sbr.abs _section_cstart, $3  }
0xcf: {  	[dreg:$0x1] =	wrdreg $0xFFFFFFFF  }
0xd0: {  	_ =	task.clear_ibuf [dreg:s22], $0x2FFFF;
	_ =	strace $0x9FFFFFFF  }
0xd1: {  	(tm) =	ssettm $0x7FFFFFFF  }
tec
execute0_lowered:
.L_overlay_start_1:
0x0: {  	(tag) =	ssettag $0x1  }
0x1: {  	s1 =	srdreg.scid  }
0x2: {  	s0 =	stileid.u32;
	s6 =	sand.u32 $0x1, s1  }
0x3: {  	s2 =	rddreg [dreg:$0x0];
	s30 =	sshll.u32 s0, $0x8;
	s3 =	sshll.u32 s6, $0x7  }
0x4: {  	s8 =	rddreg [dreg:$0x1];
	s5 =	simm.s32 $0x3;
	s7 =	sor.u32 s3, s30  }
0x5: {  	s1 =	rddreg [dreg:$0x2];
	s3 =	simm.s32 $0x0;
	s4 =	sshrl.u32 s7, $0x3  }
0x6: {  	s10 =	ssub.s32 $0x2, s6;
	[smem:$0x7FF] =	sst s3;
	s4 =	sadd.s32 s4, s8  }
0x7: {  	s6 =	simm.s32 $0x80;
	_ =	strace $0x8000004D;
	s4 =	sadd.s32 $0xFE00, s4  }
0x8: {  	[tilespmem:s3], [sflag:$0x3] =	stream.linear.gather [hbm4b:s4+s3], $0x80, $0x38;
	[tilespmem:$0x4080] =	vst v63  }
0x9: {  	s31 =	sshrl.u32 s10, $0x1;
	s9 =	sshll.u32 s7, $0x4;
	_ =	swait.ge [sflag:s5], $0x80  }
0xa: {  	s8 =	sadd.s32 s9, s8;
	s9 =	ssub.s32 s10, s31;
	[sflag:s5] =	ssyncset.done $0x0  }
0xb: {  	s7 =	simm.s32 $0x1;
	s10 =	smax.u32 s9, $0x1;
	[sflag:s5] =	ssyncadd.s32 $0xFFFFFF80  }
0xc: {  	[tilespmem:s6], [sflag:$0x1] =	stream.indirect.gather [hbm4b:s2+s6], $0x80, s3, s6, $0xb8;
	[tilespmem:$0x4080] =	vst v63  }
0xd: {  	p0 =	sne.s32 s10, $0x1;
	_ =	swait.ge [sflag:s7], $0x4000  }
.Ltmp0:
0xe: {  	[sflag:s7] =	ssyncset.done $0x0;
	(pc) =	sbr.rel @!p0 .LBB2_2-.Ltmp0, $4  }
0xf: {  	s8 =	sadd.s32 $0x10000, s8;
	s9 =	simm.s32 $0x2;
	[sflag:s7] =	ssyncadd.s32 $0xFFFFC000  }
0x10: {  	[hbm4b:s8+s3] =	stream.linear.scatter [tilespmem:s6], [sflag:$0x2], $0x4000, $0x38;
	[tilespmem:$0x4080] =	vst v63  }
0x11: {  	_ =	swait.ge [sflag:s9], $0x4000  }
0x12: {  	s10 =	sadd.s32 $0xFFFFFFFF, s10;
	[sflag:s9] =	ssyncset.done $0x0  }
.LBB2_1:
0x13: {  	p0 =	sne.s32 s10, $0x1;
	s10 =	sadd.s32 $0xFFFFFFFF, s10;
	[sflag:s9] =	ssyncadd.s32 $0xFFFFC000  }
0x14: {  	[tilespmem:s3], [sflag:$0x3] =	stream.linear.gather [hbm4b:s4+s3], $0x80, $0x38;
	[tilespmem:$0x4080] =	vst v63  }
0x15: {  	_ =	swait.ge [sflag:s5], $0x80  }
0x16: {  	[sflag:s5] =	ssyncset.done $0x0  }
0x17: {  	[sflag:s5] =	ssyncadd.s32 $0xFFFFFF80  }
0x18: {  	[tilespmem:s6], [sflag:$0x1] =	stream.indirect.gather [hbm4b:s2+s6], $0x80, s3, s6, $0xb8;
	[tilespmem:$0x4080] =	vst v63  }
0x19: {  	_ =	swait.ge [sflag:s7], $0x4000  }
.Ltmp1:
0x1a: {  	[sflag:s7] =	ssyncset.done $0x0;
	(pc) =	sbr.rel @p0 .LBB2_1-.Ltmp1, $4  }
0x1b: {  	[sflag:s7] =	ssyncadd.s32 $0xFFFFC000  }
0x1c: {  	[hbm4b:s8+s3] =	stream.linear.scatter [tilespmem:s6], [sflag:$0x2], $0x4000, $0x38;
	[tilespmem:$0x4080] =	vst v63  }
0x1d: {  	_ =	swait.ge [sflag:s9], $0x4000  }
0x1e: {  	[sflag:s9] =	ssyncset.done $0x0  }
.LBB2_2:
0x1f: {  	[sflag:s9] =	ssyncadd.s32 $0xFFFFC000  }
0x20: {  	_ =	sfence.sel $0x180000  }
0x21: {  	[bflag:$0x0] =	sbarrier.arrive $0xFFFF  }
0x22: {  	p0 =	sne.s32 s0, $0x0;
	_ =	strace $0x9000004D  }
0x23: {  	s0 =	sadd.s32 @!p0 $0x100000, s1;
	[bflag:$0x2] =	sbarrier.arrive $0xFFFF  }
0x24: {  	[sflag:s0] =	ssyncadd.tile.s32 @!p0 $0x1;
	_ =	shalt  }
.Lfunc_end2:
_tile_overlayer_lowered:
.L_overlay_start_2:
0x25: {  	(tag) =	ssettag $0x2  }
0x26: {  	s0 =	rddreg [dreg:$0x0];
	s2 =	stileid.u32  }
0x27: {  	s1 =	rddreg [dreg:$0x1];
	p0 =	sne.s32 s2, $0x0  }
0x28: {  	s3 =	rddreg [dreg:$0x2];
	[bflag:$0x3] =	sbarrier.arrive $0xFFFF;
	s2 =	simm.s32 @!p0 $0x1C03  }
0x29: {  	[timem:s3], [sflag:s2] =	dma.local @!p0 [hbm:s0], s1  }
0x2a: {  	s0 =	simm.s32 @!p0 $0x3  }
0x2b: {  	_ =	swait.ge @!p0 [sflag:s0], s1  }
0x2c: {  	s1 =	ssub.s32 @!p0 $0x0, s1;
	[sflag:s0] =	ssyncset.done @!p0 $0x0  }
0x2d: {  	[sflag:s0] =	ssyncadd.s32 @!p0 s1  }
0x2e: {  	[bflag:$0x3] =	sbarrier.arrive $0xFFFF  }
0x2f: {  	_ =	shalt  }

// kernel: kernel.24.cloned.1.call-start
scs
__scs_entry_jumppad:
0x0: {  	(pc) =	sbr.rel $0x88, $3  }
0x1: {  	(tag) =	ssettag $0x0;
	lr =	simm.s32 $0x1  }
0x2: {  	[smem:$0x3F93] =	sst lr;
	_ =	strace $0xD0000000  }
0x3: {  	_ = 	snop  }
0x4: {  	_ = 	snop  }
0x5: {  	_ = 	snop  }
0x6: {  	_ = 	snop  }
0x7: {  	_ = 	snop  }
__scs_overlays_trampoline_lowered:
0x8: {  	[smem:$0x3FA2] =	sst s0  }
0x9: {  	[smem:$0x3FA3] =	sst s1  }
0xa: {  	[smem:$0x3FA4] =	sst s2  }
0xb: {  	[smem:$0x3FA5] =	sst s3  }
0xc: {  	[smem:$0x3FA6] =	sst s4  }
0xd: {  	[smem:$0x3FA7] =	sst s5  }
0xe: {  	[smem:$0x3FA8] =	sst s6  }
0xf: {  	[smem:$0x3FA9] =	sst s7  }
0x10: {  	[smem:$0x3FAA] =	sst s8  }
0x11: {  	[smem:$0x3FAB] =	sst s9;
	s0 =	simm.s32 @!p0 $0x0  }
0x12: {  	s1 =	sld [smem:$0x3F91];
	s0 =	simm.s32 @p0 $0x1  }
0x13: {  	[smem:$0x3FAC] =	sst s0;
	s0 =	simm.s32 @!p1 $0x0  }
0x14: {  	s2 =	sld [smem:$0x3F90];
	s0 =	simm.s32 @p1 $0x1  }
0x15: {  	[smem:$0x3FAD] =	sst s0;
	s0 =	simm.s32 @!p2 $0x0  }
0x16: {  	s3 =	sld [smem:$0x3FDB];
	s0 =	simm.s32 @p2 $0x1  }
0x17: {  	s4 =	simm.s32 $0x1BF5;
	[smem:$0x3FAF] =	sst s0  }
0x18: {  	s0 =	sld [smem:$0x3F92];
	_ =	swait.ge [sflag:s4], $0x0  }
0x19: {  	s7 =	sld [smem:$0x3F93]  }
0x1a: {  	s8 =	sadd.s32 $0xFFFFE003, lr  }
0x1b: {  	s9 =	sadd.s32 $0xFFFFFEF7, lr;
	s5 =	simm.s32 $0xFFFFFFFF;
	p2 =	slt.u32 s8, $0xFFFFF086  }
0x1c: {  	p1 =	slt.u32 s9, $0xF7A;
	s5 =	simm.s32 @!p2 $0x0  }
0x1d: {  	s5 =	simm.s32 @p1 $0x1;
	p0 =	seq.s32 s7, s2  }
0x1e: {  	s7 =	smul.u32 @!p0 $0xF7A, s2;
	p2 =	seq.s32 @!p0 s5, $0x0  }
0x1f: {  	s9 =	smul.u32 $0xF7A, s1;
	s8 =	simm.s32 @!p0 $0x1BF5;
	p2 =	por !p2, p0  }
0x20: {  	[sflag:s8] =	ssyncset.s32 @!p0 $0xFFFFF086;
	s6 =	sadd.s32 @!p0 s3, s7;
	s7 =	simm.s32 @!p0 $0x108  }
0x21: {  	s3 =	sadd.s32 s3, s9;
	s6 =	sadd.s32 @!p0 $0x88, s6;
	s7 =	simm.s32 @p2 $0x1082  }
0x22: {  	[simem:s7], [sflag:s8] =	dma.local @!p0 [hbm:s6], $0xF7A  }
0x23: {  	s9 =	sor.u32 $0xD0000000, s2;
	s6 =	simm.s32 $0x108;
	_ =	swait.ge @!p0 [sflag:s8], $0x0  }
0x24: {  	s3 =	sadd.s32 $0x88, s3;
	s6 =	simm.s32 @!p1 $0x1082;
	[sflag:s4] =	ssyncset.s32 $0xFFFFF086  }
0x25: {  	[simem:s6], [sflag:s4] =	dma.local [hbm:s3], $0xF7A  }
0x26: {  	[smem:$0x3F93] =	sst s1;
	(tag) =	ssettag s2;
	_ =	strace s9  }
0x27: {  	s1 =	sld [smem:$0x3FA3]  }
0x28: {  	s2 =	sld [smem:$0x3FA4]  }
0x29: {  	s4 =	sld [smem:$0x3FA6]  }
0x2a: {  	p0 =	seq.s32 s5, $0x0;
	s5 =	sld [smem:$0x3FA7]  }
0x2b: {  	s6 =	sld [smem:$0x3FA8]  }
0x2c: {  	s7 =	sld [smem:$0x3FA9]  }
0x2d: {  	s3 =	simm.s32 $0x108;
	s8 =	sld [smem:$0x3FAA]  }
0x2e: {  	s3 =	simm.s32 @!p0 $0x1082;
	s9 =	sld [smem:$0x3FAB]  }
0x2f: {  	lr =	sadd.s32 s0, s3;
	s0 =	sld [smem:$0x3FA2]  }
0x30: {  	s3 =	sld [smem:$0x3FA5]  }
0x31: {  	[smem:$0x3FAE] =	sst s10  }
0x32: {  	s10 =	sld [smem:$0x3FAC];
	_ =	sdelay $0x3  }
0x33: {  	p0 =	seq.s32 s10, $0x1;
	s10 =	sld [smem:$0x3FAE];
	_ =	sdelay $0x3  }
0x34: {  	[smem:$0x3FAE] =	sst s10  }
0x35: {  	s10 =	sld [smem:$0x3FAD];
	_ =	sdelay $0x3  }
0x36: {  	p1 =	seq.s32 s10, $0x1;
	s10 =	sld [smem:$0x3FAE];
	_ =	sdelay $0x3  }
0x37: {  	[smem:$0x3FAE] =	sst s10  }
0x38: {  	s10 =	sld [smem:$0x3FAF]  }
0x39: {  	_ = 	snop;
	(pc) =	sbr.ind lr, $3  }
0x3a: {  	_ = 	snop  }
0x3b: {  	_ = 	snop  }
0x3c: {  	p2 =	seq.s32 s10, $0x1;
	s10 =	sld [smem:$0x3FAE]  }
0x3d: {  	_ =	shalt  }
0x3e: {  	_ =	shalt  }
0x3f: {  	_ =	shalt  }
0x40: {  	_ =	shalt  }
0x41: {  	_ =	shalt  }
0x42: {  	_ =	shalt  }
0x43: {  	_ =	shalt  }
0x44: {  	_ =	shalt  }
0x45: {  	_ =	shalt  }
0x46: {  	_ =	shalt  }
0x47: {  	_ =	shalt  }
0x48: {  	_ =	shalt  }
0x49: {  	_ =	shalt  }
0x4a: {  	_ =	shalt  }
0x4b: {  	_ =	shalt  }
0x4c: {  	_ =	shalt  }
0x4d: {  	_ =	shalt  }
0x4e: {  	_ =	shalt  }
0x4f: {  	_ =	shalt  }
0x50: {  	_ =	shalt  }
0x51: {  	_ =	shalt  }
0x52: {  	_ =	shalt  }
0x53: {  	_ =	shalt  }
0x54: {  	_ =	shalt  }
0x55: {  	_ =	shalt  }
0x56: {  	_ =	shalt  }
0x57: {  	_ =	shalt  }
0x58: {  	_ =	shalt  }
0x59: {  	_ =	shalt  }
0x5a: {  	_ =	shalt  }
0x5b: {  	_ =	shalt  }
0x5c: {  	_ =	shalt  }
0x5d: {  	_ =	shalt  }
0x5e: {  	_ =	shalt  }
0x5f: {  	_ =	shalt  }
0x60: {  	_ =	shalt  }
0x61: {  	_ =	shalt  }
0x62: {  	_ =	shalt  }
0x63: {  	_ =	shalt  }
0x64: {  	_ =	shalt  }
0x65: {  	_ =	shalt  }
0x66: {  	_ =	shalt  }
0x67: {  	_ =	shalt  }
0x68: {  	_ =	shalt  }
0x69: {  	_ =	shalt  }
0x6a: {  	_ =	shalt  }
0x6b: {  	_ =	shalt  }
0x6c: {  	_ =	shalt  }
0x6d: {  	_ =	shalt  }
0x6e: {  	_ =	shalt  }
0x6f: {  	_ =	shalt  }
0x70: {  	_ =	shalt  }
0x71: {  	_ =	shalt  }
0x72: {  	_ =	shalt  }
0x73: {  	_ =	shalt  }
0x74: {  	_ =	shalt  }
0x75: {  	_ =	shalt  }
0x76: {  	_ =	shalt  }
0x77: {  	_ =	shalt  }
0x78: {  	_ =	shalt  }
0x79: {  	_ =	shalt  }
0x7a: {  	_ =	shalt  }
0x7b: {  	_ =	shalt  }
0x7c: {  	_ =	shalt  }
0x7d: {  	_ =	shalt  }
0x7e: {  	_ =	shalt  }
0x7f: {  	_ =	shalt  }
0x80: {  	_ =	shalt  }
0x81: {  	_ =	shalt  }
0x82: {  	_ =	shalt  }
0x83: {  	_ =	shalt  }
0x84: {  	_ =	shalt  }
0x85: {  	_ =	shalt  }
0x86: {  	_ =	shalt  }
0x87: {  	_ =	shalt  }
.Lfunc_end0:
.L_simem_size_0:
called_computation.4_lowered:
.L_overlay_start_0:
0x88: {  	s2 =	sld [smem:$0x3FD9]  }
0x89: {  	s3 =	sld [smem:$0x3FFE];
	_ =	sdelay $0x1  }
0x8a: {  	s1 =	srdreg.scid  }
0x8b: {  	s0 =	sand.u32 $0x1, s1  }
0x8c: {  	s17 =	sshll.u32 s0, $0xA;
	s2 =	sadd.s32 s3, s2  }
0x8d: {  	s2 =	sadd.s32 s2, s17  }
0x8e: {  	[smem:$0x3FBA] =	sst s2  }
0x8f: {  	_ = 	snop  }
0x90: {  	s18 =	sld [smem:$0x3FC3]  }
0x91: {  	s4 =	sld [smem:$0x3FD0];
	(tm) =	ssettm $0x1  }
0x92: {  	s19 =	sld [smem:$0x3FFB];
	_ =	sdelay $0x3  }
0x93: {  	_ =	strace s19  }
0x94: {  	s2 =	sld [smem:$0x3FFC];
	_ =	sdelay $0x3  }
0x95: {  	_ =	strace s2  }
0x96: {  	s2 =	sld [smem:$0x3FFD];
	_ =	sdelay $0x3  }
0x97: {  	_ =	strace s2  }
0x98: {  	_ =	strace $0x8FFFFFFF  }
0x99: {  	s20 =	sld [smem:$0x3FDB];
	_ =	sdelay $0x1  }
0x9a: {  	s5 =	simm.s32 $_scs_section_size  }
0x9b: {  	s6 =	simm.s32 $_size__tile_overlayer_lowered;
	s7 =	simm.s32 $_tile_overlayer_lowered  }
0x9c: {  	s8 =	simm.s32 $0x1BFF;
	s21 =	sshll.u32 s7, $0x1;
	s5 =	sadd.s32 s5, s20  }
0x9d: {  	s22 =	simm.s32 $0x0;
	s6 =	sshll.u32 s6, $0x1;
	s7 =	sadd.s32 s21, s5  }
0x9e: {  	[timem:s22], [sflag:s8] =	dma.local [hbm:s7], s6  }
0x9f: {  	_ =	swait.ge [sflag:s8], s6  }
0xa0: {  	s6 =	ssub.s32 $0x0, s6;
	[sflag:s8] =	ssyncset.done $0x0  }
0xa1: {  	[sflag:s8] =	ssyncadd.s32 s6;
	_ =	sdelay $0x1  }
0xa2: {  	s23 =	simm.s32 $0x1B8B  }
0xa3: {  	_ =	swait.ge [sflag:s23], $0x1  }
0xa4: {  	[sflag:s23] =	ssyncset.done $0x0  }
0xa5: {  	[sflag:s23] =	ssyncadd.s32 $0xFFFFFFFF  }
0xa6: {  	s6 =	sld [smem:$0x0]  }
0xa7: {  	s7 =	sand.u32 $0xFFFFFFFE, s1  }
0xa8: {  	p0 =	sne.s32 s1, s7  }
0xa9: {  	s7 =	sshll.u32 @p0 s7, $0xE  }
0xaa: {  	s7 =	sadd.s32 @p0 $0x11B8D, s7;
	s8 =	sshll.u32 @p0 s6, $0x11  }
0xab: {  	s7 =	sor.u32 @p0 s8, s7  }
0xac: {  	[sflag:s7] =	ssyncadd.remote.s32 @p0 $0x1;
	_ =	sdelay $0x1  }
0xad: {  	s7 =	simm.s32 @p0 $0x1B8D  }
0xae: {  	_ =	swait.eq @p0 [sflag:s7], $0x1  }
0xaf: {  	[sflag:s7] =	ssyncadd.s32 @p0 $0xFFFFFFFF  }
0xb0: {  	s8 =	sshll.u32 @!p0 s1, $0xE  }
0xb1: {  	s8 =	sor.u32 @!p0 $0x4000, s8;
	s7 =	simm.s32 @!p0 $0x1B8D  }
0xb2: {  	s6 =	sshll.u32 @!p0 s6, $0x11;
	s8 =	sadd.s32 @!p0 $0x11B8D, s8;
	_ =	swait.eq @!p0 [sflag:s7], $0x1  }
0xb3: {  	s6 =	sor.u32 @!p0 s6, s8;
	[sflag:s7] =	ssyncadd.s32 @!p0 $0xFFFFFFFF  }
0xb4: {  	s25 =	simm.s32 $0x1B8E;
	s24 =	sld [smem:$0x3FFE];
	[sflag:s6] =	ssyncadd.remote.s32 @!p0 $0x1  }
0xb5: {  	s26 =	simm.s32 $execute0_lowered;
	[smem:$0x3FD2] =	sst s25  }
0xb6: {  	s7 =	sshll.u32 s26, $0x1;
	_ =	strace $0x80000052;
	[dreg:$0x1] =	wrdreg $0xFFFFFFFF  }
0xb7: {  	s28 =	simm.s32 $_size_execute0_lowered;
	s5 =	sadd.s32 s5, s7;
	[dreg:$0x0] =	wrdreg $0x0  }
0xb8: {  	s7 =	sshll.u32 s28, $0x1;
	[dreg:$0x2] =	wrdreg s5  }
0xb9: {  	[dreg:$0x3] =	wrdreg s7  }
0xba: {  	[dreg:$0x4] =	wrdreg $0xC0  }
0xbb: {  	_ =	task [dreg:s22], $0x5FFFF  }
0xbc: {  	[dreg:$0x1] =	wrdreg $0xFFFFFFFF  }
0xbd: {  	[dreg:$0x0] =	wrdreg $0x60  }
0xbe: {  	[dreg:$0x2] =	wrdreg s18  }
0xbf: {  	[dreg:$0x3] =	wrdreg s4  }
0xc0: {  	[dreg:$0x4] =	wrdreg s24  }
0xc1: {  	[dreg:$0x5] =	wrdreg $0xB  }
0xc2: {  	_ =	task.clear_ibuf [dreg:s22], $0x6FFFF;
	_ =	strace $0x90000052  }
0xc3: {  	s29 =	simm.s32 $0xB;
	_ =	strace $0x80000054  }
0xc4: {  	_ =	swait.ge [sflag:s29], $0x1  }
0xc5: {  	[sflag:s29] =	ssyncadd.s32 $0xFFFFFFFF  }
0xc6: {  	_ =	strace $0x90000054  }
0xc7: {  	_ =	sfence  }
0xc8: {  	s30 =	sld [smem:$0x0];
	_ =	sdelay $0x2  }
0xc9: {  	s31 =	sshll.u32 s1, $0xD;
	s1 =	sshrl.u32 s1, $0x2  }
0xca: {  	s4 =	sand.u32 $0x4000, s31;
	s1 =	sadd.s32 s1, s30  }
0xcb: {  	s0 =	sor.u32 s4, s0;
	s1 =	sshll.u32 s1, $0x11  }
0xcc: {  	s0 =	sor.u32 s1, s0  }
0xcd: {  	s0 =	sadd.s32 $0x8F2B, s0  }
0xce: {  	[sflag:s0] =	ssyncadd.remote.s32 $0x1  }
0xcf: {  	_ =	sfence.sel $0xFFFF  }
0xd0: {  	[dreg:$0x0] =	wrdreg $0xFFFFFFFF;
	(pc) =	sbr.abs _section_cstart, $3  }
0xd1: {  	[dreg:$0x1] =	wrdreg $0xFFFFFFFF  }
0xd2: {  	_ =	task.clear_ibuf [dreg:s22], $0x2FFFF;
	_ =	strace $0x9FFFFFFF  }
0xd3: {  	(tm) =	ssettm $0x7FFFFFFF  }
tec
execute0_lowered:
.L_overlay_start_1:
0x0: {  	(tag) =	ssettag $0x1  }
0x1: {  	s3 =	rddreg [dreg:$0x0]  }
0x2: {  	s0 =	rddreg [dreg:$0x1]  }
0x3: {  	s4 =	rddreg [dreg:$0x2]  }
0x4: {  	s2 =	simm.s32 $0x0;
	s5 =	srdreg.scid;
	s1 =	stileid.u32  }
0x5: {  	s23 =	simm.s32 $0xB;
	s21 =	simm.s32 $0x78;
	s19 =	simm.s32 $0x400  }
0x6: {  	s25 =	simm.s32 $0x80;
	s26 =	simm.s32 $0x100;
	s14 =	simm.s32 $0x7C00  }
0x7: {  	s28 =	simm.s32 $0x180;
	s12 =	simm.s32 $0xB800;
	s30 =	simm.s32 $0x200  }
0x8: {  	s10 =	simm.s32 $0xF400;
	s29 =	simm.s32 $0x1;
	s24 =	simm.s32 $0x2  }
0x9: {  	s22 =	simm.s32 $0x3;
	s20 =	simm.s32 $0x4;
	p0 =	por $0x0, $0x0  }
0xa: {  	s15 =	simm.s32 $0x7;
	s5 =	sand.u32 $0x1, s5;
	s6 =	sshll.u32 s1, $0x1  }
0xb: {  	s13 =	simm.s32 $0x8;
	s6 =	sor.u32 s5, s6;
	s5 =	ssub.s32 $0x2, s5  }
0xc: {  	s11 =	simm.s32 $0x9;
	[smem:$0x7FF] =	sst s2;
	s8 =	sshrl.u32 s5, $0x1  }
0xd: {  	s4 =	sadd.s32 $0x50600, s4;
	_ =	strace $0x80000053;
	s8 =	ssub.s32 s5, s8  }
0xe: {  	s7 =	smul.u32 $0x12C00, s6;
	s9 =	sshll.u32 s6, $0x7;
	s18 =	smax.u32 s8, $0x1  }
0xf: {  	s6 =	smul.u32 $0x2580, s6;
	s0 =	sadd.s32 s0, s9;
	p1 =	sne.s32 s18, $0x1  }
.Ltmp0:
0x10: {  	s16 =	sshrl.u32 s7, $0x3;
	[dreg:$0x4] =	wrdreg s0;
	(pc) =	sbr.rel @!p1 .LBB2_3-.Ltmp0, $4  }
0x11: {  	s9 =	sadd.s32 s4, s6;
	s8 =	simm.s32 $0xA;
	s17 =	sadd.s32 s4, s16  }
0x12: {  	s16 =	simm.s32 $0x4000;
	s31 =	sadd.s32 $0xFFFFFFFF, s18;
	s18 =	simm.s32 $0x6  }
0x13: {  	s0 =	rddreg [dreg:$0x4];
	s7 =	sadd.s32 $0x780, s17;
	s6 =	sadd.s32 $0xF00, s17  }
0x14: {  	s5 =	sadd.s32 $0x1680, s17;
	s4 =	sadd.s32 $0x1E00, s17;
	s17 =	simm.s32 $0x5  }
0x15: {  	[tilespmem:s2], [sflag:$0xB] =	stream.linear.gather [hbm4b:s0+s2], $0x280, $0x38;
	[tilespmem:$0x13000] =	vst v63  }
0x16: {  	_ =	swait.ge [sflag:s23], $0x280  }
0x17: {  	[sflag:s23] =	ssyncset.done $0x0  }
0x18: {  	[sflag:s23] =	ssyncadd.s32 $0xFFFFFD80  }
0x19: {  	[tilespmem:s19], [sflag:$0x1] =	stream.indirect.gather [hbm4b:s3+s21], $0x80, s2, s21, $0xb8;
	[tilespmem:$0x13000] =	vst v63  }
0x1a: {  	_ = 	snop  }
0x1b: {  	[tilespmem:s16], [sflag:$0x2] =	stream.indirect.gather [hbm4b:s3+s21], $0x80, s25, s21, $0xb8;
	[tilespmem:$0x13000] =	vst v63  }
0x1c: {  	_ = 	snop  }
0x1d: {  	[tilespmem:s14], [sflag:$0x3] =	stream.indirect.gather [hbm4b:s3+s21], $0x80, s26, s21, $0xb8;
	[tilespmem:$0x13000] =	vst v63  }
0x1e: {  	_ = 	snop  }
0x1f: {  	[tilespmem:s12], [sflag:$0x4] =	stream.indirect.gather [hbm4b:s3+s21], $0x80, s28, s21, $0xb8;
	[tilespmem:$0x13000] =	vst v63  }
0x20: {  	_ = 	snop  }
0x21: {  	[tilespmem:s10], [sflag:$0x5] =	stream.indirect.gather [hbm4b:s3+s21], $0x80, s30, s21, $0xb8;
	[tilespmem:$0x13000] =	vst v63  }
0x22: {  	_ =	swait.ge [sflag:s29], $0x3C00  }
0x23: {  	[sflag:s29] =	ssyncset.done $0x0  }
0x24: {  	[sflag:s29] =	ssyncadd.s32 $0xFFFFC400  }
0x25: {  	[hbm4b:s9+s2] =	stream.linear.scatter [tilespmem:s19], [sflag:$0x6], $0x3C00, $0x38;
	[tilespmem:$0x13000] =	vst v63  }
0x26: {  	_ =	swait.ge [sflag:s24], $0x3C00  }
0x27: {  	[sflag:s24] =	ssyncset.done $0x0  }
0x28: {  	[sflag:s24] =	ssyncadd.s32 $0xFFFFC400  }
0x29: {  	[hbm4b:s7+s2] =	stream.linear.scatter [tilespmem:s16], [sflag:$0x7], $0x3C00, $0x38;
	[tilespmem:$0x13000] =	vst v63  }
0x2a: {  	_ =	swait.ge [sflag:s22], $0x3C00  }
0x2b: {  	[sflag:s22] =	ssyncset.done $0x0  }
0x2c: {  	[sflag:s22] =	ssyncadd.s32 $0xFFFFC400  }
0x2d: {  	[hbm4b:s6+s2] =	stream.linear.scatter [tilespmem:s14], [sflag:$0x8], $0x3C00, $0x38;
	[tilespmem:$0x13000] =	vst v63  }
0x2e: {  	_ =	swait.ge [sflag:s20], $0x3C00  }
0x2f: {  	[sflag:s20] =	ssyncset.done $0x0  }
0x30: {  	[sflag:s20] =	ssyncadd.s32 $0xFFFFC400  }
0x31: {  	[hbm4b:s5+s2] =	stream.linear.scatter [tilespmem:s12], [sflag:$0x9], $0x3C00, $0x38;
	[tilespmem:$0x13000] =	vst v63  }
0x32: {  	_ =	swait.ge [sflag:s17], $0x3C00  }
0x33: {  	[sflag:s17] =	ssyncset.done $0x0  }
0x34: {  	[sflag:s17] =	ssyncadd.s32 $0xFFFFC400  }
0x35: {  	[hbm4b:s4+s2] =	stream.linear.scatter [tilespmem:s10], [sflag:$0xA], $0x3C00, $0x38;
	[tilespmem:$0x13000] =	vst v63  }
0x36: {  	_ =	swait.ge [sflag:s18], $0x3C00  }
0x37: {  	[sflag:s18] =	ssyncset.done $0x0  }
0x38: {  	[sflag:s18] =	ssyncadd.s32 $0xFFFFC400  }
0x39: {  	_ =	swait.ge [sflag:s15], $0x3C00  }
0x3a: {  	[sflag:s15] =	ssyncset.done $0x0  }
0x3b: {  	[sflag:s15] =	ssyncadd.s32 $0xFFFFC400  }
0x3c: {  	_ =	swait.ge [sflag:s13], $0x3C00  }
0x3d: {  	[sflag:s13] =	ssyncset.done $0x0  }
0x3e: {  	p1 =	sne.s32 s31, $0x1;
	[sflag:s13] =	ssyncadd.s32 $0xFFFFC400  }
.Ltmp1:
0x3f: {  	_ =	swait.ge [sflag:s11], $0x3C00;
	(pc) =	sbr.rel @!p1 .LBB2_3-.Ltmp1, $4  }
0x40: {  	[sflag:s11] =	ssyncset.done $0x0  }
0x41: {  	[sflag:s11] =	ssyncadd.s32 $0xFFFFC400  }
0x42: {  	s31 =	sadd.s32 $0xFFFFFFFF, s31;
	_ =	swait.ge [sflag:s8], $0x3C00  }
0x43: {  	p0 =	por $0x1, $0x1;
	s0 =	rddreg [dreg:$0x4];
	[sflag:s8] =	ssyncset.done $0x0  }
.LBB2_2:
0x44: {  	[sflag:s8] =	ssyncadd.s32 $0xFFFFC400  }
0x45: {  	[tilespmem:s2], [sflag:$0xB] =	stream.linear.gather [hbm4b:s0+s2], $0x280, $0x38;
	[tilespmem:$0x13000] =	vst v63  }
0x46: {  	_ =	swait.ge [sflag:s23], $0x280  }
0x47: {  	[sflag:s23] =	ssyncset.done $0x0  }
0x48: {  	[sflag:s23] =	ssyncadd.s32 $0xFFFFFD80  }
0x49: {  	[tilespmem:s19], [sflag:$0x1] =	stream.indirect.gather [hbm4b:s3+s21], $0x80, s2, s21, $0xb8;
	[tilespmem:$0x13000] =	vst v63  }
0x4a: {  	_ = 	snop  }
0x4b: {  	[tilespmem:s16], [sflag:$0x2] =	stream.indirect.gather [hbm4b:s3+s21], $0x80, s25, s21, $0xb8;
	[tilespmem:$0x13000] =	vst v63  }
0x4c: {  	_ = 	snop  }
0x4d: {  	[tilespmem:s14], [sflag:$0x3] =	stream.indirect.gather [hbm4b:s3+s21], $0x80, s26, s21, $0xb8;
	[tilespmem:$0x13000] =	vst v63  }
0x4e: {  	_ = 	snop  }
0x4f: {  	[tilespmem:s12], [sflag:$0x4] =	stream.indirect.gather [hbm4b:s3+s21], $0x80, s28, s21, $0xb8;
	[tilespmem:$0x13000] =	vst v63  }
0x50: {  	_ = 	snop  }
0x51: {  	[tilespmem:s10], [sflag:$0x5] =	stream.indirect.gather [hbm4b:s3+s21], $0x80, s30, s21, $0xb8;
	[tilespmem:$0x13000] =	vst v63  }
0x52: {  	_ =	swait.ge [sflag:s29], $0x3C00  }
0x53: {  	[sflag:s29] =	ssyncset.done $0x0  }
0x54: {  	[sflag:s29] =	ssyncadd.s32 $0xFFFFC400  }
0x55: {  	[hbm4b:s9+s2] =	stream.linear.scatter [tilespmem:s19], [sflag:$0x6], $0x3C00, $0x38;
	[tilespmem:$0x13000] =	vst v63  }
0x56: {  	_ =	swait.ge [sflag:s24], $0x3C00  }
0x57: {  	[sflag:s24] =	ssyncset.done $0x0  }
0x58: {  	[sflag:s24] =	ssyncadd.s32 $0xFFFFC400  }
0x59: {  	[hbm4b:s7+s2] =	stream.linear.scatter [tilespmem:s16], [sflag:$0x7], $0x3C00, $0x38;
	[tilespmem:$0x13000] =	vst v63  }
0x5a: {  	_ =	swait.ge [sflag:s22], $0x3C00  }
0x5b: {  	[sflag:s22] =	ssyncset.done $0x0  }
0x5c: {  	[sflag:s22] =	ssyncadd.s32 $0xFFFFC400  }
0x5d: {  	[hbm4b:s6+s2] =	stream.linear.scatter [tilespmem:s14], [sflag:$0x8], $0x3C00, $0x38;
	[tilespmem:$0x13000] =	vst v63  }
0x5e: {  	_ =	swait.ge [sflag:s20], $0x3C00  }
0x5f: {  	[sflag:s20] =	ssyncset.done $0x0  }
0x60: {  	[sflag:s20] =	ssyncadd.s32 $0xFFFFC400  }
0x61: {  	[hbm4b:s5+s2] =	stream.linear.scatter [tilespmem:s12], [sflag:$0x9], $0x3C00, $0x38;
	[tilespmem:$0x13000] =	vst v63  }
0x62: {  	_ =	swait.ge [sflag:s17], $0x3C00  }
0x63: {  	[sflag:s17] =	ssyncset.done $0x0  }
0x64: {  	[sflag:s17] =	ssyncadd.s32 $0xFFFFC400  }
0x65: {  	[hbm4b:s4+s2] =	stream.linear.scatter [tilespmem:s10], [sflag:$0xA], $0x3C00, $0x38;
	[tilespmem:$0x13000] =	vst v63  }
0x66: {  	_ =	swait.ge [sflag:s18], $0x3C00  }
0x67: {  	[sflag:s18] =	ssyncset.done $0x0  }
0x68: {  	[sflag:s18] =	ssyncadd.s32 $0xFFFFC400  }
0x69: {  	_ =	swait.ge [sflag:s15], $0x3C00  }
0x6a: {  	[sflag:s15] =	ssyncset.done $0x0  }
0x6b: {  	[sflag:s15] =	ssyncadd.s32 $0xFFFFC400  }
0x6c: {  	_ =	swait.ge [sflag:s13], $0x3C00  }
0x6d: {  	[sflag:s13] =	ssyncset.done $0x0  }
0x6e: {  	p1 =	sne.s32 s31, $0x1;
	[sflag:s13] =	ssyncadd.s32 $0xFFFFC400  }
.Ltmp2:
0x6f: {  	_ =	swait.ge [sflag:s11], $0x3C00;
	(pc) =	sbr.rel @p1 .LBB2_2-.Ltmp2, $4  }
0x70: {  	[sflag:s11] =	ssyncset.done $0x0  }
0x71: {  	[sflag:s11] =	ssyncadd.s32 $0xFFFFC400  }
0x72: {  	_ =	swait.ge [sflag:s8], $0x3C00  }
0x73: {  	s31 =	sadd.s32 $0xFFFFFFFF, s31;
	s0 =	rddreg [dreg:$0x4];
	[sflag:s8] =	ssyncset.done $0x0  }
.LBB2_3:
0x74: {  	[sflag:s8] =	ssyncadd.s32 @p0 $0xFFFFC400  }
0x75: {  	[tilespmem:s2], [sflag:$0xB] =	stream.linear.gather [hbm4b:s0+s2], $0x280, $0x38;
	[tilespmem:$0x13000] =	vst v63  }
0x76: {  	_ =	swait.ge [sflag:s23], $0x280  }
0x77: {  	[sflag:s23] =	ssyncset.done $0x0  }
0x78: {  	[sflag:s23] =	ssyncadd.s32 $0xFFFFFD80  }
0x79: {  	[tilespmem:s19], [sflag:$0x1] =	stream.indirect.gather [hbm4b:s3+s21], $0x80, s2, s21, $0xb8;
	[tilespmem:$0x13000] =	vst v63  }
0x7a: {  	_ = 	snop  }
0x7b: {  	[tilespmem:s16], [sflag:$0x2] =	stream.indirect.gather [hbm4b:s3+s21], $0x80, s25, s21, $0xb8;
	[tilespmem:$0x13000] =	vst v63  }
0x7c: {  	_ = 	snop  }
0x7d: {  	[tilespmem:s14], [sflag:$0x3] =	stream.indirect.gather [hbm4b:s3+s21], $0x80, s26, s21, $0xb8;
	[tilespmem:$0x13000] =	vst v63  }
0x7e: {  	_ = 	snop  }
0x7f: {  	[tilespmem:s12], [sflag:$0x4] =	stream.indirect.gather [hbm4b:s3+s21], $0x80, s28, s21, $0xb8;
	[tilespmem:$0x13000] =	vst v63  }
0x80: {  	_ = 	snop  }
0x81: {  	[tilespmem:s10], [sflag:$0x5] =	stream.indirect.gather [hbm4b:s3+s21], $0x80, s30, s21, $0xb8;
	[tilespmem:$0x13000] =	vst v63  }
0x82: {  	_ =	swait.ge [sflag:s29], $0x3C00  }
0x83: {  	[sflag:s29] =	ssyncset.done $0x0  }
0x84: {  	[sflag:s29] =	ssyncadd.s32 $0xFFFFC400  }
0x85: {  	[hbm4b:s9+s2] =	stream.linear.scatter [tilespmem:s19], [sflag:$0x6], $0x3C00, $0x38;
	[tilespmem:$0x13000] =	vst v63  }
0x86: {  	_ =	swait.ge [sflag:s24], $0x3C00  }
0x87: {  	[sflag:s24] =	ssyncset.done $0x0  }
0x88: {  	[sflag:s24] =	ssyncadd.s32 $0xFFFFC400  }
0x89: {  	[hbm4b:s7+s2] =	stream.linear.scatter [tilespmem:s16], [sflag:$0x7], $0x3C00, $0x38;
	[tilespmem:$0x13000] =	vst v63  }
0x8a: {  	_ =	swait.ge [sflag:s22], $0x3C00  }
0x8b: {  	[sflag:s22] =	ssyncset.done $0x0  }
0x8c: {  	[sflag:s22] =	ssyncadd.s32 $0xFFFFC400  }
0x8d: {  	[hbm4b:s6+s2] =	stream.linear.scatter [tilespmem:s14], [sflag:$0x8], $0x3C00, $0x38;
	[tilespmem:$0x13000] =	vst v63  }
0x8e: {  	_ =	swait.ge [sflag:s20], $0x3C00  }
0x8f: {  	[sflag:s20] =	ssyncset.done $0x0  }
0x90: {  	[sflag:s20] =	ssyncadd.s32 $0xFFFFC400  }
0x91: {  	[hbm4b:s5+s2] =	stream.linear.scatter [tilespmem:s12], [sflag:$0x9], $0x3C00, $0x38;
	[tilespmem:$0x13000] =	vst v63  }
0x92: {  	_ =	swait.ge [sflag:s17], $0x3C00  }
0x93: {  	[sflag:s17] =	ssyncset.done $0x0  }
0x94: {  	[sflag:s17] =	ssyncadd.s32 $0xFFFFC400  }
0x95: {  	[hbm4b:s4+s2] =	stream.linear.scatter [tilespmem:s10], [sflag:$0xA], $0x3C00, $0x38;
	[tilespmem:$0x13000] =	vst v63  }
0x96: {  	_ =	swait.ge [sflag:s18], $0x3C00  }
0x97: {  	[sflag:s18] =	ssyncset.done $0x0  }
0x98: {  	[sflag:s18] =	ssyncadd.s32 $0xFFFFC400  }
0x99: {  	_ =	swait.ge [sflag:s15], $0x3C00  }
0x9a: {  	[sflag:s15] =	ssyncset.done $0x0  }
0x9b: {  	[sflag:s15] =	ssyncadd.s32 $0xFFFFC400  }
0x9c: {  	_ =	swait.ge [sflag:s13], $0x3C00  }
0x9d: {  	[sflag:s13] =	ssyncset.done $0x0  }
0x9e: {  	[sflag:s13] =	ssyncadd.s32 $0xFFFFC400  }
0x9f: {  	_ =	swait.ge [sflag:s11], $0x3C00  }
0xa0: {  	[sflag:s11] =	ssyncset.done $0x0  }
0xa1: {  	[sflag:s11] =	ssyncadd.s32 $0xFFFFC400  }
0xa2: {  	_ =	swait.ge [sflag:s8], $0x3C00  }
0xa3: {  	[sflag:s8] =	ssyncset.done $0x0  }
0xa4: {  	[sflag:s8] =	ssyncadd.s32 $0xFFFFC400  }
0xa5: {  	_ =	sfence.sel $0x180000  }
0xa6: {  	[bflag:$0x0] =	sbarrier.arrive $0xFFFF  }
0xa7: {  	_ =	strace $0x90000053  }
0xa8: {  	[bflag:$0x2] =	sbarrier.arrive $0xFFFF  }
0xa9: {  	p0 =	sne.s32 s1, $0x0;
	s0 =	rddreg [dreg:$0x3]  }
0xaa: {  	s0 =	sadd.s32 @!p0 $0x100000, s0  }
0xab: {  	[sflag:s0] =	ssyncadd.tile.s32 @!p0 $0x1;
	_ =	shalt  }
.Lfunc_end2:
_tile_overlayer_lowered:
.L_overlay_start_2:
0xac: {  	(tag) =	ssettag $0x2  }
0xad: {  	s0 =	rddreg [dreg:$0x0];
	s2 =	stileid.u32  }
0xae: {  	s1 =	rddreg [dreg:$0x1];
	p0 =	sne.s32 s2, $0x0  }
0xaf: {  	s3 =	rddreg [dreg:$0x2];
	[bflag:$0x3] =	sbarrier.arrive $0xFFFF;
	s2 =	simm.s32 @!p0 $0x1C0B  }
0xb0: {  	[timem:s3], [sflag:s2] =	dma.local @!p0 [hbm:s0], s1  }
0xb1: {  	s0 =	simm.s32 @!p0 $0xB  }
0xb2: {  	_ =	swait.ge @!p0 [sflag:s0], s1  }
0xb3: {  	s1 =	ssub.s32 @!p0 $0x0, s1;
	[sflag:s0] =	ssyncset.done @!p0 $0x0  }
0xb4: {  	[sflag:s0] =	ssyncadd.s32 @!p0 s1  }
0xb5: {  	[bflag:$0x3] =	sbarrier.arrive $0xFFFF  }
0xb6: {  	_ =	shalt  }

// kernel: kernel.27.cloned.1.call-start
scs
__scs_entry_jumppad:
0x0: {  	(pc) =	sbr.rel $0x88, $3  }
0x1: {  	(tag) =	ssettag $0x0;
	lr =	simm.s32 $0x1  }
0x2: {  	[smem:$0x3F93] =	sst lr;
	_ =	strace $0xD0000000  }
0x3: {  	_ = 	snop  }
0x4: {  	_ = 	snop  }
0x5: {  	_ = 	snop  }
0x6: {  	_ = 	snop  }
0x7: {  	_ = 	snop  }
__scs_overlays_trampoline_lowered:
0x8: {  	[smem:$0x3FA2] =	sst s0  }
0x9: {  	[smem:$0x3FA3] =	sst s1  }
0xa: {  	[smem:$0x3FA4] =	sst s2  }
0xb: {  	[smem:$0x3FA5] =	sst s3  }
0xc: {  	[smem:$0x3FA6] =	sst s4  }
0xd: {  	[smem:$0x3FA7] =	sst s5  }
0xe: {  	[smem:$0x3FA8] =	sst s6  }
0xf: {  	[smem:$0x3FA9] =	sst s7  }
0x10: {  	[smem:$0x3FAA] =	sst s8  }
0x11: {  	[smem:$0x3FAB] =	sst s9;
	s0 =	simm.s32 @!p0 $0x0  }
0x12: {  	s1 =	sld [smem:$0x3F91];
	s0 =	simm.s32 @p0 $0x1  }
0x13: {  	[smem:$0x3FAC] =	sst s0;
	s0 =	simm.s32 @!p1 $0x0  }
0x14: {  	s2 =	sld [smem:$0x3F90];
	s0 =	simm.s32 @p1 $0x1  }
0x15: {  	[smem:$0x3FAD] =	sst s0;
	s0 =	simm.s32 @!p2 $0x0  }
0x16: {  	s3 =	sld [smem:$0x3FDB];
	s0 =	simm.s32 @p2 $0x1  }
0x17: {  	s4 =	simm.s32 $0x1BF5;
	[smem:$0x3FAF] =	sst s0  }
0x18: {  	s0 =	sld [smem:$0x3F92];
	_ =	swait.ge [sflag:s4], $0x0  }
0x19: {  	s7 =	sld [smem:$0x3F93]  }
0x1a: {  	s8 =	sadd.s32 $0xFFFFE003, lr  }
0x1b: {  	s9 =	sadd.s32 $0xFFFFFEF7, lr;
	s5 =	simm.s32 $0xFFFFFFFF;
	p2 =	slt.u32 s8, $0xFFFFF086  }
0x1c: {  	p1 =	slt.u32 s9, $0xF7A;
	s5 =	simm.s32 @!p2 $0x0  }
0x1d: {  	s5 =	simm.s32 @p1 $0x1;
	p0 =	seq.s32 s7, s2  }
0x1e: {  	s7 =	smul.u32 @!p0 $0xF7A, s2;
	p2 =	seq.s32 @!p0 s5, $0x0  }
0x1f: {  	s9 =	smul.u32 $0xF7A, s1;
	s8 =	simm.s32 @!p0 $0x1BF5;
	p2 =	por !p2, p0  }
0x20: {  	[sflag:s8] =	ssyncset.s32 @!p0 $0xFFFFF086;
	s6 =	sadd.s32 @!p0 s3, s7;
	s7 =	simm.s32 @!p0 $0x108  }
0x21: {  	s3 =	sadd.s32 s3, s9;
	s6 =	sadd.s32 @!p0 $0x88, s6;
	s7 =	simm.s32 @p2 $0x1082  }
0x22: {  	[simem:s7], [sflag:s8] =	dma.local @!p0 [hbm:s6], $0xF7A  }
0x23: {  	s9 =	sor.u32 $0xD0000000, s2;
	s6 =	simm.s32 $0x108;
	_ =	swait.ge @!p0 [sflag:s8], $0x0  }
0x24: {  	s3 =	sadd.s32 $0x88, s3;
	s6 =	simm.s32 @!p1 $0x1082;
	[sflag:s4] =	ssyncset.s32 $0xFFFFF086  }
0x25: {  	[simem:s6], [sflag:s4] =	dma.local [hbm:s3], $0xF7A  }
0x26: {  	[smem:$0x3F93] =	sst s1;
	(tag) =	ssettag s2;
	_ =	strace s9  }
0x27: {  	s1 =	sld [smem:$0x3FA3]  }
0x28: {  	s2 =	sld [smem:$0x3FA4]  }
0x29: {  	s4 =	sld [smem:$0x3FA6]  }
0x2a: {  	p0 =	seq.s32 s5, $0x0;
	s5 =	sld [smem:$0x3FA7]  }
0x2b: {  	s6 =	sld [smem:$0x3FA8]  }
0x2c: {  	s7 =	sld [smem:$0x3FA9]  }
0x2d: {  	s3 =	simm.s32 $0x108;
	s8 =	sld [smem:$0x3FAA]  }
0x2e: {  	s3 =	simm.s32 @!p0 $0x1082;
	s9 =	sld [smem:$0x3FAB]  }
0x2f: {  	lr =	sadd.s32 s0, s3;
	s0 =	sld [smem:$0x3FA2]  }
0x30: {  	s3 =	sld [smem:$0x3FA5]  }
0x31: {  	[smem:$0x3FAE] =	sst s10  }
0x32: {  	s10 =	sld [smem:$0x3FAC];
	_ =	sdelay $0x3  }
0x33: {  	p0 =	seq.s32 s10, $0x1;
	s10 =	sld [smem:$0x3FAE];
	_ =	sdelay $0x3  }
0x34: {  	[smem:$0x3FAE] =	sst s10  }
0x35: {  	s10 =	sld [smem:$0x3FAD];
	_ =	sdelay $0x3  }
0x36: {  	p1 =	seq.s32 s10, $0x1;
	s10 =	sld [smem:$0x3FAE];
	_ =	sdelay $0x3  }
0x37: {  	[smem:$0x3FAE] =	sst s10  }
0x38: {  	s10 =	sld [smem:$0x3FAF]  }
0x39: {  	_ = 	snop;
	(pc) =	sbr.ind lr, $3  }
0x3a: {  	_ = 	snop  }
0x3b: {  	_ = 	snop  }
0x3c: {  	p2 =	seq.s32 s10, $0x1;
	s10 =	sld [smem:$0x3FAE]  }
0x3d: {  	_ =	shalt  }
0x3e: {  	_ =	shalt  }
0x3f: {  	_ =	shalt  }
0x40: {  	_ =	shalt  }
0x41: {  	_ =	shalt  }
0x42: {  	_ =	shalt  }
0x43: {  	_ =	shalt  }
0x44: {  	_ =	shalt  }
0x45: {  	_ =	shalt  }
0x46: {  	_ =	shalt  }
0x47: {  	_ =	shalt  }
0x48: {  	_ =	shalt  }
0x49: {  	_ =	shalt  }
0x4a: {  	_ =	shalt  }
0x4b: {  	_ =	shalt  }
0x4c: {  	_ =	shalt  }
0x4d: {  	_ =	shalt  }
0x4e: {  	_ =	shalt  }
0x4f: {  	_ =	shalt  }
0x50: {  	_ =	shalt  }
0x51: {  	_ =	shalt  }
0x52: {  	_ =	shalt  }
0x53: {  	_ =	shalt  }
0x54: {  	_ =	shalt  }
0x55: {  	_ =	shalt  }
0x56: {  	_ =	shalt  }
0x57: {  	_ =	shalt  }
0x58: {  	_ =	shalt  }
0x59: {  	_ =	shalt  }
0x5a: {  	_ =	shalt  }
0x5b: {  	_ =	shalt  }
0x5c: {  	_ =	shalt  }
0x5d: {  	_ =	shalt  }
0x5e: {  	_ =	shalt  }
0x5f: {  	_ =	shalt  }
0x60: {  	_ =	shalt  }
0x61: {  	_ =	shalt  }
0x62: {  	_ =	shalt  }
0x63: {  	_ =	shalt  }
0x64: {  	_ =	shalt  }
0x65: {  	_ =	shalt  }
0x66: {  	_ =	shalt  }
0x67: {  	_ =	shalt  }
0x68: {  	_ =	shalt  }
0x69: {  	_ =	shalt  }
0x6a: {  	_ =	shalt  }
0x6b: {  	_ =	shalt  }
0x6c: {  	_ =	shalt  }
0x6d: {  	_ =	shalt  }
0x6e: {  	_ =	shalt  }
0x6f: {  	_ =	shalt  }
0x70: {  	_ =	shalt  }
0x71: {  	_ =	shalt  }
0x72: {  	_ =	shalt  }
0x73: {  	_ =	shalt  }
0x74: {  	_ =	shalt  }
0x75: {  	_ =	shalt  }
0x76: {  	_ =	shalt  }
0x77: {  	_ =	shalt  }
0x78: {  	_ =	shalt  }
0x79: {  	_ =	shalt  }
0x7a: {  	_ =	shalt  }
0x7b: {  	_ =	shalt  }
0x7c: {  	_ =	shalt  }
0x7d: {  	_ =	shalt  }
0x7e: {  	_ =	shalt  }
0x7f: {  	_ =	shalt  }
0x80: {  	_ =	shalt  }
0x81: {  	_ =	shalt  }
0x82: {  	_ =	shalt  }
0x83: {  	_ =	shalt  }
0x84: {  	_ =	shalt  }
0x85: {  	_ =	shalt  }
0x86: {  	_ =	shalt  }
0x87: {  	_ =	shalt  }
.Lfunc_end0:
.L_simem_size_0:
called_computation.5_lowered:
.L_overlay_start_0:
0x88: {  	s2 =	sld [smem:$0x3FD9]  }
0x89: {  	s3 =	sld [smem:$0x3FFE];
	_ =	sdelay $0x1  }
0x8a: {  	s1 =	srdreg.scid  }
0x8b: {  	s0 =	sand.u32 $0x1, s1  }
0x8c: {  	s17 =	sshll.u32 s0, $0xA;
	s2 =	sadd.s32 s3, s2  }
0x8d: {  	s2 =	sadd.s32 s2, s17  }
0x8e: {  	[smem:$0x3FBA] =	sst s2  }
0x8f: {  	_ = 	snop  }
0x90: {  	s18 =	sld [smem:$0x3FC3];
	(tm) =	ssettm $0x1  }
0x91: {  	s19 =	sld [smem:$0x3FFB];
	_ =	sdelay $0x3  }
0x92: {  	_ =	strace s19  }
0x93: {  	s2 =	sld [smem:$0x3FFC];
	_ =	sdelay $0x3  }
0x94: {  	_ =	strace s2  }
0x95: {  	s2 =	sld [smem:$0x3FFD];
	_ =	sdelay $0x3  }
0x96: {  	_ =	strace s2  }
0x97: {  	_ =	strace $0x8FFFFFFF  }
0x98: {  	s20 =	sld [smem:$0x3FDB];
	_ =	sdelay $0x1  }
0x99: {  	s4 =	simm.s32 $_scs_section_size  }
0x9a: {  	s5 =	simm.s32 $_size__tile_overlayer_lowered;
	s6 =	simm.s32 $_tile_overlayer_lowered  }
0x9b: {  	s7 =	simm.s32 $0x1BFF;
	s21 =	sshll.u32 s6, $0x1;
	s4 =	sadd.s32 s4, s20  }
0x9c: {  	s22 =	simm.s32 $0x0;
	s5 =	sshll.u32 s5, $0x1;
	s6 =	sadd.s32 s21, s4  }
0x9d: {  	[timem:s22], [sflag:s7] =	dma.local [hbm:s6], s5  }
0x9e: {  	_ =	swait.ge [sflag:s7], s5  }
0x9f: {  	s5 =	ssub.s32 $0x0, s5;
	[sflag:s7] =	ssyncset.done $0x0  }
0xa0: {  	[sflag:s7] =	ssyncadd.s32 s5;
	_ =	sdelay $0x1  }
0xa1: {  	s23 =	simm.s32 $0x1B8B  }
0xa2: {  	_ =	swait.ge [sflag:s23], $0x1  }
0xa3: {  	[sflag:s23] =	ssyncset.done $0x0  }
0xa4: {  	[sflag:s23] =	ssyncadd.s32 $0xFFFFFFFF  }
0xa5: {  	s5 =	sld [smem:$0x0]  }
0xa6: {  	s6 =	sand.u32 $0xFFFFFFFE, s1  }
0xa7: {  	p0 =	sne.s32 s1, s6  }
0xa8: {  	s6 =	sshll.u32 @p0 s6, $0xE  }
0xa9: {  	s6 =	sadd.s32 @p0 $0x11B8D, s6;
	s7 =	sshll.u32 @p0 s5, $0x11  }
0xaa: {  	s6 =	sor.u32 @p0 s7, s6  }
0xab: {  	[sflag:s6] =	ssyncadd.remote.s32 @p0 $0x1;
	_ =	sdelay $0x1  }
0xac: {  	s6 =	simm.s32 @p0 $0x1B8D  }
0xad: {  	_ =	swait.eq @p0 [sflag:s6], $0x1  }
0xae: {  	[sflag:s6] =	ssyncadd.s32 @p0 $0xFFFFFFFF  }
0xaf: {  	s7 =	sshll.u32 @!p0 s1, $0xE  }
0xb0: {  	s7 =	sor.u32 @!p0 $0x4000, s7;
	s6 =	simm.s32 @!p0 $0x1B8D  }
0xb1: {  	s5 =	sshll.u32 @!p0 s5, $0x11;
	s7 =	sadd.s32 @!p0 $0x11B8D, s7;
	_ =	swait.eq @!p0 [sflag:s6], $0x1  }
0xb2: {  	s5 =	sor.u32 @!p0 s5, s7;
	[sflag:s6] =	ssyncadd.s32 @!p0 $0xFFFFFFFF  }
0xb3: {  	s25 =	simm.s32 $0x1B8E;
	s24 =	sld [smem:$0x3FFE];
	[sflag:s5] =	ssyncadd.remote.s32 @!p0 $0x1  }
0xb4: {  	s26 =	simm.s32 $execute0_lowered;
	[smem:$0x3FD2] =	sst s25  }
0xb5: {  	s6 =	sshll.u32 s26, $0x1;
	_ =	strace $0x80000055;
	[dreg:$0x1] =	wrdreg $0xFFFFFFFF  }
0xb6: {  	s28 =	simm.s32 $_size_execute0_lowered;
	s4 =	sadd.s32 s4, s6;
	[dreg:$0x0] =	wrdreg $0x0  }
0xb7: {  	s6 =	sshll.u32 s28, $0x1;
	[dreg:$0x2] =	wrdreg s4  }
0xb8: {  	[dreg:$0x3] =	wrdreg s6  }
0xb9: {  	[dreg:$0x4] =	wrdreg $0xC0  }
0xba: {  	_ =	task [dreg:s22], $0x5FFFF  }
0xbb: {  	[dreg:$0x1] =	wrdreg $0xFFFFFFFF  }
0xbc: {  	[dreg:$0x0] =	wrdreg $0x60  }
0xbd: {  	[dreg:$0x2] =	wrdreg s18  }
0xbe: {  	[dreg:$0x3] =	wrdreg s24  }
0xbf: {  	[dreg:$0x4] =	wrdreg $0xC  }
0xc0: {  	_ =	task.clear_ibuf [dreg:s22], $0x5FFFF;
	_ =	strace $0x90000055  }
0xc1: {  	s29 =	simm.s32 $0xC;
	_ =	strace $0x80000057  }
0xc2: {  	_ =	swait.ge [sflag:s29], $0x1  }
0xc3: {  	[sflag:s29] =	ssyncadd.s32 $0xFFFFFFFF  }
0xc4: {  	_ =	strace $0x90000057  }
0xc5: {  	_ =	sfence  }
0xc6: {  	s30 =	sld [smem:$0x0];
	_ =	sdelay $0x2  }
0xc7: {  	s31 =	sshll.u32 s1, $0xD;
	s1 =	sshrl.u32 s1, $0x2  }
0xc8: {  	s4 =	sand.u32 $0x4000, s31;
	s1 =	sadd.s32 s1, s30  }
0xc9: {  	s0 =	sor.u32 s4, s0;
	s1 =	sshll.u32 s1, $0x11  }
0xca: {  	s0 =	sor.u32 s1, s0  }
0xcb: {  	s0 =	sadd.s32 $0x8F2B, s0  }
0xcc: {  	[sflag:s0] =	ssyncadd.remote.s32 $0x1  }
0xcd: {  	_ =	sfence.sel $0xFFFF  }
0xce: {  	[dreg:$0x0] =	wrdreg $0xFFFFFFFF;
	(pc) =	sbr.abs _section_cstart, $3  }
0xcf: {  	[dreg:$0x1] =	wrdreg $0xFFFFFFFF  }
0xd0: {  	_ =	task.clear_ibuf [dreg:s22], $0x2FFFF;
	_ =	strace $0x9FFFFFFF  }
0xd1: {  	(tm) =	ssettm $0x7FFFFFFF  }
tec
execute0_lowered:
.L_overlay_start_1:
0x0: {  	(tag) =	ssettag $0x1  }
0x1: {  	s1 =	srdreg.scid;
	s2 =	rddreg [dreg:$0x0]  }
0x2: {  	s0 =	stileid.u32;
	s5 =	rddreg [dreg:$0x1];
	s3 =	simm.s32 $0x0  }
0x3: {  	s12 =	simm.s32 $0x100;
	s13 =	simm.s32 $0x8800;
	s14 =	simm.s32 $0x180  }
0x4: {  	s15 =	simm.s32 $0xB800;
	s16 =	simm.s32 $0x200;
	s17 =	simm.s32 $0xE800  }
0x5: {  	s18 =	simm.s32 $0x1;
	s19 =	simm.s32 $0x3;
	s20 =	simm.s32 $0x5  }
0x6: {  	s21 =	simm.s32 $0x6;
	s22 =	simm.s32 $0x7;
	s23 =	simm.s32 $0x8  }
0x7: {  	s24 =	simm.s32 $0x9;
	s25 =	simm.s32 $0xA;
	s26 =	simm.s32 $0x0  }
0x8: {  	s4 =	sand.u32 $0x1, s1;
	s28 =	sshll.u32 s0, $0x1;
	s7 =	smul.u32 $0x38400, s0  }
0x9: {  	[smem:$0x7FF] =	sst s3;
	s6 =	sor.u32 s4, s28;
	s10 =	smul.u32 $0x1C200, s4  }
.Ltmp0:
0xa: {  	s8 =	ssub.s32 $0x2, s4;
	_ =	strace $0x80000056;
	(pc) =	sbr.rel .LBB2_1-.Ltmp0, $4  }
0xb: {  	s6 =	smul.u32 $0x500, s6;
	s9 =	sshrl.u32 s8, $0x1;
	s30 =	sadd.s32 s7, s5  }
0xc: {  	s7 =	simm.s32 $0xB;
	s31 =	ssub.s32 s8, s9;
	s8 =	simm.s32 $0x60  }
0xd: {  	s9 =	simm.s32 $0x2800;
	s29 =	sadd.s32 s6, s5;
	s6 =	sadd.s32 s10, s30  }
0xe: {  	s5 =	smax.u32 s31, $0x1;
	s4 =	sadd.s32 $0x5400, s29;
	s6 =	sadd.s32 $0x9CE00, s6  }
.LBB2_4:
0xf: {  	_ =	swait.ge [sflag:s21], $0x3000  }
0x10: {  	[sflag:s21] =	ssyncset.done $0x0  }
0x11: {  	[sflag:s21] =	ssyncadd.s32 $0xFFFFD000  }
0x12: {  	_ =	swait.ge [sflag:s22], $0x3000  }
0x13: {  	[sflag:s22] =	ssyncset.done $0x0  }
0x14: {  	[sflag:s22] =	ssyncadd.s32 $0xFFFFD000  }
0x15: {  	_ =	swait.ge [sflag:s23], $0x3000  }
0x16: {  	[sflag:s23] =	ssyncset.done $0x0  }
0x17: {  	s26 =	sadd.s32 $0x1, s26;
	[sflag:s23] =	ssyncadd.s32 $0xFFFFD000  }
0x18: {  	p0 =	sne.s32 s26, s5;
	_ =	swait.ge [sflag:s24], $0x3000  }
.Ltmp1:
0x19: {  	[sflag:s24] =	ssyncset.done $0x0;
	(pc) =	sbr.rel @!p0 .LBB2_5-.Ltmp1, $4  }
0x1a: {  	[sflag:s24] =	ssyncadd.s32 $0xFFFFD000  }
0x1b: {  	_ =	swait.ge [sflag:s25], $0x3000  }
0x1c: {  	[sflag:s25] =	ssyncset.done $0x0  }
0x1d: {  	[sflag:s25] =	ssyncadd.s32 $0xFFFFD000  }
.LBB2_1:
0x1e: {  	[tilespmem:s3], [sflag:$0xB] =	stream.linear.gather [hbm4b:s4+s3], $0x2580, $0x38;
	[tilespmem:$0x11800] =	vst v63  }
0x1f: {  	_ =	swait.ge [sflag:s7], $0x2580  }
0x20: {  	[sflag:s7] =	ssyncset.done $0x0  }
0x21: {  	[sflag:s7] =	ssyncadd.s32 $0xFFFFDA80  }
0x22: {  	[tilespmem:s9], [sflag:$0x1] =	stream.indirect.gather [hbm4b:s2+s8], $0x80, s3, s8, $0xb8;
	[tilespmem:$0x11800] =	vst v63  }
0x23: {  	s0 =	simm.s32 $0x80;
	s1 =	simm.s32 $0x5800  }
0x24: {  	[tilespmem:s1], [sflag:$0x2] =	stream.indirect.gather [hbm4b:s2+s8], $0x80, s0, s8, $0xb8;
	[tilespmem:$0x11800] =	vst v63  }
0x25: {  	_ = 	snop  }
0x26: {  	[tilespmem:s13], [sflag:$0x3] =	stream.indirect.gather [hbm4b:s2+s8], $0x80, s12, s8, $0xb8;
	[tilespmem:$0x11800] =	vst v63  }
0x27: {  	_ = 	snop  }
0x28: {  	[tilespmem:s15], [sflag:$0x4] =	stream.indirect.gather [hbm4b:s2+s8], $0x80, s14, s8, $0xb8;
	[tilespmem:$0x11800] =	vst v63  }
0x29: {  	s28 =	smov.u32 s6;
	s29 =	simm.s32 $0x0  }
0x2a: {  	[tilespmem:s17], [sflag:$0x5] =	stream.indirect.gather [hbm4b:s2+s8], $0x80, s16, s8, $0xb8;
	[tilespmem:$0x11800] =	vst v63  }
.LBB2_2:
0x2b: {  	_ =	swait.ge [sflag:s18], $0x3000  }
0x2c: {  	[sflag:s18] =	ssyncset.done $0x0  }
0x2d: {  	s30 =	sadd.s32 $0xFFFFE800, s28;
	p0 =	seq.s32 s29, $0x8C00;
	[sflag:s18] =	ssyncadd.s32 $0xFFFFD000  }
0x2e: {  	[hbm4b:s30+s3] =	stream.linear.scatter [tilespmem:s9], [sflag:$0x6], $0x3000, $0x38;
	[tilespmem:$0x11800] =	vst v63  }
0x2f: {  	s30 =	simm.s32 @p0 $0x2  }
0x30: {  	_ =	swait.ge @p0 [sflag:s30], $0x3000  }
0x31: {  	s31 =	simm.s32 @p0 $0x0;
	[sflag:s30] =	ssyncset.done @p0 $0x0  }
0x32: {  	s1 =	simm.s32 @p0 $0x5800;
	[sflag:s30] =	ssyncadd.s32 @p0 $0xFFFFD000;
	s30 =	sadd.s32 @p0 $0xFFFFEE00, s28  }
0x33: {  	[hbm4b:s30+s31] =	stream.linear.scatter @p0 [tilespmem:s1], [sflag:$0x7], $0x3000, $0x38;
	[tilespmem:$0x11800] =	vst v63  }
0x34: {  	s1 =	simm.s32 @!p0 $0x6  }
0x35: {  	_ =	swait.ge @!p0 [sflag:s1], $0x3000  }
0x36: {  	[sflag:s1] =	ssyncset.done @!p0 $0x0  }
0x37: {  	[sflag:s1] =	ssyncadd.s32 @!p0 $0xFFFFD000;
	s1 =	sshra.s32 @!p0 s29, $0x2  }
0x38: {  	s0 =	simm.s32 @!p0 $0x60;
	s10 =	simm.s32 @!p0 $0x2800;
	s30 =	sadd.s32 @!p0 $0x280, s1  }
0x39: {  	[tilespmem:s10], [sflag:$0x1] =	stream.indirect.gather @!p0 [hbm4b:s2+s0], $0x80, s30, s0, $0xb8;
	[tilespmem:$0x11800] =	vst v63  }
0x3a: {  	s10 =	simm.s32 @!p0 $0x2  }
0x3b: {  	_ =	swait.ge @!p0 [sflag:s10], $0x3000  }
0x3c: {  	s11 =	simm.s32 @!p0 $0x5800;
	[sflag:s10] =	ssyncset.done @!p0 $0x0  }
0x3d: {  	s30 =	simm.s32 @!p0 $0x0;
	[sflag:s10] =	ssyncadd.s32 @!p0 $0xFFFFD000;
	s10 =	sadd.s32 @!p0 $0xFFFFEE00, s28  }
0x3e: {  	[hbm4b:s10+s30] =	stream.linear.scatter @!p0 [tilespmem:s11], [sflag:$0x7], $0x3000, $0x38;
	[tilespmem:$0x11800] =	vst v63  }
0x3f: {  	s10 =	simm.s32 @!p0 $0x7  }
0x40: {  	_ =	swait.ge @!p0 [sflag:s10], $0x3000  }
0x41: {  	[sflag:s10] =	ssyncset.done @!p0 $0x0  }
0x42: {  	[sflag:s10] =	ssyncadd.s32 @!p0 $0xFFFFD000;
	s10 =	sadd.s32 @!p0 $0x300, s1  }
0x43: {  	[tilespmem:s11], [sflag:$0x2] =	stream.indirect.gather @!p0 [hbm4b:s2+s0], $0x80, s10, s0, $0xb8;
	[tilespmem:$0x11800] =	vst v63  }
0x44: {  	_ =	swait.ge [sflag:s19], $0x3000  }
0x45: {  	[sflag:s19] =	ssyncset.done $0x0  }
0x46: {  	s11 =	sadd.s32 $0xFFFFF400, s28;
	s10 =	simm.s32 @p0 $0x4;
	[sflag:s19] =	ssyncadd.s32 $0xFFFFD000  }
0x47: {  	[hbm4b:s11+s3] =	stream.linear.scatter [tilespmem:s13], [sflag:$0x8], $0x3000, $0x38;
	[tilespmem:$0x11800] =	vst v63  }
0x48: {  	_ =	swait.ge @p0 [sflag:s10], $0x3000  }
0x49: {  	[sflag:s10] =	ssyncset.done @p0 $0x0  }
0x4a: {  	s11 =	simm.s32 @p0 $0xB800;
	[sflag:s10] =	ssyncadd.s32 @p0 $0xFFFFD000;
	s10 =	sadd.s32 @p0 $0xFFFFFA00, s28  }
0x4b: {  	[hbm4b:s10+s31] =	stream.linear.scatter @p0 [tilespmem:s11], [sflag:$0x9], $0x3000, $0x38;
	[tilespmem:$0x11800] =	vst v63  }
0x4c: {  	s10 =	simm.s32 @!p0 $0x8  }
0x4d: {  	_ =	swait.ge @!p0 [sflag:s10], $0x3000  }
0x4e: {  	[sflag:s10] =	ssyncset.done @!p0 $0x0  }
0x4f: {  	s11 =	simm.s32 @!p0 $0x8800;
	[sflag:s10] =	ssyncadd.s32 @!p0 $0xFFFFD000;
	s10 =	sadd.s32 @!p0 $0x380, s1  }
0x50: {  	[tilespmem:s11], [sflag:$0x3] =	stream.indirect.gather @!p0 [hbm4b:s2+s0], $0x80, s10, s0, $0xb8;
	[tilespmem:$0x11800] =	vst v63  }
0x51: {  	s10 =	simm.s32 @!p0 $0x4  }
0x52: {  	_ =	swait.ge @!p0 [sflag:s10], $0x3000  }
0x53: {  	[sflag:s10] =	ssyncset.done @!p0 $0x0  }
0x54: {  	s11 =	simm.s32 @!p0 $0xB800;
	[sflag:s10] =	ssyncadd.s32 @!p0 $0xFFFFD000;
	s10 =	sadd.s32 @!p0 $0xFFFFFA00, s28  }
0x55: {  	[hbm4b:s10+s30] =	stream.linear.scatter @!p0 [tilespmem:s11], [sflag:$0x9], $0x3000, $0x38;
	[tilespmem:$0x11800] =	vst v63  }
0x56: {  	s10 =	simm.s32 @!p0 $0x9  }
0x57: {  	_ =	swait.ge @!p0 [sflag:s10], $0x3000  }
0x58: {  	[sflag:s10] =	ssyncset.done @!p0 $0x0  }
0x59: {  	s1 =	sadd.s32 @!p0 $0x400, s1;
	[sflag:s10] =	ssyncadd.s32 @!p0 $0xFFFFD000  }
0x5a: {  	[tilespmem:s11], [sflag:$0x4] =	stream.indirect.gather @!p0 [hbm4b:s2+s0], $0x80, s1, s0, $0xb8;
	[tilespmem:$0x11800] =	vst v63  }
.Ltmp2:
0x5b: {  	_ = 	snop;
	(pc) =	sbr.rel @p0 .LBB2_4-.Ltmp2, $4  }
0x5c: {  	_ =	swait.ge [sflag:s20], $0x3000  }
0x5d: {  	[sflag:s20] =	ssyncset.done $0x0  }
0x5e: {  	[sflag:s20] =	ssyncadd.s32 $0xFFFFD000  }
0x5f: {  	[hbm4b:s28+s3] =	stream.linear.scatter [tilespmem:s17], [sflag:$0xA], $0x3000, $0x38;
	[tilespmem:$0x11800] =	vst v63  }
.Ltmp3:
0x60: {  	(pc) =	sbr.rel .LBB2_2-.Ltmp3, $4  }
0x61: {  	_ =	swait.ge [sflag:s25], $0x3000  }
0x62: {  	s0 =	sshra.s32 s29, $0x2;
	s29 =	sadd.s32 $0xA00, s29;
	[sflag:s25] =	ssyncset.done $0x0  }
0x63: {  	s28 =	sadd.s32 $0x1E00, s28;
	s0 =	sadd.s32 $0x480, s0;
	[sflag:s25] =	ssyncadd.s32 $0xFFFFD000  }
0x64: {  	[tilespmem:s17], [sflag:$0x5] =	stream.indirect.gather [hbm4b:s2+s8], $0x80, s0, s8, $0xb8;
	[tilespmem:$0x11800] =	vst v63  }
.LBB2_5:
0x65: {  	_ =	sfence.sel $0x180000  }
0x66: {  	[bflag:$0x0] =	sbarrier.arrive $0xFFFF  }
0x67: {  	_ =	strace $0x90000056  }
0x68: {  	s0 =	stileid.u32;
	[bflag:$0x2] =	sbarrier.arrive $0xFFFF  }
0x69: {  	p0 =	sne.s32 s0, $0x0;
	s0 =	rddreg [dreg:$0x2]  }
0x6a: {  	s0 =	sadd.s32 @!p0 $0x100000, s0  }
0x6b: {  	[sflag:s0] =	ssyncadd.tile.s32 @!p0 $0x1;
	_ =	shalt  }
.Lfunc_end2:
_tile_overlayer_lowered:
.L_overlay_start_2:
0x6c: {  	(tag) =	ssettag $0x2  }
0x6d: {  	s0 =	rddreg [dreg:$0x0];
	s2 =	stileid.u32  }
0x6e: {  	s1 =	rddreg [dreg:$0x1];
	p0 =	sne.s32 s2, $0x0  }
0x6f: {  	s3 =	rddreg [dreg:$0x2];
	[bflag:$0x3] =	sbarrier.arrive $0xFFFF;
	s2 =	simm.s32 @!p0 $0x1C0B  }
0x70: {  	[timem:s3], [sflag:s2] =	dma.local @!p0 [hbm:s0], s1  }
0x71: {  	s0 =	simm.s32 @!p0 $0xB  }
0x72: {  	_ =	swait.ge @!p0 [sflag:s0], s1  }
0x73: {  	s1 =	ssub.s32 @!p0 $0x0, s1;
	[sflag:s0] =	ssyncset.done @!p0 $0x0  }
0x74: {  	[sflag:s0] =	ssyncadd.s32 @!p0 s1  }
0x75: {  	[bflag:$0x3] =	sbarrier.arrive $0xFFFF  }
0x76: {  	_ =	shalt  }

</sc_bundles>
